<compile_context>
chip_gen: v7x
topology: tpu7x:2x2x1
jax: 0.10.2.dev20260603
libtpu: 0.0.44.dev20260713+nightly
codegen_flags: <defaults>
</compile_context>

<pallas_src>
import functools

import jax
import jax.numpy as jnp
from jax import lax
from jax.experimental import pallas as pl
from jax.experimental.pallas import tpu as pltpu
from jax.experimental.pallas import tpu_sc as plsc

VOCAB = 1000
D = 128
W = 10
T = 50
NC, NS = 2, 16
NW = NC * NS


def _scale_body(table_ref, out_ref):
    w = pl.program_id(0)
    scale = (10.0 - w.astype(jnp.float32)) / 55.0
    out_ref[...] = (table_ref[...] * scale)[None]


def _build_scaled(table):
    return pl.pallas_call(
        _scale_body,
        grid=(W,),
        in_specs=[pl.BlockSpec((VOCAB, D), lambda w: (0, 0))],
        out_specs=pl.BlockSpec((1, VOCAB, D), lambda w: (w, 0, 0)),
        out_shape=jax.ShapeDtypeStruct((W, VOCAB, D), jnp.float32),
    )(table)


NB = 4


def _make_sc_call(n_b):
    cpw = n_b // NW
    mesh = plsc.VectorSubcoreMesh(
        core_axis_name="c", subcore_axis_name="s", num_cores=NC, num_subcores=NS
    )

    @functools.partial(
        pl.kernel,
        mesh=mesh,
        out_type=jax.ShapeDtypeStruct((n_b, T, D), jnp.float32),
        scratch_types=(
            [pltpu.VMEM((W, T), jnp.int32) for _ in range(NB)]
            + [pltpu.VMEM((T, D), jnp.float32) for _ in range(NB)]
            + [pltpu.SemaphoreType.DMA for _ in range(3 * NB)]
        ),
    )
    def sc_kernel(idx_hbm, scaled_hbm, out_hbm, *scr):
        idxs = scr[0:NB]
        accs = scr[NB : 2 * NB]
        gsems = scr[2 * NB : 3 * NB]
        isems = scr[3 * NB : 4 * NB]
        osems = scr[4 * NB : 5 * NB]
        wid = lax.axis_index("s") * NC + lax.axis_index("c")
        base = wid * cpw

        def fire_idx(c, k):
            pltpu.async_copy(idx_hbm.at[c], idxs[k], isems[k])

        def wait_idx(k):
            pltpu.make_async_copy(idx_hbm.at[base], idxs[k], isems[k]).wait()

        def fire_ow(k):
            pltpu.async_copy(scaled_hbm.at[idxs[k].at[0]], accs[k], gsems[k])

        def fire_adds(k):
            for w in range(1, W):
                pltpu.async_copy(
                    scaled_hbm.at[idxs[k].at[w]], accs[k], gsems[k], add=True
                )

        def wait_g(k, n):
            for _ in range(n):
                pltpu.make_async_copy(
                    out_hbm.at[base], accs[k], gsems[k]
                ).wait()

        def fire_out(c, k):
            pltpu.async_copy(accs[k], out_hbm.at[c], osems[k])

        def wait_out(k):
            pltpu.make_async_copy(
                out_hbm.at[base], accs[k], osems[k]
            ).wait()

        def body(c, k):
            km1 = (k - 1) % NB
            km2 = (k - 2) % NB
            wait_idx(k)
            wait_out(k)
            fire_ow(k)
            wait_g(km1, 1)
            fire_adds(km1)
            wait_g(km2, W - 1)
            fire_out(c - 2, km2)
            fire_idx(c + 2, km2)

        fire_idx(base + 0, 0)
        fire_idx(base + 1, 1)
        wait_idx(0)
        fire_ow(0)
        fire_idx(base + 2, 2)
        wait_idx(1)
        fire_ow(1)
        wait_g(0, 1)
        fire_adds(0)
        fire_idx(base + 3, 3)
        for k in (2, 3):
            wait_idx(k)
            fire_ow(k)
            wait_g(k - 1, 1)
            fire_adds(k - 1)
            wait_g(k - 2, W - 1)
            fire_out(base + k - 2, k - 2)
            fire_idx(base + k + 2, k - 2)

        n_body = cpw - 6
        n_grp = n_body // NB

        def loop_body(j, carry):
            c0 = base + NB + NB * j
            for k in range(NB):
                body(c0 + k, k)
            return carry

        lax.fori_loop(0, n_grp, loop_body, 0)
        for i in range(n_body - n_grp * NB):
            crel = 4 + n_grp * NB + i
            body(base + crel, crel % NB)

        e0, e1 = (cpw - 2) % NB, (cpw - 1) % NB
        for crel, k in ((cpw - 2, e0), (cpw - 1, e1)):
            wait_idx(k)
            wait_out(k)
            fire_ow(k)
            wait_g((k - 1) % NB, 1)
            fire_adds((k - 1) % NB)
            wait_g((k - 2) % NB, W - 1)
            fire_out(base + crel - 2, (k - 2) % NB)
        wait_g(e1, 1)
        fire_adds(e1)
        wait_g(e0, W - 1)
        fire_out(base + cpw - 2, e0)
        wait_g(e1, W - 1)
        fire_out(base + cpw - 1, e1)
        for k in range(NB):
            wait_out(k)

    return sc_kernel


def kernel(x, table):
    B, Tdim, _ = x.shape
    scaled = _build_scaled(table).reshape(W * VOCAB, D)
    xi = x.astype(jnp.int32)
    offs = jnp.arange(W, dtype=jnp.int32) * VOCAB
    idx = jnp.transpose(xi, (0, 2, 1)) + offs[None, :, None]
    return _make_sc_call(B)(idx, scaled)

# --- scband reference (transcript-rebuilt; emitter-appended) ---
"""Pipeline reference for scband-char-to-vector-layer5-26233660244455 (READ-ONLY COPY).

The authoritative reference and input builder live on the scoring server;
editing this copy changes nothing except your own understanding.
"""

import jax, jax.numpy as jnp
import numpy as np

VOCAB = 1000
EMBED_DIM = 128
B, T, W = 4096, 50, 10


def setup_inputs(seed: int = 0) -> dict:
    key = jax.random.key(seed)
    k1, k2 = jax.random.split(key)
    x = jax.random.randint(k1, (B, T, W), 0, VOCAB, dtype=jnp.int64 if jax.config.jax_enable_x64 else jnp.int32)
    table = jax.random.normal(k2, (VOCAB, EMBED_DIM), dtype=jnp.float32)
    return {"x": x, "table": table}


def reference(x, table):
    # Faithful translation: for each [b, t], gather 10 char vectors and take a
    # weighted average with weights w = [10, 9, ..., 1] (np.average semantics:
    # sum(w_i * v_i) / sum(w_i)).
    w = jnp.array([10, 9, 8, 7, 6, 5, 4, 3, 2, 1], dtype=jnp.float32)
    vecs = jnp.take(table, x, axis=0)                 # [B, T, W, D] gather
    weighted = jnp.einsum('btwd,w->btd', vecs, w)     # weighted sum over window
    out = weighted / jnp.sum(w)                       # normalize by sum of weights
    return out

if __name__ == "__main__":
    import jax
    _d = setup_inputs()
    print(jax.jit(kernel)(*tuple(_d.values())))

</pallas_src>

<mosaic_0001>
#map = affine_map<(d0, d1) -> (0, 0, 0)>
#map1 = affine_map<(d0, d1) -> (0, 0)>
module attributes {stable_mosaic.version = 14 : i64} {
  func.func @sc_kernel(%arg0: i32, %arg1: i32, %arg2: memref<4096x10x50xi32, #tpu.memory_space<hbm>>, %arg3: memref<10000x128xf32, #tpu.memory_space<hbm>>, %arg4: memref<4096x50x128xf32, #tpu.memory_space<hbm>>, %arg5: memref<10x50xi32, #tpu.memory_space<vmem>>, %arg6: memref<10x50xi32, #tpu.memory_space<vmem>>, %arg7: memref<10x50xi32, #tpu.memory_space<vmem>>, %arg8: memref<10x50xi32, #tpu.memory_space<vmem>>, %arg9: memref<50x128xf32, #tpu.memory_space<vmem>>, %arg10: memref<50x128xf32, #tpu.memory_space<vmem>>, %arg11: memref<50x128xf32, #tpu.memory_space<vmem>>, %arg12: memref<50x128xf32, #tpu.memory_space<vmem>>, %arg13: memref<!tpu.dma_semaphore, #tpu.memory_space<semaphore_mem>>, %arg14: memref<!tpu.dma_semaphore, #tpu.memory_space<semaphore_mem>>, %arg15: memref<!tpu.dma_semaphore, #tpu.memory_space<semaphore_mem>>, %arg16: memref<!tpu.dma_semaphore, #tpu.memory_space<semaphore_mem>>, %arg17: memref<!tpu.dma_semaphore, #tpu.memory_space<semaphore_mem>>, %arg18: memref<!tpu.dma_semaphore, #tpu.memory_space<semaphore_mem>>, %arg19: memref<!tpu.dma_semaphore, #tpu.memory_space<semaphore_mem>>, %arg20: memref<!tpu.dma_semaphore, #tpu.memory_space<semaphore_mem>>, %arg21: memref<!tpu.dma_semaphore, #tpu.memory_space<semaphore_mem>>, %arg22: memref<!tpu.dma_semaphore, #tpu.memory_space<semaphore_mem>>, %arg23: memref<!tpu.dma_semaphore, #tpu.memory_space<semaphore_mem>>, %arg24: memref<!tpu.dma_semaphore, #tpu.memory_space<semaphore_mem>>) attributes {dimension_semantics = [#tpu.dimension_semantics<core_parallel>, #tpu.dimension_semantics<subcore_parallel>], iteration_bounds = array<i64: 2, 16>, scalar_prefetch = 0 : i64, scratch_operands = 20 : i64, tpu.core_type = #tpu.core_type<sc_vector_subcore>, window_params = [{transform_indices = #map}, {transform_indices = #map1}, {transform_indices = #map}]} {
    %mul3A = arith.constant 2 : i32
    %mul3A_0 = arith.muli %arg1, %mul3A : i32
    %add3A = arith.addi %mul3A_0, %arg0 : i32
    %mul3A_1 = arith.constant 128 : i32
    %mul3A_2 = arith.muli %add3A, %mul3A_1 : i32
    %add3A_3 = arith.constant 0 : i32
    %add3A_4 = arith.addi %mul3A_2, %add3A_3 : i32
    %dma_start3A = arith.constant 0 : i32
    %dma_start3A_5 = arith.constant 0 : i32
    %dma_start3A_6 = tpu.memref_slice %arg2[%add3A_4, %dma_start3A, %dma_start3A_5] : memref<4096x10x50xi32, #tpu.memory_space<hbm>> -> memref<1x10x50xi32, #tpu.memory_space<hbm>>
    %dma_start3A_7 = tpu.memref_squeeze %dma_start3A_6 : memref<1x10x50xi32, #tpu.memory_space<hbm>> -> memref<10x50xi32, #tpu.memory_space<hbm>>
    %dma_start3A_8 = arith.constant 0 : i32
    %dma_start3A_9 = arith.constant 0 : i32
    %dma_start3A_10 = tpu.memref_slice %arg2[%add3A_4, %dma_start3A_8, %dma_start3A_9] : memref<4096x10x50xi32, #tpu.memory_space<hbm>> -> memref<1x10x50xi32, #tpu.memory_space<hbm>>
    %dma_start3A_11 = tpu.memref_squeeze %dma_start3A_10 : memref<1x10x50xi32, #tpu.memory_space<hbm>> -> memref<10x50xi32, #tpu.memory_space<hbm>>
    tpu.enqueue_dma source(%dma_start3A_11 : memref<10x50xi32, #tpu.memory_space<hbm>>) target(%arg5 : memref<10x50xi32, #tpu.memory_space<vmem>>) target_semaphore(%arg17 : memref<!tpu.dma_semaphore, #tpu.memory_space<semaphore_mem>>)
    %add3A_12 = arith.constant 1 : i32
    %add3A_13 = arith.addi %mul3A_2, %add3A_12 : i32
    %dma_start3A_14 = arith.constant 0 : i32
    %dma_start3A_15 = arith.constant 0 : i32
    %dma_start3A_16 = tpu.memref_slice %arg2[%add3A_13, %dma_start3A_14, %dma_start3A_15] : memref<4096x10x50xi32, #tpu.memory_space<hbm>> -> memref<1x10x50xi32, #tpu.memory_space<hbm>>
    %dma_start3A_17 = tpu.memref_squeeze %dma_start3A_16 : memref<1x10x50xi32, #tpu.memory_space<hbm>> -> memref<10x50xi32, #tpu.memory_space<hbm>>
    %dma_start3A_18 = arith.constant 0 : i32
    %dma_start3A_19 = arith.constant 0 : i32
    %dma_start3A_20 = tpu.memref_slice %arg2[%add3A_13, %dma_start3A_18, %dma_start3A_19] : memref<4096x10x50xi32, #tpu.memory_space<hbm>> -> memref<1x10x50xi32, #tpu.memory_space<hbm>>
    %dma_start3A_21 = tpu.memref_squeeze %dma_start3A_20 : memref<1x10x50xi32, #tpu.memory_space<hbm>> -> memref<10x50xi32, #tpu.memory_space<hbm>>
    tpu.enqueue_dma source(%dma_start3A_21 : memref<10x50xi32, #tpu.memory_space<hbm>>) target(%arg6 : memref<10x50xi32, #tpu.memory_space<vmem>>) target_semaphore(%arg18 : memref<!tpu.dma_semaphore, #tpu.memory_space<semaphore_mem>>)
    %dma_wait3A = arith.constant 0 : i32
    %dma_wait3A_22 = arith.constant 0 : i32
    %dma_wait3A_23 = tpu.memref_slice %arg2[%mul3A_2, %dma_wait3A, %dma_wait3A_22] : memref<4096x10x50xi32, #tpu.memory_space<hbm>> -> memref<1x10x50xi32, #tpu.memory_space<hbm>>
    %dma_wait3A_24 = tpu.memref_squeeze %dma_wait3A_23 : memref<1x10x50xi32, #tpu.memory_space<hbm>> -> memref<10x50xi32, #tpu.memory_space<hbm>>
    %dma_wait3A_25 = arith.constant 0 : i32
    %dma_wait3A_26 = arith.constant 0 : i32
    %dma_wait3A_27 = tpu.memref_slice %arg2[%mul3A_2, %dma_wait3A_25, %dma_wait3A_26] : memref<4096x10x50xi32, #tpu.memory_space<hbm>> -> memref<1x10x50xi32, #tpu.memory_space<hbm>>
    %dma_wait3A_28 = tpu.memref_squeeze %dma_wait3A_27 : memref<1x10x50xi32, #tpu.memory_space<hbm>> -> memref<10x50xi32, #tpu.memory_space<hbm>>
    tpu.wait_dma2 semaphore(%arg17 : memref<!tpu.dma_semaphore, #tpu.memory_space<semaphore_mem>>) src(%dma_wait3A_28 : memref<10x50xi32, #tpu.memory_space<hbm>>) dst(%arg5 : memref<10x50xi32, #tpu.memory_space<vmem>>)
    %dma_start3A_29 = arith.constant 0 : i32
    %dma_start3A_30 = arith.constant 0 : i32
    %dma_start3A_31 = tpu.memref_slice %arg5[%dma_start3A_29, %dma_start3A_30] : memref<10x50xi32, #tpu.memory_space<vmem>> -> memref<1x50xi32, #tpu.memory_space<vmem>>
    %dma_start3A_32 = tpu.memref_squeeze %dma_start3A_31 : memref<1x50xi32, #tpu.memory_space<vmem>> -> memref<50xi32, #tpu.memory_space<vmem>>
    %dma_start3A_33 = arith.constant 0 : i32
    %dma_start3A_34 = arith.constant 0 : i32
    %dma_start3A_35 = tpu.memref_slice %arg3[%dma_start3A_33, %dma_start3A_34] : memref<10000x128xf32, #tpu.memory_space<hbm>> -> memref<10000x128xf32, #tpu.memory_space<hbm>>
    tpu.enqueue_indirect_dma source(%dma_start3A_35 : memref<10000x128xf32, #tpu.memory_space<hbm>>) target(%arg9 : memref<50x128xf32, #tpu.memory_space<vmem>>) offsets(%dma_start3A_32 : memref<50xi32, #tpu.memory_space<vmem>>) semaphore(%arg13 : memref<!tpu.dma_semaphore, #tpu.memory_space<semaphore_mem>>)
    %add3A_36 = arith.constant 2 : i32
    %add3A_37 = arith.addi %mul3A_2, %add3A_36 : i32
    %dma_start3A_38 = arith.constant 0 : i32
    %dma_start3A_39 = arith.constant 0 : i32
    %dma_start3A_40 = tpu.memref_slice %arg2[%add3A_37, %dma_start3A_38, %dma_start3A_39] : memref<4096x10x50xi32, #tpu.memory_space<hbm>> -> memref<1x10x50xi32, #tpu.memory_space<hbm>>
    %dma_start3A_41 = tpu.memref_squeeze %dma_start3A_40 : memref<1x10x50xi32, #tpu.memory_space<hbm>> -> memref<10x50xi32, #tpu.memory_space<hbm>>
    %dma_start3A_42 = arith.constant 0 : i32
    %dma_start3A_43 = arith.constant 0 : i32
    %dma_start3A_44 = tpu.memref_slice %arg2[%add3A_37, %dma_start3A_42, %dma_start3A_43] : memref<4096x10x50xi32, #tpu.memory_space<hbm>> -> memref<1x10x50xi32, #tpu.memory_space<hbm>>
    %dma_start3A_45 = tpu.memref_squeeze %dma_start3A_44 : memref<1x10x50xi32, #tpu.memory_space<hbm>> -> memref<10x50xi32, #tpu.memory_space<hbm>>
    tpu.enqueue_dma source(%dma_start3A_45 : memref<10x50xi32, #tpu.memory_space<hbm>>) target(%arg7 : memref<10x50xi32, #tpu.memory_space<vmem>>) target_semaphore(%arg19 : memref<!tpu.dma_semaphore, #tpu.memory_space<semaphore_mem>>)
    %dma_wait3A_46 = arith.constant 0 : i32
    %dma_wait3A_47 = arith.constant 0 : i32
    %dma_wait3A_48 = tpu.memref_slice %arg2[%mul3A_2, %dma_wait3A_46, %dma_wait3A_47] : memref<4096x10x50xi32, #tpu.memory_space<hbm>> -> memref<1x10x50xi32, #tpu.memory_space<hbm>>
    %dma_wait3A_49 = tpu.memref_squeeze %dma_wait3A_48 : memref<1x10x50xi32, #tpu.memory_space<hbm>> -> memref<10x50xi32, #tpu.memory_space<hbm>>
    %dma_wait3A_50 = arith.constant 0 : i32
    %dma_wait3A_51 = arith.constant 0 : i32
    %dma_wait3A_52 = tpu.memref_slice %arg2[%mul3A_2, %dma_wait3A_50, %dma_wait3A_51] : memref<4096x10x50xi32, #tpu.memory_space<hbm>> -> memref<1x10x50xi32, #tpu.memory_space<hbm>>
    %dma_wait3A_53 = tpu.memref_squeeze %dma_wait3A_52 : memref<1x10x50xi32, #tpu.memory_space<hbm>> -> memref<10x50xi32, #tpu.memory_space<hbm>>
    tpu.wait_dma2 semaphore(%arg18 : memref<!tpu.dma_semaphore, #tpu.memory_space<semaphore_mem>>) src(%dma_wait3A_53 : memref<10x50xi32, #tpu.memory_space<hbm>>) dst(%arg6 : memref<10x50xi32, #tpu.memory_space<vmem>>)
    %dma_start3A_54 = arith.constant 0 : i32
    %dma_start3A_55 = arith.constant 0 : i32
    %dma_start3A_56 = tpu.memref_slice %arg6[%dma_start3A_54, %dma_start3A_55] : memref<10x50xi32, #tpu.memory_space<vmem>> -> memref<1x50xi32, #tpu.memory_space<vmem>>
    %dma_start3A_57 = tpu.memref_squeeze %dma_start3A_56 : memref<1x50xi32, #tpu.memory_space<vmem>> -> memref<50xi32, #tpu.memory_space<vmem>>
    %dma_start3A_58 = arith.constant 0 : i32
    %dma_start3A_59 = arith.constant 0 : i32
    %dma_start3A_60 = tpu.memref_slice %arg3[%dma_start3A_58, %dma_start3A_59] : memref<10000x128xf32, #tpu.memory_space<hbm>> -> memref<10000x128xf32, #tpu.memory_space<hbm>>
    tpu.enqueue_indirect_dma source(%dma_start3A_60 : memref<10000x128xf32, #tpu.memory_space<hbm>>) target(%arg10 : memref<50x128xf32, #tpu.memory_space<vmem>>) offsets(%dma_start3A_57 : memref<50xi32, #tpu.memory_space<vmem>>) semaphore(%arg14 : memref<!tpu.dma_semaphore, #tpu.memory_space<semaphore_mem>>)
    %dma_wait3A_61 = arith.constant 0 : i32
    %dma_wait3A_62 = arith.constant 0 : i32
    %dma_wait3A_63 = tpu.memref_slice %arg4[%mul3A_2, %dma_wait3A_61, %dma_wait3A_62] : memref<4096x50x128xf32, #tpu.memory_space<hbm>> -> memref<1x50x128xf32, #tpu.memory_space<hbm>>
    %dma_wait3A_64 = tpu.memref_squeeze %dma_wait3A_63 : memref<1x50x128xf32, #tpu.memory_space<hbm>> -> memref<50x128xf32, #tpu.memory_space<hbm>>
    %dma_wait3A_65 = arith.constant 0 : i32
    %dma_wait3A_66 = arith.constant 0 : i32
    %dma_wait3A_67 = tpu.memref_slice %arg4[%mul3A_2, %dma_wait3A_65, %dma_wait3A_66] : memref<4096x50x128xf32, #tpu.memory_space<hbm>> -> memref<1x50x128xf32, #tpu.memory_space<hbm>>
    %dma_wait3A_68 = tpu.memref_squeeze %dma_wait3A_67 : memref<1x50x128xf32, #tpu.memory_space<hbm>> -> memref<50x128xf32, #tpu.memory_space<hbm>>
    tpu.wait_dma2 semaphore(%arg13 : memref<!tpu.dma_semaphore, #tpu.memory_space<semaphore_mem>>) src(%dma_wait3A_68 : memref<50x128xf32, #tpu.memory_space<hbm>>) dst(%arg9 : memref<50x128xf32, #tpu.memory_space<vmem>>)
    %dma_start3A_69 = arith.constant 1 : i32
    %dma_start3A_70 = arith.constant 0 : i32
    %dma_start3A_71 = tpu.memref_slice %arg5[%dma_start3A_69, %dma_start3A_70] : memref<10x50xi32, #tpu.memory_space<vmem>> -> memref<1x50xi32, #tpu.memory_space<vmem>>
    %dma_start3A_72 = tpu.memref_squeeze %dma_start3A_71 : memref<1x50xi32, #tpu.memory_space<vmem>> -> memref<50xi32, #tpu.memory_space<vmem>>
    %dma_start3A_73 = arith.constant 0 : i32
    %dma_start3A_74 = arith.constant 0 : i32
    %dma_start3A_75 = tpu.memref_slice %arg3[%dma_start3A_73, %dma_start3A_74] : memref<10000x128xf32, #tpu.memory_space<hbm>> -> memref<10000x128xf32, #tpu.memory_space<hbm>>
    tpu.enqueue_indirect_dma source(%dma_start3A_75 : memref<10000x128xf32, #tpu.memory_space<hbm>>) target(%arg9 : memref<50x128xf32, #tpu.memory_space<vmem>>) offsets(%dma_start3A_72 : memref<50xi32, #tpu.memory_space<vmem>>) semaphore(%arg13 : memref<!tpu.dma_semaphore, #tpu.memory_space<semaphore_mem>>) {add = true}
    %dma_start3A_76 = arith.constant 2 : i32
    %dma_start3A_77 = arith.constant 0 : i32
    %dma_start3A_78 = tpu.memref_slice %arg5[%dma_start3A_76, %dma_start3A_77] : memref<10x50xi32, #tpu.memory_space<vmem>> -> memref<1x50xi32, #tpu.memory_space<vmem>>
    %dma_start3A_79 = tpu.memref_squeeze %dma_start3A_78 : memref<1x50xi32, #tpu.memory_space<vmem>> -> memref<50xi32, #tpu.memory_space<vmem>>
    %dma_start3A_80 = arith.constant 0 : i32
    %dma_start3A_81 = arith.constant 0 : i32
    %dma_start3A_82 = tpu.memref_slice %arg3[%dma_start3A_80, %dma_start3A_81] : memref<10000x128xf32, #tpu.memory_space<hbm>> -> memref<10000x128xf32, #tpu.memory_space<hbm>>
    tpu.enqueue_indirect_dma source(%dma_start3A_82 : memref<10000x128xf32, #tpu.memory_space<hbm>>) target(%arg9 : memref<50x128xf32, #tpu.memory_space<vmem>>) offsets(%dma_start3A_79 : memref<50xi32, #tpu.memory_space<vmem>>) semaphore(%arg13 : memref<!tpu.dma_semaphore, #tpu.memory_space<semaphore_mem>>) {add = true}
    %dma_start3A_83 = arith.constant 3 : i32
    %dma_start3A_84 = arith.constant 0 : i32
    %dma_start3A_85 = tpu.memref_slice %arg5[%dma_start3A_83, %dma_start3A_84] : memref<10x50xi32, #tpu.memory_space<vmem>> -> memref<1x50xi32, #tpu.memory_space<vmem>>
    %dma_start3A_86 = tpu.memref_squeeze %dma_start3A_85 : memref<1x50xi32, #tpu.memory_space<vmem>> -> memref<50xi32, #tpu.memory_space<vmem>>
    %dma_start3A_87 = arith.constant 0 : i32
    %dma_start3A_88 = arith.constant 0 : i32
    %dma_start3A_89 = tpu.memref_slice %arg3[%dma_start3A_87, %dma_start3A_88] : memref<10000x128xf32, #tpu.memory_space<hbm>> -> memref<10000x128xf32, #tpu.memory_space<hbm>>
    tpu.enqueue_indirect_dma source(%dma_start3A_89 : memref<10000x128xf32, #tpu.memory_space<hbm>>) target(%arg9 : memref<50x128xf32, #tpu.memory_space<vmem>>) offsets(%dma_start3A_86 : memref<50xi32, #tpu.memory_space<vmem>>) semaphore(%arg13 : memref<!tpu.dma_semaphore, #tpu.memory_space<semaphore_mem>>) {add = true}
    %dma_start3A_90 = arith.constant 4 : i32
    %dma_start3A_91 = arith.constant 0 : i32
    %dma_start3A_92 = tpu.memref_slice %arg5[%dma_start3A_90, %dma_start3A_91] : memref<10x50xi32, #tpu.memory_space<vmem>> -> memref<1x50xi32, #tpu.memory_space<vmem>>
    %dma_start3A_93 = tpu.memref_squeeze %dma_start3A_92 : memref<1x50xi32, #tpu.memory_space<vmem>> -> memref<50xi32, #tpu.memory_space<vmem>>
    %dma_start3A_94 = arith.constant 0 : i32
    %dma_start3A_95 = arith.constant 0 : i32
    %dma_start3A_96 = tpu.memref_slice %arg3[%dma_start3A_94, %dma_start3A_95] : memref<10000x128xf32, #tpu.memory_space<hbm>> -> memref<10000x128xf32, #tpu.memory_space<hbm>>
    tpu.enqueue_indirect_dma source(%dma_start3A_96 : memref<10000x128xf32, #tpu.memory_space<hbm>>) target(%arg9 : memref<50x128xf32, #tpu.memory_space<vmem>>) offsets(%dma_start3A_93 : memref<50xi32, #tpu.memory_space<vmem>>) semaphore(%arg13 : memref<!tpu.dma_semaphore, #tpu.memory_space<semaphore_mem>>) {add = true}
    %dma_start3A_97 = arith.constant 5 : i32
    %dma_start3A_98 = arith.constant 0 : i32
    %dma_start3A_99 = tpu.memref_slice %arg5[%dma_start3A_97, %dma_start3A_98] : memref<10x50xi32, #tpu.memory_space<vmem>> -> memref<1x50xi32, #tpu.memory_space<vmem>>
    %dma_start3A_100 = tpu.memref_squeeze %dma_start3A_99 : memref<1x50xi32, #tpu.memory_space<vmem>> -> memref<50xi32, #tpu.memory_space<vmem>>
    %dma_start3A_101 = arith.constant 0 : i32
    %dma_start3A_102 = arith.constant 0 : i32
    %dma_start3A_103 = tpu.memref_slice %arg3[%dma_start3A_101, %dma_start3A_102] : memref<10000x128xf32, #tpu.memory_space<hbm>> -> memref<10000x128xf32, #tpu.memory_space<hbm>>
    tpu.enqueue_indirect_dma source(%dma_start3A_103 : memref<10000x128xf32, #tpu.memory_space<hbm>>) target(%arg9 : memref<50x128xf32, #tpu.memory_space<vmem>>) offsets(%dma_start3A_100 : memref<50xi32, #tpu.memory_space<vmem>>) semaphore(%arg13 : memref<!tpu.dma_semaphore, #tpu.memory_space<semaphore_mem>>) {add = true}
    %dma_start3A_104 = arith.constant 6 : i32
    %dma_start3A_105 = arith.constant 0 : i32
    %dma_start3A_106 = tpu.memref_slice %arg5[%dma_start3A_104, %dma_start3A_105] : memref<10x50xi32, #tpu.memory_space<vmem>> -> memref<1x50xi32, #tpu.memory_space<vmem>>
    %dma_start3A_107 = tpu.memref_squeeze %dma_start3A_106 : memref<1x50xi32, #tpu.memory_space<vmem>> -> memref<50xi32, #tpu.memory_space<vmem>>
    %dma_start3A_108 = arith.constant 0 : i32
    %dma_start3A_109 = arith.constant 0 : i32
    %dma_start3A_110 = tpu.memref_slice %arg3[%dma_start3A_108, %dma_start3A_109] : memref<10000x128xf32, #tpu.memory_space<hbm>> -> memref<10000x128xf32, #tpu.memory_space<hbm>>
    tpu.enqueue_indirect_dma source(%dma_start3A_110 : memref<10000x128xf32, #tpu.memory_space<hbm>>) target(%arg9 : memref<50x128xf32, #tpu.memory_space<vmem>>) offsets(%dma_start3A_107 : memref<50xi32, #tpu.memory_space<vmem>>) semaphore(%arg13 : memref<!tpu.dma_semaphore, #tpu.memory_space<semaphore_mem>>) {add = true}
    %dma_start3A_111 = arith.constant 7 : i32
    %dma_start3A_112 = arith.constant 0 : i32
    %dma_start3A_113 = tpu.memref_slice %arg5[%dma_start3A_111, %dma_start3A_112] : memref<10x50xi32, #tpu.memory_space<vmem>> -> memref<1x50xi32, #tpu.memory_space<vmem>>
    %dma_start3A_114 = tpu.memref_squeeze %dma_start3A_113 : memref<1x50xi32, #tpu.memory_space<vmem>> -> memref<50xi32, #tpu.memory_space<vmem>>
    %dma_start3A_115 = arith.constant 0 : i32
    %dma_start3A_116 = arith.constant 0 : i32
    %dma_start3A_117 = tpu.memref_slice %arg3[%dma_start3A_115, %dma_start3A_116] : memref<10000x128xf32, #tpu.memory_space<hbm>> -> memref<10000x128xf32, #tpu.memory_space<hbm>>
    tpu.enqueue_indirect_dma source(%dma_start3A_117 : memref<10000x128xf32, #tpu.memory_space<hbm>>) target(%arg9 : memref<50x128xf32, #tpu.memory_space<vmem>>) offsets(%dma_start3A_114 : memref<50xi32, #tpu.memory_space<vmem>>) semaphore(%arg13 : memref<!tpu.dma_semaphore, #tpu.memory_space<semaphore_mem>>) {add = true}
    %dma_start3A_118 = arith.constant 8 : i32
    %dma_start3A_119 = arith.constant 0 : i32
    %dma_start3A_120 = tpu.memref_slice %arg5[%dma_start3A_118, %dma_start3A_119] : memref<10x50xi32, #tpu.memory_space<vmem>> -> memref<1x50xi32, #tpu.memory_space<vmem>>
    %dma_start3A_121 = tpu.memref_squeeze %dma_start3A_120 : memref<1x50xi32, #tpu.memory_space<vmem>> -> memref<50xi32, #tpu.memory_space<vmem>>
    %dma_start3A_122 = arith.constant 0 : i32
    %dma_start3A_123 = arith.constant 0 : i32
    %dma_start3A_124 = tpu.memref_slice %arg3[%dma_start3A_122, %dma_start3A_123] : memref<10000x128xf32, #tpu.memory_space<hbm>> -> memref<10000x128xf32, #tpu.memory_space<hbm>>
    tpu.enqueue_indirect_dma source(%dma_start3A_124 : memref<10000x128xf32, #tpu.memory_space<hbm>>) target(%arg9 : memref<50x128xf32, #tpu.memory_space<vmem>>) offsets(%dma_start3A_121 : memref<50xi32, #tpu.memory_space<vmem>>) semaphore(%arg13 : memref<!tpu.dma_semaphore, #tpu.memory_space<semaphore_mem>>) {add = true}
    %dma_start3A_125 = arith.constant 9 : i32
    %dma_start3A_126 = arith.constant 0 : i32
    %dma_start3A_127 = tpu.memref_slice %arg5[%dma_start3A_125, %dma_start3A_126] : memref<10x50xi32, #tpu.memory_space<vmem>> -> memref<1x50xi32, #tpu.memory_space<vmem>>
    %dma_start3A_128 = tpu.memref_squeeze %dma_start3A_127 : memref<1x50xi32, #tpu.memory_space<vmem>> -> memref<50xi32, #tpu.memory_space<vmem>>
    %dma_start3A_129 = arith.constant 0 : i32
    %dma_start3A_130 = arith.constant 0 : i32
    %dma_start3A_131 = tpu.memref_slice %arg3[%dma_start3A_129, %dma_start3A_130] : memref<10000x128xf32, #tpu.memory_space<hbm>> -> memref<10000x128xf32, #tpu.memory_space<hbm>>
    tpu.enqueue_indirect_dma source(%dma_start3A_131 : memref<10000x128xf32, #tpu.memory_space<hbm>>) target(%arg9 : memref<50x128xf32, #tpu.memory_space<vmem>>) offsets(%dma_start3A_128 : memref<50xi32, #tpu.memory_space<vmem>>) semaphore(%arg13 : memref<!tpu.dma_semaphore, #tpu.memory_space<semaphore_mem>>) {add = true}
    %add3A_132 = arith.constant 3 : i32
    %add3A_133 = arith.addi %mul3A_2, %add3A_132 : i32
    %dma_start3A_134 = arith.constant 0 : i32
    %dma_start3A_135 = arith.constant 0 : i32
    %dma_start3A_136 = tpu.memref_slice %arg2[%add3A_133, %dma_start3A_134, %dma_start3A_135] : memref<4096x10x50xi32, #tpu.memory_space<hbm>> -> memref<1x10x50xi32, #tpu.memory_space<hbm>>
    %dma_start3A_137 = tpu.memref_squeeze %dma_start3A_136 : memref<1x10x50xi32, #tpu.memory_space<hbm>> -> memref<10x50xi32, #tpu.memory_space<hbm>>
    %dma_start3A_138 = arith.constant 0 : i32
    %dma_start3A_139 = arith.constant 0 : i32
    %dma_start3A_140 = tpu.memref_slice %arg2[%add3A_133, %dma_start3A_138, %dma_start3A_139] : memref<4096x10x50xi32, #tpu.memory_space<hbm>> -> memref<1x10x50xi32, #tpu.memory_space<hbm>>
    %dma_start3A_141 = tpu.memref_squeeze %dma_start3A_140 : memref<1x10x50xi32, #tpu.memory_space<hbm>> -> memref<10x50xi32, #tpu.memory_space<hbm>>
    tpu.enqueue_dma source(%dma_start3A_141 : memref<10x50xi32, #tpu.memory_space<hbm>>) target(%arg8 : memref<10x50xi32, #tpu.memory_space<vmem>>) target_semaphore(%arg20 : memref<!tpu.dma_semaphore, #tpu.memory_space<semaphore_mem>>)
    %dma_wait3A_142 = arith.constant 0 : i32
    %dma_wait3A_143 = arith.constant 0 : i32
    %dma_wait3A_144 = tpu.memref_slice %arg2[%mul3A_2, %dma_wait3A_142, %dma_wait3A_143] : memref<4096x10x50xi32, #tpu.memory_space<hbm>> -> memref<1x10x50xi32, #tpu.memory_space<hbm>>
    %dma_wait3A_145 = tpu.memref_squeeze %dma_wait3A_144 : memref<1x10x50xi32, #tpu.memory_space<hbm>> -> memref<10x50xi32, #tpu.memory_space<hbm>>
    %dma_wait3A_146 = arith.constant 0 : i32
    %dma_wait3A_147 = arith.constant 0 : i32
    %dma_wait3A_148 = tpu.memref_slice %arg2[%mul3A_2, %dma_wait3A_146, %dma_wait3A_147] : memref<4096x10x50xi32, #tpu.memory_space<hbm>> -> memref<1x10x50xi32, #tpu.memory_space<hbm>>
    %dma_wait3A_149 = tpu.memref_squeeze %dma_wait3A_148 : memref<1x10x50xi32, #tpu.memory_space<hbm>> -> memref<10x50xi32, #tpu.memory_space<hbm>>
    tpu.wait_dma2 semaphore(%arg19 : memref<!tpu.dma_semaphore, #tpu.memory_space<semaphore_mem>>) src(%dma_wait3A_149 : memref<10x50xi32, #tpu.memory_space<hbm>>) dst(%arg7 : memref<10x50xi32, #tpu.memory_space<vmem>>)
    %dma_start3A_150 = arith.constant 0 : i32
    %dma_start3A_151 = arith.constant 0 : i32
    %dma_start3A_152 = tpu.memref_slice %arg7[%dma_start3A_150, %dma_start3A_151] : memref<10x50xi32, #tpu.memory_space<vmem>> -> memref<1x50xi32, #tpu.memory_space<vmem>>
    %dma_start3A_153 = tpu.memref_squeeze %dma_start3A_152 : memref<1x50xi32, #tpu.memory_space<vmem>> -> memref<50xi32, #tpu.memory_space<vmem>>
    %dma_start3A_154 = arith.constant 0 : i32
    %dma_start3A_155 = arith.constant 0 : i32
    %dma_start3A_156 = tpu.memref_slice %arg3[%dma_start3A_154, %dma_start3A_155] : memref<10000x128xf32, #tpu.memory_space<hbm>> -> memref<10000x128xf32, #tpu.memory_space<hbm>>
    tpu.enqueue_indirect_dma source(%dma_start3A_156 : memref<10000x128xf32, #tpu.memory_space<hbm>>) target(%arg11 : memref<50x128xf32, #tpu.memory_space<vmem>>) offsets(%dma_start3A_153 : memref<50xi32, #tpu.memory_space<vmem>>) semaphore(%arg15 : memref<!tpu.dma_semaphore, #tpu.memory_space<semaphore_mem>>)
    %dma_wait3A_157 = arith.constant 0 : i32
    %dma_wait3A_158 = arith.constant 0 : i32
    %dma_wait3A_159 = tpu.memref_slice %arg4[%mul3A_2, %dma_wait3A_157, %dma_wait3A_158] : memref<4096x50x128xf32, #tpu.memory_space<hbm>> -> memref<1x50x128xf32, #tpu.memory_space<hbm>>
    %dma_wait3A_160 = tpu.memref_squeeze %dma_wait3A_159 : memref<1x50x128xf32, #tpu.memory_space<hbm>> -> memref<50x128xf32, #tpu.memory_space<hbm>>
    %dma_wait3A_161 = arith.constant 0 : i32
    %dma_wait3A_162 = arith.constant 0 : i32
    %dma_wait3A_163 = tpu.memref_slice %arg4[%mul3A_2, %dma_wait3A_161, %dma_wait3A_162] : memref<4096x50x128xf32, #tpu.memory_space<hbm>> -> memref<1x50x128xf32, #tpu.memory_space<hbm>>
    %dma_wait3A_164 = tpu.memref_squeeze %dma_wait3A_163 : memref<1x50x128xf32, #tpu.memory_space<hbm>> -> memref<50x128xf32, #tpu.memory_space<hbm>>
    tpu.wait_dma2 semaphore(%arg14 : memref<!tpu.dma_semaphore, #tpu.memory_space<semaphore_mem>>) src(%dma_wait3A_164 : memref<50x128xf32, #tpu.memory_space<hbm>>) dst(%arg10 : memref<50x128xf32, #tpu.memory_space<vmem>>)
    %dma_start3A_165 = arith.constant 1 : i32
    %dma_start3A_166 = arith.constant 0 : i32
    %dma_start3A_167 = tpu.memref_slice %arg6[%dma_start3A_165, %dma_start3A_166] : memref<10x50xi32, #tpu.memory_space<vmem>> -> memref<1x50xi32, #tpu.memory_space<vmem>>
    %dma_start3A_168 = tpu.memref_squeeze %dma_start3A_167 : memref<1x50xi32, #tpu.memory_space<vmem>> -> memref<50xi32, #tpu.memory_space<vmem>>
    %dma_start3A_169 = arith.constant 0 : i32
    %dma_start3A_170 = arith.constant 0 : i32
    %dma_start3A_171 = tpu.memref_slice %arg3[%dma_start3A_169, %dma_start3A_170] : memref<10000x128xf32, #tpu.memory_space<hbm>> -> memref<10000x128xf32, #tpu.memory_space<hbm>>
    tpu.enqueue_indirect_dma source(%dma_start3A_171 : memref<10000x128xf32, #tpu.memory_space<hbm>>) target(%arg10 : memref<50x128xf32, #tpu.memory_space<vmem>>) offsets(%dma_start3A_168 : memref<50xi32, #tpu.memory_space<vmem>>) semaphore(%arg14 : memref<!tpu.dma_semaphore, #tpu.memory_space<semaphore_mem>>) {add = true}
    %dma_start3A_172 = arith.constant 2 : i32
    %dma_start3A_173 = arith.constant 0 : i32
    %dma_start3A_174 = tpu.memref_slice %arg6[%dma_start3A_172, %dma_start3A_173] : memref<10x50xi32, #tpu.memory_space<vmem>> -> memref<1x50xi32, #tpu.memory_space<vmem>>
    %dma_start3A_175 = tpu.memref_squeeze %dma_start3A_174 : memref<1x50xi32, #tpu.memory_space<vmem>> -> memref<50xi32, #tpu.memory_space<vmem>>
    %dma_start3A_176 = arith.constant 0 : i32
    %dma_start3A_177 = arith.constant 0 : i32
    %dma_start3A_178 = tpu.memref_slice %arg3[%dma_start3A_176, %dma_start3A_177] : memref<10000x128xf32, #tpu.memory_space<hbm>> -> memref<10000x128xf32, #tpu.memory_space<hbm>>
    tpu.enqueue_indirect_dma source(%dma_start3A_178 : memref<10000x128xf32, #tpu.memory_space<hbm>>) target(%arg10 : memref<50x128xf32, #tpu.memory_space<vmem>>) offsets(%dma_start3A_175 : memref<50xi32, #tpu.memory_space<vmem>>) semaphore(%arg14 : memref<!tpu.dma_semaphore, #tpu.memory_space<semaphore_mem>>) {add = true}
    %dma_start3A_179 = arith.constant 3 : i32
    %dma_start3A_180 = arith.constant 0 : i32
    %dma_start3A_181 = tpu.memref_slice %arg6[%dma_start3A_179, %dma_start3A_180] : memref<10x50xi32, #tpu.memory_space<vmem>> -> memref<1x50xi32, #tpu.memory_space<vmem>>
    %dma_start3A_182 = tpu.memref_squeeze %dma_start3A_181 : memref<1x50xi32, #tpu.memory_space<vmem>> -> memref<50xi32, #tpu.memory_space<vmem>>
    %dma_start3A_183 = arith.constant 0 : i32
    %dma_start3A_184 = arith.constant 0 : i32
    %dma_start3A_185 = tpu.memref_slice %arg3[%dma_start3A_183, %dma_start3A_184] : memref<10000x128xf32, #tpu.memory_space<hbm>> -> memref<10000x128xf32, #tpu.memory_space<hbm>>
    tpu.enqueue_indirect_dma source(%dma_start3A_185 : memref<10000x128xf32, #tpu.memory_space<hbm>>) target(%arg10 : memref<50x128xf32, #tpu.memory_space<vmem>>) offsets(%dma_start3A_182 : memref<50xi32, #tpu.memory_space<vmem>>) semaphore(%arg14 : memref<!tpu.dma_semaphore, #tpu.memory_space<semaphore_mem>>) {add = true}
    %dma_start3A_186 = arith.constant 4 : i32
    %dma_start3A_187 = arith.constant 0 : i32
    %dma_start3A_188 = tpu.memref_slice %arg6[%dma_start3A_186, %dma_start3A_187] : memref<10x50xi32, #tpu.memory_space<vmem>> -> memref<1x50xi32, #tpu.memory_space<vmem>>
    %dma_start3A_189 = tpu.memref_squeeze %dma_start3A_188 : memref<1x50xi32, #tpu.memory_space<vmem>> -> memref<50xi32, #tpu.memory_space<vmem>>
    %dma_start3A_190 = arith.constant 0 : i32
    %dma_start3A_191 = arith.constant 0 : i32
    %dma_start3A_192 = tpu.memref_slice %arg3[%dma_start3A_190, %dma_start3A_191] : memref<10000x128xf32, #tpu.memory_space<hbm>> -> memref<10000x128xf32, #tpu.memory_space<hbm>>
    tpu.enqueue_indirect_dma source(%dma_start3A_192 : memref<10000x128xf32, #tpu.memory_space<hbm>>) target(%arg10 : memref<50x128xf32, #tpu.memory_space<vmem>>) offsets(%dma_start3A_189 : memref<50xi32, #tpu.memory_space<vmem>>) semaphore(%arg14 : memref<!tpu.dma_semaphore, #tpu.memory_space<semaphore_mem>>) {add = true}
    %dma_start3A_193 = arith.constant 5 : i32
    %dma_start3A_194 = arith.constant 0 : i32
    %dma_start3A_195 = tpu.memref_slice %arg6[%dma_start3A_193, %dma_start3A_194] : memref<10x50xi32, #tpu.memory_space<vmem>> -> memref<1x50xi32, #tpu.memory_space<vmem>>
    %dma_start3A_196 = tpu.memref_squeeze %dma_start3A_195 : memref<1x50xi32, #tpu.memory_space<vmem>> -> memref<50xi32, #tpu.memory_space<vmem>>
    %dma_start3A_197 = arith.constant 0 : i32
    %dma_start3A_198 = arith.constant 0 : i32
    %dma_start3A_199 = tpu.memref_slice %arg3[%dma_start3A_197, %dma_start3A_198] : memref<10000x128xf32, #tpu.memory_space<hbm>> -> memref<10000x128xf32, #tpu.memory_space<hbm>>
    tpu.enqueue_indirect_dma source(%dma_start3A_199 : memref<10000x128xf32, #tpu.memory_space<hbm>>) target(%arg10 : memref<50x128xf32, #tpu.memory_space<vmem>>) offsets(%dma_start3A_196 : memref<50xi32, #tpu.memory_space<vmem>>) semaphore(%arg14 : memref<!tpu.dma_semaphore, #tpu.memory_space<semaphore_mem>>) {add = true}
    %dma_start3A_200 = arith.constant 6 : i32
    %dma_start3A_201 = arith.constant 0 : i32
    %dma_start3A_202 = tpu.memref_slice %arg6[%dma_start3A_200, %dma_start3A_201] : memref<10x50xi32, #tpu.memory_space<vmem>> -> memref<1x50xi32, #tpu.memory_space<vmem>>
    %dma_start3A_203 = tpu.memref_squeeze %dma_start3A_202 : memref<1x50xi32, #tpu.memory_space<vmem>> -> memref<50xi32, #tpu.memory_space<vmem>>
    %dma_start3A_204 = arith.constant 0 : i32
    %dma_start3A_205 = arith.constant 0 : i32
    %dma_start3A_206 = tpu.memref_slice %arg3[%dma_start3A_204, %dma_start3A_205] : memref<10000x128xf32, #tpu.memory_space<hbm>> -> memref<10000x128xf32, #tpu.memory_space<hbm>>
    tpu.enqueue_indirect_dma source(%dma_start3A_206 : memref<10000x128xf32, #tpu.memory_space<hbm>>) target(%arg10 : memref<50x128xf32, #tpu.memory_space<vmem>>) offsets(%dma_start3A_203 : memref<50xi32, #tpu.memory_space<vmem>>) semaphore(%arg14 : memref<!tpu.dma_semaphore, #tpu.memory_space<semaphore_mem>>) {add = true}
    %dma_start3A_207 = arith.constant 7 : i32
    %dma_start3A_208 = arith.constant 0 : i32
    %dma_start3A_209 = tpu.memref_slice %arg6[%dma_start3A_207, %dma_start3A_208] : memref<10x50xi32, #tpu.memory_space<vmem>> -> memref<1x50xi32, #tpu.memory_space<vmem>>
    %dma_start3A_210 = tpu.memref_squeeze %dma_start3A_209 : memref<1x50xi32, #tpu.memory_space<vmem>> -> memref<50xi32, #tpu.memory_space<vmem>>
    %dma_start3A_211 = arith.constant 0 : i32
    %dma_start3A_212 = arith.constant 0 : i32
    %dma_start3A_213 = tpu.memref_slice %arg3[%dma_start3A_211, %dma_start3A_212] : memref<10000x128xf32, #tpu.memory_space<hbm>> -> memref<10000x128xf32, #tpu.memory_space<hbm>>
    tpu.enqueue_indirect_dma source(%dma_start3A_213 : memref<10000x128xf32, #tpu.memory_space<hbm>>) target(%arg10 : memref<50x128xf32, #tpu.memory_space<vmem>>) offsets(%dma_start3A_210 : memref<50xi32, #tpu.memory_space<vmem>>) semaphore(%arg14 : memref<!tpu.dma_semaphore, #tpu.memory_space<semaphore_mem>>) {add = true}
    %dma_start3A_214 = arith.constant 8 : i32
    %dma_start3A_215 = arith.constant 0 : i32
    %dma_start3A_216 = tpu.memref_slice %arg6[%dma_start3A_214, %dma_start3A_215] : memref<10x50xi32, #tpu.memory_space<vmem>> -> memref<1x50xi32, #tpu.memory_space<vmem>>
    %dma_start3A_217 = tpu.memref_squeeze %dma_start3A_216 : memref<1x50xi32, #tpu.memory_space<vmem>> -> memref<50xi32, #tpu.memory_space<vmem>>
    %dma_start3A_218 = arith.constant 0 : i32
    %dma_start3A_219 = arith.constant 0 : i32
    %dma_start3A_220 = tpu.memref_slice %arg3[%dma_start3A_218, %dma_start3A_219] : memref<10000x128xf32, #tpu.memory_space<hbm>> -> memref<10000x128xf32, #tpu.memory_space<hbm>>
    tpu.enqueue_indirect_dma source(%dma_start3A_220 : memref<10000x128xf32, #tpu.memory_space<hbm>>) target(%arg10 : memref<50x128xf32, #tpu.memory_space<vmem>>) offsets(%dma_start3A_217 : memref<50xi32, #tpu.memory_space<vmem>>) semaphore(%arg14 : memref<!tpu.dma_semaphore, #tpu.memory_space<semaphore_mem>>) {add = true}
    %dma_start3A_221 = arith.constant 9 : i32
    %dma_start3A_222 = arith.constant 0 : i32
    %dma_start3A_223 = tpu.memref_slice %arg6[%dma_start3A_221, %dma_start3A_222] : memref<10x50xi32, #tpu.memory_space<vmem>> -> memref<1x50xi32, #tpu.memory_space<vmem>>
    %dma_start3A_224 = tpu.memref_squeeze %dma_start3A_223 : memref<1x50xi32, #tpu.memory_space<vmem>> -> memref<50xi32, #tpu.memory_space<vmem>>
    %dma_start3A_225 = arith.constant 0 : i32
    %dma_start3A_226 = arith.constant 0 : i32
    %dma_start3A_227 = tpu.memref_slice %arg3[%dma_start3A_225, %dma_start3A_226] : memref<10000x128xf32, #tpu.memory_space<hbm>> -> memref<10000x128xf32, #tpu.memory_space<hbm>>
    tpu.enqueue_indirect_dma source(%dma_start3A_227 : memref<10000x128xf32, #tpu.memory_space<hbm>>) target(%arg10 : memref<50x128xf32, #tpu.memory_space<vmem>>) offsets(%dma_start3A_224 : memref<50xi32, #tpu.memory_space<vmem>>) semaphore(%arg14 : memref<!tpu.dma_semaphore, #tpu.memory_space<semaphore_mem>>) {add = true}
    %dma_wait3A_228 = arith.constant 0 : i32
    %dma_wait3A_229 = arith.constant 0 : i32
    %dma_wait3A_230 = tpu.memref_slice %arg4[%mul3A_2, %dma_wait3A_228, %dma_wait3A_229] : memref<4096x50x128xf32, #tpu.memory_space<hbm>> -> memref<1x50x128xf32, #tpu.memory_space<hbm>>
    %dma_wait3A_231 = tpu.memref_squeeze %dma_wait3A_230 : memref<1x50x128xf32, #tpu.memory_space<hbm>> -> memref<50x128xf32, #tpu.memory_space<hbm>>
    %dma_wait3A_232 = arith.constant 0 : i32
    %dma_wait3A_233 = arith.constant 0 : i32
    %dma_wait3A_234 = tpu.memref_slice %arg4[%mul3A_2, %dma_wait3A_232, %dma_wait3A_233] : memref<4096x50x128xf32, #tpu.memory_space<hbm>> -> memref<1x50x128xf32, #tpu.memory_space<hbm>>
    %dma_wait3A_235 = tpu.memref_squeeze %dma_wait3A_234 : memref<1x50x128xf32, #tpu.memory_space<hbm>> -> memref<50x128xf32, #tpu.memory_space<hbm>>
    tpu.wait_dma2 semaphore(%arg13 : memref<!tpu.dma_semaphore, #tpu.memory_space<semaphore_mem>>) src(%dma_wait3A_235 : memref<50x128xf32, #tpu.memory_space<hbm>>) dst(%arg9 : memref<50x128xf32, #tpu.memory_space<vmem>>)
    %dma_wait3A_236 = arith.constant 0 : i32
    %dma_wait3A_237 = arith.constant 0 : i32
    %dma_wait3A_238 = tpu.memref_slice %arg4[%mul3A_2, %dma_wait3A_236, %dma_wait3A_237] : memref<4096x50x128xf32, #tpu.memory_space<hbm>> -> memref<1x50x128xf32, #tpu.memory_space<hbm>>
    %dma_wait3A_239 = tpu.memref_squeeze %dma_wait3A_238 : memref<1x50x128xf32, #tpu.memory_space<hbm>> -> memref<50x128xf32, #tpu.memory_space<hbm>>
    %dma_wait3A_240 = arith.constant 0 : i32
    %dma_wait3A_241 = arith.constant 0 : i32
    %dma_wait3A_242 = tpu.memref_slice %arg4[%mul3A_2, %dma_wait3A_240, %dma_wait3A_241] : memref<4096x50x128xf32, #tpu.memory_space<hbm>> -> memref<1x50x128xf32, #tpu.memory_space<hbm>>
    %dma_wait3A_243 = tpu.memref_squeeze %dma_wait3A_242 : memref<1x50x128xf32, #tpu.memory_space<hbm>> -> memref<50x128xf32, #tpu.memory_space<hbm>>
    tpu.wait_dma2 semaphore(%arg13 : memref<!tpu.dma_semaphore, #tpu.memory_space<semaphore_mem>>) src(%dma_wait3A_243 : memref<50x128xf32, #tpu.memory_space<hbm>>) dst(%arg9 : memref<50x128xf32, #tpu.memory_space<vmem>>)
    %dma_wait3A_244 = arith.constant 0 : i32
    %dma_wait3A_245 = arith.constant 0 : i32
    %dma_wait3A_246 = tpu.memref_slice %arg4[%mul3A_2, %dma_wait3A_244, %dma_wait3A_245] : memref<4096x50x128xf32, #tpu.memory_space<hbm>> -> memref<1x50x128xf32, #tpu.memory_space<hbm>>
    %dma_wait3A_247 = tpu.memref_squeeze %dma_wait3A_246 : memref<1x50x128xf32, #tpu.memory_space<hbm>> -> memref<50x128xf32, #tpu.memory_space<hbm>>
    %dma_wait3A_248 = arith.constant 0 : i32
    %dma_wait3A_249 = arith.constant 0 : i32
    %dma_wait3A_250 = tpu.memref_slice %arg4[%mul3A_2, %dma_wait3A_248, %dma_wait3A_249] : memref<4096x50x128xf32, #tpu.memory_space<hbm>> -> memref<1x50x128xf32, #tpu.memory_space<hbm>>
    %dma_wait3A_251 = tpu.memref_squeeze %dma_wait3A_250 : memref<1x50x128xf32, #tpu.memory_space<hbm>> -> memref<50x128xf32, #tpu.memory_space<hbm>>
    tpu.wait_dma2 semaphore(%arg13 : memref<!tpu.dma_semaphore, #tpu.memory_space<semaphore_mem>>) src(%dma_wait3A_251 : memref<50x128xf32, #tpu.memory_space<hbm>>) dst(%arg9 : memref<50x128xf32, #tpu.memory_space<vmem>>)
    %dma_wait3A_252 = arith.constant 0 : i32
    %dma_wait3A_253 = arith.constant 0 : i32
    %dma_wait3A_254 = tpu.memref_slice %arg4[%mul3A_2, %dma_wait3A_252, %dma_wait3A_253] : memref<4096x50x128xf32, #tpu.memory_space<hbm>> -> memref<1x50x128xf32, #tpu.memory_space<hbm>>
    %dma_wait3A_255 = tpu.memref_squeeze %dma_wait3A_254 : memref<1x50x128xf32, #tpu.memory_space<hbm>> -> memref<50x128xf32, #tpu.memory_space<hbm>>
    %dma_wait3A_256 = arith.constant 0 : i32
    %dma_wait3A_257 = arith.constant 0 : i32
    %dma_wait3A_258 = tpu.memref_slice %arg4[%mul3A_2, %dma_wait3A_256, %dma_wait3A_257] : memref<4096x50x128xf32, #tpu.memory_space<hbm>> -> memref<1x50x128xf32, #tpu.memory_space<hbm>>
    %dma_wait3A_259 = tpu.memref_squeeze %dma_wait3A_258 : memref<1x50x128xf32, #tpu.memory_space<hbm>> -> memref<50x128xf32, #tpu.memory_space<hbm>>
    tpu.wait_dma2 semaphore(%arg13 : memref<!tpu.dma_semaphore, #tpu.memory_space<semaphore_mem>>) src(%dma_wait3A_259 : memref<50x128xf32, #tpu.memory_space<hbm>>) dst(%arg9 : memref<50x128xf32, #tpu.memory_space<vmem>>)
    %dma_wait3A_260 = arith.constant 0 : i32
    %dma_wait3A_261 = arith.constant 0 : i32
    %dma_wait3A_262 = tpu.memref_slice %arg4[%mul3A_2, %dma_wait3A_260, %dma_wait3A_261] : memref<4096x50x128xf32, #tpu.memory_space<hbm>> -> memref<1x50x128xf32, #tpu.memory_space<hbm>>
    %dma_wait3A_263 = tpu.memref_squeeze %dma_wait3A_262 : memref<1x50x128xf32, #tpu.memory_space<hbm>> -> memref<50x128xf32, #tpu.memory_space<hbm>>
    %dma_wait3A_264 = arith.constant 0 : i32
    %dma_wait3A_265 = arith.constant 0 : i32
    %dma_wait3A_266 = tpu.memref_slice %arg4[%mul3A_2, %dma_wait3A_264, %dma_wait3A_265] : memref<4096x50x128xf32, #tpu.memory_space<hbm>> -> memref<1x50x128xf32, #tpu.memory_space<hbm>>
    %dma_wait3A_267 = tpu.memref_squeeze %dma_wait3A_266 : memref<1x50x128xf32, #tpu.memory_space<hbm>> -> memref<50x128xf32, #tpu.memory_space<hbm>>
    tpu.wait_dma2 semaphore(%arg13 : memref<!tpu.dma_semaphore, #tpu.memory_space<semaphore_mem>>) src(%dma_wait3A_267 : memref<50x128xf32, #tpu.memory_space<hbm>>) dst(%arg9 : memref<50x128xf32, #tpu.memory_space<vmem>>)
    %dma_wait3A_268 = arith.constant 0 : i32
    %dma_wait3A_269 = arith.constant 0 : i32
    %dma_wait3A_270 = tpu.memref_slice %arg4[%mul3A_2, %dma_wait3A_268, %dma_wait3A_269] : memref<4096x50x128xf32, #tpu.memory_space<hbm>> -> memref<1x50x128xf32, #tpu.memory_space<hbm>>
    %dma_wait3A_271 = tpu.memref_squeeze %dma_wait3A_270 : memref<1x50x128xf32, #tpu.memory_space<hbm>> -> memref<50x128xf32, #tpu.memory_space<hbm>>
    %dma_wait3A_272 = arith.constant 0 : i32
    %dma_wait3A_273 = arith.constant 0 : i32
    %dma_wait3A_274 = tpu.memref_slice %arg4[%mul3A_2, %dma_wait3A_272, %dma_wait3A_273] : memref<4096x50x128xf32, #tpu.memory_space<hbm>> -> memref<1x50x128xf32, #tpu.memory_space<hbm>>
    %dma_wait3A_275 = tpu.memref_squeeze %dma_wait3A_274 : memref<1x50x128xf32, #tpu.memory_space<hbm>> -> memref<50x128xf32, #tpu.memory_space<hbm>>
    tpu.wait_dma2 semaphore(%arg13 : memref<!tpu.dma_semaphore, #tpu.memory_space<semaphore_mem>>) src(%dma_wait3A_275 : memref<50x128xf32, #tpu.memory_space<hbm>>) dst(%arg9 : memref<50x128xf32, #tpu.memory_space<vmem>>)
    %dma_wait3A_276 = arith.constant 0 : i32
    %dma_wait3A_277 = arith.constant 0 : i32
    %dma_wait3A_278 = tpu.memref_slice %arg4[%mul3A_2, %dma_wait3A_276, %dma_wait3A_277] : memref<4096x50x128xf32, #tpu.memory_space<hbm>> -> memref<1x50x128xf32, #tpu.memory_space<hbm>>
    %dma_wait3A_279 = tpu.memref_squeeze %dma_wait3A_278 : memref<1x50x128xf32, #tpu.memory_space<hbm>> -> memref<50x128xf32, #tpu.memory_space<hbm>>
    %dma_wait3A_280 = arith.constant 0 : i32
    %dma_wait3A_281 = arith.constant 0 : i32
    %dma_wait3A_282 = tpu.memref_slice %arg4[%mul3A_2, %dma_wait3A_280, %dma_wait3A_281] : memref<4096x50x128xf32, #tpu.memory_space<hbm>> -> memref<1x50x128xf32, #tpu.memory_space<hbm>>
    %dma_wait3A_283 = tpu.memref_squeeze %dma_wait3A_282 : memref<1x50x128xf32, #tpu.memory_space<hbm>> -> memref<50x128xf32, #tpu.memory_space<hbm>>
    tpu.wait_dma2 semaphore(%arg13 : memref<!tpu.dma_semaphore, #tpu.memory_space<semaphore_mem>>) src(%dma_wait3A_283 : memref<50x128xf32, #tpu.memory_space<hbm>>) dst(%arg9 : memref<50x128xf32, #tpu.memory_space<vmem>>)
    %dma_wait3A_284 = arith.constant 0 : i32
    %dma_wait3A_285 = arith.constant 0 : i32
    %dma_wait3A_286 = tpu.memref_slice %arg4[%mul3A_2, %dma_wait3A_284, %dma_wait3A_285] : memref<4096x50x128xf32, #tpu.memory_space<hbm>> -> memref<1x50x128xf32, #tpu.memory_space<hbm>>
    %dma_wait3A_287 = tpu.memref_squeeze %dma_wait3A_286 : memref<1x50x128xf32, #tpu.memory_space<hbm>> -> memref<50x128xf32, #tpu.memory_space<hbm>>
    %dma_wait3A_288 = arith.constant 0 : i32
    %dma_wait3A_289 = arith.constant 0 : i32
    %dma_wait3A_290 = tpu.memref_slice %arg4[%mul3A_2, %dma_wait3A_288, %dma_wait3A_289] : memref<4096x50x128xf32, #tpu.memory_space<hbm>> -> memref<1x50x128xf32, #tpu.memory_space<hbm>>
    %dma_wait3A_291 = tpu.memref_squeeze %dma_wait3A_290 : memref<1x50x128xf32, #tpu.memory_space<hbm>> -> memref<50x128xf32, #tpu.memory_space<hbm>>
    tpu.wait_dma2 semaphore(%arg13 : memref<!tpu.dma_semaphore, #tpu.memory_space<semaphore_mem>>) src(%dma_wait3A_291 : memref<50x128xf32, #tpu.memory_space<hbm>>) dst(%arg9 : memref<50x128xf32, #tpu.memory_space<vmem>>)
    %dma_wait3A_292 = arith.constant 0 : i32
    %dma_wait3A_293 = arith.constant 0 : i32
    %dma_wait3A_294 = tpu.memref_slice %arg4[%mul3A_2, %dma_wait3A_292, %dma_wait3A_293] : memref<4096x50x128xf32, #tpu.memory_space<hbm>> -> memref<1x50x128xf32, #tpu.memory_space<hbm>>
    %dma_wait3A_295 = tpu.memref_squeeze %dma_wait3A_294 : memref<1x50x128xf32, #tpu.memory_space<hbm>> -> memref<50x128xf32, #tpu.memory_space<hbm>>
    %dma_wait3A_296 = arith.constant 0 : i32
    %dma_wait3A_297 = arith.constant 0 : i32
    %dma_wait3A_298 = tpu.memref_slice %arg4[%mul3A_2, %dma_wait3A_296, %dma_wait3A_297] : memref<4096x50x128xf32, #tpu.memory_space<hbm>> -> memref<1x50x128xf32, #tpu.memory_space<hbm>>
    %dma_wait3A_299 = tpu.memref_squeeze %dma_wait3A_298 : memref<1x50x128xf32, #tpu.memory_space<hbm>> -> memref<50x128xf32, #tpu.memory_space<hbm>>
    tpu.wait_dma2 semaphore(%arg13 : memref<!tpu.dma_semaphore, #tpu.memory_space<semaphore_mem>>) src(%dma_wait3A_299 : memref<50x128xf32, #tpu.memory_space<hbm>>) dst(%arg9 : memref<50x128xf32, #tpu.memory_space<vmem>>)
    %add3A_300 = arith.constant 2 : i32
    %add3A_301 = arith.addi %mul3A_2, %add3A_300 : i32
    %sub3A = arith.constant 2 : i32
    %sub3A_302 = arith.subi %add3A_301, %sub3A : i32
    %dma_start3A_303 = arith.constant 0 : i32
    %dma_start3A_304 = arith.constant 0 : i32
    %dma_start3A_305 = tpu.memref_slice %arg4[%sub3A_302, %dma_start3A_303, %dma_start3A_304] : memref<4096x50x128xf32, #tpu.memory_space<hbm>> -> memref<1x50x128xf32, #tpu.memory_space<hbm>>
    %dma_start3A_306 = tpu.memref_squeeze %dma_start3A_305 : memref<1x50x128xf32, #tpu.memory_space<hbm>> -> memref<50x128xf32, #tpu.memory_space<hbm>>
    %dma_start3A_307 = arith.constant 0 : i32
    %dma_start3A_308 = arith.constant 0 : i32
    %dma_start3A_309 = tpu.memref_slice %arg4[%sub3A_302, %dma_start3A_307, %dma_start3A_308] : memref<4096x50x128xf32, #tpu.memory_space<hbm>> -> memref<1x50x128xf32, #tpu.memory_space<hbm>>
    %dma_start3A_310 = tpu.memref_squeeze %dma_start3A_309 : memref<1x50x128xf32, #tpu.memory_space<hbm>> -> memref<50x128xf32, #tpu.memory_space<hbm>>
    tpu.enqueue_dma source(%arg9 : memref<50x128xf32, #tpu.memory_space<vmem>>) target(%dma_start3A_310 : memref<50x128xf32, #tpu.memory_space<hbm>>) target_semaphore(%arg21 : memref<!tpu.dma_semaphore, #tpu.memory_space<semaphore_mem>>)
    %add3A_311 = arith.constant 2 : i32
    %add3A_312 = arith.addi %mul3A_2, %add3A_311 : i32
    %add3A_313 = arith.constant 2 : i32
    %add3A_314 = arith.addi %add3A_312, %add3A_313 : i32
    %dma_start3A_315 = arith.constant 0 : i32
    %dma_start3A_316 = arith.constant 0 : i32
    %dma_start3A_317 = tpu.memref_slice %arg2[%add3A_314, %dma_start3A_315, %dma_start3A_316] : memref<4096x10x50xi32, #tpu.memory_space<hbm>> -> memref<1x10x50xi32, #tpu.memory_space<hbm>>
    %dma_start3A_318 = tpu.memref_squeeze %dma_start3A_317 : memref<1x10x50xi32, #tpu.memory_space<hbm>> -> memref<10x50xi32, #tpu.memory_space<hbm>>
    %dma_start3A_319 = arith.constant 0 : i32
    %dma_start3A_320 = arith.constant 0 : i32
    %dma_start3A_321 = tpu.memref_slice %arg2[%add3A_314, %dma_start3A_319, %dma_start3A_320] : memref<4096x10x50xi32, #tpu.memory_space<hbm>> -> memref<1x10x50xi32, #tpu.memory_space<hbm>>
    %dma_start3A_322 = tpu.memref_squeeze %dma_start3A_321 : memref<1x10x50xi32, #tpu.memory_space<hbm>> -> memref<10x50xi32, #tpu.memory_space<hbm>>
    tpu.enqueue_dma source(%dma_start3A_322 : memref<10x50xi32, #tpu.memory_space<hbm>>) target(%arg5 : memref<10x50xi32, #tpu.memory_space<vmem>>) target_semaphore(%arg17 : memref<!tpu.dma_semaphore, #tpu.memory_space<semaphore_mem>>)
    %dma_wait3A_323 = arith.constant 0 : i32
    %dma_wait3A_324 = arith.constant 0 : i32
    %dma_wait3A_325 = tpu.memref_slice %arg2[%mul3A_2, %dma_wait3A_323, %dma_wait3A_324] : memref<4096x10x50xi32, #tpu.memory_space<hbm>> -> memref<1x10x50xi32, #tpu.memory_space<hbm>>
    %dma_wait3A_326 = tpu.memref_squeeze %dma_wait3A_325 : memref<1x10x50xi32, #tpu.memory_space<hbm>> -> memref<10x50xi32, #tpu.memory_space<hbm>>
    %dma_wait3A_327 = arith.constant 0 : i32
    %dma_wait3A_328 = arith.constant 0 : i32
    %dma_wait3A_329 = tpu.memref_slice %arg2[%mul3A_2, %dma_wait3A_327, %dma_wait3A_328] : memref<4096x10x50xi32, #tpu.memory_space<hbm>> -> memref<1x10x50xi32, #tpu.memory_space<hbm>>
    %dma_wait3A_330 = tpu.memref_squeeze %dma_wait3A_329 : memref<1x10x50xi32, #tpu.memory_space<hbm>> -> memref<10x50xi32, #tpu.memory_space<hbm>>
    tpu.wait_dma2 semaphore(%arg20 : memref<!tpu.dma_semaphore, #tpu.memory_space<semaphore_mem>>) src(%dma_wait3A_330 : memref<10x50xi32, #tpu.memory_space<hbm>>) dst(%arg8 : memref<10x50xi32, #tpu.memory_space<vmem>>)
    %dma_start3A_331 = arith.constant 0 : i32
    %dma_start3A_332 = arith.constant 0 : i32
    %dma_start3A_333 = tpu.memref_slice %arg8[%dma_start3A_331, %dma_start3A_332] : memref<10x50xi32, #tpu.memory_space<vmem>> -> memref<1x50xi32, #tpu.memory_space<vmem>>
    %dma_start3A_334 = tpu.memref_squeeze %dma_start3A_333 : memref<1x50xi32, #tpu.memory_space<vmem>> -> memref<50xi32, #tpu.memory_space<vmem>>
    %dma_start3A_335 = arith.constant 0 : i32
    %dma_start3A_336 = arith.constant 0 : i32
    %dma_start3A_337 = tpu.memref_slice %arg3[%dma_start3A_335, %dma_start3A_336] : memref<10000x128xf32, #tpu.memory_space<hbm>> -> memref<10000x128xf32, #tpu.memory_space<hbm>>
    tpu.enqueue_indirect_dma source(%dma_start3A_337 : memref<10000x128xf32, #tpu.memory_space<hbm>>) target(%arg12 : memref<50x128xf32, #tpu.memory_space<vmem>>) offsets(%dma_start3A_334 : memref<50xi32, #tpu.memory_space<vmem>>) semaphore(%arg16 : memref<!tpu.dma_semaphore, #tpu.memory_space<semaphore_mem>>)
    %dma_wait3A_338 = arith.constant 0 : i32
    %dma_wait3A_339 = arith.constant 0 : i32
    %dma_wait3A_340 = tpu.memref_slice %arg4[%mul3A_2, %dma_wait3A_338, %dma_wait3A_339] : memref<4096x50x128xf32, #tpu.memory_space<hbm>> -> memref<1x50x128xf32, #tpu.memory_space<hbm>>
    %dma_wait3A_341 = tpu.memref_squeeze %dma_wait3A_340 : memref<1x50x128xf32, #tpu.memory_space<hbm>> -> memref<50x128xf32, #tpu.memory_space<hbm>>
    %dma_wait3A_342 = arith.constant 0 : i32
    %dma_wait3A_343 = arith.constant 0 : i32
    %dma_wait3A_344 = tpu.memref_slice %arg4[%mul3A_2, %dma_wait3A_342, %dma_wait3A_343] : memref<4096x50x128xf32, #tpu.memory_space<hbm>> -> memref<1x50x128xf32, #tpu.memory_space<hbm>>
    %dma_wait3A_345 = tpu.memref_squeeze %dma_wait3A_344 : memref<1x50x128xf32, #tpu.memory_space<hbm>> -> memref<50x128xf32, #tpu.memory_space<hbm>>
    tpu.wait_dma2 semaphore(%arg15 : memref<!tpu.dma_semaphore, #tpu.memory_space<semaphore_mem>>) src(%dma_wait3A_345 : memref<50x128xf32, #tpu.memory_space<hbm>>) dst(%arg11 : memref<50x128xf32, #tpu.memory_space<vmem>>)
    %dma_start3A_346 = arith.constant 1 : i32
    %dma_start3A_347 = arith.constant 0 : i32
    %dma_start3A_348 = tpu.memref_slice %arg7[%dma_start3A_346, %dma_start3A_347] : memref<10x50xi32, #tpu.memory_space<vmem>> -> memref<1x50xi32, #tpu.memory_space<vmem>>
    %dma_start3A_349 = tpu.memref_squeeze %dma_start3A_348 : memref<1x50xi32, #tpu.memory_space<vmem>> -> memref<50xi32, #tpu.memory_space<vmem>>
    %dma_start3A_350 = arith.constant 0 : i32
    %dma_start3A_351 = arith.constant 0 : i32
    %dma_start3A_352 = tpu.memref_slice %arg3[%dma_start3A_350, %dma_start3A_351] : memref<10000x128xf32, #tpu.memory_space<hbm>> -> memref<10000x128xf32, #tpu.memory_space<hbm>>
    tpu.enqueue_indirect_dma source(%dma_start3A_352 : memref<10000x128xf32, #tpu.memory_space<hbm>>) target(%arg11 : memref<50x128xf32, #tpu.memory_space<vmem>>) offsets(%dma_start3A_349 : memref<50xi32, #tpu.memory_space<vmem>>) semaphore(%arg15 : memref<!tpu.dma_semaphore, #tpu.memory_space<semaphore_mem>>) {add = true}
    %dma_start3A_353 = arith.constant 2 : i32
    %dma_start3A_354 = arith.constant 0 : i32
    %dma_start3A_355 = tpu.memref_slice %arg7[%dma_start3A_353, %dma_start3A_354] : memref<10x50xi32, #tpu.memory_space<vmem>> -> memref<1x50xi32, #tpu.memory_space<vmem>>
    %dma_start3A_356 = tpu.memref_squeeze %dma_start3A_355 : memref<1x50xi32, #tpu.memory_space<vmem>> -> memref<50xi32, #tpu.memory_space<vmem>>
    %dma_start3A_357 = arith.constant 0 : i32
    %dma_start3A_358 = arith.constant 0 : i32
    %dma_start3A_359 = tpu.memref_slice %arg3[%dma_start3A_357, %dma_start3A_358] : memref<10000x128xf32, #tpu.memory_space<hbm>> -> memref<10000x128xf32, #tpu.memory_space<hbm>>
    tpu.enqueue_indirect_dma source(%dma_start3A_359 : memref<10000x128xf32, #tpu.memory_space<hbm>>) target(%arg11 : memref<50x128xf32, #tpu.memory_space<vmem>>) offsets(%dma_start3A_356 : memref<50xi32, #tpu.memory_space<vmem>>) semaphore(%arg15 : memref<!tpu.dma_semaphore, #tpu.memory_space<semaphore_mem>>) {add = true}
    %dma_start3A_360 = arith.constant 3 : i32
    %dma_start3A_361 = arith.constant 0 : i32
    %dma_start3A_362 = tpu.memref_slice %arg7[%dma_start3A_360, %dma_start3A_361] : memref<10x50xi32, #tpu.memory_space<vmem>> -> memref<1x50xi32, #tpu.memory_space<vmem>>
    %dma_start3A_363 = tpu.memref_squeeze %dma_start3A_362 : memref<1x50xi32, #tpu.memory_space<vmem>> -> memref<50xi32, #tpu.memory_space<vmem>>
    %dma_start3A_364 = arith.constant 0 : i32
    %dma_start3A_365 = arith.constant 0 : i32
    %dma_start3A_366 = tpu.memref_slice %arg3[%dma_start3A_364, %dma_start3A_365] : memref<10000x128xf32, #tpu.memory_space<hbm>> -> memref<10000x128xf32, #tpu.memory_space<hbm>>
    tpu.enqueue_indirect_dma source(%dma_start3A_366 : memref<10000x128xf32, #tpu.memory_space<hbm>>) target(%arg11 : memref<50x128xf32, #tpu.memory_space<vmem>>) offsets(%dma_start3A_363 : memref<50xi32, #tpu.memory_space<vmem>>) semaphore(%arg15 : memref<!tpu.dma_semaphore, #tpu.memory_space<semaphore_mem>>) {add = true}
    %dma_start3A_367 = arith.constant 4 : i32
    %dma_start3A_368 = arith.constant 0 : i32
    %dma_start3A_369 = tpu.memref_slice %arg7[%dma_start3A_367, %dma_start3A_368] : memref<10x50xi32, #tpu.memory_space<vmem>> -> memref<1x50xi32, #tpu.memory_space<vmem>>
    %dma_start3A_370 = tpu.memref_squeeze %dma_start3A_369 : memref<1x50xi32, #tpu.memory_space<vmem>> -> memref<50xi32, #tpu.memory_space<vmem>>
    %dma_start3A_371 = arith.constant 0 : i32
    %dma_start3A_372 = arith.constant 0 : i32
    %dma_start3A_373 = tpu.memref_slice %arg3[%dma_start3A_371, %dma_start3A_372] : memref<10000x128xf32, #tpu.memory_space<hbm>> -> memref<10000x128xf32, #tpu.memory_space<hbm>>
    tpu.enqueue_indirect_dma source(%dma_start3A_373 : memref<10000x128xf32, #tpu.memory_space<hbm>>) target(%arg11 : memref<50x128xf32, #tpu.memory_space<vmem>>) offsets(%dma_start3A_370 : memref<50xi32, #tpu.memory_space<vmem>>) semaphore(%arg15 : memref<!tpu.dma_semaphore, #tpu.memory_space<semaphore_mem>>) {add = true}
    %dma_start3A_374 = arith.constant 5 : i32
    %dma_start3A_375 = arith.constant 0 : i32
    %dma_start3A_376 = tpu.memref_slice %arg7[%dma_start3A_374, %dma_start3A_375] : memref<10x50xi32, #tpu.memory_space<vmem>> -> memref<1x50xi32, #tpu.memory_space<vmem>>
    %dma_start3A_377 = tpu.memref_squeeze %dma_start3A_376 : memref<1x50xi32, #tpu.memory_space<vmem>> -> memref<50xi32, #tpu.memory_space<vmem>>
    %dma_start3A_378 = arith.constant 0 : i32
    %dma_start3A_379 = arith.constant 0 : i32
    %dma_start3A_380 = tpu.memref_slice %arg3[%dma_start3A_378, %dma_start3A_379] : memref<10000x128xf32, #tpu.memory_space<hbm>> -> memref<10000x128xf32, #tpu.memory_space<hbm>>
    tpu.enqueue_indirect_dma source(%dma_start3A_380 : memref<10000x128xf32, #tpu.memory_space<hbm>>) target(%arg11 : memref<50x128xf32, #tpu.memory_space<vmem>>) offsets(%dma_start3A_377 : memref<50xi32, #tpu.memory_space<vmem>>) semaphore(%arg15 : memref<!tpu.dma_semaphore, #tpu.memory_space<semaphore_mem>>) {add = true}
    %dma_start3A_381 = arith.constant 6 : i32
    %dma_start3A_382 = arith.constant 0 : i32
    %dma_start3A_383 = tpu.memref_slice %arg7[%dma_start3A_381, %dma_start3A_382] : memref<10x50xi32, #tpu.memory_space<vmem>> -> memref<1x50xi32, #tpu.memory_space<vmem>>
    %dma_start3A_384 = tpu.memref_squeeze %dma_start3A_383 : memref<1x50xi32, #tpu.memory_space<vmem>> -> memref<50xi32, #tpu.memory_space<vmem>>
    %dma_start3A_385 = arith.constant 0 : i32
    %dma_start3A_386 = arith.constant 0 : i32
    %dma_start3A_387 = tpu.memref_slice %arg3[%dma_start3A_385, %dma_start3A_386] : memref<10000x128xf32, #tpu.memory_space<hbm>> -> memref<10000x128xf32, #tpu.memory_space<hbm>>
    tpu.enqueue_indirect_dma source(%dma_start3A_387 : memref<10000x128xf32, #tpu.memory_space<hbm>>) target(%arg11 : memref<50x128xf32, #tpu.memory_space<vmem>>) offsets(%dma_start3A_384 : memref<50xi32, #tpu.memory_space<vmem>>) semaphore(%arg15 : memref<!tpu.dma_semaphore, #tpu.memory_space<semaphore_mem>>) {add = true}
    %dma_start3A_388 = arith.constant 7 : i32
    %dma_start3A_389 = arith.constant 0 : i32
    %dma_start3A_390 = tpu.memref_slice %arg7[%dma_start3A_388, %dma_start3A_389] : memref<10x50xi32, #tpu.memory_space<vmem>> -> memref<1x50xi32, #tpu.memory_space<vmem>>
    %dma_start3A_391 = tpu.memref_squeeze %dma_start3A_390 : memref<1x50xi32, #tpu.memory_space<vmem>> -> memref<50xi32, #tpu.memory_space<vmem>>
    %dma_start3A_392 = arith.constant 0 : i32
    %dma_start3A_393 = arith.constant 0 : i32
    %dma_start3A_394 = tpu.memref_slice %arg3[%dma_start3A_392, %dma_start3A_393] : memref<10000x128xf32, #tpu.memory_space<hbm>> -> memref<10000x128xf32, #tpu.memory_space<hbm>>
    tpu.enqueue_indirect_dma source(%dma_start3A_394 : memref<10000x128xf32, #tpu.memory_space<hbm>>) target(%arg11 : memref<50x128xf32, #tpu.memory_space<vmem>>) offsets(%dma_start3A_391 : memref<50xi32, #tpu.memory_space<vmem>>) semaphore(%arg15 : memref<!tpu.dma_semaphore, #tpu.memory_space<semaphore_mem>>) {add = true}
    %dma_start3A_395 = arith.constant 8 : i32
    %dma_start3A_396 = arith.constant 0 : i32
    %dma_start3A_397 = tpu.memref_slice %arg7[%dma_start3A_395, %dma_start3A_396] : memref<10x50xi32, #tpu.memory_space<vmem>> -> memref<1x50xi32, #tpu.memory_space<vmem>>
    %dma_start3A_398 = tpu.memref_squeeze %dma_start3A_397 : memref<1x50xi32, #tpu.memory_space<vmem>> -> memref<50xi32, #tpu.memory_space<vmem>>
    %dma_start3A_399 = arith.constant 0 : i32
    %dma_start3A_400 = arith.constant 0 : i32
    %dma_start3A_401 = tpu.memref_slice %arg3[%dma_start3A_399, %dma_start3A_400] : memref<10000x128xf32, #tpu.memory_space<hbm>> -> memref<10000x128xf32, #tpu.memory_space<hbm>>
    tpu.enqueue_indirect_dma source(%dma_start3A_401 : memref<10000x128xf32, #tpu.memory_space<hbm>>) target(%arg11 : memref<50x128xf32, #tpu.memory_space<vmem>>) offsets(%dma_start3A_398 : memref<50xi32, #tpu.memory_space<vmem>>) semaphore(%arg15 : memref<!tpu.dma_semaphore, #tpu.memory_space<semaphore_mem>>) {add = true}
    %dma_start3A_402 = arith.constant 9 : i32
    %dma_start3A_403 = arith.constant 0 : i32
    %dma_start3A_404 = tpu.memref_slice %arg7[%dma_start3A_402, %dma_start3A_403] : memref<10x50xi32, #tpu.memory_space<vmem>> -> memref<1x50xi32, #tpu.memory_space<vmem>>
    %dma_start3A_405 = tpu.memref_squeeze %dma_start3A_404 : memref<1x50xi32, #tpu.memory_space<vmem>> -> memref<50xi32, #tpu.memory_space<vmem>>
    %dma_start3A_406 = arith.constant 0 : i32
    %dma_start3A_407 = arith.constant 0 : i32
    %dma_start3A_408 = tpu.memref_slice %arg3[%dma_start3A_406, %dma_start3A_407] : memref<10000x128xf32, #tpu.memory_space<hbm>> -> memref<10000x128xf32, #tpu.memory_space<hbm>>
    tpu.enqueue_indirect_dma source(%dma_start3A_408 : memref<10000x128xf32, #tpu.memory_space<hbm>>) target(%arg11 : memref<50x128xf32, #tpu.memory_space<vmem>>) offsets(%dma_start3A_405 : memref<50xi32, #tpu.memory_space<vmem>>) semaphore(%arg15 : memref<!tpu.dma_semaphore, #tpu.memory_space<semaphore_mem>>) {add = true}
    %dma_wait3A_409 = arith.constant 0 : i32
    %dma_wait3A_410 = arith.constant 0 : i32
    %dma_wait3A_411 = tpu.memref_slice %arg4[%mul3A_2, %dma_wait3A_409, %dma_wait3A_410] : memref<4096x50x128xf32, #tpu.memory_space<hbm>> -> memref<1x50x128xf32, #tpu.memory_space<hbm>>
    %dma_wait3A_412 = tpu.memref_squeeze %dma_wait3A_411 : memref<1x50x128xf32, #tpu.memory_space<hbm>> -> memref<50x128xf32, #tpu.memory_space<hbm>>
    %dma_wait3A_413 = arith.constant 0 : i32
    %dma_wait3A_414 = arith.constant 0 : i32
    %dma_wait3A_415 = tpu.memref_slice %arg4[%mul3A_2, %dma_wait3A_413, %dma_wait3A_414] : memref<4096x50x128xf32, #tpu.memory_space<hbm>> -> memref<1x50x128xf32, #tpu.memory_space<hbm>>
    %dma_wait3A_416 = tpu.memref_squeeze %dma_wait3A_415 : memref<1x50x128xf32, #tpu.memory_space<hbm>> -> memref<50x128xf32, #tpu.memory_space<hbm>>
    tpu.wait_dma2 semaphore(%arg14 : memref<!tpu.dma_semaphore, #tpu.memory_space<semaphore_mem>>) src(%dma_wait3A_416 : memref<50x128xf32, #tpu.memory_space<hbm>>) dst(%arg10 : memref<50x128xf32, #tpu.memory_space<vmem>>)
    %dma_wait3A_417 = arith.constant 0 : i32
    %dma_wait3A_418 = arith.constant 0 : i32
    %dma_wait3A_419 = tpu.memref_slice %arg4[%mul3A_2, %dma_wait3A_417, %dma_wait3A_418] : memref<4096x50x128xf32, #tpu.memory_space<hbm>> -> memref<1x50x128xf32, #tpu.memory_space<hbm>>
    %dma_wait3A_420 = tpu.memref_squeeze %dma_wait3A_419 : memref<1x50x128xf32, #tpu.memory_space<hbm>> -> memref<50x128xf32, #tpu.memory_space<hbm>>
    %dma_wait3A_421 = arith.constant 0 : i32
    %dma_wait3A_422 = arith.constant 0 : i32
    %dma_wait3A_423 = tpu.memref_slice %arg4[%mul3A_2, %dma_wait3A_421, %dma_wait3A_422] : memref<4096x50x128xf32, #tpu.memory_space<hbm>> -> memref<1x50x128xf32, #tpu.memory_space<hbm>>
    %dma_wait3A_424 = tpu.memref_squeeze %dma_wait3A_423 : memref<1x50x128xf32, #tpu.memory_space<hbm>> -> memref<50x128xf32, #tpu.memory_space<hbm>>
    tpu.wait_dma2 semaphore(%arg14 : memref<!tpu.dma_semaphore, #tpu.memory_space<semaphore_mem>>) src(%dma_wait3A_424 : memref<50x128xf32, #tpu.memory_space<hbm>>) dst(%arg10 : memref<50x128xf32, #tpu.memory_space<vmem>>)
    %dma_wait3A_425 = arith.constant 0 : i32
    %dma_wait3A_426 = arith.constant 0 : i32
    %dma_wait3A_427 = tpu.memref_slice %arg4[%mul3A_2, %dma_wait3A_425, %dma_wait3A_426] : memref<4096x50x128xf32, #tpu.memory_space<hbm>> -> memref<1x50x128xf32, #tpu.memory_space<hbm>>
    %dma_wait3A_428 = tpu.memref_squeeze %dma_wait3A_427 : memref<1x50x128xf32, #tpu.memory_space<hbm>> -> memref<50x128xf32, #tpu.memory_space<hbm>>
    %dma_wait3A_429 = arith.constant 0 : i32
    %dma_wait3A_430 = arith.constant 0 : i32
    %dma_wait3A_431 = tpu.memref_slice %arg4[%mul3A_2, %dma_wait3A_429, %dma_wait3A_430] : memref<4096x50x128xf32, #tpu.memory_space<hbm>> -> memref<1x50x128xf32, #tpu.memory_space<hbm>>
    %dma_wait3A_432 = tpu.memref_squeeze %dma_wait3A_431 : memref<1x50x128xf32, #tpu.memory_space<hbm>> -> memref<50x128xf32, #tpu.memory_space<hbm>>
    tpu.wait_dma2 semaphore(%arg14 : memref<!tpu.dma_semaphore, #tpu.memory_space<semaphore_mem>>) src(%dma_wait3A_432 : memref<50x128xf32, #tpu.memory_space<hbm>>) dst(%arg10 : memref<50x128xf32, #tpu.memory_space<vmem>>)
    %dma_wait3A_433 = arith.constant 0 : i32
    %dma_wait3A_434 = arith.constant 0 : i32
    %dma_wait3A_435 = tpu.memref_slice %arg4[%mul3A_2, %dma_wait3A_433, %dma_wait3A_434] : memref<4096x50x128xf32, #tpu.memory_space<hbm>> -> memref<1x50x128xf32, #tpu.memory_space<hbm>>
    %dma_wait3A_436 = tpu.memref_squeeze %dma_wait3A_435 : memref<1x50x128xf32, #tpu.memory_space<hbm>> -> memref<50x128xf32, #tpu.memory_space<hbm>>
    %dma_wait3A_437 = arith.constant 0 : i32
    %dma_wait3A_438 = arith.constant 0 : i32
    %dma_wait3A_439 = tpu.memref_slice %arg4[%mul3A_2, %dma_wait3A_437, %dma_wait3A_438] : memref<4096x50x128xf32, #tpu.memory_space<hbm>> -> memref<1x50x128xf32, #tpu.memory_space<hbm>>
    %dma_wait3A_440 = tpu.memref_squeeze %dma_wait3A_439 : memref<1x50x128xf32, #tpu.memory_space<hbm>> -> memref<50x128xf32, #tpu.memory_space<hbm>>
    tpu.wait_dma2 semaphore(%arg14 : memref<!tpu.dma_semaphore, #tpu.memory_space<semaphore_mem>>) src(%dma_wait3A_440 : memref<50x128xf32, #tpu.memory_space<hbm>>) dst(%arg10 : memref<50x128xf32, #tpu.memory_space<vmem>>)
    %dma_wait3A_441 = arith.constant 0 : i32
    %dma_wait3A_442 = arith.constant 0 : i32
    %dma_wait3A_443 = tpu.memref_slice %arg4[%mul3A_2, %dma_wait3A_441, %dma_wait3A_442] : memref<4096x50x128xf32, #tpu.memory_space<hbm>> -> memref<1x50x128xf32, #tpu.memory_space<hbm>>
    %dma_wait3A_444 = tpu.memref_squeeze %dma_wait3A_443 : memref<1x50x128xf32, #tpu.memory_space<hbm>> -> memref<50x128xf32, #tpu.memory_space<hbm>>
    %dma_wait3A_445 = arith.constant 0 : i32
    %dma_wait3A_446 = arith.constant 0 : i32
    %dma_wait3A_447 = tpu.memref_slice %arg4[%mul3A_2, %dma_wait3A_445, %dma_wait3A_446] : memref<4096x50x128xf32, #tpu.memory_space<hbm>> -> memref<1x50x128xf32, #tpu.memory_space<hbm>>
    %dma_wait3A_448 = tpu.memref_squeeze %dma_wait3A_447 : memref<1x50x128xf32, #tpu.memory_space<hbm>> -> memref<50x128xf32, #tpu.memory_space<hbm>>
    tpu.wait_dma2 semaphore(%arg14 : memref<!tpu.dma_semaphore, #tpu.memory_space<semaphore_mem>>) src(%dma_wait3A_448 : memref<50x128xf32, #tpu.memory_space<hbm>>) dst(%arg10 : memref<50x128xf32, #tpu.memory_space<vmem>>)
    %dma_wait3A_449 = arith.constant 0 : i32
    %dma_wait3A_450 = arith.constant 0 : i32
    %dma_wait3A_451 = tpu.memref_slice %arg4[%mul3A_2, %dma_wait3A_449, %dma_wait3A_450] : memref<4096x50x128xf32, #tpu.memory_space<hbm>> -> memref<1x50x128xf32, #tpu.memory_space<hbm>>
    %dma_wait3A_452 = tpu.memref_squeeze %dma_wait3A_451 : memref<1x50x128xf32, #tpu.memory_space<hbm>> -> memref<50x128xf32, #tpu.memory_space<hbm>>
    %dma_wait3A_453 = arith.constant 0 : i32
    %dma_wait3A_454 = arith.constant 0 : i32
    %dma_wait3A_455 = tpu.memref_slice %arg4[%mul3A_2, %dma_wait3A_453, %dma_wait3A_454] : memref<4096x50x128xf32, #tpu.memory_space<hbm>> -> memref<1x50x128xf32, #tpu.memory_space<hbm>>
    %dma_wait3A_456 = tpu.memref_squeeze %dma_wait3A_455 : memref<1x50x128xf32, #tpu.memory_space<hbm>> -> memref<50x128xf32, #tpu.memory_space<hbm>>
    tpu.wait_dma2 semaphore(%arg14 : memref<!tpu.dma_semaphore, #tpu.memory_space<semaphore_mem>>) src(%dma_wait3A_456 : memref<50x128xf32, #tpu.memory_space<hbm>>) dst(%arg10 : memref<50x128xf32, #tpu.memory_space<vmem>>)
    %dma_wait3A_457 = arith.constant 0 : i32
    %dma_wait3A_458 = arith.constant 0 : i32
    %dma_wait3A_459 = tpu.memref_slice %arg4[%mul3A_2, %dma_wait3A_457, %dma_wait3A_458] : memref<4096x50x128xf32, #tpu.memory_space<hbm>> -> memref<1x50x128xf32, #tpu.memory_space<hbm>>
    %dma_wait3A_460 = tpu.memref_squeeze %dma_wait3A_459 : memref<1x50x128xf32, #tpu.memory_space<hbm>> -> memref<50x128xf32, #tpu.memory_space<hbm>>
    %dma_wait3A_461 = arith.constant 0 : i32
    %dma_wait3A_462 = arith.constant 0 : i32
    %dma_wait3A_463 = tpu.memref_slice %arg4[%mul3A_2, %dma_wait3A_461, %dma_wait3A_462] : memref<4096x50x128xf32, #tpu.memory_space<hbm>> -> memref<1x50x128xf32, #tpu.memory_space<hbm>>
    %dma_wait3A_464 = tpu.memref_squeeze %dma_wait3A_463 : memref<1x50x128xf32, #tpu.memory_space<hbm>> -> memref<50x128xf32, #tpu.memory_space<hbm>>
    tpu.wait_dma2 semaphore(%arg14 : memref<!tpu.dma_semaphore, #tpu.memory_space<semaphore_mem>>) src(%dma_wait3A_464 : memref<50x128xf32, #tpu.memory_space<hbm>>) dst(%arg10 : memref<50x128xf32, #tpu.memory_space<vmem>>)
    %dma_wait3A_465 = arith.constant 0 : i32
    %dma_wait3A_466 = arith.constant 0 : i32
    %dma_wait3A_467 = tpu.memref_slice %arg4[%mul3A_2, %dma_wait3A_465, %dma_wait3A_466] : memref<4096x50x128xf32, #tpu.memory_space<hbm>> -> memref<1x50x128xf32, #tpu.memory_space<hbm>>
    %dma_wait3A_468 = tpu.memref_squeeze %dma_wait3A_467 : memref<1x50x128xf32, #tpu.memory_space<hbm>> -> memref<50x128xf32, #tpu.memory_space<hbm>>
    %dma_wait3A_469 = arith.constant 0 : i32
    %dma_wait3A_470 = arith.constant 0 : i32
    %dma_wait3A_471 = tpu.memref_slice %arg4[%mul3A_2, %dma_wait3A_469, %dma_wait3A_470] : memref<4096x50x128xf32, #tpu.memory_space<hbm>> -> memref<1x50x128xf32, #tpu.memory_space<hbm>>
    %dma_wait3A_472 = tpu.memref_squeeze %dma_wait3A_471 : memref<1x50x128xf32, #tpu.memory_space<hbm>> -> memref<50x128xf32, #tpu.memory_space<hbm>>
    tpu.wait_dma2 semaphore(%arg14 : memref<!tpu.dma_semaphore, #tpu.memory_space<semaphore_mem>>) src(%dma_wait3A_472 : memref<50x128xf32, #tpu.memory_space<hbm>>) dst(%arg10 : memref<50x128xf32, #tpu.memory_space<vmem>>)
    %dma_wait3A_473 = arith.constant 0 : i32
    %dma_wait3A_474 = arith.constant 0 : i32
    %dma_wait3A_475 = tpu.memref_slice %arg4[%mul3A_2, %dma_wait3A_473, %dma_wait3A_474] : memref<4096x50x128xf32, #tpu.memory_space<hbm>> -> memref<1x50x128xf32, #tpu.memory_space<hbm>>
    %dma_wait3A_476 = tpu.memref_squeeze %dma_wait3A_475 : memref<1x50x128xf32, #tpu.memory_space<hbm>> -> memref<50x128xf32, #tpu.memory_space<hbm>>
    %dma_wait3A_477 = arith.constant 0 : i32
    %dma_wait3A_478 = arith.constant 0 : i32
    %dma_wait3A_479 = tpu.memref_slice %arg4[%mul3A_2, %dma_wait3A_477, %dma_wait3A_478] : memref<4096x50x128xf32, #tpu.memory_space<hbm>> -> memref<1x50x128xf32, #tpu.memory_space<hbm>>
    %dma_wait3A_480 = tpu.memref_squeeze %dma_wait3A_479 : memref<1x50x128xf32, #tpu.memory_space<hbm>> -> memref<50x128xf32, #tpu.memory_space<hbm>>
    tpu.wait_dma2 semaphore(%arg14 : memref<!tpu.dma_semaphore, #tpu.memory_space<semaphore_mem>>) src(%dma_wait3A_480 : memref<50x128xf32, #tpu.memory_space<hbm>>) dst(%arg10 : memref<50x128xf32, #tpu.memory_space<vmem>>)
    %add3A_481 = arith.constant 3 : i32
    %add3A_482 = arith.addi %mul3A_2, %add3A_481 : i32
    %sub3A_483 = arith.constant 2 : i32
    %sub3A_484 = arith.subi %add3A_482, %sub3A_483 : i32
    %dma_start3A_485 = arith.constant 0 : i32
    %dma_start3A_486 = arith.constant 0 : i32
    %dma_start3A_487 = tpu.memref_slice %arg4[%sub3A_484, %dma_start3A_485, %dma_start3A_486] : memref<4096x50x128xf32, #tpu.memory_space<hbm>> -> memref<1x50x128xf32, #tpu.memory_space<hbm>>
    %dma_start3A_488 = tpu.memref_squeeze %dma_start3A_487 : memref<1x50x128xf32, #tpu.memory_space<hbm>> -> memref<50x128xf32, #tpu.memory_space<hbm>>
    %dma_start3A_489 = arith.constant 0 : i32
    %dma_start3A_490 = arith.constant 0 : i32
    %dma_start3A_491 = tpu.memref_slice %arg4[%sub3A_484, %dma_start3A_489, %dma_start3A_490] : memref<4096x50x128xf32, #tpu.memory_space<hbm>> -> memref<1x50x128xf32, #tpu.memory_space<hbm>>
    %dma_start3A_492 = tpu.memref_squeeze %dma_start3A_491 : memref<1x50x128xf32, #tpu.memory_space<hbm>> -> memref<50x128xf32, #tpu.memory_space<hbm>>
    tpu.enqueue_dma source(%arg10 : memref<50x128xf32, #tpu.memory_space<vmem>>) target(%dma_start3A_492 : memref<50x128xf32, #tpu.memory_space<hbm>>) target_semaphore(%arg22 : memref<!tpu.dma_semaphore, #tpu.memory_space<semaphore_mem>>)
    %add3A_493 = arith.constant 3 : i32
    %add3A_494 = arith.addi %mul3A_2, %add3A_493 : i32
    %add3A_495 = arith.constant 2 : i32
    %add3A_496 = arith.addi %add3A_494, %add3A_495 : i32
    %dma_start3A_497 = arith.constant 0 : i32
    %dma_start3A_498 = arith.constant 0 : i32
    %dma_start3A_499 = tpu.memref_slice %arg2[%add3A_496, %dma_start3A_497, %dma_start3A_498] : memref<4096x10x50xi32, #tpu.memory_space<hbm>> -> memref<1x10x50xi32, #tpu.memory_space<hbm>>
    %dma_start3A_500 = tpu.memref_squeeze %dma_start3A_499 : memref<1x10x50xi32, #tpu.memory_space<hbm>> -> memref<10x50xi32, #tpu.memory_space<hbm>>
    %dma_start3A_501 = arith.constant 0 : i32
    %dma_start3A_502 = arith.constant 0 : i32
    %dma_start3A_503 = tpu.memref_slice %arg2[%add3A_496, %dma_start3A_501, %dma_start3A_502] : memref<4096x10x50xi32, #tpu.memory_space<hbm>> -> memref<1x10x50xi32, #tpu.memory_space<hbm>>
    %dma_start3A_504 = tpu.memref_squeeze %dma_start3A_503 : memref<1x10x50xi32, #tpu.memory_space<hbm>> -> memref<10x50xi32, #tpu.memory_space<hbm>>
    tpu.enqueue_dma source(%dma_start3A_504 : memref<10x50xi32, #tpu.memory_space<hbm>>) target(%arg6 : memref<10x50xi32, #tpu.memory_space<vmem>>) target_semaphore(%arg18 : memref<!tpu.dma_semaphore, #tpu.memory_space<semaphore_mem>>)
    %scan3A = arith.constant 0 : i32
    %scan3A_505 = arith.constant 0 : i32
    %scan3A_506 = arith.constant 30 : i32
    %scan3A_507 = arith.addi %scan3A_505, %scan3A_506 : i32
    %scan3A_508 = arith.constant 1 : i32
    scf.for %scan3A_1513 = %scan3A_505 to %scan3A_507 step %scan3A_508  : i32 {
      %add3A_1514 = arith.constant 4 : i32
      %add3A_1515 = arith.addi %mul3A_2, %add3A_1514 : i32
      %mul3A_1516 = arith.constant 4 : i32
      %mul3A_1517 = arith.muli %mul3A_1516, %scan3A_1513 : i32
      %add3A_1518 = arith.addi %add3A_1515, %mul3A_1517 : i32
      %add3A_1519 = arith.constant 0 : i32
      %add3A_1520 = arith.addi %add3A_1518, %add3A_1519 : i32
      %dma_wait3A_1521 = arith.constant 0 : i32
      %dma_wait3A_1522 = arith.constant 0 : i32
      %dma_wait3A_1523 = tpu.memref_slice %arg2[%mul3A_2, %dma_wait3A_1521, %dma_wait3A_1522] : memref<4096x10x50xi32, #tpu.memory_space<hbm>> -> memref<1x10x50xi32, #tpu.memory_space<hbm>>
      %dma_wait3A_1524 = tpu.memref_squeeze %dma_wait3A_1523 : memref<1x10x50xi32, #tpu.memory_space<hbm>> -> memref<10x50xi32, #tpu.memory_space<hbm>>
      %dma_wait3A_1525 = arith.constant 0 : i32
      %dma_wait3A_1526 = arith.constant 0 : i32
      %dma_wait3A_1527 = tpu.memref_slice %arg2[%mul3A_2, %dma_wait3A_1525, %dma_wait3A_1526] : memref<4096x10x50xi32, #tpu.memory_space<hbm>> -> memref<1x10x50xi32, #tpu.memory_space<hbm>>
      %dma_wait3A_1528 = tpu.memref_squeeze %dma_wait3A_1527 : memref<1x10x50xi32, #tpu.memory_space<hbm>> -> memref<10x50xi32, #tpu.memory_space<hbm>>
      tpu.wait_dma2 semaphore(%arg17 : memref<!tpu.dma_semaphore, #tpu.memory_space<semaphore_mem>>) src(%dma_wait3A_1528 : memref<10x50xi32, #tpu.memory_space<hbm>>) dst(%arg5 : memref<10x50xi32, #tpu.memory_space<vmem>>)
      %dma_wait3A_1529 = arith.constant 0 : i32
      %dma_wait3A_1530 = arith.constant 0 : i32
      %dma_wait3A_1531 = tpu.memref_slice %arg4[%mul3A_2, %dma_wait3A_1529, %dma_wait3A_1530] : memref<4096x50x128xf32, #tpu.memory_space<hbm>> -> memref<1x50x128xf32, #tpu.memory_space<hbm>>
      %dma_wait3A_1532 = tpu.memref_squeeze %dma_wait3A_1531 : memref<1x50x128xf32, #tpu.memory_space<hbm>> -> memref<50x128xf32, #tpu.memory_space<hbm>>
      %dma_wait3A_1533 = arith.constant 0 : i32
      %dma_wait3A_1534 = arith.constant 0 : i32
      %dma_wait3A_1535 = tpu.memref_slice %arg4[%mul3A_2, %dma_wait3A_1533, %dma_wait3A_1534] : memref<4096x50x128xf32, #tpu.memory_space<hbm>> -> memref<1x50x128xf32, #tpu.memory_space<hbm>>
      %dma_wait3A_1536 = tpu.memref_squeeze %dma_wait3A_1535 : memref<1x50x128xf32, #tpu.memory_space<hbm>> -> memref<50x128xf32, #tpu.memory_space<hbm>>
      tpu.wait_dma2 semaphore(%arg21 : memref<!tpu.dma_semaphore, #tpu.memory_space<semaphore_mem>>) src(%dma_wait3A_1536 : memref<50x128xf32, #tpu.memory_space<hbm>>) dst(%arg9 : memref<50x128xf32, #tpu.memory_space<vmem>>)
      %dma_start3A_1537 = arith.constant 0 : i32
      %dma_start3A_1538 = arith.constant 0 : i32
      %dma_start3A_1539 = tpu.memref_slice %arg5[%dma_start3A_1537, %dma_start3A_1538] : memref<10x50xi32, #tpu.memory_space<vmem>> -> memref<1x50xi32, #tpu.memory_space<vmem>>
      %dma_start3A_1540 = tpu.memref_squeeze %dma_start3A_1539 : memref<1x50xi32, #tpu.memory_space<vmem>> -> memref<50xi32, #tpu.memory_space<vmem>>
      %dma_start3A_1541 = arith.constant 0 : i32
      %dma_start3A_1542 = arith.constant 0 : i32
      %dma_start3A_1543 = tpu.memref_slice %arg3[%dma_start3A_1541, %dma_start3A_1542] : memref<10000x128xf32, #tpu.memory_space<hbm>> -> memref<10000x128xf32, #tpu.memory_space<hbm>>
      tpu.enqueue_indirect_dma source(%dma_start3A_1543 : memref<10000x128xf32, #tpu.memory_space<hbm>>) target(%arg9 : memref<50x128xf32, #tpu.memory_space<vmem>>) offsets(%dma_start3A_1540 : memref<50xi32, #tpu.memory_space<vmem>>) semaphore(%arg13 : memref<!tpu.dma_semaphore, #tpu.memory_space<semaphore_mem>>)
      %dma_wait3A_1544 = arith.constant 0 : i32
      %dma_wait3A_1545 = arith.constant 0 : i32
      %dma_wait3A_1546 = tpu.memref_slice %arg4[%mul3A_2, %dma_wait3A_1544, %dma_wait3A_1545] : memref<4096x50x128xf32, #tpu.memory_space<hbm>> -> memref<1x50x128xf32, #tpu.memory_space<hbm>>
      %dma_wait3A_1547 = tpu.memref_squeeze %dma_wait3A_1546 : memref<1x50x128xf32, #tpu.memory_space<hbm>> -> memref<50x128xf32, #tpu.memory_space<hbm>>
      %dma_wait3A_1548 = arith.constant 0 : i32
      %dma_wait3A_1549 = arith.constant 0 : i32
      %dma_wait3A_1550 = tpu.memref_slice %arg4[%mul3A_2, %dma_wait3A_1548, %dma_wait3A_1549] : memref<4096x50x128xf32, #tpu.memory_space<hbm>> -> memref<1x50x128xf32, #tpu.memory_space<hbm>>
      %dma_wait3A_1551 = tpu.memref_squeeze %dma_wait3A_1550 : memref<1x50x128xf32, #tpu.memory_space<hbm>> -> memref<50x128xf32, #tpu.memory_space<hbm>>
      tpu.wait_dma2 semaphore(%arg16 : memref<!tpu.dma_semaphore, #tpu.memory_space<semaphore_mem>>) src(%dma_wait3A_1551 : memref<50x128xf32, #tpu.memory_space<hbm>>) dst(%arg12 : memref<50x128xf32, #tpu.memory_space<vmem>>)
      %dma_start3A_1552 = arith.constant 1 : i32
      %dma_start3A_1553 = arith.constant 0 : i32
      %dma_start3A_1554 = tpu.memref_slice %arg8[%dma_start3A_1552, %dma_start3A_1553] : memref<10x50xi32, #tpu.memory_space<vmem>> -> memref<1x50xi32, #tpu.memory_space<vmem>>
      %dma_start3A_1555 = tpu.memref_squeeze %dma_start3A_1554 : memref<1x50xi32, #tpu.memory_space<vmem>> -> memref<50xi32, #tpu.memory_space<vmem>>
      %dma_start3A_1556 = arith.constant 0 : i32
      %dma_start3A_1557 = arith.constant 0 : i32
      %dma_start3A_1558 = tpu.memref_slice %arg3[%dma_start3A_1556, %dma_start3A_1557] : memref<10000x128xf32, #tpu.memory_space<hbm>> -> memref<10000x128xf32, #tpu.memory_space<hbm>>
      tpu.enqueue_indirect_dma source(%dma_start3A_1558 : memref<10000x128xf32, #tpu.memory_space<hbm>>) target(%arg12 : memref<50x128xf32, #tpu.memory_space<vmem>>) offsets(%dma_start3A_1555 : memref<50xi32, #tpu.memory_space<vmem>>) semaphore(%arg16 : memref<!tpu.dma_semaphore, #tpu.memory_space<semaphore_mem>>) {add = true}
      %dma_start3A_1559 = arith.constant 2 : i32
      %dma_start3A_1560 = arith.constant 0 : i32
      %dma_start3A_1561 = tpu.memref_slice %arg8[%dma_start3A_1559, %dma_start3A_1560] : memref<10x50xi32, #tpu.memory_space<vmem>> -> memref<1x50xi32, #tpu.memory_space<vmem>>
      %dma_start3A_1562 = tpu.memref_squeeze %dma_start3A_1561 : memref<1x50xi32, #tpu.memory_space<vmem>> -> memref<50xi32, #tpu.memory_space<vmem>>
      %dma_start3A_1563 = arith.constant 0 : i32
      %dma_start3A_1564 = arith.constant 0 : i32
      %dma_start3A_1565 = tpu.memref_slice %arg3[%dma_start3A_1563, %dma_start3A_1564] : memref<10000x128xf32, #tpu.memory_space<hbm>> -> memref<10000x128xf32, #tpu.memory_space<hbm>>
      tpu.enqueue_indirect_dma source(%dma_start3A_1565 : memref<10000x128xf32, #tpu.memory_space<hbm>>) target(%arg12 : memref<50x128xf32, #tpu.memory_space<vmem>>) offsets(%dma_start3A_1562 : memref<50xi32, #tpu.memory_space<vmem>>) semaphore(%arg16 : memref<!tpu.dma_semaphore, #tpu.memory_space<semaphore_mem>>) {add = true}
      %dma_start3A_1566 = arith.constant 3 : i32
      %dma_start3A_1567 = arith.constant 0 : i32
      %dma_start3A_1568 = tpu.memref_slice %arg8[%dma_start3A_1566, %dma_start3A_1567] : memref<10x50xi32, #tpu.memory_space<vmem>> -> memref<1x50xi32, #tpu.memory_space<vmem>>
      %dma_start3A_1569 = tpu.memref_squeeze %dma_start3A_1568 : memref<1x50xi32, #tpu.memory_space<vmem>> -> memref<50xi32, #tpu.memory_space<vmem>>
      %dma_start3A_1570 = arith.constant 0 : i32
      %dma_start3A_1571 = arith.constant 0 : i32
      %dma_start3A_1572 = tpu.memref_slice %arg3[%dma_start3A_1570, %dma_start3A_1571] : memref<10000x128xf32, #tpu.memory_space<hbm>> -> memref<10000x128xf32, #tpu.memory_space<hbm>>
      tpu.enqueue_indirect_dma source(%dma_start3A_1572 : memref<10000x128xf32, #tpu.memory_space<hbm>>) target(%arg12 : memref<50x128xf32, #tpu.memory_space<vmem>>) offsets(%dma_start3A_1569 : memref<50xi32, #tpu.memory_space<vmem>>) semaphore(%arg16 : memref<!tpu.dma_semaphore, #tpu.memory_space<semaphore_mem>>) {add = true}
      %dma_start3A_1573 = arith.constant 4 : i32
      %dma_start3A_1574 = arith.constant 0 : i32
      %dma_start3A_1575 = tpu.memref_slice %arg8[%dma_start3A_1573, %dma_start3A_1574] : memref<10x50xi32, #tpu.memory_space<vmem>> -> memref<1x50xi32, #tpu.memory_space<vmem>>
      %dma_start3A_1576 = tpu.memref_squeeze %dma_start3A_1575 : memref<1x50xi32, #tpu.memory_space<vmem>> -> memref<50xi32, #tpu.memory_space<vmem>>
      %dma_start3A_1577 = arith.constant 0 : i32
      %dma_start3A_1578 = arith.constant 0 : i32
      %dma_start3A_1579 = tpu.memref_slice %arg3[%dma_start3A_1577, %dma_start3A_1578] : memref<10000x128xf32, #tpu.memory_space<hbm>> -> memref<10000x128xf32, #tpu.memory_space<hbm>>
      tpu.enqueue_indirect_dma source(%dma_start3A_1579 : memref<10000x128xf32, #tpu.memory_space<hbm>>) target(%arg12 : memref<50x128xf32, #tpu.memory_space<vmem>>) offsets(%dma_start3A_1576 : memref<50xi32, #tpu.memory_space<vmem>>) semaphore(%arg16 : memref<!tpu.dma_semaphore, #tpu.memory_space<semaphore_mem>>) {add = true}
      %dma_start3A_1580 = arith.constant 5 : i32
      %dma_start3A_1581 = arith.constant 0 : i32
      %dma_start3A_1582 = tpu.memref_slice %arg8[%dma_start3A_1580, %dma_start3A_1581] : memref<10x50xi32, #tpu.memory_space<vmem>> -> memref<1x50xi32, #tpu.memory_space<vmem>>
      %dma_start3A_1583 = tpu.memref_squeeze %dma_start3A_1582 : memref<1x50xi32, #tpu.memory_space<vmem>> -> memref<50xi32, #tpu.memory_space<vmem>>
      %dma_start3A_1584 = arith.constant 0 : i32
      %dma_start3A_1585 = arith.constant 0 : i32
      %dma_start3A_1586 = tpu.memref_slice %arg3[%dma_start3A_1584, %dma_start3A_1585] : memref<10000x128xf32, #tpu.memory_space<hbm>> -> memref<10000x128xf32, #tpu.memory_space<hbm>>
      tpu.enqueue_indirect_dma source(%dma_start3A_1586 : memref<10000x128xf32, #tpu.memory_space<hbm>>) target(%arg12 : memref<50x128xf32, #tpu.memory_space<vmem>>) offsets(%dma_start3A_1583 : memref<50xi32, #tpu.memory_space<vmem>>) semaphore(%arg16 : memref<!tpu.dma_semaphore, #tpu.memory_space<semaphore_mem>>) {add = true}
      %dma_start3A_1587 = arith.constant 6 : i32
      %dma_start3A_1588 = arith.constant 0 : i32
      %dma_start3A_1589 = tpu.memref_slice %arg8[%dma_start3A_1587, %dma_start3A_1588] : memref<10x50xi32, #tpu.memory_space<vmem>> -> memref<1x50xi32, #tpu.memory_space<vmem>>
      %dma_start3A_1590 = tpu.memref_squeeze %dma_start3A_1589 : memref<1x50xi32, #tpu.memory_space<vmem>> -> memref<50xi32, #tpu.memory_space<vmem>>
      %dma_start3A_1591 = arith.constant 0 : i32
      %dma_start3A_1592 = arith.constant 0 : i32
      %dma_start3A_1593 = tpu.memref_slice %arg3[%dma_start3A_1591, %dma_start3A_1592] : memref<10000x128xf32, #tpu.memory_space<hbm>> -> memref<10000x128xf32, #tpu.memory_space<hbm>>
      tpu.enqueue_indirect_dma source(%dma_start3A_1593 : memref<10000x128xf32, #tpu.memory_space<hbm>>) target(%arg12 : memref<50x128xf32, #tpu.memory_space<vmem>>) offsets(%dma_start3A_1590 : memref<50xi32, #tpu.memory_space<vmem>>) semaphore(%arg16 : memref<!tpu.dma_semaphore, #tpu.memory_space<semaphore_mem>>) {add = true}
      %dma_start3A_1594 = arith.constant 7 : i32
      %dma_start3A_1595 = arith.constant 0 : i32
      %dma_start3A_1596 = tpu.memref_slice %arg8[%dma_start3A_1594, %dma_start3A_1595] : memref<10x50xi32, #tpu.memory_space<vmem>> -> memref<1x50xi32, #tpu.memory_space<vmem>>
      %dma_start3A_1597 = tpu.memref_squeeze %dma_start3A_1596 : memref<1x50xi32, #tpu.memory_space<vmem>> -> memref<50xi32, #tpu.memory_space<vmem>>
      %dma_start3A_1598 = arith.constant 0 : i32
      %dma_start3A_1599 = arith.constant 0 : i32
      %dma_start3A_1600 = tpu.memref_slice %arg3[%dma_start3A_1598, %dma_start3A_1599] : memref<10000x128xf32, #tpu.memory_space<hbm>> -> memref<10000x128xf32, #tpu.memory_space<hbm>>
      tpu.enqueue_indirect_dma source(%dma_start3A_1600 : memref<10000x128xf32, #tpu.memory_space<hbm>>) target(%arg12 : memref<50x128xf32, #tpu.memory_space<vmem>>) offsets(%dma_start3A_1597 : memref<50xi32, #tpu.memory_space<vmem>>) semaphore(%arg16 : memref<!tpu.dma_semaphore, #tpu.memory_space<semaphore_mem>>) {add = true}
      %dma_start3A_1601 = arith.constant 8 : i32
      %dma_start3A_1602 = arith.constant 0 : i32
      %dma_start3A_1603 = tpu.memref_slice %arg8[%dma_start3A_1601, %dma_start3A_1602] : memref<10x50xi32, #tpu.memory_space<vmem>> -> memref<1x50xi32, #tpu.memory_space<vmem>>
      %dma_start3A_1604 = tpu.memref_squeeze %dma_start3A_1603 : memref<1x50xi32, #tpu.memory_space<vmem>> -> memref<50xi32, #tpu.memory_space<vmem>>
      %dma_start3A_1605 = arith.constant 0 : i32
      %dma_start3A_1606 = arith.constant 0 : i32
      %dma_start3A_1607 = tpu.memref_slice %arg3[%dma_start3A_1605, %dma_start3A_1606] : memref<10000x128xf32, #tpu.memory_space<hbm>> -> memref<10000x128xf32, #tpu.memory_space<hbm>>
      tpu.enqueue_indirect_dma source(%dma_start3A_1607 : memref<10000x128xf32, #tpu.memory_space<hbm>>) target(%arg12 : memref<50x128xf32, #tpu.memory_space<vmem>>) offsets(%dma_start3A_1604 : memref<50xi32, #tpu.memory_space<vmem>>) semaphore(%arg16 : memref<!tpu.dma_semaphore, #tpu.memory_space<semaphore_mem>>) {add = true}
      %dma_start3A_1608 = arith.constant 9 : i32
      %dma_start3A_1609 = arith.constant 0 : i32
      %dma_start3A_1610 = tpu.memref_slice %arg8[%dma_start3A_1608, %dma_start3A_1609] : memref<10x50xi32, #tpu.memory_space<vmem>> -> memref<1x50xi32, #tpu.memory_space<vmem>>
      %dma_start3A_1611 = tpu.memref_squeeze %dma_start3A_1610 : memref<1x50xi32, #tpu.memory_space<vmem>> -> memref<50xi32, #tpu.memory_space<vmem>>
      %dma_start3A_1612 = arith.constant 0 : i32
      %dma_start3A_1613 = arith.constant 0 : i32
      %dma_start3A_1614 = tpu.memref_slice %arg3[%dma_start3A_1612, %dma_start3A_1613] : memref<10000x128xf32, #tpu.memory_space<hbm>> -> memref<10000x128xf32, #tpu.memory_space<hbm>>
      tpu.enqueue_indirect_dma source(%dma_start3A_1614 : memref<10000x128xf32, #tpu.memory_space<hbm>>) target(%arg12 : memref<50x128xf32, #tpu.memory_space<vmem>>) offsets(%dma_start3A_1611 : memref<50xi32, #tpu.memory_space<vmem>>) semaphore(%arg16 : memref<!tpu.dma_semaphore, #tpu.memory_space<semaphore_mem>>) {add = true}
      %dma_wait3A_1615 = arith.constant 0 : i32
      %dma_wait3A_1616 = arith.constant 0 : i32
      %dma_wait3A_1617 = tpu.memref_slice %arg4[%mul3A_2, %dma_wait3A_1615, %dma_wait3A_1616] : memref<4096x50x128xf32, #tpu.memory_space<hbm>> -> memref<1x50x128xf32, #tpu.memory_space<hbm>>
      %dma_wait3A_1618 = tpu.memref_squeeze %dma_wait3A_1617 : memref<1x50x128xf32, #tpu.memory_space<hbm>> -> memref<50x128xf32, #tpu.memory_space<hbm>>
      %dma_wait3A_1619 = arith.constant 0 : i32
      %dma_wait3A_1620 = arith.constant 0 : i32
      %dma_wait3A_1621 = tpu.memref_slice %arg4[%mul3A_2, %dma_wait3A_1619, %dma_wait3A_1620] : memref<4096x50x128xf32, #tpu.memory_space<hbm>> -> memref<1x50x128xf32, #tpu.memory_space<hbm>>
      %dma_wait3A_1622 = tpu.memref_squeeze %dma_wait3A_1621 : memref<1x50x128xf32, #tpu.memory_space<hbm>> -> memref<50x128xf32, #tpu.memory_space<hbm>>
      tpu.wait_dma2 semaphore(%arg15 : memref<!tpu.dma_semaphore, #tpu.memory_space<semaphore_mem>>) src(%dma_wait3A_1622 : memref<50x128xf32, #tpu.memory_space<hbm>>) dst(%arg11 : memref<50x128xf32, #tpu.memory_space<vmem>>)
      %dma_wait3A_1623 = arith.constant 0 : i32
      %dma_wait3A_1624 = arith.constant 0 : i32
      %dma_wait3A_1625 = tpu.memref_slice %arg4[%mul3A_2, %dma_wait3A_1623, %dma_wait3A_1624] : memref<4096x50x128xf32, #tpu.memory_space<hbm>> -> memref<1x50x128xf32, #tpu.memory_space<hbm>>
      %dma_wait3A_1626 = tpu.memref_squeeze %dma_wait3A_1625 : memref<1x50x128xf32, #tpu.memory_space<hbm>> -> memref<50x128xf32, #tpu.memory_space<hbm>>
      %dma_wait3A_1627 = arith.constant 0 : i32
      %dma_wait3A_1628 = arith.constant 0 : i32
      %dma_wait3A_1629 = tpu.memref_slice %arg4[%mul3A_2, %dma_wait3A_1627, %dma_wait3A_1628] : memref<4096x50x128xf32, #tpu.memory_space<hbm>> -> memref<1x50x128xf32, #tpu.memory_space<hbm>>
      %dma_wait3A_1630 = tpu.memref_squeeze %dma_wait3A_1629 : memref<1x50x128xf32, #tpu.memory_space<hbm>> -> memref<50x128xf32, #tpu.memory_space<hbm>>
      tpu.wait_dma2 semaphore(%arg15 : memref<!tpu.dma_semaphore, #tpu.memory_space<semaphore_mem>>) src(%dma_wait3A_1630 : memref<50x128xf32, #tpu.memory_space<hbm>>) dst(%arg11 : memref<50x128xf32, #tpu.memory_space<vmem>>)
      %dma_wait3A_1631 = arith.constant 0 : i32
      %dma_wait3A_1632 = arith.constant 0 : i32
      %dma_wait3A_1633 = tpu.memref_slice %arg4[%mul3A_2, %dma_wait3A_1631, %dma_wait3A_1632] : memref<4096x50x128xf32, #tpu.memory_space<hbm>> -> memref<1x50x128xf32, #tpu.memory_space<hbm>>
      %dma_wait3A_1634 = tpu.memref_squeeze %dma_wait3A_1633 : memref<1x50x128xf32, #tpu.memory_space<hbm>> -> memref<50x128xf32, #tpu.memory_space<hbm>>
      %dma_wait3A_1635 = arith.constant 0 : i32
      %dma_wait3A_1636 = arith.constant 0 : i32
      %dma_wait3A_1637 = tpu.memref_slice %arg4[%mul3A_2, %dma_wait3A_1635, %dma_wait3A_1636] : memref<4096x50x128xf32, #tpu.memory_space<hbm>> -> memref<1x50x128xf32, #tpu.memory_space<hbm>>
      %dma_wait3A_1638 = tpu.memref_squeeze %dma_wait3A_1637 : memref<1x50x128xf32, #tpu.memory_space<hbm>> -> memref<50x128xf32, #tpu.memory_space<hbm>>
      tpu.wait_dma2 semaphore(%arg15 : memref<!tpu.dma_semaphore, #tpu.memory_space<semaphore_mem>>) src(%dma_wait3A_1638 : memref<50x128xf32, #tpu.memory_space<hbm>>) dst(%arg11 : memref<50x128xf32, #tpu.memory_space<vmem>>)
      %dma_wait3A_1639 = arith.constant 0 : i32
      %dma_wait3A_1640 = arith.constant 0 : i32
      %dma_wait3A_1641 = tpu.memref_slice %arg4[%mul3A_2, %dma_wait3A_1639, %dma_wait3A_1640] : memref<4096x50x128xf32, #tpu.memory_space<hbm>> -> memref<1x50x128xf32, #tpu.memory_space<hbm>>
      %dma_wait3A_1642 = tpu.memref_squeeze %dma_wait3A_1641 : memref<1x50x128xf32, #tpu.memory_space<hbm>> -> memref<50x128xf32, #tpu.memory_space<hbm>>
      %dma_wait3A_1643 = arith.constant 0 : i32
      %dma_wait3A_1644 = arith.constant 0 : i32
      %dma_wait3A_1645 = tpu.memref_slice %arg4[%mul3A_2, %dma_wait3A_1643, %dma_wait3A_1644] : memref<4096x50x128xf32, #tpu.memory_space<hbm>> -> memref<1x50x128xf32, #tpu.memory_space<hbm>>
      %dma_wait3A_1646 = tpu.memref_squeeze %dma_wait3A_1645 : memref<1x50x128xf32, #tpu.memory_space<hbm>> -> memref<50x128xf32, #tpu.memory_space<hbm>>
      tpu.wait_dma2 semaphore(%arg15 : memref<!tpu.dma_semaphore, #tpu.memory_space<semaphore_mem>>) src(%dma_wait3A_1646 : memref<50x128xf32, #tpu.memory_space<hbm>>) dst(%arg11 : memref<50x128xf32, #tpu.memory_space<vmem>>)
      %dma_wait3A_1647 = arith.constant 0 : i32
      %dma_wait3A_1648 = arith.constant 0 : i32
      %dma_wait3A_1649 = tpu.memref_slice %arg4[%mul3A_2, %dma_wait3A_1647, %dma_wait3A_1648] : memref<4096x50x128xf32, #tpu.memory_space<hbm>> -> memref<1x50x128xf32, #tpu.memory_space<hbm>>
      %dma_wait3A_1650 = tpu.memref_squeeze %dma_wait3A_1649 : memref<1x50x128xf32, #tpu.memory_space<hbm>> -> memref<50x128xf32, #tpu.memory_space<hbm>>
      %dma_wait3A_1651 = arith.constant 0 : i32
      %dma_wait3A_1652 = arith.constant 0 : i32
      %dma_wait3A_1653 = tpu.memref_slice %arg4[%mul3A_2, %dma_wait3A_1651, %dma_wait3A_1652] : memref<4096x50x128xf32, #tpu.memory_space<hbm>> -> memref<1x50x128xf32, #tpu.memory_space<hbm>>
      %dma_wait3A_1654 = tpu.memref_squeeze %dma_wait3A_1653 : memref<1x50x128xf32, #tpu.memory_space<hbm>> -> memref<50x128xf32, #tpu.memory_space<hbm>>
      tpu.wait_dma2 semaphore(%arg15 : memref<!tpu.dma_semaphore, #tpu.memory_space<semaphore_mem>>) src(%dma_wait3A_1654 : memref<50x128xf32, #tpu.memory_space<hbm>>) dst(%arg11 : memref<50x128xf32, #tpu.memory_space<vmem>>)
      %dma_wait3A_1655 = arith.constant 0 : i32
      %dma_wait3A_1656 = arith.constant 0 : i32
      %dma_wait3A_1657 = tpu.memref_slice %arg4[%mul3A_2, %dma_wait3A_1655, %dma_wait3A_1656] : memref<4096x50x128xf32, #tpu.memory_space<hbm>> -> memref<1x50x128xf32, #tpu.memory_space<hbm>>
      %dma_wait3A_1658 = tpu.memref_squeeze %dma_wait3A_1657 : memref<1x50x128xf32, #tpu.memory_space<hbm>> -> memref<50x128xf32, #tpu.memory_space<hbm>>
      %dma_wait3A_1659 = arith.constant 0 : i32
      %dma_wait3A_1660 = arith.constant 0 : i32
      %dma_wait3A_1661 = tpu.memref_slice %arg4[%mul3A_2, %dma_wait3A_1659, %dma_wait3A_1660] : memref<4096x50x128xf32, #tpu.memory_space<hbm>> -> memref<1x50x128xf32, #tpu.memory_space<hbm>>
      %dma_wait3A_1662 = tpu.memref_squeeze %dma_wait3A_1661 : memref<1x50x128xf32, #tpu.memory_space<hbm>> -> memref<50x128xf32, #tpu.memory_space<hbm>>
      tpu.wait_dma2 semaphore(%arg15 : memref<!tpu.dma_semaphore, #tpu.memory_space<semaphore_mem>>) src(%dma_wait3A_1662 : memref<50x128xf32, #tpu.memory_space<hbm>>) dst(%arg11 : memref<50x128xf32, #tpu.memory_space<vmem>>)
      %dma_wait3A_1663 = arith.constant 0 : i32
      %dma_wait3A_1664 = arith.constant 0 : i32
      %dma_wait3A_1665 = tpu.memref_slice %arg4[%mul3A_2, %dma_wait3A_1663, %dma_wait3A_1664] : memref<4096x50x128xf32, #tpu.memory_space<hbm>> -> memref<1x50x128xf32, #tpu.memory_space<hbm>>
      %dma_wait3A_1666 = tpu.memref_squeeze %dma_wait3A_1665 : memref<1x50x128xf32, #tpu.memory_space<hbm>> -> memref<50x128xf32, #tpu.memory_space<hbm>>
      %dma_wait3A_1667 = arith.constant 0 : i32
      %dma_wait3A_1668 = arith.constant 0 : i32
      %dma_wait3A_1669 = tpu.memref_slice %arg4[%mul3A_2, %dma_wait3A_1667, %dma_wait3A_1668] : memref<4096x50x128xf32, #tpu.memory_space<hbm>> -> memref<1x50x128xf32, #tpu.memory_space<hbm>>
      %dma_wait3A_1670 = tpu.memref_squeeze %dma_wait3A_1669 : memref<1x50x128xf32, #tpu.memory_space<hbm>> -> memref<50x128xf32, #tpu.memory_space<hbm>>
      tpu.wait_dma2 semaphore(%arg15 : memref<!tpu.dma_semaphore, #tpu.memory_space<semaphore_mem>>) src(%dma_wait3A_1670 : memref<50x128xf32, #tpu.memory_space<hbm>>) dst(%arg11 : memref<50x128xf32, #tpu.memory_space<vmem>>)
      %dma_wait3A_1671 = arith.constant 0 : i32
      %dma_wait3A_1672 = arith.constant 0 : i32
      %dma_wait3A_1673 = tpu.memref_slice %arg4[%mul3A_2, %dma_wait3A_1671, %dma_wait3A_1672] : memref<4096x50x128xf32, #tpu.memory_space<hbm>> -> memref<1x50x128xf32, #tpu.memory_space<hbm>>
      %dma_wait3A_1674 = tpu.memref_squeeze %dma_wait3A_1673 : memref<1x50x128xf32, #tpu.memory_space<hbm>> -> memref<50x128xf32, #tpu.memory_space<hbm>>
      %dma_wait3A_1675 = arith.constant 0 : i32
      %dma_wait3A_1676 = arith.constant 0 : i32
      %dma_wait3A_1677 = tpu.memref_slice %arg4[%mul3A_2, %dma_wait3A_1675, %dma_wait3A_1676] : memref<4096x50x128xf32, #tpu.memory_space<hbm>> -> memref<1x50x128xf32, #tpu.memory_space<hbm>>
      %dma_wait3A_1678 = tpu.memref_squeeze %dma_wait3A_1677 : memref<1x50x128xf32, #tpu.memory_space<hbm>> -> memref<50x128xf32, #tpu.memory_space<hbm>>
      tpu.wait_dma2 semaphore(%arg15 : memref<!tpu.dma_semaphore, #tpu.memory_space<semaphore_mem>>) src(%dma_wait3A_1678 : memref<50x128xf32, #tpu.memory_space<hbm>>) dst(%arg11 : memref<50x128xf32, #tpu.memory_space<vmem>>)
      %dma_wait3A_1679 = arith.constant 0 : i32
      %dma_wait3A_1680 = arith.constant 0 : i32
      %dma_wait3A_1681 = tpu.memref_slice %arg4[%mul3A_2, %dma_wait3A_1679, %dma_wait3A_1680] : memref<4096x50x128xf32, #tpu.memory_space<hbm>> -> memref<1x50x128xf32, #tpu.memory_space<hbm>>
      %dma_wait3A_1682 = tpu.memref_squeeze %dma_wait3A_1681 : memref<1x50x128xf32, #tpu.memory_space<hbm>> -> memref<50x128xf32, #tpu.memory_space<hbm>>
      %dma_wait3A_1683 = arith.constant 0 : i32
      %dma_wait3A_1684 = arith.constant 0 : i32
      %dma_wait3A_1685 = tpu.memref_slice %arg4[%mul3A_2, %dma_wait3A_1683, %dma_wait3A_1684] : memref<4096x50x128xf32, #tpu.memory_space<hbm>> -> memref<1x50x128xf32, #tpu.memory_space<hbm>>
      %dma_wait3A_1686 = tpu.memref_squeeze %dma_wait3A_1685 : memref<1x50x128xf32, #tpu.memory_space<hbm>> -> memref<50x128xf32, #tpu.memory_space<hbm>>
      tpu.wait_dma2 semaphore(%arg15 : memref<!tpu.dma_semaphore, #tpu.memory_space<semaphore_mem>>) src(%dma_wait3A_1686 : memref<50x128xf32, #tpu.memory_space<hbm>>) dst(%arg11 : memref<50x128xf32, #tpu.memory_space<vmem>>)
      %sub3A_1687 = arith.constant 2 : i32
      %sub3A_1688 = arith.subi %add3A_1520, %sub3A_1687 : i32
      %dma_start3A_1689 = arith.constant 0 : i32
      %dma_start3A_1690 = arith.constant 0 : i32
      %dma_start3A_1691 = tpu.memref_slice %arg4[%sub3A_1688, %dma_start3A_1689, %dma_start3A_1690] : memref<4096x50x128xf32, #tpu.memory_space<hbm>> -> memref<1x50x128xf32, #tpu.memory_space<hbm>>
      %dma_start3A_1692 = tpu.memref_squeeze %dma_start3A_1691 : memref<1x50x128xf32, #tpu.memory_space<hbm>> -> memref<50x128xf32, #tpu.memory_space<hbm>>
      %dma_start3A_1693 = arith.constant 0 : i32
      %dma_start3A_1694 = arith.constant 0 : i32
      %dma_start3A_1695 = tpu.memref_slice %arg4[%sub3A_1688, %dma_start3A_1693, %dma_start3A_1694] : memref<4096x50x128xf32, #tpu.memory_space<hbm>> -> memref<1x50x128xf32, #tpu.memory_space<hbm>>
      %dma_start3A_1696 = tpu.memref_squeeze %dma_start3A_1695 : memref<1x50x128xf32, #tpu.memory_space<hbm>> -> memref<50x128xf32, #tpu.memory_space<hbm>>
      tpu.enqueue_dma source(%arg11 : memref<50x128xf32, #tpu.memory_space<vmem>>) target(%dma_start3A_1696 : memref<50x128xf32, #tpu.memory_space<hbm>>) target_semaphore(%arg23 : memref<!tpu.dma_semaphore, #tpu.memory_space<semaphore_mem>>)
      %add3A_1697 = arith.constant 2 : i32
      %add3A_1698 = arith.addi %add3A_1520, %add3A_1697 : i32
      %dma_start3A_1699 = arith.constant 0 : i32
      %dma_start3A_1700 = arith.constant 0 : i32
      %dma_start3A_1701 = tpu.memref_slice %arg2[%add3A_1698, %dma_start3A_1699, %dma_start3A_1700] : memref<4096x10x50xi32, #tpu.memory_space<hbm>> -> memref<1x10x50xi32, #tpu.memory_space<hbm>>
      %dma_start3A_1702 = tpu.memref_squeeze %dma_start3A_1701 : memref<1x10x50xi32, #tpu.memory_space<hbm>> -> memref<10x50xi32, #tpu.memory_space<hbm>>
      %dma_start3A_1703 = arith.constant 0 : i32
      %dma_start3A_1704 = arith.constant 0 : i32
      %dma_start3A_1705 = tpu.memref_slice %arg2[%add3A_1698, %dma_start3A_1703, %dma_start3A_1704] : memref<4096x10x50xi32, #tpu.memory_space<hbm>> -> memref<1x10x50xi32, #tpu.memory_space<hbm>>
      %dma_start3A_1706 = tpu.memref_squeeze %dma_start3A_1705 : memref<1x10x50xi32, #tpu.memory_space<hbm>> -> memref<10x50xi32, #tpu.memory_space<hbm>>
      tpu.enqueue_dma source(%dma_start3A_1706 : memref<10x50xi32, #tpu.memory_space<hbm>>) target(%arg7 : memref<10x50xi32, #tpu.memory_space<vmem>>) target_semaphore(%arg19 : memref<!tpu.dma_semaphore, #tpu.memory_space<semaphore_mem>>)
      %add3A_1707 = arith.constant 1 : i32
      %add3A_1708 = arith.addi %add3A_1518, %add3A_1707 : i32
      %dma_wait3A_1709 = arith.constant 0 : i32
      %dma_wait3A_1710 = arith.constant 0 : i32
      %dma_wait3A_1711 = tpu.memref_slice %arg2[%mul3A_2, %dma_wait3A_1709, %dma_wait3A_1710] : memref<4096x10x50xi32, #tpu.memory_space<hbm>> -> memref<1x10x50xi32, #tpu.memory_space<hbm>>
      %dma_wait3A_1712 = tpu.memref_squeeze %dma_wait3A_1711 : memref<1x10x50xi32, #tpu.memory_space<hbm>> -> memref<10x50xi32, #tpu.memory_space<hbm>>
      %dma_wait3A_1713 = arith.constant 0 : i32
      %dma_wait3A_1714 = arith.constant 0 : i32
      %dma_wait3A_1715 = tpu.memref_slice %arg2[%mul3A_2, %dma_wait3A_1713, %dma_wait3A_1714] : memref<4096x10x50xi32, #tpu.memory_space<hbm>> -> memref<1x10x50xi32, #tpu.memory_space<hbm>>
      %dma_wait3A_1716 = tpu.memref_squeeze %dma_wait3A_1715 : memref<1x10x50xi32, #tpu.memory_space<hbm>> -> memref<10x50xi32, #tpu.memory_space<hbm>>
      tpu.wait_dma2 semaphore(%arg18 : memref<!tpu.dma_semaphore, #tpu.memory_space<semaphore_mem>>) src(%dma_wait3A_1716 : memref<10x50xi32, #tpu.memory_space<hbm>>) dst(%arg6 : memref<10x50xi32, #tpu.memory_space<vmem>>)
      %dma_wait3A_1717 = arith.constant 0 : i32
      %dma_wait3A_1718 = arith.constant 0 : i32
      %dma_wait3A_1719 = tpu.memref_slice %arg4[%mul3A_2, %dma_wait3A_1717, %dma_wait3A_1718] : memref<4096x50x128xf32, #tpu.memory_space<hbm>> -> memref<1x50x128xf32, #tpu.memory_space<hbm>>
      %dma_wait3A_1720 = tpu.memref_squeeze %dma_wait3A_1719 : memref<1x50x128xf32, #tpu.memory_space<hbm>> -> memref<50x128xf32, #tpu.memory_space<hbm>>
      %dma_wait3A_1721 = arith.constant 0 : i32
      %dma_wait3A_1722 = arith.constant 0 : i32
      %dma_wait3A_1723 = tpu.memref_slice %arg4[%mul3A_2, %dma_wait3A_1721, %dma_wait3A_1722] : memref<4096x50x128xf32, #tpu.memory_space<hbm>> -> memref<1x50x128xf32, #tpu.memory_space<hbm>>
      %dma_wait3A_1724 = tpu.memref_squeeze %dma_wait3A_1723 : memref<1x50x128xf32, #tpu.memory_space<hbm>> -> memref<50x128xf32, #tpu.memory_space<hbm>>
      tpu.wait_dma2 semaphore(%arg22 : memref<!tpu.dma_semaphore, #tpu.memory_space<semaphore_mem>>) src(%dma_wait3A_1724 : memref<50x128xf32, #tpu.memory_space<hbm>>) dst(%arg10 : memref<50x128xf32, #tpu.memory_space<vmem>>)
      %dma_start3A_1725 = arith.constant 0 : i32
      %dma_start3A_1726 = arith.constant 0 : i32
      %dma_start3A_1727 = tpu.memref_slice %arg6[%dma_start3A_1725, %dma_start3A_1726] : memref<10x50xi32, #tpu.memory_space<vmem>> -> memref<1x50xi32, #tpu.memory_space<vmem>>
      %dma_start3A_1728 = tpu.memref_squeeze %dma_start3A_1727 : memref<1x50xi32, #tpu.memory_space<vmem>> -> memref<50xi32, #tpu.memory_space<vmem>>
      %dma_start3A_1729 = arith.constant 0 : i32
      %dma_start3A_1730 = arith.constant 0 : i32
      %dma_start3A_1731 = tpu.memref_slice %arg3[%dma_start3A_1729, %dma_start3A_1730] : memref<10000x128xf32, #tpu.memory_space<hbm>> -> memref<10000x128xf32, #tpu.memory_space<hbm>>
      tpu.enqueue_indirect_dma source(%dma_start3A_1731 : memref<10000x128xf32, #tpu.memory_space<hbm>>) target(%arg10 : memref<50x128xf32, #tpu.memory_space<vmem>>) offsets(%dma_start3A_1728 : memref<50xi32, #tpu.memory_space<vmem>>) semaphore(%arg14 : memref<!tpu.dma_semaphore, #tpu.memory_space<semaphore_mem>>)
      %dma_wait3A_1732 = arith.constant 0 : i32
      %dma_wait3A_1733 = arith.constant 0 : i32
      %dma_wait3A_1734 = tpu.memref_slice %arg4[%mul3A_2, %dma_wait3A_1732, %dma_wait3A_1733] : memref<4096x50x128xf32, #tpu.memory_space<hbm>> -> memref<1x50x128xf32, #tpu.memory_space<hbm>>
      %dma_wait3A_1735 = tpu.memref_squeeze %dma_wait3A_1734 : memref<1x50x128xf32, #tpu.memory_space<hbm>> -> memref<50x128xf32, #tpu.memory_space<hbm>>
      %dma_wait3A_1736 = arith.constant 0 : i32
      %dma_wait3A_1737 = arith.constant 0 : i32
      %dma_wait3A_1738 = tpu.memref_slice %arg4[%mul3A_2, %dma_wait3A_1736, %dma_wait3A_1737] : memref<4096x50x128xf32, #tpu.memory_space<hbm>> -> memref<1x50x128xf32, #tpu.memory_space<hbm>>
      %dma_wait3A_1739 = tpu.memref_squeeze %dma_wait3A_1738 : memref<1x50x128xf32, #tpu.memory_space<hbm>> -> memref<50x128xf32, #tpu.memory_space<hbm>>
      tpu.wait_dma2 semaphore(%arg13 : memref<!tpu.dma_semaphore, #tpu.memory_space<semaphore_mem>>) src(%dma_wait3A_1739 : memref<50x128xf32, #tpu.memory_space<hbm>>) dst(%arg9 : memref<50x128xf32, #tpu.memory_space<vmem>>)
      %dma_start3A_1740 = arith.constant 1 : i32
      %dma_start3A_1741 = arith.constant 0 : i32
      %dma_start3A_1742 = tpu.memref_slice %arg5[%dma_start3A_1740, %dma_start3A_1741] : memref<10x50xi32, #tpu.memory_space<vmem>> -> memref<1x50xi32, #tpu.memory_space<vmem>>
      %dma_start3A_1743 = tpu.memref_squeeze %dma_start3A_1742 : memref<1x50xi32, #tpu.memory_space<vmem>> -> memref<50xi32, #tpu.memory_space<vmem>>
      %dma_start3A_1744 = arith.constant 0 : i32
      %dma_start3A_1745 = arith.constant 0 : i32
      %dma_start3A_1746 = tpu.memref_slice %arg3[%dma_start3A_1744, %dma_start3A_1745] : memref<10000x128xf32, #tpu.memory_space<hbm>> -> memref<10000x128xf32, #tpu.memory_space<hbm>>
      tpu.enqueue_indirect_dma source(%dma_start3A_1746 : memref<10000x128xf32, #tpu.memory_space<hbm>>) target(%arg9 : memref<50x128xf32, #tpu.memory_space<vmem>>) offsets(%dma_start3A_1743 : memref<50xi32, #tpu.memory_space<vmem>>) semaphore(%arg13 : memref<!tpu.dma_semaphore, #tpu.memory_space<semaphore_mem>>) {add = true}
      %dma_start3A_1747 = arith.constant 2 : i32
      %dma_start3A_1748 = arith.constant 0 : i32
      %dma_start3A_1749 = tpu.memref_slice %arg5[%dma_start3A_1747, %dma_start3A_1748] : memref<10x50xi32, #tpu.memory_space<vmem>> -> memref<1x50xi32, #tpu.memory_space<vmem>>
      %dma_start3A_1750 = tpu.memref_squeeze %dma_start3A_1749 : memref<1x50xi32, #tpu.memory_space<vmem>> -> memref<50xi32, #tpu.memory_space<vmem>>
      %dma_start3A_1751 = arith.constant 0 : i32
      %dma_start3A_1752 = arith.constant 0 : i32
      %dma_start3A_1753 = tpu.memref_slice %arg3[%dma_start3A_1751, %dma_start3A_1752] : memref<10000x128xf32, #tpu.memory_space<hbm>> -> memref<10000x128xf32, #tpu.memory_space<hbm>>
      tpu.enqueue_indirect_dma source(%dma_start3A_1753 : memref<10000x128xf32, #tpu.memory_space<hbm>>) target(%arg9 : memref<50x128xf32, #tpu.memory_space<vmem>>) offsets(%dma_start3A_1750 : memref<50xi32, #tpu.memory_space<vmem>>) semaphore(%arg13 : memref<!tpu.dma_semaphore, #tpu.memory_space<semaphore_mem>>) {add = true}
      %dma_start3A_1754 = arith.constant 3 : i32
      %dma_start3A_1755 = arith.constant 0 : i32
      %dma_start3A_1756 = tpu.memref_slice %arg5[%dma_start3A_1754, %dma_start3A_1755] : memref<10x50xi32, #tpu.memory_space<vmem>> -> memref<1x50xi32, #tpu.memory_space<vmem>>
      %dma_start3A_1757 = tpu.memref_squeeze %dma_start3A_1756 : memref<1x50xi32, #tpu.memory_space<vmem>> -> memref<50xi32, #tpu.memory_space<vmem>>
      %dma_start3A_1758 = arith.constant 0 : i32
      %dma_start3A_1759 = arith.constant 0 : i32
      %dma_start3A_1760 = tpu.memref_slice %arg3[%dma_start3A_1758, %dma_start3A_1759] : memref<10000x128xf32, #tpu.memory_space<hbm>> -> memref<10000x128xf32, #tpu.memory_space<hbm>>
      tpu.enqueue_indirect_dma source(%dma_start3A_1760 : memref<10000x128xf32, #tpu.memory_space<hbm>>) target(%arg9 : memref<50x128xf32, #tpu.memory_space<vmem>>) offsets(%dma_start3A_1757 : memref<50xi32, #tpu.memory_space<vmem>>) semaphore(%arg13 : memref<!tpu.dma_semaphore, #tpu.memory_space<semaphore_mem>>) {add = true}
      %dma_start3A_1761 = arith.constant 4 : i32
      %dma_start3A_1762 = arith.constant 0 : i32
      %dma_start3A_1763 = tpu.memref_slice %arg5[%dma_start3A_1761, %dma_start3A_1762] : memref<10x50xi32, #tpu.memory_space<vmem>> -> memref<1x50xi32, #tpu.memory_space<vmem>>
      %dma_start3A_1764 = tpu.memref_squeeze %dma_start3A_1763 : memref<1x50xi32, #tpu.memory_space<vmem>> -> memref<50xi32, #tpu.memory_space<vmem>>
      %dma_start3A_1765 = arith.constant 0 : i32
      %dma_start3A_1766 = arith.constant 0 : i32
      %dma_start3A_1767 = tpu.memref_slice %arg3[%dma_start3A_1765, %dma_start3A_1766] : memref<10000x128xf32, #tpu.memory_space<hbm>> -> memref<10000x128xf32, #tpu.memory_space<hbm>>
      tpu.enqueue_indirect_dma source(%dma_start3A_1767 : memref<10000x128xf32, #tpu.memory_space<hbm>>) target(%arg9 : memref<50x128xf32, #tpu.memory_space<vmem>>) offsets(%dma_start3A_1764 : memref<50xi32, #tpu.memory_space<vmem>>) semaphore(%arg13 : memref<!tpu.dma_semaphore, #tpu.memory_space<semaphore_mem>>) {add = true}
      %dma_start3A_1768 = arith.constant 5 : i32
      %dma_start3A_1769 = arith.constant 0 : i32
      %dma_start3A_1770 = tpu.memref_slice %arg5[%dma_start3A_1768, %dma_start3A_1769] : memref<10x50xi32, #tpu.memory_space<vmem>> -> memref<1x50xi32, #tpu.memory_space<vmem>>
      %dma_start3A_1771 = tpu.memref_squeeze %dma_start3A_1770 : memref<1x50xi32, #tpu.memory_space<vmem>> -> memref<50xi32, #tpu.memory_space<vmem>>
      %dma_start3A_1772 = arith.constant 0 : i32
      %dma_start3A_1773 = arith.constant 0 : i32
      %dma_start3A_1774 = tpu.memref_slice %arg3[%dma_start3A_1772, %dma_start3A_1773] : memref<10000x128xf32, #tpu.memory_space<hbm>> -> memref<10000x128xf32, #tpu.memory_space<hbm>>
      tpu.enqueue_indirect_dma source(%dma_start3A_1774 : memref<10000x128xf32, #tpu.memory_space<hbm>>) target(%arg9 : memref<50x128xf32, #tpu.memory_space<vmem>>) offsets(%dma_start3A_1771 : memref<50xi32, #tpu.memory_space<vmem>>) semaphore(%arg13 : memref<!tpu.dma_semaphore, #tpu.memory_space<semaphore_mem>>) {add = true}
      %dma_start3A_1775 = arith.constant 6 : i32
      %dma_start3A_1776 = arith.constant 0 : i32
      %dma_start3A_1777 = tpu.memref_slice %arg5[%dma_start3A_1775, %dma_start3A_1776] : memref<10x50xi32, #tpu.memory_space<vmem>> -> memref<1x50xi32, #tpu.memory_space<vmem>>
      %dma_start3A_1778 = tpu.memref_squeeze %dma_start3A_1777 : memref<1x50xi32, #tpu.memory_space<vmem>> -> memref<50xi32, #tpu.memory_space<vmem>>
      %dma_start3A_1779 = arith.constant 0 : i32
      %dma_start3A_1780 = arith.constant 0 : i32
      %dma_start3A_1781 = tpu.memref_slice %arg3[%dma_start3A_1779, %dma_start3A_1780] : memref<10000x128xf32, #tpu.memory_space<hbm>> -> memref<10000x128xf32, #tpu.memory_space<hbm>>
      tpu.enqueue_indirect_dma source(%dma_start3A_1781 : memref<10000x128xf32, #tpu.memory_space<hbm>>) target(%arg9 : memref<50x128xf32, #tpu.memory_space<vmem>>) offsets(%dma_start3A_1778 : memref<50xi32, #tpu.memory_space<vmem>>) semaphore(%arg13 : memref<!tpu.dma_semaphore, #tpu.memory_space<semaphore_mem>>) {add = true}
      %dma_start3A_1782 = arith.constant 7 : i32
      %dma_start3A_1783 = arith.constant 0 : i32
      %dma_start3A_1784 = tpu.memref_slice %arg5[%dma_start3A_1782, %dma_start3A_1783] : memref<10x50xi32, #tpu.memory_space<vmem>> -> memref<1x50xi32, #tpu.memory_space<vmem>>
      %dma_start3A_1785 = tpu.memref_squeeze %dma_start3A_1784 : memref<1x50xi32, #tpu.memory_space<vmem>> -> memref<50xi32, #tpu.memory_space<vmem>>
      %dma_start3A_1786 = arith.constant 0 : i32
      %dma_start3A_1787 = arith.constant 0 : i32
      %dma_start3A_1788 = tpu.memref_slice %arg3[%dma_start3A_1786, %dma_start3A_1787] : memref<10000x128xf32, #tpu.memory_space<hbm>> -> memref<10000x128xf32, #tpu.memory_space<hbm>>
      tpu.enqueue_indirect_dma source(%dma_start3A_1788 : memref<10000x128xf32, #tpu.memory_space<hbm>>) target(%arg9 : memref<50x128xf32, #tpu.memory_space<vmem>>) offsets(%dma_start3A_1785 : memref<50xi32, #tpu.memory_space<vmem>>) semaphore(%arg13 : memref<!tpu.dma_semaphore, #tpu.memory_space<semaphore_mem>>) {add = true}
      %dma_start3A_1789 = arith.constant 8 : i32
      %dma_start3A_1790 = arith.constant 0 : i32
      %dma_start3A_1791 = tpu.memref_slice %arg5[%dma_start3A_1789, %dma_start3A_1790] : memref<10x50xi32, #tpu.memory_space<vmem>> -> memref<1x50xi32, #tpu.memory_space<vmem>>
      %dma_start3A_1792 = tpu.memref_squeeze %dma_start3A_1791 : memref<1x50xi32, #tpu.memory_space<vmem>> -> memref<50xi32, #tpu.memory_space<vmem>>
      %dma_start3A_1793 = arith.constant 0 : i32
      %dma_start3A_1794 = arith.constant 0 : i32
      %dma_start3A_1795 = tpu.memref_slice %arg3[%dma_start3A_1793, %dma_start3A_1794] : memref<10000x128xf32, #tpu.memory_space<hbm>> -> memref<10000x128xf32, #tpu.memory_space<hbm>>
      tpu.enqueue_indirect_dma source(%dma_start3A_1795 : memref<10000x128xf32, #tpu.memory_space<hbm>>) target(%arg9 : memref<50x128xf32, #tpu.memory_space<vmem>>) offsets(%dma_start3A_1792 : memref<50xi32, #tpu.memory_space<vmem>>) semaphore(%arg13 : memref<!tpu.dma_semaphore, #tpu.memory_space<semaphore_mem>>) {add = true}
      %dma_start3A_1796 = arith.constant 9 : i32
      %dma_start3A_1797 = arith.constant 0 : i32
      %dma_start3A_1798 = tpu.memref_slice %arg5[%dma_start3A_1796, %dma_start3A_1797] : memref<10x50xi32, #tpu.memory_space<vmem>> -> memref<1x50xi32, #tpu.memory_space<vmem>>
      %dma_start3A_1799 = tpu.memref_squeeze %dma_start3A_1798 : memref<1x50xi32, #tpu.memory_space<vmem>> -> memref<50xi32, #tpu.memory_space<vmem>>
      %dma_start3A_1800 = arith.constant 0 : i32
      %dma_start3A_1801 = arith.constant 0 : i32
      %dma_start3A_1802 = tpu.memref_slice %arg3[%dma_start3A_1800, %dma_start3A_1801] : memref<10000x128xf32, #tpu.memory_space<hbm>> -> memref<10000x128xf32, #tpu.memory_space<hbm>>
      tpu.enqueue_indirect_dma source(%dma_start3A_1802 : memref<10000x128xf32, #tpu.memory_space<hbm>>) target(%arg9 : memref<50x128xf32, #tpu.memory_space<vmem>>) offsets(%dma_start3A_1799 : memref<50xi32, #tpu.memory_space<vmem>>) semaphore(%arg13 : memref<!tpu.dma_semaphore, #tpu.memory_space<semaphore_mem>>) {add = true}
      %dma_wait3A_1803 = arith.constant 0 : i32
      %dma_wait3A_1804 = arith.constant 0 : i32
      %dma_wait3A_1805 = tpu.memref_slice %arg4[%mul3A_2, %dma_wait3A_1803, %dma_wait3A_1804] : memref<4096x50x128xf32, #tpu.memory_space<hbm>> -> memref<1x50x128xf32, #tpu.memory_space<hbm>>
      %dma_wait3A_1806 = tpu.memref_squeeze %dma_wait3A_1805 : memref<1x50x128xf32, #tpu.memory_space<hbm>> -> memref<50x128xf32, #tpu.memory_space<hbm>>
      %dma_wait3A_1807 = arith.constant 0 : i32
      %dma_wait3A_1808 = arith.constant 0 : i32
      %dma_wait3A_1809 = tpu.memref_slice %arg4[%mul3A_2, %dma_wait3A_1807, %dma_wait3A_1808] : memref<4096x50x128xf32, #tpu.memory_space<hbm>> -> memref<1x50x128xf32, #tpu.memory_space<hbm>>
      %dma_wait3A_1810 = tpu.memref_squeeze %dma_wait3A_1809 : memref<1x50x128xf32, #tpu.memory_space<hbm>> -> memref<50x128xf32, #tpu.memory_space<hbm>>
      tpu.wait_dma2 semaphore(%arg16 : memref<!tpu.dma_semaphore, #tpu.memory_space<semaphore_mem>>) src(%dma_wait3A_1810 : memref<50x128xf32, #tpu.memory_space<hbm>>) dst(%arg12 : memref<50x128xf32, #tpu.memory_space<vmem>>)
      %dma_wait3A_1811 = arith.constant 0 : i32
      %dma_wait3A_1812 = arith.constant 0 : i32
      %dma_wait3A_1813 = tpu.memref_slice %arg4[%mul3A_2, %dma_wait3A_1811, %dma_wait3A_1812] : memref<4096x50x128xf32, #tpu.memory_space<hbm>> -> memref<1x50x128xf32, #tpu.memory_space<hbm>>
      %dma_wait3A_1814 = tpu.memref_squeeze %dma_wait3A_1813 : memref<1x50x128xf32, #tpu.memory_space<hbm>> -> memref<50x128xf32, #tpu.memory_space<hbm>>
      %dma_wait3A_1815 = arith.constant 0 : i32
      %dma_wait3A_1816 = arith.constant 0 : i32
      %dma_wait3A_1817 = tpu.memref_slice %arg4[%mul3A_2, %dma_wait3A_1815, %dma_wait3A_1816] : memref<4096x50x128xf32, #tpu.memory_space<hbm>> -> memref<1x50x128xf32, #tpu.memory_space<hbm>>
      %dma_wait3A_1818 = tpu.memref_squeeze %dma_wait3A_1817 : memref<1x50x128xf32, #tpu.memory_space<hbm>> -> memref<50x128xf32, #tpu.memory_space<hbm>>
      tpu.wait_dma2 semaphore(%arg16 : memref<!tpu.dma_semaphore, #tpu.memory_space<semaphore_mem>>) src(%dma_wait3A_1818 : memref<50x128xf32, #tpu.memory_space<hbm>>) dst(%arg12 : memref<50x128xf32, #tpu.memory_space<vmem>>)
      %dma_wait3A_1819 = arith.constant 0 : i32
      %dma_wait3A_1820 = arith.constant 0 : i32
      %dma_wait3A_1821 = tpu.memref_slice %arg4[%mul3A_2, %dma_wait3A_1819, %dma_wait3A_1820] : memref<4096x50x128xf32, #tpu.memory_space<hbm>> -> memref<1x50x128xf32, #tpu.memory_space<hbm>>
      %dma_wait3A_1822 = tpu.memref_squeeze %dma_wait3A_1821 : memref<1x50x128xf32, #tpu.memory_space<hbm>> -> memref<50x128xf32, #tpu.memory_space<hbm>>
      %dma_wait3A_1823 = arith.constant 0 : i32
      %dma_wait3A_1824 = arith.constant 0 : i32
      %dma_wait3A_1825 = tpu.memref_slice %arg4[%mul3A_2, %dma_wait3A_1823, %dma_wait3A_1824] : memref<4096x50x128xf32, #tpu.memory_space<hbm>> -> memref<1x50x128xf32, #tpu.memory_space<hbm>>
      %dma_wait3A_1826 = tpu.memref_squeeze %dma_wait3A_1825 : memref<1x50x128xf32, #tpu.memory_space<hbm>> -> memref<50x128xf32, #tpu.memory_space<hbm>>
      tpu.wait_dma2 semaphore(%arg16 : memref<!tpu.dma_semaphore, #tpu.memory_space<semaphore_mem>>) src(%dma_wait3A_1826 : memref<50x128xf32, #tpu.memory_space<hbm>>) dst(%arg12 : memref<50x128xf32, #tpu.memory_space<vmem>>)
      %dma_wait3A_1827 = arith.constant 0 : i32
      %dma_wait3A_1828 = arith.constant 0 : i32
      %dma_wait3A_1829 = tpu.memref_slice %arg4[%mul3A_2, %dma_wait3A_1827, %dma_wait3A_1828] : memref<4096x50x128xf32, #tpu.memory_space<hbm>> -> memref<1x50x128xf32, #tpu.memory_space<hbm>>
      %dma_wait3A_1830 = tpu.memref_squeeze %dma_wait3A_1829 : memref<1x50x128xf32, #tpu.memory_space<hbm>> -> memref<50x128xf32, #tpu.memory_space<hbm>>
      %dma_wait3A_1831 = arith.constant 0 : i32
      %dma_wait3A_1832 = arith.constant 0 : i32
      %dma_wait3A_1833 = tpu.memref_slice %arg4[%mul3A_2, %dma_wait3A_1831, %dma_wait3A_1832] : memref<4096x50x128xf32, #tpu.memory_space<hbm>> -> memref<1x50x128xf32, #tpu.memory_space<hbm>>
      %dma_wait3A_1834 = tpu.memref_squeeze %dma_wait3A_1833 : memref<1x50x128xf32, #tpu.memory_space<hbm>> -> memref<50x128xf32, #tpu.memory_space<hbm>>
      tpu.wait_dma2 semaphore(%arg16 : memref<!tpu.dma_semaphore, #tpu.memory_space<semaphore_mem>>) src(%dma_wait3A_1834 : memref<50x128xf32, #tpu.memory_space<hbm>>) dst(%arg12 : memref<50x128xf32, #tpu.memory_space<vmem>>)
      %dma_wait3A_1835 = arith.constant 0 : i32
      %dma_wait3A_1836 = arith.constant 0 : i32
      %dma_wait3A_1837 = tpu.memref_slice %arg4[%mul3A_2, %dma_wait3A_1835, %dma_wait3A_1836] : memref<4096x50x128xf32, #tpu.memory_space<hbm>> -> memref<1x50x128xf32, #tpu.memory_space<hbm>>
      %dma_wait3A_1838 = tpu.memref_squeeze %dma_wait3A_1837 : memref<1x50x128xf32, #tpu.memory_space<hbm>> -> memref<50x128xf32, #tpu.memory_space<hbm>>
      %dma_wait3A_1839 = arith.constant 0 : i32
      %dma_wait3A_1840 = arith.constant 0 : i32
      %dma_wait3A_1841 = tpu.memref_slice %arg4[%mul3A_2, %dma_wait3A_1839, %dma_wait3A_1840] : memref<4096x50x128xf32, #tpu.memory_space<hbm>> -> memref<1x50x128xf32, #tpu.memory_space<hbm>>
      %dma_wait3A_1842 = tpu.memref_squeeze %dma_wait3A_1841 : memref<1x50x128xf32, #tpu.memory_space<hbm>> -> memref<50x128xf32, #tpu.memory_space<hbm>>
      tpu.wait_dma2 semaphore(%arg16 : memref<!tpu.dma_semaphore, #tpu.memory_space<semaphore_mem>>) src(%dma_wait3A_1842 : memref<50x128xf32, #tpu.memory_space<hbm>>) dst(%arg12 : memref<50x128xf32, #tpu.memory_space<vmem>>)
      %dma_wait3A_1843 = arith.constant 0 : i32
      %dma_wait3A_1844 = arith.constant 0 : i32
      %dma_wait3A_1845 = tpu.memref_slice %arg4[%mul3A_2, %dma_wait3A_1843, %dma_wait3A_1844] : memref<4096x50x128xf32, #tpu.memory_space<hbm>> -> memref<1x50x128xf32, #tpu.memory_space<hbm>>
      %dma_wait3A_1846 = tpu.memref_squeeze %dma_wait3A_1845 : memref<1x50x128xf32, #tpu.memory_space<hbm>> -> memref<50x128xf32, #tpu.memory_space<hbm>>
      %dma_wait3A_1847 = arith.constant 0 : i32
      %dma_wait3A_1848 = arith.constant 0 : i32
      %dma_wait3A_1849 = tpu.memref_slice %arg4[%mul3A_2, %dma_wait3A_1847, %dma_wait3A_1848] : memref<4096x50x128xf32, #tpu.memory_space<hbm>> -> memref<1x50x128xf32, #tpu.memory_space<hbm>>
      %dma_wait3A_1850 = tpu.memref_squeeze %dma_wait3A_1849 : memref<1x50x128xf32, #tpu.memory_space<hbm>> -> memref<50x128xf32, #tpu.memory_space<hbm>>
      tpu.wait_dma2 semaphore(%arg16 : memref<!tpu.dma_semaphore, #tpu.memory_space<semaphore_mem>>) src(%dma_wait3A_1850 : memref<50x128xf32, #tpu.memory_space<hbm>>) dst(%arg12 : memref<50x128xf32, #tpu.memory_space<vmem>>)
      %dma_wait3A_1851 = arith.constant 0 : i32
      %dma_wait3A_1852 = arith.constant 0 : i32
      %dma_wait3A_1853 = tpu.memref_slice %arg4[%mul3A_2, %dma_wait3A_1851, %dma_wait3A_1852] : memref<4096x50x128xf32, #tpu.memory_space<hbm>> -> memref<1x50x128xf32, #tpu.memory_space<hbm>>
      %dma_wait3A_1854 = tpu.memref_squeeze %dma_wait3A_1853 : memref<1x50x128xf32, #tpu.memory_space<hbm>> -> memref<50x128xf32, #tpu.memory_space<hbm>>
      %dma_wait3A_1855 = arith.constant 0 : i32
      %dma_wait3A_1856 = arith.constant 0 : i32
      %dma_wait3A_1857 = tpu.memref_slice %arg4[%mul3A_2, %dma_wait3A_1855, %dma_wait3A_1856] : memref<4096x50x128xf32, #tpu.memory_space<hbm>> -> memref<1x50x128xf32, #tpu.memory_space<hbm>>
      %dma_wait3A_1858 = tpu.memref_squeeze %dma_wait3A_1857 : memref<1x50x128xf32, #tpu.memory_space<hbm>> -> memref<50x128xf32, #tpu.memory_space<hbm>>
      tpu.wait_dma2 semaphore(%arg16 : memref<!tpu.dma_semaphore, #tpu.memory_space<semaphore_mem>>) src(%dma_wait3A_1858 : memref<50x128xf32, #tpu.memory_space<hbm>>) dst(%arg12 : memref<50x128xf32, #tpu.memory_space<vmem>>)
      %dma_wait3A_1859 = arith.constant 0 : i32
      %dma_wait3A_1860 = arith.constant 0 : i32
      %dma_wait3A_1861 = tpu.memref_slice %arg4[%mul3A_2, %dma_wait3A_1859, %dma_wait3A_1860] : memref<4096x50x128xf32, #tpu.memory_space<hbm>> -> memref<1x50x128xf32, #tpu.memory_space<hbm>>
      %dma_wait3A_1862 = tpu.memref_squeeze %dma_wait3A_1861 : memref<1x50x128xf32, #tpu.memory_space<hbm>> -> memref<50x128xf32, #tpu.memory_space<hbm>>
      %dma_wait3A_1863 = arith.constant 0 : i32
      %dma_wait3A_1864 = arith.constant 0 : i32
      %dma_wait3A_1865 = tpu.memref_slice %arg4[%mul3A_2, %dma_wait3A_1863, %dma_wait3A_1864] : memref<4096x50x128xf32, #tpu.memory_space<hbm>> -> memref<1x50x128xf32, #tpu.memory_space<hbm>>
      %dma_wait3A_1866 = tpu.memref_squeeze %dma_wait3A_1865 : memref<1x50x128xf32, #tpu.memory_space<hbm>> -> memref<50x128xf32, #tpu.memory_space<hbm>>
      tpu.wait_dma2 semaphore(%arg16 : memref<!tpu.dma_semaphore, #tpu.memory_space<semaphore_mem>>) src(%dma_wait3A_1866 : memref<50x128xf32, #tpu.memory_space<hbm>>) dst(%arg12 : memref<50x128xf32, #tpu.memory_space<vmem>>)
      %dma_wait3A_1867 = arith.constant 0 : i32
      %dma_wait3A_1868 = arith.constant 0 : i32
      %dma_wait3A_1869 = tpu.memref_slice %arg4[%mul3A_2, %dma_wait3A_1867, %dma_wait3A_1868] : memref<4096x50x128xf32, #tpu.memory_space<hbm>> -> memref<1x50x128xf32, #tpu.memory_space<hbm>>
      %dma_wait3A_1870 = tpu.memref_squeeze %dma_wait3A_1869 : memref<1x50x128xf32, #tpu.memory_space<hbm>> -> memref<50x128xf32, #tpu.memory_space<hbm>>
      %dma_wait3A_1871 = arith.constant 0 : i32
      %dma_wait3A_1872 = arith.constant 0 : i32
      %dma_wait3A_1873 = tpu.memref_slice %arg4[%mul3A_2, %dma_wait3A_1871, %dma_wait3A_1872] : memref<4096x50x128xf32, #tpu.memory_space<hbm>> -> memref<1x50x128xf32, #tpu.memory_space<hbm>>
      %dma_wait3A_1874 = tpu.memref_squeeze %dma_wait3A_1873 : memref<1x50x128xf32, #tpu.memory_space<hbm>> -> memref<50x128xf32, #tpu.memory_space<hbm>>
      tpu.wait_dma2 semaphore(%arg16 : memref<!tpu.dma_semaphore, #tpu.memory_space<semaphore_mem>>) src(%dma_wait3A_1874 : memref<50x128xf32, #tpu.memory_space<hbm>>) dst(%arg12 : memref<50x128xf32, #tpu.memory_space<vmem>>)
      %sub3A_1875 = arith.constant 2 : i32
      %sub3A_1876 = arith.subi %add3A_1708, %sub3A_1875 : i32
      %dma_start3A_1877 = arith.constant 0 : i32
      %dma_start3A_1878 = arith.constant 0 : i32
      %dma_start3A_1879 = tpu.memref_slice %arg4[%sub3A_1876, %dma_start3A_1877, %dma_start3A_1878] : memref<4096x50x128xf32, #tpu.memory_space<hbm>> -> memref<1x50x128xf32, #tpu.memory_space<hbm>>
      %dma_start3A_1880 = tpu.memref_squeeze %dma_start3A_1879 : memref<1x50x128xf32, #tpu.memory_space<hbm>> -> memref<50x128xf32, #tpu.memory_space<hbm>>
      %dma_start3A_1881 = arith.constant 0 : i32
      %dma_start3A_1882 = arith.constant 0 : i32
      %dma_start3A_1883 = tpu.memref_slice %arg4[%sub3A_1876, %dma_start3A_1881, %dma_start3A_1882] : memref<4096x50x128xf32, #tpu.memory_space<hbm>> -> memref<1x50x128xf32, #tpu.memory_space<hbm>>
      %dma_start3A_1884 = tpu.memref_squeeze %dma_start3A_1883 : memref<1x50x128xf32, #tpu.memory_space<hbm>> -> memref<50x128xf32, #tpu.memory_space<hbm>>
      tpu.enqueue_dma source(%arg12 : memref<50x128xf32, #tpu.memory_space<vmem>>) target(%dma_start3A_1884 : memref<50x128xf32, #tpu.memory_space<hbm>>) target_semaphore(%arg24 : memref<!tpu.dma_semaphore, #tpu.memory_space<semaphore_mem>>)
      %add3A_1885 = arith.constant 2 : i32
      %add3A_1886 = arith.addi %add3A_1708, %add3A_1885 : i32
      %dma_start3A_1887 = arith.constant 0 : i32
      %dma_start3A_1888 = arith.constant 0 : i32
      %dma_start3A_1889 = tpu.memref_slice %arg2[%add3A_1886, %dma_start3A_1887, %dma_start3A_1888] : memref<4096x10x50xi32, #tpu.memory_space<hbm>> -> memref<1x10x50xi32, #tpu.memory_space<hbm>>
      %dma_start3A_1890 = tpu.memref_squeeze %dma_start3A_1889 : memref<1x10x50xi32, #tpu.memory_space<hbm>> -> memref<10x50xi32, #tpu.memory_space<hbm>>
      %dma_start3A_1891 = arith.constant 0 : i32
      %dma_start3A_1892 = arith.constant 0 : i32
      %dma_start3A_1893 = tpu.memref_slice %arg2[%add3A_1886, %dma_start3A_1891, %dma_start3A_1892] : memref<4096x10x50xi32, #tpu.memory_space<hbm>> -> memref<1x10x50xi32, #tpu.memory_space<hbm>>
      %dma_start3A_1894 = tpu.memref_squeeze %dma_start3A_1893 : memref<1x10x50xi32, #tpu.memory_space<hbm>> -> memref<10x50xi32, #tpu.memory_space<hbm>>
      tpu.enqueue_dma source(%dma_start3A_1894 : memref<10x50xi32, #tpu.memory_space<hbm>>) target(%arg8 : memref<10x50xi32, #tpu.memory_space<vmem>>) target_semaphore(%arg20 : memref<!tpu.dma_semaphore, #tpu.memory_space<semaphore_mem>>)
      %add3A_1895 = arith.constant 2 : i32
      %add3A_1896 = arith.addi %add3A_1518, %add3A_1895 : i32
      %dma_wait3A_1897 = arith.constant 0 : i32
      %dma_wait3A_1898 = arith.constant 0 : i32
      %dma_wait3A_1899 = tpu.memref_slice %arg2[%mul3A_2, %dma_wait3A_1897, %dma_wait3A_1898] : memref<4096x10x50xi32, #tpu.memory_space<hbm>> -> memref<1x10x50xi32, #tpu.memory_space<hbm>>
      %dma_wait3A_1900 = tpu.memref_squeeze %dma_wait3A_1899 : memref<1x10x50xi32, #tpu.memory_space<hbm>> -> memref<10x50xi32, #tpu.memory_space<hbm>>
      %dma_wait3A_1901 = arith.constant 0 : i32
      %dma_wait3A_1902 = arith.constant 0 : i32
      %dma_wait3A_1903 = tpu.memref_slice %arg2[%mul3A_2, %dma_wait3A_1901, %dma_wait3A_1902] : memref<4096x10x50xi32, #tpu.memory_space<hbm>> -> memref<1x10x50xi32, #tpu.memory_space<hbm>>
      %dma_wait3A_1904 = tpu.memref_squeeze %dma_wait3A_1903 : memref<1x10x50xi32, #tpu.memory_space<hbm>> -> memref<10x50xi32, #tpu.memory_space<hbm>>
      tpu.wait_dma2 semaphore(%arg19 : memref<!tpu.dma_semaphore, #tpu.memory_space<semaphore_mem>>) src(%dma_wait3A_1904 : memref<10x50xi32, #tpu.memory_space<hbm>>) dst(%arg7 : memref<10x50xi32, #tpu.memory_space<vmem>>)
      %dma_wait3A_1905 = arith.constant 0 : i32
      %dma_wait3A_1906 = arith.constant 0 : i32
      %dma_wait3A_1907 = tpu.memref_slice %arg4[%mul3A_2, %dma_wait3A_1905, %dma_wait3A_1906] : memref<4096x50x128xf32, #tpu.memory_space<hbm>> -> memref<1x50x128xf32, #tpu.memory_space<hbm>>
      %dma_wait3A_1908 = tpu.memref_squeeze %dma_wait3A_1907 : memref<1x50x128xf32, #tpu.memory_space<hbm>> -> memref<50x128xf32, #tpu.memory_space<hbm>>
      %dma_wait3A_1909 = arith.constant 0 : i32
      %dma_wait3A_1910 = arith.constant 0 : i32
      %dma_wait3A_1911 = tpu.memref_slice %arg4[%mul3A_2, %dma_wait3A_1909, %dma_wait3A_1910] : memref<4096x50x128xf32, #tpu.memory_space<hbm>> -> memref<1x50x128xf32, #tpu.memory_space<hbm>>
      %dma_wait3A_1912 = tpu.memref_squeeze %dma_wait3A_1911 : memref<1x50x128xf32, #tpu.memory_space<hbm>> -> memref<50x128xf32, #tpu.memory_space<hbm>>
      tpu.wait_dma2 semaphore(%arg23 : memref<!tpu.dma_semaphore, #tpu.memory_space<semaphore_mem>>) src(%dma_wait3A_1912 : memref<50x128xf32, #tpu.memory_space<hbm>>) dst(%arg11 : memref<50x128xf32, #tpu.memory_space<vmem>>)
      %dma_start3A_1913 = arith.constant 0 : i32
      %dma_start3A_1914 = arith.constant 0 : i32
      %dma_start3A_1915 = tpu.memref_slice %arg7[%dma_start3A_1913, %dma_start3A_1914] : memref<10x50xi32, #tpu.memory_space<vmem>> -> memref<1x50xi32, #tpu.memory_space<vmem>>
      %dma_start3A_1916 = tpu.memref_squeeze %dma_start3A_1915 : memref<1x50xi32, #tpu.memory_space<vmem>> -> memref<50xi32, #tpu.memory_space<vmem>>
      %dma_start3A_1917 = arith.constant 0 : i32
      %dma_start3A_1918 = arith.constant 0 : i32
      %dma_start3A_1919 = tpu.memref_slice %arg3[%dma_start3A_1917, %dma_start3A_1918] : memref<10000x128xf32, #tpu.memory_space<hbm>> -> memref<10000x128xf32, #tpu.memory_space<hbm>>
      tpu.enqueue_indirect_dma source(%dma_start3A_1919 : memref<10000x128xf32, #tpu.memory_space<hbm>>) target(%arg11 : memref<50x128xf32, #tpu.memory_space<vmem>>) offsets(%dma_start3A_1916 : memref<50xi32, #tpu.memory_space<vmem>>) semaphore(%arg15 : memref<!tpu.dma_semaphore, #tpu.memory_space<semaphore_mem>>)
      %dma_wait3A_1920 = arith.constant 0 : i32
      %dma_wait3A_1921 = arith.constant 0 : i32
      %dma_wait3A_1922 = tpu.memref_slice %arg4[%mul3A_2, %dma_wait3A_1920, %dma_wait3A_1921] : memref<4096x50x128xf32, #tpu.memory_space<hbm>> -> memref<1x50x128xf32, #tpu.memory_space<hbm>>
      %dma_wait3A_1923 = tpu.memref_squeeze %dma_wait3A_1922 : memref<1x50x128xf32, #tpu.memory_space<hbm>> -> memref<50x128xf32, #tpu.memory_space<hbm>>
      %dma_wait3A_1924 = arith.constant 0 : i32
      %dma_wait3A_1925 = arith.constant 0 : i32
      %dma_wait3A_1926 = tpu.memref_slice %arg4[%mul3A_2, %dma_wait3A_1924, %dma_wait3A_1925] : memref<4096x50x128xf32, #tpu.memory_space<hbm>> -> memref<1x50x128xf32, #tpu.memory_space<hbm>>
      %dma_wait3A_1927 = tpu.memref_squeeze %dma_wait3A_1926 : memref<1x50x128xf32, #tpu.memory_space<hbm>> -> memref<50x128xf32, #tpu.memory_space<hbm>>
      tpu.wait_dma2 semaphore(%arg14 : memref<!tpu.dma_semaphore, #tpu.memory_space<semaphore_mem>>) src(%dma_wait3A_1927 : memref<50x128xf32, #tpu.memory_space<hbm>>) dst(%arg10 : memref<50x128xf32, #tpu.memory_space<vmem>>)
      %dma_start3A_1928 = arith.constant 1 : i32
      %dma_start3A_1929 = arith.constant 0 : i32
      %dma_start3A_1930 = tpu.memref_slice %arg6[%dma_start3A_1928, %dma_start3A_1929] : memref<10x50xi32, #tpu.memory_space<vmem>> -> memref<1x50xi32, #tpu.memory_space<vmem>>
      %dma_start3A_1931 = tpu.memref_squeeze %dma_start3A_1930 : memref<1x50xi32, #tpu.memory_space<vmem>> -> memref<50xi32, #tpu.memory_space<vmem>>
      %dma_start3A_1932 = arith.constant 0 : i32
      %dma_start3A_1933 = arith.constant 0 : i32
      %dma_start3A_1934 = tpu.memref_slice %arg3[%dma_start3A_1932, %dma_start3A_1933] : memref<10000x128xf32, #tpu.memory_space<hbm>> -> memref<10000x128xf32, #tpu.memory_space<hbm>>
      tpu.enqueue_indirect_dma source(%dma_start3A_1934 : memref<10000x128xf32, #tpu.memory_space<hbm>>) target(%arg10 : memref<50x128xf32, #tpu.memory_space<vmem>>) offsets(%dma_start3A_1931 : memref<50xi32, #tpu.memory_space<vmem>>) semaphore(%arg14 : memref<!tpu.dma_semaphore, #tpu.memory_space<semaphore_mem>>) {add = true}
      %dma_start3A_1935 = arith.constant 2 : i32
      %dma_start3A_1936 = arith.constant 0 : i32
      %dma_start3A_1937 = tpu.memref_slice %arg6[%dma_start3A_1935, %dma_start3A_1936] : memref<10x50xi32, #tpu.memory_space<vmem>> -> memref<1x50xi32, #tpu.memory_space<vmem>>
      %dma_start3A_1938 = tpu.memref_squeeze %dma_start3A_1937 : memref<1x50xi32, #tpu.memory_space<vmem>> -> memref<50xi32, #tpu.memory_space<vmem>>
      %dma_start3A_1939 = arith.constant 0 : i32
      %dma_start3A_1940 = arith.constant 0 : i32
      %dma_start3A_1941 = tpu.memref_slice %arg3[%dma_start3A_1939, %dma_start3A_1940] : memref<10000x128xf32, #tpu.memory_space<hbm>> -> memref<10000x128xf32, #tpu.memory_space<hbm>>
      tpu.enqueue_indirect_dma source(%dma_start3A_1941 : memref<10000x128xf32, #tpu.memory_space<hbm>>) target(%arg10 : memref<50x128xf32, #tpu.memory_space<vmem>>) offsets(%dma_start3A_1938 : memref<50xi32, #tpu.memory_space<vmem>>) semaphore(%arg14 : memref<!tpu.dma_semaphore, #tpu.memory_space<semaphore_mem>>) {add = true}
      %dma_start3A_1942 = arith.constant 3 : i32
      %dma_start3A_1943 = arith.constant 0 : i32
      %dma_start3A_1944 = tpu.memref_slice %arg6[%dma_start3A_1942, %dma_start3A_1943] : memref<10x50xi32, #tpu.memory_space<vmem>> -> memref<1x50xi32, #tpu.memory_space<vmem>>
      %dma_start3A_1945 = tpu.memref_squeeze %dma_start3A_1944 : memref<1x50xi32, #tpu.memory_space<vmem>> -> memref<50xi32, #tpu.memory_space<vmem>>
      %dma_start3A_1946 = arith.constant 0 : i32
      %dma_start3A_1947 = arith.constant 0 : i32
      %dma_start3A_1948 = tpu.memref_slice %arg3[%dma_start3A_1946, %dma_start3A_1947] : memref<10000x128xf32, #tpu.memory_space<hbm>> -> memref<10000x128xf32, #tpu.memory_space<hbm>>
      tpu.enqueue_indirect_dma source(%dma_start3A_1948 : memref<10000x128xf32, #tpu.memory_space<hbm>>) target(%arg10 : memref<50x128xf32, #tpu.memory_space<vmem>>) offsets(%dma_start3A_1945 : memref<50xi32, #tpu.memory_space<vmem>>) semaphore(%arg14 : memref<!tpu.dma_semaphore, #tpu.memory_space<semaphore_mem>>) {add = true}
      %dma_start3A_1949 = arith.constant 4 : i32
      %dma_start3A_1950 = arith.constant 0 : i32
      %dma_start3A_1951 = tpu.memref_slice %arg6[%dma_start3A_1949, %dma_start3A_1950] : memref<10x50xi32, #tpu.memory_space<vmem>> -> memref<1x50xi32, #tpu.memory_space<vmem>>
      %dma_start3A_1952 = tpu.memref_squeeze %dma_start3A_1951 : memref<1x50xi32, #tpu.memory_space<vmem>> -> memref<50xi32, #tpu.memory_space<vmem>>
      %dma_start3A_1953 = arith.constant 0 : i32
      %dma_start3A_1954 = arith.constant 0 : i32
      %dma_start3A_1955 = tpu.memref_slice %arg3[%dma_start3A_1953, %dma_start3A_1954] : memref<10000x128xf32, #tpu.memory_space<hbm>> -> memref<10000x128xf32, #tpu.memory_space<hbm>>
      tpu.enqueue_indirect_dma source(%dma_start3A_1955 : memref<10000x128xf32, #tpu.memory_space<hbm>>) target(%arg10 : memref<50x128xf32, #tpu.memory_space<vmem>>) offsets(%dma_start3A_1952 : memref<50xi32, #tpu.memory_space<vmem>>) semaphore(%arg14 : memref<!tpu.dma_semaphore, #tpu.memory_space<semaphore_mem>>) {add = true}
      %dma_start3A_1956 = arith.constant 5 : i32
      %dma_start3A_1957 = arith.constant 0 : i32
      %dma_start3A_1958 = tpu.memref_slice %arg6[%dma_start3A_1956, %dma_start3A_1957] : memref<10x50xi32, #tpu.memory_space<vmem>> -> memref<1x50xi32, #tpu.memory_space<vmem>>
      %dma_start3A_1959 = tpu.memref_squeeze %dma_start3A_1958 : memref<1x50xi32, #tpu.memory_space<vmem>> -> memref<50xi32, #tpu.memory_space<vmem>>
      %dma_start3A_1960 = arith.constant 0 : i32
      %dma_start3A_1961 = arith.constant 0 : i32
      %dma_start3A_1962 = tpu.memref_slice %arg3[%dma_start3A_1960, %dma_start3A_1961] : memref<10000x128xf32, #tpu.memory_space<hbm>> -> memref<10000x128xf32, #tpu.memory_space<hbm>>
      tpu.enqueue_indirect_dma source(%dma_start3A_1962 : memref<10000x128xf32, #tpu.memory_space<hbm>>) target(%arg10 : memref<50x128xf32, #tpu.memory_space<vmem>>) offsets(%dma_start3A_1959 : memref<50xi32, #tpu.memory_space<vmem>>) semaphore(%arg14 : memref<!tpu.dma_semaphore, #tpu.memory_space<semaphore_mem>>) {add = true}
      %dma_start3A_1963 = arith.constant 6 : i32
      %dma_start3A_1964 = arith.constant 0 : i32
      %dma_start3A_1965 = tpu.memref_slice %arg6[%dma_start3A_1963, %dma_start3A_1964] : memref<10x50xi32, #tpu.memory_space<vmem>> -> memref<1x50xi32, #tpu.memory_space<vmem>>
      %dma_start3A_1966 = tpu.memref_squeeze %dma_start3A_1965 : memref<1x50xi32, #tpu.memory_space<vmem>> -> memref<50xi32, #tpu.memory_space<vmem>>
      %dma_start3A_1967 = arith.constant 0 : i32
      %dma_start3A_1968 = arith.constant 0 : i32
      %dma_start3A_1969 = tpu.memref_slice %arg3[%dma_start3A_1967, %dma_start3A_1968] : memref<10000x128xf32, #tpu.memory_space<hbm>> -> memref<10000x128xf32, #tpu.memory_space<hbm>>
      tpu.enqueue_indirect_dma source(%dma_start3A_1969 : memref<10000x128xf32, #tpu.memory_space<hbm>>) target(%arg10 : memref<50x128xf32, #tpu.memory_space<vmem>>) offsets(%dma_start3A_1966 : memref<50xi32, #tpu.memory_space<vmem>>) semaphore(%arg14 : memref<!tpu.dma_semaphore, #tpu.memory_space<semaphore_mem>>) {add = true}
      %dma_start3A_1970 = arith.constant 7 : i32
      %dma_start3A_1971 = arith.constant 0 : i32
      %dma_start3A_1972 = tpu.memref_slice %arg6[%dma_start3A_1970, %dma_start3A_1971] : memref<10x50xi32, #tpu.memory_space<vmem>> -> memref<1x50xi32, #tpu.memory_space<vmem>>
      %dma_start3A_1973 = tpu.memref_squeeze %dma_start3A_1972 : memref<1x50xi32, #tpu.memory_space<vmem>> -> memref<50xi32, #tpu.memory_space<vmem>>
      %dma_start3A_1974 = arith.constant 0 : i32
      %dma_start3A_1975 = arith.constant 0 : i32
      %dma_start3A_1976 = tpu.memref_slice %arg3[%dma_start3A_1974, %dma_start3A_1975] : memref<10000x128xf32, #tpu.memory_space<hbm>> -> memref<10000x128xf32, #tpu.memory_space<hbm>>
      tpu.enqueue_indirect_dma source(%dma_start3A_1976 : memref<10000x128xf32, #tpu.memory_space<hbm>>) target(%arg10 : memref<50x128xf32, #tpu.memory_space<vmem>>) offsets(%dma_start3A_1973 : memref<50xi32, #tpu.memory_space<vmem>>) semaphore(%arg14 : memref<!tpu.dma_semaphore, #tpu.memory_space<semaphore_mem>>) {add = true}
      %dma_start3A_1977 = arith.constant 8 : i32
      %dma_start3A_1978 = arith.constant 0 : i32
      %dma_start3A_1979 = tpu.memref_slice %arg6[%dma_start3A_1977, %dma_start3A_1978] : memref<10x50xi32, #tpu.memory_space<vmem>> -> memref<1x50xi32, #tpu.memory_space<vmem>>
      %dma_start3A_1980 = tpu.memref_squeeze %dma_start3A_1979 : memref<1x50xi32, #tpu.memory_space<vmem>> -> memref<50xi32, #tpu.memory_space<vmem>>
      %dma_start3A_1981 = arith.constant 0 : i32
      %dma_start3A_1982 = arith.constant 0 : i32
      %dma_start3A_1983 = tpu.memref_slice %arg3[%dma_start3A_1981, %dma_start3A_1982] : memref<10000x128xf32, #tpu.memory_space<hbm>> -> memref<10000x128xf32, #tpu.memory_space<hbm>>
      tpu.enqueue_indirect_dma source(%dma_start3A_1983 : memref<10000x128xf32, #tpu.memory_space<hbm>>) target(%arg10 : memref<50x128xf32, #tpu.memory_space<vmem>>) offsets(%dma_start3A_1980 : memref<50xi32, #tpu.memory_space<vmem>>) semaphore(%arg14 : memref<!tpu.dma_semaphore, #tpu.memory_space<semaphore_mem>>) {add = true}
      %dma_start3A_1984 = arith.constant 9 : i32
      %dma_start3A_1985 = arith.constant 0 : i32
      %dma_start3A_1986 = tpu.memref_slice %arg6[%dma_start3A_1984, %dma_start3A_1985] : memref<10x50xi32, #tpu.memory_space<vmem>> -> memref<1x50xi32, #tpu.memory_space<vmem>>
      %dma_start3A_1987 = tpu.memref_squeeze %dma_start3A_1986 : memref<1x50xi32, #tpu.memory_space<vmem>> -> memref<50xi32, #tpu.memory_space<vmem>>
      %dma_start3A_1988 = arith.constant 0 : i32
      %dma_start3A_1989 = arith.constant 0 : i32
      %dma_start3A_1990 = tpu.memref_slice %arg3[%dma_start3A_1988, %dma_start3A_1989] : memref<10000x128xf32, #tpu.memory_space<hbm>> -> memref<10000x128xf32, #tpu.memory_space<hbm>>
      tpu.enqueue_indirect_dma source(%dma_start3A_1990 : memref<10000x128xf32, #tpu.memory_space<hbm>>) target(%arg10 : memref<50x128xf32, #tpu.memory_space<vmem>>) offsets(%dma_start3A_1987 : memref<50xi32, #tpu.memory_space<vmem>>) semaphore(%arg14 : memref<!tpu.dma_semaphore, #tpu.memory_space<semaphore_mem>>) {add = true}
      %dma_wait3A_1991 = arith.constant 0 : i32
      %dma_wait3A_1992 = arith.constant 0 : i32
      %dma_wait3A_1993 = tpu.memref_slice %arg4[%mul3A_2, %dma_wait3A_1991, %dma_wait3A_1992] : memref<4096x50x128xf32, #tpu.memory_space<hbm>> -> memref<1x50x128xf32, #tpu.memory_space<hbm>>
      %dma_wait3A_1994 = tpu.memref_squeeze %dma_wait3A_1993 : memref<1x50x128xf32, #tpu.memory_space<hbm>> -> memref<50x128xf32, #tpu.memory_space<hbm>>
      %dma_wait3A_1995 = arith.constant 0 : i32
      %dma_wait3A_1996 = arith.constant 0 : i32
      %dma_wait3A_1997 = tpu.memref_slice %arg4[%mul3A_2, %dma_wait3A_1995, %dma_wait3A_1996] : memref<4096x50x128xf32, #tpu.memory_space<hbm>> -> memref<1x50x128xf32, #tpu.memory_space<hbm>>
      %dma_wait3A_1998 = tpu.memref_squeeze %dma_wait3A_1997 : memref<1x50x128xf32, #tpu.memory_space<hbm>> -> memref<50x128xf32, #tpu.memory_space<hbm>>
      tpu.wait_dma2 semaphore(%arg13 : memref<!tpu.dma_semaphore, #tpu.memory_space<semaphore_mem>>) src(%dma_wait3A_1998 : memref<50x128xf32, #tpu.memory_space<hbm>>) dst(%arg9 : memref<50x128xf32, #tpu.memory_space<vmem>>)
      %dma_wait3A_1999 = arith.constant 0 : i32
      %dma_wait3A_2000 = arith.constant 0 : i32
      %dma_wait3A_2001 = tpu.memref_slice %arg4[%mul3A_2, %dma_wait3A_1999, %dma_wait3A_2000] : memref<4096x50x128xf32, #tpu.memory_space<hbm>> -> memref<1x50x128xf32, #tpu.memory_space<hbm>>
      %dma_wait3A_2002 = tpu.memref_squeeze %dma_wait3A_2001 : memref<1x50x128xf32, #tpu.memory_space<hbm>> -> memref<50x128xf32, #tpu.memory_space<hbm>>
      %dma_wait3A_2003 = arith.constant 0 : i32
      %dma_wait3A_2004 = arith.constant 0 : i32
      %dma_wait3A_2005 = tpu.memref_slice %arg4[%mul3A_2, %dma_wait3A_2003, %dma_wait3A_2004] : memref<4096x50x128xf32, #tpu.memory_space<hbm>> -> memref<1x50x128xf32, #tpu.memory_space<hbm>>
      %dma_wait3A_2006 = tpu.memref_squeeze %dma_wait3A_2005 : memref<1x50x128xf32, #tpu.memory_space<hbm>> -> memref<50x128xf32, #tpu.memory_space<hbm>>
      tpu.wait_dma2 semaphore(%arg13 : memref<!tpu.dma_semaphore, #tpu.memory_space<semaphore_mem>>) src(%dma_wait3A_2006 : memref<50x128xf32, #tpu.memory_space<hbm>>) dst(%arg9 : memref<50x128xf32, #tpu.memory_space<vmem>>)
      %dma_wait3A_2007 = arith.constant 0 : i32
      %dma_wait3A_2008 = arith.constant 0 : i32
      %dma_wait3A_2009 = tpu.memref_slice %arg4[%mul3A_2, %dma_wait3A_2007, %dma_wait3A_2008] : memref<4096x50x128xf32, #tpu.memory_space<hbm>> -> memref<1x50x128xf32, #tpu.memory_space<hbm>>
      %dma_wait3A_2010 = tpu.memref_squeeze %dma_wait3A_2009 : memref<1x50x128xf32, #tpu.memory_space<hbm>> -> memref<50x128xf32, #tpu.memory_space<hbm>>
      %dma_wait3A_2011 = arith.constant 0 : i32
      %dma_wait3A_2012 = arith.constant 0 : i32
      %dma_wait3A_2013 = tpu.memref_slice %arg4[%mul3A_2, %dma_wait3A_2011, %dma_wait3A_2012] : memref<4096x50x128xf32, #tpu.memory_space<hbm>> -> memref<1x50x128xf32, #tpu.memory_space<hbm>>
      %dma_wait3A_2014 = tpu.memref_squeeze %dma_wait3A_2013 : memref<1x50x128xf32, #tpu.memory_space<hbm>> -> memref<50x128xf32, #tpu.memory_space<hbm>>
      tpu.wait_dma2 semaphore(%arg13 : memref<!tpu.dma_semaphore, #tpu.memory_space<semaphore_mem>>) src(%dma_wait3A_2014 : memref<50x128xf32, #tpu.memory_space<hbm>>) dst(%arg9 : memref<50x128xf32, #tpu.memory_space<vmem>>)
      %dma_wait3A_2015 = arith.constant 0 : i32
      %dma_wait3A_2016 = arith.constant 0 : i32
      %dma_wait3A_2017 = tpu.memref_slice %arg4[%mul3A_2, %dma_wait3A_2015, %dma_wait3A_2016] : memref<4096x50x128xf32, #tpu.memory_space<hbm>> -> memref<1x50x128xf32, #tpu.memory_space<hbm>>
      %dma_wait3A_2018 = tpu.memref_squeeze %dma_wait3A_2017 : memref<1x50x128xf32, #tpu.memory_space<hbm>> -> memref<50x128xf32, #tpu.memory_space<hbm>>
      %dma_wait3A_2019 = arith.constant 0 : i32
      %dma_wait3A_2020 = arith.constant 0 : i32
      %dma_wait3A_2021 = tpu.memref_slice %arg4[%mul3A_2, %dma_wait3A_2019, %dma_wait3A_2020] : memref<4096x50x128xf32, #tpu.memory_space<hbm>> -> memref<1x50x128xf32, #tpu.memory_space<hbm>>
      %dma_wait3A_2022 = tpu.memref_squeeze %dma_wait3A_2021 : memref<1x50x128xf32, #tpu.memory_space<hbm>> -> memref<50x128xf32, #tpu.memory_space<hbm>>
      tpu.wait_dma2 semaphore(%arg13 : memref<!tpu.dma_semaphore, #tpu.memory_space<semaphore_mem>>) src(%dma_wait3A_2022 : memref<50x128xf32, #tpu.memory_space<hbm>>) dst(%arg9 : memref<50x128xf32, #tpu.memory_space<vmem>>)
      %dma_wait3A_2023 = arith.constant 0 : i32
      %dma_wait3A_2024 = arith.constant 0 : i32
      %dma_wait3A_2025 = tpu.memref_slice %arg4[%mul3A_2, %dma_wait3A_2023, %dma_wait3A_2024] : memref<4096x50x128xf32, #tpu.memory_space<hbm>> -> memref<1x50x128xf32, #tpu.memory_space<hbm>>
      %dma_wait3A_2026 = tpu.memref_squeeze %dma_wait3A_2025 : memref<1x50x128xf32, #tpu.memory_space<hbm>> -> memref<50x128xf32, #tpu.memory_space<hbm>>
      %dma_wait3A_2027 = arith.constant 0 : i32
      %dma_wait3A_2028 = arith.constant 0 : i32
      %dma_wait3A_2029 = tpu.memref_slice %arg4[%mul3A_2, %dma_wait3A_2027, %dma_wait3A_2028] : memref<4096x50x128xf32, #tpu.memory_space<hbm>> -> memref<1x50x128xf32, #tpu.memory_space<hbm>>
      %dma_wait3A_2030 = tpu.memref_squeeze %dma_wait3A_2029 : memref<1x50x128xf32, #tpu.memory_space<hbm>> -> memref<50x128xf32, #tpu.memory_space<hbm>>
      tpu.wait_dma2 semaphore(%arg13 : memref<!tpu.dma_semaphore, #tpu.memory_space<semaphore_mem>>) src(%dma_wait3A_2030 : memref<50x128xf32, #tpu.memory_space<hbm>>) dst(%arg9 : memref<50x128xf32, #tpu.memory_space<vmem>>)
      %dma_wait3A_2031 = arith.constant 0 : i32
      %dma_wait3A_2032 = arith.constant 0 : i32
      %dma_wait3A_2033 = tpu.memref_slice %arg4[%mul3A_2, %dma_wait3A_2031, %dma_wait3A_2032] : memref<4096x50x128xf32, #tpu.memory_space<hbm>> -> memref<1x50x128xf32, #tpu.memory_space<hbm>>
      %dma_wait3A_2034 = tpu.memref_squeeze %dma_wait3A_2033 : memref<1x50x128xf32, #tpu.memory_space<hbm>> -> memref<50x128xf32, #tpu.memory_space<hbm>>
      %dma_wait3A_2035 = arith.constant 0 : i32
      %dma_wait3A_2036 = arith.constant 0 : i32
      %dma_wait3A_2037 = tpu.memref_slice %arg4[%mul3A_2, %dma_wait3A_2035, %dma_wait3A_2036] : memref<4096x50x128xf32, #tpu.memory_space<hbm>> -> memref<1x50x128xf32, #tpu.memory_space<hbm>>
      %dma_wait3A_2038 = tpu.memref_squeeze %dma_wait3A_2037 : memref<1x50x128xf32, #tpu.memory_space<hbm>> -> memref<50x128xf32, #tpu.memory_space<hbm>>
      tpu.wait_dma2 semaphore(%arg13 : memref<!tpu.dma_semaphore, #tpu.memory_space<semaphore_mem>>) src(%dma_wait3A_2038 : memref<50x128xf32, #tpu.memory_space<hbm>>) dst(%arg9 : memref<50x128xf32, #tpu.memory_space<vmem>>)
      %dma_wait3A_2039 = arith.constant 0 : i32
      %dma_wait3A_2040 = arith.constant 0 : i32
      %dma_wait3A_2041 = tpu.memref_slice %arg4[%mul3A_2, %dma_wait3A_2039, %dma_wait3A_2040] : memref<4096x50x128xf32, #tpu.memory_space<hbm>> -> memref<1x50x128xf32, #tpu.memory_space<hbm>>
      %dma_wait3A_2042 = tpu.memref_squeeze %dma_wait3A_2041 : memref<1x50x128xf32, #tpu.memory_space<hbm>> -> memref<50x128xf32, #tpu.memory_space<hbm>>
      %dma_wait3A_2043 = arith.constant 0 : i32
      %dma_wait3A_2044 = arith.constant 0 : i32
      %dma_wait3A_2045 = tpu.memref_slice %arg4[%mul3A_2, %dma_wait3A_2043, %dma_wait3A_2044] : memref<4096x50x128xf32, #tpu.memory_space<hbm>> -> memref<1x50x128xf32, #tpu.memory_space<hbm>>
      %dma_wait3A_2046 = tpu.memref_squeeze %dma_wait3A_2045 : memref<1x50x128xf32, #tpu.memory_space<hbm>> -> memref<50x128xf32, #tpu.memory_space<hbm>>
      tpu.wait_dma2 semaphore(%arg13 : memref<!tpu.dma_semaphore, #tpu.memory_space<semaphore_mem>>) src(%dma_wait3A_2046 : memref<50x128xf32, #tpu.memory_space<hbm>>) dst(%arg9 : memref<50x128xf32, #tpu.memory_space<vmem>>)
      %dma_wait3A_2047 = arith.constant 0 : i32
      %dma_wait3A_2048 = arith.constant 0 : i32
      %dma_wait3A_2049 = tpu.memref_slice %arg4[%mul3A_2, %dma_wait3A_2047, %dma_wait3A_2048] : memref<4096x50x128xf32, #tpu.memory_space<hbm>> -> memref<1x50x128xf32, #tpu.memory_space<hbm>>
      %dma_wait3A_2050 = tpu.memref_squeeze %dma_wait3A_2049 : memref<1x50x128xf32, #tpu.memory_space<hbm>> -> memref<50x128xf32, #tpu.memory_space<hbm>>
      %dma_wait3A_2051 = arith.constant 0 : i32
      %dma_wait3A_2052 = arith.constant 0 : i32
      %dma_wait3A_2053 = tpu.memref_slice %arg4[%mul3A_2, %dma_wait3A_2051, %dma_wait3A_2052] : memref<4096x50x128xf32, #tpu.memory_space<hbm>> -> memref<1x50x128xf32, #tpu.memory_space<hbm>>
      %dma_wait3A_2054 = tpu.memref_squeeze %dma_wait3A_2053 : memref<1x50x128xf32, #tpu.memory_space<hbm>> -> memref<50x128xf32, #tpu.memory_space<hbm>>
      tpu.wait_dma2 semaphore(%arg13 : memref<!tpu.dma_semaphore, #tpu.memory_space<semaphore_mem>>) src(%dma_wait3A_2054 : memref<50x128xf32, #tpu.memory_space<hbm>>) dst(%arg9 : memref<50x128xf32, #tpu.memory_space<vmem>>)
      %dma_wait3A_2055 = arith.constant 0 : i32
      %dma_wait3A_2056 = arith.constant 0 : i32
      %dma_wait3A_2057 = tpu.memref_slice %arg4[%mul3A_2, %dma_wait3A_2055, %dma_wait3A_2056] : memref<4096x50x128xf32, #tpu.memory_space<hbm>> -> memref<1x50x128xf32, #tpu.memory_space<hbm>>
      %dma_wait3A_2058 = tpu.memref_squeeze %dma_wait3A_2057 : memref<1x50x128xf32, #tpu.memory_space<hbm>> -> memref<50x128xf32, #tpu.memory_space<hbm>>
      %dma_wait3A_2059 = arith.constant 0 : i32
      %dma_wait3A_2060 = arith.constant 0 : i32
      %dma_wait3A_2061 = tpu.memref_slice %arg4[%mul3A_2, %dma_wait3A_2059, %dma_wait3A_2060] : memref<4096x50x128xf32, #tpu.memory_space<hbm>> -> memref<1x50x128xf32, #tpu.memory_space<hbm>>
      %dma_wait3A_2062 = tpu.memref_squeeze %dma_wait3A_2061 : memref<1x50x128xf32, #tpu.memory_space<hbm>> -> memref<50x128xf32, #tpu.memory_space<hbm>>
      tpu.wait_dma2 semaphore(%arg13 : memref<!tpu.dma_semaphore, #tpu.memory_space<semaphore_mem>>) src(%dma_wait3A_2062 : memref<50x128xf32, #tpu.memory_space<hbm>>) dst(%arg9 : memref<50x128xf32, #tpu.memory_space<vmem>>)
      %sub3A_2063 = arith.constant 2 : i32
      %sub3A_2064 = arith.subi %add3A_1896, %sub3A_2063 : i32
      %dma_start3A_2065 = arith.constant 0 : i32
      %dma_start3A_2066 = arith.constant 0 : i32
      %dma_start3A_2067 = tpu.memref_slice %arg4[%sub3A_2064, %dma_start3A_2065, %dma_start3A_2066] : memref<4096x50x128xf32, #tpu.memory_space<hbm>> -> memref<1x50x128xf32, #tpu.memory_space<hbm>>
      %dma_start3A_2068 = tpu.memref_squeeze %dma_start3A_2067 : memref<1x50x128xf32, #tpu.memory_space<hbm>> -> memref<50x128xf32, #tpu.memory_space<hbm>>
      %dma_start3A_2069 = arith.constant 0 : i32
      %dma_start3A_2070 = arith.constant 0 : i32
      %dma_start3A_2071 = tpu.memref_slice %arg4[%sub3A_2064, %dma_start3A_2069, %dma_start3A_2070] : memref<4096x50x128xf32, #tpu.memory_space<hbm>> -> memref<1x50x128xf32, #tpu.memory_space<hbm>>
      %dma_start3A_2072 = tpu.memref_squeeze %dma_start3A_2071 : memref<1x50x128xf32, #tpu.memory_space<hbm>> -> memref<50x128xf32, #tpu.memory_space<hbm>>
      tpu.enqueue_dma source(%arg9 : memref<50x128xf32, #tpu.memory_space<vmem>>) target(%dma_start3A_2072 : memref<50x128xf32, #tpu.memory_space<hbm>>) target_semaphore(%arg21 : memref<!tpu.dma_semaphore, #tpu.memory_space<semaphore_mem>>)
      %add3A_2073 = arith.constant 2 : i32
      %add3A_2074 = arith.addi %add3A_1896, %add3A_2073 : i32
      %dma_start3A_2075 = arith.constant 0 : i32
      %dma_start3A_2076 = arith.constant 0 : i32
      %dma_start3A_2077 = tpu.memref_slice %arg2[%add3A_2074, %dma_start3A_2075, %dma_start3A_2076] : memref<4096x10x50xi32, #tpu.memory_space<hbm>> -> memref<1x10x50xi32, #tpu.memory_space<hbm>>
      %dma_start3A_2078 = tpu.memref_squeeze %dma_start3A_2077 : memref<1x10x50xi32, #tpu.memory_space<hbm>> -> memref<10x50xi32, #tpu.memory_space<hbm>>
      %dma_start3A_2079 = arith.constant 0 : i32
      %dma_start3A_2080 = arith.constant 0 : i32
      %dma_start3A_2081 = tpu.memref_slice %arg2[%add3A_2074, %dma_start3A_2079, %dma_start3A_2080] : memref<4096x10x50xi32, #tpu.memory_space<hbm>> -> memref<1x10x50xi32, #tpu.memory_space<hbm>>
      %dma_start3A_2082 = tpu.memref_squeeze %dma_start3A_2081 : memref<1x10x50xi32, #tpu.memory_space<hbm>> -> memref<10x50xi32, #tpu.memory_space<hbm>>
      tpu.enqueue_dma source(%dma_start3A_2082 : memref<10x50xi32, #tpu.memory_space<hbm>>) target(%arg5 : memref<10x50xi32, #tpu.memory_space<vmem>>) target_semaphore(%arg17 : memref<!tpu.dma_semaphore, #tpu.memory_space<semaphore_mem>>)
      %add3A_2083 = arith.constant 3 : i32
      %add3A_2084 = arith.addi %add3A_1518, %add3A_2083 : i32
      %dma_wait3A_2085 = arith.constant 0 : i32
      %dma_wait3A_2086 = arith.constant 0 : i32
      %dma_wait3A_2087 = tpu.memref_slice %arg2[%mul3A_2, %dma_wait3A_2085, %dma_wait3A_2086] : memref<4096x10x50xi32, #tpu.memory_space<hbm>> -> memref<1x10x50xi32, #tpu.memory_space<hbm>>
      %dma_wait3A_2088 = tpu.memref_squeeze %dma_wait3A_2087 : memref<1x10x50xi32, #tpu.memory_space<hbm>> -> memref<10x50xi32, #tpu.memory_space<hbm>>
      %dma_wait3A_2089 = arith.constant 0 : i32
      %dma_wait3A_2090 = arith.constant 0 : i32
      %dma_wait3A_2091 = tpu.memref_slice %arg2[%mul3A_2, %dma_wait3A_2089, %dma_wait3A_2090] : memref<4096x10x50xi32, #tpu.memory_space<hbm>> -> memref<1x10x50xi32, #tpu.memory_space<hbm>>
      %dma_wait3A_2092 = tpu.memref_squeeze %dma_wait3A_2091 : memref<1x10x50xi32, #tpu.memory_space<hbm>> -> memref<10x50xi32, #tpu.memory_space<hbm>>
      tpu.wait_dma2 semaphore(%arg20 : memref<!tpu.dma_semaphore, #tpu.memory_space<semaphore_mem>>) src(%dma_wait3A_2092 : memref<10x50xi32, #tpu.memory_space<hbm>>) dst(%arg8 : memref<10x50xi32, #tpu.memory_space<vmem>>)
      %dma_wait3A_2093 = arith.constant 0 : i32
      %dma_wait3A_2094 = arith.constant 0 : i32
      %dma_wait3A_2095 = tpu.memref_slice %arg4[%mul3A_2, %dma_wait3A_2093, %dma_wait3A_2094] : memref<4096x50x128xf32, #tpu.memory_space<hbm>> -> memref<1x50x128xf32, #tpu.memory_space<hbm>>
      %dma_wait3A_2096 = tpu.memref_squeeze %dma_wait3A_2095 : memref<1x50x128xf32, #tpu.memory_space<hbm>> -> memref<50x128xf32, #tpu.memory_space<hbm>>
      %dma_wait3A_2097 = arith.constant 0 : i32
      %dma_wait3A_2098 = arith.constant 0 : i32
      %dma_wait3A_2099 = tpu.memref_slice %arg4[%mul3A_2, %dma_wait3A_2097, %dma_wait3A_2098] : memref<4096x50x128xf32, #tpu.memory_space<hbm>> -> memref<1x50x128xf32, #tpu.memory_space<hbm>>
      %dma_wait3A_2100 = tpu.memref_squeeze %dma_wait3A_2099 : memref<1x50x128xf32, #tpu.memory_space<hbm>> -> memref<50x128xf32, #tpu.memory_space<hbm>>
      tpu.wait_dma2 semaphore(%arg24 : memref<!tpu.dma_semaphore, #tpu.memory_space<semaphore_mem>>) src(%dma_wait3A_2100 : memref<50x128xf32, #tpu.memory_space<hbm>>) dst(%arg12 : memref<50x128xf32, #tpu.memory_space<vmem>>)
      %dma_start3A_2101 = arith.constant 0 : i32
      %dma_start3A_2102 = arith.constant 0 : i32
      %dma_start3A_2103 = tpu.memref_slice %arg8[%dma_start3A_2101, %dma_start3A_2102] : memref<10x50xi32, #tpu.memory_space<vmem>> -> memref<1x50xi32, #tpu.memory_space<vmem>>
      %dma_start3A_2104 = tpu.memref_squeeze %dma_start3A_2103 : memref<1x50xi32, #tpu.memory_space<vmem>> -> memref<50xi32, #tpu.memory_space<vmem>>
      %dma_start3A_2105 = arith.constant 0 : i32
      %dma_start3A_2106 = arith.constant 0 : i32
      %dma_start3A_2107 = tpu.memref_slice %arg3[%dma_start3A_2105, %dma_start3A_2106] : memref<10000x128xf32, #tpu.memory_space<hbm>> -> memref<10000x128xf32, #tpu.memory_space<hbm>>
      tpu.enqueue_indirect_dma source(%dma_start3A_2107 : memref<10000x128xf32, #tpu.memory_space<hbm>>) target(%arg12 : memref<50x128xf32, #tpu.memory_space<vmem>>) offsets(%dma_start3A_2104 : memref<50xi32, #tpu.memory_space<vmem>>) semaphore(%arg16 : memref<!tpu.dma_semaphore, #tpu.memory_space<semaphore_mem>>)
      %dma_wait3A_2108 = arith.constant 0 : i32
      %dma_wait3A_2109 = arith.constant 0 : i32
      %dma_wait3A_2110 = tpu.memref_slice %arg4[%mul3A_2, %dma_wait3A_2108, %dma_wait3A_2109] : memref<4096x50x128xf32, #tpu.memory_space<hbm>> -> memref<1x50x128xf32, #tpu.memory_space<hbm>>
      %dma_wait3A_2111 = tpu.memref_squeeze %dma_wait3A_2110 : memref<1x50x128xf32, #tpu.memory_space<hbm>> -> memref<50x128xf32, #tpu.memory_space<hbm>>
      %dma_wait3A_2112 = arith.constant 0 : i32
      %dma_wait3A_2113 = arith.constant 0 : i32
      %dma_wait3A_2114 = tpu.memref_slice %arg4[%mul3A_2, %dma_wait3A_2112, %dma_wait3A_2113] : memref<4096x50x128xf32, #tpu.memory_space<hbm>> -> memref<1x50x128xf32, #tpu.memory_space<hbm>>
      %dma_wait3A_2115 = tpu.memref_squeeze %dma_wait3A_2114 : memref<1x50x128xf32, #tpu.memory_space<hbm>> -> memref<50x128xf32, #tpu.memory_space<hbm>>
      tpu.wait_dma2 semaphore(%arg15 : memref<!tpu.dma_semaphore, #tpu.memory_space<semaphore_mem>>) src(%dma_wait3A_2115 : memref<50x128xf32, #tpu.memory_space<hbm>>) dst(%arg11 : memref<50x128xf32, #tpu.memory_space<vmem>>)
      %dma_start3A_2116 = arith.constant 1 : i32
      %dma_start3A_2117 = arith.constant 0 : i32
      %dma_start3A_2118 = tpu.memref_slice %arg7[%dma_start3A_2116, %dma_start3A_2117] : memref<10x50xi32, #tpu.memory_space<vmem>> -> memref<1x50xi32, #tpu.memory_space<vmem>>
      %dma_start3A_2119 = tpu.memref_squeeze %dma_start3A_2118 : memref<1x50xi32, #tpu.memory_space<vmem>> -> memref<50xi32, #tpu.memory_space<vmem>>
      %dma_start3A_2120 = arith.constant 0 : i32
      %dma_start3A_2121 = arith.constant 0 : i32
      %dma_start3A_2122 = tpu.memref_slice %arg3[%dma_start3A_2120, %dma_start3A_2121] : memref<10000x128xf32, #tpu.memory_space<hbm>> -> memref<10000x128xf32, #tpu.memory_space<hbm>>
      tpu.enqueue_indirect_dma source(%dma_start3A_2122 : memref<10000x128xf32, #tpu.memory_space<hbm>>) target(%arg11 : memref<50x128xf32, #tpu.memory_space<vmem>>) offsets(%dma_start3A_2119 : memref<50xi32, #tpu.memory_space<vmem>>) semaphore(%arg15 : memref<!tpu.dma_semaphore, #tpu.memory_space<semaphore_mem>>) {add = true}
      %dma_start3A_2123 = arith.constant 2 : i32
      %dma_start3A_2124 = arith.constant 0 : i32
      %dma_start3A_2125 = tpu.memref_slice %arg7[%dma_start3A_2123, %dma_start3A_2124] : memref<10x50xi32, #tpu.memory_space<vmem>> -> memref<1x50xi32, #tpu.memory_space<vmem>>
      %dma_start3A_2126 = tpu.memref_squeeze %dma_start3A_2125 : memref<1x50xi32, #tpu.memory_space<vmem>> -> memref<50xi32, #tpu.memory_space<vmem>>
      %dma_start3A_2127 = arith.constant 0 : i32
      %dma_start3A_2128 = arith.constant 0 : i32
      %dma_start3A_2129 = tpu.memref_slice %arg3[%dma_start3A_2127, %dma_start3A_2128] : memref<10000x128xf32, #tpu.memory_space<hbm>> -> memref<10000x128xf32, #tpu.memory_space<hbm>>
      tpu.enqueue_indirect_dma source(%dma_start3A_2129 : memref<10000x128xf32, #tpu.memory_space<hbm>>) target(%arg11 : memref<50x128xf32, #tpu.memory_space<vmem>>) offsets(%dma_start3A_2126 : memref<50xi32, #tpu.memory_space<vmem>>) semaphore(%arg15 : memref<!tpu.dma_semaphore, #tpu.memory_space<semaphore_mem>>) {add = true}
      %dma_start3A_2130 = arith.constant 3 : i32
      %dma_start3A_2131 = arith.constant 0 : i32
      %dma_start3A_2132 = tpu.memref_slice %arg7[%dma_start3A_2130, %dma_start3A_2131] : memref<10x50xi32, #tpu.memory_space<vmem>> -> memref<1x50xi32, #tpu.memory_space<vmem>>
      %dma_start3A_2133 = tpu.memref_squeeze %dma_start3A_2132 : memref<1x50xi32, #tpu.memory_space<vmem>> -> memref<50xi32, #tpu.memory_space<vmem>>
      %dma_start3A_2134 = arith.constant 0 : i32
      %dma_start3A_2135 = arith.constant 0 : i32
      %dma_start3A_2136 = tpu.memref_slice %arg3[%dma_start3A_2134, %dma_start3A_2135] : memref<10000x128xf32, #tpu.memory_space<hbm>> -> memref<10000x128xf32, #tpu.memory_space<hbm>>
      tpu.enqueue_indirect_dma source(%dma_start3A_2136 : memref<10000x128xf32, #tpu.memory_space<hbm>>) target(%arg11 : memref<50x128xf32, #tpu.memory_space<vmem>>) offsets(%dma_start3A_2133 : memref<50xi32, #tpu.memory_space<vmem>>) semaphore(%arg15 : memref<!tpu.dma_semaphore, #tpu.memory_space<semaphore_mem>>) {add = true}
      %dma_start3A_2137 = arith.constant 4 : i32
      %dma_start3A_2138 = arith.constant 0 : i32
      %dma_start3A_2139 = tpu.memref_slice %arg7[%dma_start3A_2137, %dma_start3A_2138] : memref<10x50xi32, #tpu.memory_space<vmem>> -> memref<1x50xi32, #tpu.memory_space<vmem>>
      %dma_start3A_2140 = tpu.memref_squeeze %dma_start3A_2139 : memref<1x50xi32, #tpu.memory_space<vmem>> -> memref<50xi32, #tpu.memory_space<vmem>>
      %dma_start3A_2141 = arith.constant 0 : i32
      %dma_start3A_2142 = arith.constant 0 : i32
      %dma_start3A_2143 = tpu.memref_slice %arg3[%dma_start3A_2141, %dma_start3A_2142] : memref<10000x128xf32, #tpu.memory_space<hbm>> -> memref<10000x128xf32, #tpu.memory_space<hbm>>
      tpu.enqueue_indirect_dma source(%dma_start3A_2143 : memref<10000x128xf32, #tpu.memory_space<hbm>>) target(%arg11 : memref<50x128xf32, #tpu.memory_space<vmem>>) offsets(%dma_start3A_2140 : memref<50xi32, #tpu.memory_space<vmem>>) semaphore(%arg15 : memref<!tpu.dma_semaphore, #tpu.memory_space<semaphore_mem>>) {add = true}
      %dma_start3A_2144 = arith.constant 5 : i32
      %dma_start3A_2145 = arith.constant 0 : i32
      %dma_start3A_2146 = tpu.memref_slice %arg7[%dma_start3A_2144, %dma_start3A_2145] : memref<10x50xi32, #tpu.memory_space<vmem>> -> memref<1x50xi32, #tpu.memory_space<vmem>>
      %dma_start3A_2147 = tpu.memref_squeeze %dma_start3A_2146 : memref<1x50xi32, #tpu.memory_space<vmem>> -> memref<50xi32, #tpu.memory_space<vmem>>
      %dma_start3A_2148 = arith.constant 0 : i32
      %dma_start3A_2149 = arith.constant 0 : i32
      %dma_start3A_2150 = tpu.memref_slice %arg3[%dma_start3A_2148, %dma_start3A_2149] : memref<10000x128xf32, #tpu.memory_space<hbm>> -> memref<10000x128xf32, #tpu.memory_space<hbm>>
      tpu.enqueue_indirect_dma source(%dma_start3A_2150 : memref<10000x128xf32, #tpu.memory_space<hbm>>) target(%arg11 : memref<50x128xf32, #tpu.memory_space<vmem>>) offsets(%dma_start3A_2147 : memref<50xi32, #tpu.memory_space<vmem>>) semaphore(%arg15 : memref<!tpu.dma_semaphore, #tpu.memory_space<semaphore_mem>>) {add = true}
      %dma_start3A_2151 = arith.constant 6 : i32
      %dma_start3A_2152 = arith.constant 0 : i32
      %dma_start3A_2153 = tpu.memref_slice %arg7[%dma_start3A_2151, %dma_start3A_2152] : memref<10x50xi32, #tpu.memory_space<vmem>> -> memref<1x50xi32, #tpu.memory_space<vmem>>
      %dma_start3A_2154 = tpu.memref_squeeze %dma_start3A_2153 : memref<1x50xi32, #tpu.memory_space<vmem>> -> memref<50xi32, #tpu.memory_space<vmem>>
      %dma_start3A_2155 = arith.constant 0 : i32
      %dma_start3A_2156 = arith.constant 0 : i32
      %dma_start3A_2157 = tpu.memref_slice %arg3[%dma_start3A_2155, %dma_start3A_2156] : memref<10000x128xf32, #tpu.memory_space<hbm>> -> memref<10000x128xf32, #tpu.memory_space<hbm>>
      tpu.enqueue_indirect_dma source(%dma_start3A_2157 : memref<10000x128xf32, #tpu.memory_space<hbm>>) target(%arg11 : memref<50x128xf32, #tpu.memory_space<vmem>>) offsets(%dma_start3A_2154 : memref<50xi32, #tpu.memory_space<vmem>>) semaphore(%arg15 : memref<!tpu.dma_semaphore, #tpu.memory_space<semaphore_mem>>) {add = true}
      %dma_start3A_2158 = arith.constant 7 : i32
      %dma_start3A_2159 = arith.constant 0 : i32
      %dma_start3A_2160 = tpu.memref_slice %arg7[%dma_start3A_2158, %dma_start3A_2159] : memref<10x50xi32, #tpu.memory_space<vmem>> -> memref<1x50xi32, #tpu.memory_space<vmem>>
      %dma_start3A_2161 = tpu.memref_squeeze %dma_start3A_2160 : memref<1x50xi32, #tpu.memory_space<vmem>> -> memref<50xi32, #tpu.memory_space<vmem>>
      %dma_start3A_2162 = arith.constant 0 : i32
      %dma_start3A_2163 = arith.constant 0 : i32
      %dma_start3A_2164 = tpu.memref_slice %arg3[%dma_start3A_2162, %dma_start3A_2163] : memref<10000x128xf32, #tpu.memory_space<hbm>> -> memref<10000x128xf32, #tpu.memory_space<hbm>>
      tpu.enqueue_indirect_dma source(%dma_start3A_2164 : memref<10000x128xf32, #tpu.memory_space<hbm>>) target(%arg11 : memref<50x128xf32, #tpu.memory_space<vmem>>) offsets(%dma_start3A_2161 : memref<50xi32, #tpu.memory_space<vmem>>) semaphore(%arg15 : memref<!tpu.dma_semaphore, #tpu.memory_space<semaphore_mem>>) {add = true}
      %dma_start3A_2165 = arith.constant 8 : i32
      %dma_start3A_2166 = arith.constant 0 : i32
      %dma_start3A_2167 = tpu.memref_slice %arg7[%dma_start3A_2165, %dma_start3A_2166] : memref<10x50xi32, #tpu.memory_space<vmem>> -> memref<1x50xi32, #tpu.memory_space<vmem>>
      %dma_start3A_2168 = tpu.memref_squeeze %dma_start3A_2167 : memref<1x50xi32, #tpu.memory_space<vmem>> -> memref<50xi32, #tpu.memory_space<vmem>>
      %dma_start3A_2169 = arith.constant 0 : i32
      %dma_start3A_2170 = arith.constant 0 : i32
      %dma_start3A_2171 = tpu.memref_slice %arg3[%dma_start3A_2169, %dma_start3A_2170] : memref<10000x128xf32, #tpu.memory_space<hbm>> -> memref<10000x128xf32, #tpu.memory_space<hbm>>
      tpu.enqueue_indirect_dma source(%dma_start3A_2171 : memref<10000x128xf32, #tpu.memory_space<hbm>>) target(%arg11 : memref<50x128xf32, #tpu.memory_space<vmem>>) offsets(%dma_start3A_2168 : memref<50xi32, #tpu.memory_space<vmem>>) semaphore(%arg15 : memref<!tpu.dma_semaphore, #tpu.memory_space<semaphore_mem>>) {add = true}
      %dma_start3A_2172 = arith.constant 9 : i32
      %dma_start3A_2173 = arith.constant 0 : i32
      %dma_start3A_2174 = tpu.memref_slice %arg7[%dma_start3A_2172, %dma_start3A_2173] : memref<10x50xi32, #tpu.memory_space<vmem>> -> memref<1x50xi32, #tpu.memory_space<vmem>>
      %dma_start3A_2175 = tpu.memref_squeeze %dma_start3A_2174 : memref<1x50xi32, #tpu.memory_space<vmem>> -> memref<50xi32, #tpu.memory_space<vmem>>
      %dma_start3A_2176 = arith.constant 0 : i32
      %dma_start3A_2177 = arith.constant 0 : i32
      %dma_start3A_2178 = tpu.memref_slice %arg3[%dma_start3A_2176, %dma_start3A_2177] : memref<10000x128xf32, #tpu.memory_space<hbm>> -> memref<10000x128xf32, #tpu.memory_space<hbm>>
      tpu.enqueue_indirect_dma source(%dma_start3A_2178 : memref<10000x128xf32, #tpu.memory_space<hbm>>) target(%arg11 : memref<50x128xf32, #tpu.memory_space<vmem>>) offsets(%dma_start3A_2175 : memref<50xi32, #tpu.memory_space<vmem>>) semaphore(%arg15 : memref<!tpu.dma_semaphore, #tpu.memory_space<semaphore_mem>>) {add = true}
      %dma_wait3A_2179 = arith.constant 0 : i32
      %dma_wait3A_2180 = arith.constant 0 : i32
      %dma_wait3A_2181 = tpu.memref_slice %arg4[%mul3A_2, %dma_wait3A_2179, %dma_wait3A_2180] : memref<4096x50x128xf32, #tpu.memory_space<hbm>> -> memref<1x50x128xf32, #tpu.memory_space<hbm>>
      %dma_wait3A_2182 = tpu.memref_squeeze %dma_wait3A_2181 : memref<1x50x128xf32, #tpu.memory_space<hbm>> -> memref<50x128xf32, #tpu.memory_space<hbm>>
      %dma_wait3A_2183 = arith.constant 0 : i32
      %dma_wait3A_2184 = arith.constant 0 : i32
      %dma_wait3A_2185 = tpu.memref_slice %arg4[%mul3A_2, %dma_wait3A_2183, %dma_wait3A_2184] : memref<4096x50x128xf32, #tpu.memory_space<hbm>> -> memref<1x50x128xf32, #tpu.memory_space<hbm>>
      %dma_wait3A_2186 = tpu.memref_squeeze %dma_wait3A_2185 : memref<1x50x128xf32, #tpu.memory_space<hbm>> -> memref<50x128xf32, #tpu.memory_space<hbm>>
      tpu.wait_dma2 semaphore(%arg14 : memref<!tpu.dma_semaphore, #tpu.memory_space<semaphore_mem>>) src(%dma_wait3A_2186 : memref<50x128xf32, #tpu.memory_space<hbm>>) dst(%arg10 : memref<50x128xf32, #tpu.memory_space<vmem>>)
      %dma_wait3A_2187 = arith.constant 0 : i32
      %dma_wait3A_2188 = arith.constant 0 : i32
      %dma_wait3A_2189 = tpu.memref_slice %arg4[%mul3A_2, %dma_wait3A_2187, %dma_wait3A_2188] : memref<4096x50x128xf32, #tpu.memory_space<hbm>> -> memref<1x50x128xf32, #tpu.memory_space<hbm>>
      %dma_wait3A_2190 = tpu.memref_squeeze %dma_wait3A_2189 : memref<1x50x128xf32, #tpu.memory_space<hbm>> -> memref<50x128xf32, #tpu.memory_space<hbm>>
      %dma_wait3A_2191 = arith.constant 0 : i32
      %dma_wait3A_2192 = arith.constant 0 : i32
      %dma_wait3A_2193 = tpu.memref_slice %arg4[%mul3A_2, %dma_wait3A_2191, %dma_wait3A_2192] : memref<4096x50x128xf32, #tpu.memory_space<hbm>> -> memref<1x50x128xf32, #tpu.memory_space<hbm>>
      %dma_wait3A_2194 = tpu.memref_squeeze %dma_wait3A_2193 : memref<1x50x128xf32, #tpu.memory_space<hbm>> -> memref<50x128xf32, #tpu.memory_space<hbm>>
      tpu.wait_dma2 semaphore(%arg14 : memref<!tpu.dma_semaphore, #tpu.memory_space<semaphore_mem>>) src(%dma_wait3A_2194 : memref<50x128xf32, #tpu.memory_space<hbm>>) dst(%arg10 : memref<50x128xf32, #tpu.memory_space<vmem>>)
      %dma_wait3A_2195 = arith.constant 0 : i32
      %dma_wait3A_2196 = arith.constant 0 : i32
      %dma_wait3A_2197 = tpu.memref_slice %arg4[%mul3A_2, %dma_wait3A_2195, %dma_wait3A_2196] : memref<4096x50x128xf32, #tpu.memory_space<hbm>> -> memref<1x50x128xf32, #tpu.memory_space<hbm>>
      %dma_wait3A_2198 = tpu.memref_squeeze %dma_wait3A_2197 : memref<1x50x128xf32, #tpu.memory_space<hbm>> -> memref<50x128xf32, #tpu.memory_space<hbm>>
      %dma_wait3A_2199 = arith.constant 0 : i32
      %dma_wait3A_2200 = arith.constant 0 : i32
      %dma_wait3A_2201 = tpu.memref_slice %arg4[%mul3A_2, %dma_wait3A_2199, %dma_wait3A_2200] : memref<4096x50x128xf32, #tpu.memory_space<hbm>> -> memref<1x50x128xf32, #tpu.memory_space<hbm>>
      %dma_wait3A_2202 = tpu.memref_squeeze %dma_wait3A_2201 : memref<1x50x128xf32, #tpu.memory_space<hbm>> -> memref<50x128xf32, #tpu.memory_space<hbm>>
      tpu.wait_dma2 semaphore(%arg14 : memref<!tpu.dma_semaphore, #tpu.memory_space<semaphore_mem>>) src(%dma_wait3A_2202 : memref<50x128xf32, #tpu.memory_space<hbm>>) dst(%arg10 : memref<50x128xf32, #tpu.memory_space<vmem>>)
      %dma_wait3A_2203 = arith.constant 0 : i32
      %dma_wait3A_2204 = arith.constant 0 : i32
      %dma_wait3A_2205 = tpu.memref_slice %arg4[%mul3A_2, %dma_wait3A_2203, %dma_wait3A_2204] : memref<4096x50x128xf32, #tpu.memory_space<hbm>> -> memref<1x50x128xf32, #tpu.memory_space<hbm>>
      %dma_wait3A_2206 = tpu.memref_squeeze %dma_wait3A_2205 : memref<1x50x128xf32, #tpu.memory_space<hbm>> -> memref<50x128xf32, #tpu.memory_space<hbm>>
      %dma_wait3A_2207 = arith.constant 0 : i32
      %dma_wait3A_2208 = arith.constant 0 : i32
      %dma_wait3A_2209 = tpu.memref_slice %arg4[%mul3A_2, %dma_wait3A_2207, %dma_wait3A_2208] : memref<4096x50x128xf32, #tpu.memory_space<hbm>> -> memref<1x50x128xf32, #tpu.memory_space<hbm>>
      %dma_wait3A_2210 = tpu.memref_squeeze %dma_wait3A_2209 : memref<1x50x128xf32, #tpu.memory_space<hbm>> -> memref<50x128xf32, #tpu.memory_space<hbm>>
      tpu.wait_dma2 semaphore(%arg14 : memref<!tpu.dma_semaphore, #tpu.memory_space<semaphore_mem>>) src(%dma_wait3A_2210 : memref<50x128xf32, #tpu.memory_space<hbm>>) dst(%arg10 : memref<50x128xf32, #tpu.memory_space<vmem>>)
      %dma_wait3A_2211 = arith.constant 0 : i32
      %dma_wait3A_2212 = arith.constant 0 : i32
      %dma_wait3A_2213 = tpu.memref_slice %arg4[%mul3A_2, %dma_wait3A_2211, %dma_wait3A_2212] : memref<4096x50x128xf32, #tpu.memory_space<hbm>> -> memref<1x50x128xf32, #tpu.memory_space<hbm>>
      %dma_wait3A_2214 = tpu.memref_squeeze %dma_wait3A_2213 : memref<1x50x128xf32, #tpu.memory_space<hbm>> -> memref<50x128xf32, #tpu.memory_space<hbm>>
      %dma_wait3A_2215 = arith.constant 0 : i32
      %dma_wait3A_2216 = arith.constant 0 : i32
      %dma_wait3A_2217 = tpu.memref_slice %arg4[%mul3A_2, %dma_wait3A_2215, %dma_wait3A_2216] : memref<4096x50x128xf32, #tpu.memory_space<hbm>> -> memref<1x50x128xf32, #tpu.memory_space<hbm>>
      %dma_wait3A_2218 = tpu.memref_squeeze %dma_wait3A_2217 : memref<1x50x128xf32, #tpu.memory_space<hbm>> -> memref<50x128xf32, #tpu.memory_space<hbm>>
      tpu.wait_dma2 semaphore(%arg14 : memref<!tpu.dma_semaphore, #tpu.memory_space<semaphore_mem>>) src(%dma_wait3A_2218 : memref<50x128xf32, #tpu.memory_space<hbm>>) dst(%arg10 : memref<50x128xf32, #tpu.memory_space<vmem>>)
      %dma_wait3A_2219 = arith.constant 0 : i32
      %dma_wait3A_2220 = arith.constant 0 : i32
      %dma_wait3A_2221 = tpu.memref_slice %arg4[%mul3A_2, %dma_wait3A_2219, %dma_wait3A_2220] : memref<4096x50x128xf32, #tpu.memory_space<hbm>> -> memref<1x50x128xf32, #tpu.memory_space<hbm>>
      %dma_wait3A_2222 = tpu.memref_squeeze %dma_wait3A_2221 : memref<1x50x128xf32, #tpu.memory_space<hbm>> -> memref<50x128xf32, #tpu.memory_space<hbm>>
      %dma_wait3A_2223 = arith.constant 0 : i32
      %dma_wait3A_2224 = arith.constant 0 : i32
      %dma_wait3A_2225 = tpu.memref_slice %arg4[%mul3A_2, %dma_wait3A_2223, %dma_wait3A_2224] : memref<4096x50x128xf32, #tpu.memory_space<hbm>> -> memref<1x50x128xf32, #tpu.memory_space<hbm>>
      %dma_wait3A_2226 = tpu.memref_squeeze %dma_wait3A_2225 : memref<1x50x128xf32, #tpu.memory_space<hbm>> -> memref<50x128xf32, #tpu.memory_space<hbm>>
      tpu.wait_dma2 semaphore(%arg14 : memref<!tpu.dma_semaphore, #tpu.memory_space<semaphore_mem>>) src(%dma_wait3A_2226 : memref<50x128xf32, #tpu.memory_space<hbm>>) dst(%arg10 : memref<50x128xf32, #tpu.memory_space<vmem>>)
      %dma_wait3A_2227 = arith.constant 0 : i32
      %dma_wait3A_2228 = arith.constant 0 : i32
      %dma_wait3A_2229 = tpu.memref_slice %arg4[%mul3A_2, %dma_wait3A_2227, %dma_wait3A_2228] : memref<4096x50x128xf32, #tpu.memory_space<hbm>> -> memref<1x50x128xf32, #tpu.memory_space<hbm>>
      %dma_wait3A_2230 = tpu.memref_squeeze %dma_wait3A_2229 : memref<1x50x128xf32, #tpu.memory_space<hbm>> -> memref<50x128xf32, #tpu.memory_space<hbm>>
      %dma_wait3A_2231 = arith.constant 0 : i32
      %dma_wait3A_2232 = arith.constant 0 : i32
      %dma_wait3A_2233 = tpu.memref_slice %arg4[%mul3A_2, %dma_wait3A_2231, %dma_wait3A_2232] : memref<4096x50x128xf32, #tpu.memory_space<hbm>> -> memref<1x50x128xf32, #tpu.memory_space<hbm>>
      %dma_wait3A_2234 = tpu.memref_squeeze %dma_wait3A_2233 : memref<1x50x128xf32, #tpu.memory_space<hbm>> -> memref<50x128xf32, #tpu.memory_space<hbm>>
      tpu.wait_dma2 semaphore(%arg14 : memref<!tpu.dma_semaphore, #tpu.memory_space<semaphore_mem>>) src(%dma_wait3A_2234 : memref<50x128xf32, #tpu.memory_space<hbm>>) dst(%arg10 : memref<50x128xf32, #tpu.memory_space<vmem>>)
      %dma_wait3A_2235 = arith.constant 0 : i32
      %dma_wait3A_2236 = arith.constant 0 : i32
      %dma_wait3A_2237 = tpu.memref_slice %arg4[%mul3A_2, %dma_wait3A_2235, %dma_wait3A_2236] : memref<4096x50x128xf32, #tpu.memory_space<hbm>> -> memref<1x50x128xf32, #tpu.memory_space<hbm>>
      %dma_wait3A_2238 = tpu.memref_squeeze %dma_wait3A_2237 : memref<1x50x128xf32, #tpu.memory_space<hbm>> -> memref<50x128xf32, #tpu.memory_space<hbm>>
      %dma_wait3A_2239 = arith.constant 0 : i32
      %dma_wait3A_2240 = arith.constant 0 : i32
      %dma_wait3A_2241 = tpu.memref_slice %arg4[%mul3A_2, %dma_wait3A_2239, %dma_wait3A_2240] : memref<4096x50x128xf32, #tpu.memory_space<hbm>> -> memref<1x50x128xf32, #tpu.memory_space<hbm>>
      %dma_wait3A_2242 = tpu.memref_squeeze %dma_wait3A_2241 : memref<1x50x128xf32, #tpu.memory_space<hbm>> -> memref<50x128xf32, #tpu.memory_space<hbm>>
      tpu.wait_dma2 semaphore(%arg14 : memref<!tpu.dma_semaphore, #tpu.memory_space<semaphore_mem>>) src(%dma_wait3A_2242 : memref<50x128xf32, #tpu.memory_space<hbm>>) dst(%arg10 : memref<50x128xf32, #tpu.memory_space<vmem>>)
      %dma_wait3A_2243 = arith.constant 0 : i32
      %dma_wait3A_2244 = arith.constant 0 : i32
      %dma_wait3A_2245 = tpu.memref_slice %arg4[%mul3A_2, %dma_wait3A_2243, %dma_wait3A_2244] : memref<4096x50x128xf32, #tpu.memory_space<hbm>> -> memref<1x50x128xf32, #tpu.memory_space<hbm>>
      %dma_wait3A_2246 = tpu.memref_squeeze %dma_wait3A_2245 : memref<1x50x128xf32, #tpu.memory_space<hbm>> -> memref<50x128xf32, #tpu.memory_space<hbm>>
      %dma_wait3A_2247 = arith.constant 0 : i32
      %dma_wait3A_2248 = arith.constant 0 : i32
      %dma_wait3A_2249 = tpu.memref_slice %arg4[%mul3A_2, %dma_wait3A_2247, %dma_wait3A_2248] : memref<4096x50x128xf32, #tpu.memory_space<hbm>> -> memref<1x50x128xf32, #tpu.memory_space<hbm>>
      %dma_wait3A_2250 = tpu.memref_squeeze %dma_wait3A_2249 : memref<1x50x128xf32, #tpu.memory_space<hbm>> -> memref<50x128xf32, #tpu.memory_space<hbm>>
      tpu.wait_dma2 semaphore(%arg14 : memref<!tpu.dma_semaphore, #tpu.memory_space<semaphore_mem>>) src(%dma_wait3A_2250 : memref<50x128xf32, #tpu.memory_space<hbm>>) dst(%arg10 : memref<50x128xf32, #tpu.memory_space<vmem>>)
      %sub3A_2251 = arith.constant 2 : i32
      %sub3A_2252 = arith.subi %add3A_2084, %sub3A_2251 : i32
      %dma_start3A_2253 = arith.constant 0 : i32
      %dma_start3A_2254 = arith.constant 0 : i32
      %dma_start3A_2255 = tpu.memref_slice %arg4[%sub3A_2252, %dma_start3A_2253, %dma_start3A_2254] : memref<4096x50x128xf32, #tpu.memory_space<hbm>> -> memref<1x50x128xf32, #tpu.memory_space<hbm>>
      %dma_start3A_2256 = tpu.memref_squeeze %dma_start3A_2255 : memref<1x50x128xf32, #tpu.memory_space<hbm>> -> memref<50x128xf32, #tpu.memory_space<hbm>>
      %dma_start3A_2257 = arith.constant 0 : i32
      %dma_start3A_2258 = arith.constant 0 : i32
      %dma_start3A_2259 = tpu.memref_slice %arg4[%sub3A_2252, %dma_start3A_2257, %dma_start3A_2258] : memref<4096x50x128xf32, #tpu.memory_space<hbm>> -> memref<1x50x128xf32, #tpu.memory_space<hbm>>
      %dma_start3A_2260 = tpu.memref_squeeze %dma_start3A_2259 : memref<1x50x128xf32, #tpu.memory_space<hbm>> -> memref<50x128xf32, #tpu.memory_space<hbm>>
      tpu.enqueue_dma source(%arg10 : memref<50x128xf32, #tpu.memory_space<vmem>>) target(%dma_start3A_2260 : memref<50x128xf32, #tpu.memory_space<hbm>>) target_semaphore(%arg22 : memref<!tpu.dma_semaphore, #tpu.memory_space<semaphore_mem>>)
      %add3A_2261 = arith.constant 2 : i32
      %add3A_2262 = arith.addi %add3A_2084, %add3A_2261 : i32
      %dma_start3A_2263 = arith.constant 0 : i32
      %dma_start3A_2264 = arith.constant 0 : i32
      %dma_start3A_2265 = tpu.memref_slice %arg2[%add3A_2262, %dma_start3A_2263, %dma_start3A_2264] : memref<4096x10x50xi32, #tpu.memory_space<hbm>> -> memref<1x10x50xi32, #tpu.memory_space<hbm>>
      %dma_start3A_2266 = tpu.memref_squeeze %dma_start3A_2265 : memref<1x10x50xi32, #tpu.memory_space<hbm>> -> memref<10x50xi32, #tpu.memory_space<hbm>>
      %dma_start3A_2267 = arith.constant 0 : i32
      %dma_start3A_2268 = arith.constant 0 : i32
      %dma_start3A_2269 = tpu.memref_slice %arg2[%add3A_2262, %dma_start3A_2267, %dma_start3A_2268] : memref<4096x10x50xi32, #tpu.memory_space<hbm>> -> memref<1x10x50xi32, #tpu.memory_space<hbm>>
      %dma_start3A_2270 = tpu.memref_squeeze %dma_start3A_2269 : memref<1x10x50xi32, #tpu.memory_space<hbm>> -> memref<10x50xi32, #tpu.memory_space<hbm>>
      tpu.enqueue_dma source(%dma_start3A_2270 : memref<10x50xi32, #tpu.memory_space<hbm>>) target(%arg6 : memref<10x50xi32, #tpu.memory_space<vmem>>) target_semaphore(%arg18 : memref<!tpu.dma_semaphore, #tpu.memory_space<semaphore_mem>>)
    }
    %scan3A_509 = arith.constant 30 : i32
    %add3A_510 = arith.constant 124 : i32
    %add3A_511 = arith.addi %mul3A_2, %add3A_510 : i32
    %dma_wait3A_512 = arith.constant 0 : i32
    %dma_wait3A_513 = arith.constant 0 : i32
    %dma_wait3A_514 = tpu.memref_slice %arg2[%mul3A_2, %dma_wait3A_512, %dma_wait3A_513] : memref<4096x10x50xi32, #tpu.memory_space<hbm>> -> memref<1x10x50xi32, #tpu.memory_space<hbm>>
    %dma_wait3A_515 = tpu.memref_squeeze %dma_wait3A_514 : memref<1x10x50xi32, #tpu.memory_space<hbm>> -> memref<10x50xi32, #tpu.memory_space<hbm>>
    %dma_wait3A_516 = arith.constant 0 : i32
    %dma_wait3A_517 = arith.constant 0 : i32
    %dma_wait3A_518 = tpu.memref_slice %arg2[%mul3A_2, %dma_wait3A_516, %dma_wait3A_517] : memref<4096x10x50xi32, #tpu.memory_space<hbm>> -> memref<1x10x50xi32, #tpu.memory_space<hbm>>
    %dma_wait3A_519 = tpu.memref_squeeze %dma_wait3A_518 : memref<1x10x50xi32, #tpu.memory_space<hbm>> -> memref<10x50xi32, #tpu.memory_space<hbm>>
    tpu.wait_dma2 semaphore(%arg17 : memref<!tpu.dma_semaphore, #tpu.memory_space<semaphore_mem>>) src(%dma_wait3A_519 : memref<10x50xi32, #tpu.memory_space<hbm>>) dst(%arg5 : memref<10x50xi32, #tpu.memory_space<vmem>>)
    %dma_wait3A_520 = arith.constant 0 : i32
    %dma_wait3A_521 = arith.constant 0 : i32
    %dma_wait3A_522 = tpu.memref_slice %arg4[%mul3A_2, %dma_wait3A_520, %dma_wait3A_521] : memref<4096x50x128xf32, #tpu.memory_space<hbm>> -> memref<1x50x128xf32, #tpu.memory_space<hbm>>
    %dma_wait3A_523 = tpu.memref_squeeze %dma_wait3A_522 : memref<1x50x128xf32, #tpu.memory_space<hbm>> -> memref<50x128xf32, #tpu.memory_space<hbm>>
    %dma_wait3A_524 = arith.constant 0 : i32
    %dma_wait3A_525 = arith.constant 0 : i32
    %dma_wait3A_526 = tpu.memref_slice %arg4[%mul3A_2, %dma_wait3A_524, %dma_wait3A_525] : memref<4096x50x128xf32, #tpu.memory_space<hbm>> -> memref<1x50x128xf32, #tpu.memory_space<hbm>>
    %dma_wait3A_527 = tpu.memref_squeeze %dma_wait3A_526 : memref<1x50x128xf32, #tpu.memory_space<hbm>> -> memref<50x128xf32, #tpu.memory_space<hbm>>
    tpu.wait_dma2 semaphore(%arg21 : memref<!tpu.dma_semaphore, #tpu.memory_space<semaphore_mem>>) src(%dma_wait3A_527 : memref<50x128xf32, #tpu.memory_space<hbm>>) dst(%arg9 : memref<50x128xf32, #tpu.memory_space<vmem>>)
    %dma_start3A_528 = arith.constant 0 : i32
    %dma_start3A_529 = arith.constant 0 : i32
    %dma_start3A_530 = tpu.memref_slice %arg5[%dma_start3A_528, %dma_start3A_529] : memref<10x50xi32, #tpu.memory_space<vmem>> -> memref<1x50xi32, #tpu.memory_space<vmem>>
    %dma_start3A_531 = tpu.memref_squeeze %dma_start3A_530 : memref<1x50xi32, #tpu.memory_space<vmem>> -> memref<50xi32, #tpu.memory_space<vmem>>
    %dma_start3A_532 = arith.constant 0 : i32
    %dma_start3A_533 = arith.constant 0 : i32
    %dma_start3A_534 = tpu.memref_slice %arg3[%dma_start3A_532, %dma_start3A_533] : memref<10000x128xf32, #tpu.memory_space<hbm>> -> memref<10000x128xf32, #tpu.memory_space<hbm>>
    tpu.enqueue_indirect_dma source(%dma_start3A_534 : memref<10000x128xf32, #tpu.memory_space<hbm>>) target(%arg9 : memref<50x128xf32, #tpu.memory_space<vmem>>) offsets(%dma_start3A_531 : memref<50xi32, #tpu.memory_space<vmem>>) semaphore(%arg13 : memref<!tpu.dma_semaphore, #tpu.memory_space<semaphore_mem>>)
    %dma_wait3A_535 = arith.constant 0 : i32
    %dma_wait3A_536 = arith.constant 0 : i32
    %dma_wait3A_537 = tpu.memref_slice %arg4[%mul3A_2, %dma_wait3A_535, %dma_wait3A_536] : memref<4096x50x128xf32, #tpu.memory_space<hbm>> -> memref<1x50x128xf32, #tpu.memory_space<hbm>>
    %dma_wait3A_538 = tpu.memref_squeeze %dma_wait3A_537 : memref<1x50x128xf32, #tpu.memory_space<hbm>> -> memref<50x128xf32, #tpu.memory_space<hbm>>
    %dma_wait3A_539 = arith.constant 0 : i32
    %dma_wait3A_540 = arith.constant 0 : i32
    %dma_wait3A_541 = tpu.memref_slice %arg4[%mul3A_2, %dma_wait3A_539, %dma_wait3A_540] : memref<4096x50x128xf32, #tpu.memory_space<hbm>> -> memref<1x50x128xf32, #tpu.memory_space<hbm>>
    %dma_wait3A_542 = tpu.memref_squeeze %dma_wait3A_541 : memref<1x50x128xf32, #tpu.memory_space<hbm>> -> memref<50x128xf32, #tpu.memory_space<hbm>>
    tpu.wait_dma2 semaphore(%arg16 : memref<!tpu.dma_semaphore, #tpu.memory_space<semaphore_mem>>) src(%dma_wait3A_542 : memref<50x128xf32, #tpu.memory_space<hbm>>) dst(%arg12 : memref<50x128xf32, #tpu.memory_space<vmem>>)
    %dma_start3A_543 = arith.constant 1 : i32
    %dma_start3A_544 = arith.constant 0 : i32
    %dma_start3A_545 = tpu.memref_slice %arg8[%dma_start3A_543, %dma_start3A_544] : memref<10x50xi32, #tpu.memory_space<vmem>> -> memref<1x50xi32, #tpu.memory_space<vmem>>
    %dma_start3A_546 = tpu.memref_squeeze %dma_start3A_545 : memref<1x50xi32, #tpu.memory_space<vmem>> -> memref<50xi32, #tpu.memory_space<vmem>>
    %dma_start3A_547 = arith.constant 0 : i32
    %dma_start3A_548 = arith.constant 0 : i32
    %dma_start3A_549 = tpu.memref_slice %arg3[%dma_start3A_547, %dma_start3A_548] : memref<10000x128xf32, #tpu.memory_space<hbm>> -> memref<10000x128xf32, #tpu.memory_space<hbm>>
    tpu.enqueue_indirect_dma source(%dma_start3A_549 : memref<10000x128xf32, #tpu.memory_space<hbm>>) target(%arg12 : memref<50x128xf32, #tpu.memory_space<vmem>>) offsets(%dma_start3A_546 : memref<50xi32, #tpu.memory_space<vmem>>) semaphore(%arg16 : memref<!tpu.dma_semaphore, #tpu.memory_space<semaphore_mem>>) {add = true}
    %dma_start3A_550 = arith.constant 2 : i32
    %dma_start3A_551 = arith.constant 0 : i32
    %dma_start3A_552 = tpu.memref_slice %arg8[%dma_start3A_550, %dma_start3A_551] : memref<10x50xi32, #tpu.memory_space<vmem>> -> memref<1x50xi32, #tpu.memory_space<vmem>>
    %dma_start3A_553 = tpu.memref_squeeze %dma_start3A_552 : memref<1x50xi32, #tpu.memory_space<vmem>> -> memref<50xi32, #tpu.memory_space<vmem>>
    %dma_start3A_554 = arith.constant 0 : i32
    %dma_start3A_555 = arith.constant 0 : i32
    %dma_start3A_556 = tpu.memref_slice %arg3[%dma_start3A_554, %dma_start3A_555] : memref<10000x128xf32, #tpu.memory_space<hbm>> -> memref<10000x128xf32, #tpu.memory_space<hbm>>
    tpu.enqueue_indirect_dma source(%dma_start3A_556 : memref<10000x128xf32, #tpu.memory_space<hbm>>) target(%arg12 : memref<50x128xf32, #tpu.memory_space<vmem>>) offsets(%dma_start3A_553 : memref<50xi32, #tpu.memory_space<vmem>>) semaphore(%arg16 : memref<!tpu.dma_semaphore, #tpu.memory_space<semaphore_mem>>) {add = true}
    %dma_start3A_557 = arith.constant 3 : i32
    %dma_start3A_558 = arith.constant 0 : i32
    %dma_start3A_559 = tpu.memref_slice %arg8[%dma_start3A_557, %dma_start3A_558] : memref<10x50xi32, #tpu.memory_space<vmem>> -> memref<1x50xi32, #tpu.memory_space<vmem>>
    %dma_start3A_560 = tpu.memref_squeeze %dma_start3A_559 : memref<1x50xi32, #tpu.memory_space<vmem>> -> memref<50xi32, #tpu.memory_space<vmem>>
    %dma_start3A_561 = arith.constant 0 : i32
    %dma_start3A_562 = arith.constant 0 : i32
    %dma_start3A_563 = tpu.memref_slice %arg3[%dma_start3A_561, %dma_start3A_562] : memref<10000x128xf32, #tpu.memory_space<hbm>> -> memref<10000x128xf32, #tpu.memory_space<hbm>>
    tpu.enqueue_indirect_dma source(%dma_start3A_563 : memref<10000x128xf32, #tpu.memory_space<hbm>>) target(%arg12 : memref<50x128xf32, #tpu.memory_space<vmem>>) offsets(%dma_start3A_560 : memref<50xi32, #tpu.memory_space<vmem>>) semaphore(%arg16 : memref<!tpu.dma_semaphore, #tpu.memory_space<semaphore_mem>>) {add = true}
    %dma_start3A_564 = arith.constant 4 : i32
    %dma_start3A_565 = arith.constant 0 : i32
    %dma_start3A_566 = tpu.memref_slice %arg8[%dma_start3A_564, %dma_start3A_565] : memref<10x50xi32, #tpu.memory_space<vmem>> -> memref<1x50xi32, #tpu.memory_space<vmem>>
    %dma_start3A_567 = tpu.memref_squeeze %dma_start3A_566 : memref<1x50xi32, #tpu.memory_space<vmem>> -> memref<50xi32, #tpu.memory_space<vmem>>
    %dma_start3A_568 = arith.constant 0 : i32
    %dma_start3A_569 = arith.constant 0 : i32
    %dma_start3A_570 = tpu.memref_slice %arg3[%dma_start3A_568, %dma_start3A_569] : memref<10000x128xf32, #tpu.memory_space<hbm>> -> memref<10000x128xf32, #tpu.memory_space<hbm>>
    tpu.enqueue_indirect_dma source(%dma_start3A_570 : memref<10000x128xf32, #tpu.memory_space<hbm>>) target(%arg12 : memref<50x128xf32, #tpu.memory_space<vmem>>) offsets(%dma_start3A_567 : memref<50xi32, #tpu.memory_space<vmem>>) semaphore(%arg16 : memref<!tpu.dma_semaphore, #tpu.memory_space<semaphore_mem>>) {add = true}
    %dma_start3A_571 = arith.constant 5 : i32
    %dma_start3A_572 = arith.constant 0 : i32
    %dma_start3A_573 = tpu.memref_slice %arg8[%dma_start3A_571, %dma_start3A_572] : memref<10x50xi32, #tpu.memory_space<vmem>> -> memref<1x50xi32, #tpu.memory_space<vmem>>
    %dma_start3A_574 = tpu.memref_squeeze %dma_start3A_573 : memref<1x50xi32, #tpu.memory_space<vmem>> -> memref<50xi32, #tpu.memory_space<vmem>>
    %dma_start3A_575 = arith.constant 0 : i32
    %dma_start3A_576 = arith.constant 0 : i32
    %dma_start3A_577 = tpu.memref_slice %arg3[%dma_start3A_575, %dma_start3A_576] : memref<10000x128xf32, #tpu.memory_space<hbm>> -> memref<10000x128xf32, #tpu.memory_space<hbm>>
    tpu.enqueue_indirect_dma source(%dma_start3A_577 : memref<10000x128xf32, #tpu.memory_space<hbm>>) target(%arg12 : memref<50x128xf32, #tpu.memory_space<vmem>>) offsets(%dma_start3A_574 : memref<50xi32, #tpu.memory_space<vmem>>) semaphore(%arg16 : memref<!tpu.dma_semaphore, #tpu.memory_space<semaphore_mem>>) {add = true}
    %dma_start3A_578 = arith.constant 6 : i32
    %dma_start3A_579 = arith.constant 0 : i32
    %dma_start3A_580 = tpu.memref_slice %arg8[%dma_start3A_578, %dma_start3A_579] : memref<10x50xi32, #tpu.memory_space<vmem>> -> memref<1x50xi32, #tpu.memory_space<vmem>>
    %dma_start3A_581 = tpu.memref_squeeze %dma_start3A_580 : memref<1x50xi32, #tpu.memory_space<vmem>> -> memref<50xi32, #tpu.memory_space<vmem>>
    %dma_start3A_582 = arith.constant 0 : i32
    %dma_start3A_583 = arith.constant 0 : i32
    %dma_start3A_584 = tpu.memref_slice %arg3[%dma_start3A_582, %dma_start3A_583] : memref<10000x128xf32, #tpu.memory_space<hbm>> -> memref<10000x128xf32, #tpu.memory_space<hbm>>
    tpu.enqueue_indirect_dma source(%dma_start3A_584 : memref<10000x128xf32, #tpu.memory_space<hbm>>) target(%arg12 : memref<50x128xf32, #tpu.memory_space<vmem>>) offsets(%dma_start3A_581 : memref<50xi32, #tpu.memory_space<vmem>>) semaphore(%arg16 : memref<!tpu.dma_semaphore, #tpu.memory_space<semaphore_mem>>) {add = true}
    %dma_start3A_585 = arith.constant 7 : i32
    %dma_start3A_586 = arith.constant 0 : i32
    %dma_start3A_587 = tpu.memref_slice %arg8[%dma_start3A_585, %dma_start3A_586] : memref<10x50xi32, #tpu.memory_space<vmem>> -> memref<1x50xi32, #tpu.memory_space<vmem>>
    %dma_start3A_588 = tpu.memref_squeeze %dma_start3A_587 : memref<1x50xi32, #tpu.memory_space<vmem>> -> memref<50xi32, #tpu.memory_space<vmem>>
    %dma_start3A_589 = arith.constant 0 : i32
    %dma_start3A_590 = arith.constant 0 : i32
    %dma_start3A_591 = tpu.memref_slice %arg3[%dma_start3A_589, %dma_start3A_590] : memref<10000x128xf32, #tpu.memory_space<hbm>> -> memref<10000x128xf32, #tpu.memory_space<hbm>>
    tpu.enqueue_indirect_dma source(%dma_start3A_591 : memref<10000x128xf32, #tpu.memory_space<hbm>>) target(%arg12 : memref<50x128xf32, #tpu.memory_space<vmem>>) offsets(%dma_start3A_588 : memref<50xi32, #tpu.memory_space<vmem>>) semaphore(%arg16 : memref<!tpu.dma_semaphore, #tpu.memory_space<semaphore_mem>>) {add = true}
    %dma_start3A_592 = arith.constant 8 : i32
    %dma_start3A_593 = arith.constant 0 : i32
    %dma_start3A_594 = tpu.memref_slice %arg8[%dma_start3A_592, %dma_start3A_593] : memref<10x50xi32, #tpu.memory_space<vmem>> -> memref<1x50xi32, #tpu.memory_space<vmem>>
    %dma_start3A_595 = tpu.memref_squeeze %dma_start3A_594 : memref<1x50xi32, #tpu.memory_space<vmem>> -> memref<50xi32, #tpu.memory_space<vmem>>
    %dma_start3A_596 = arith.constant 0 : i32
    %dma_start3A_597 = arith.constant 0 : i32
    %dma_start3A_598 = tpu.memref_slice %arg3[%dma_start3A_596, %dma_start3A_597] : memref<10000x128xf32, #tpu.memory_space<hbm>> -> memref<10000x128xf32, #tpu.memory_space<hbm>>
    tpu.enqueue_indirect_dma source(%dma_start3A_598 : memref<10000x128xf32, #tpu.memory_space<hbm>>) target(%arg12 : memref<50x128xf32, #tpu.memory_space<vmem>>) offsets(%dma_start3A_595 : memref<50xi32, #tpu.memory_space<vmem>>) semaphore(%arg16 : memref<!tpu.dma_semaphore, #tpu.memory_space<semaphore_mem>>) {add = true}
    %dma_start3A_599 = arith.constant 9 : i32
    %dma_start3A_600 = arith.constant 0 : i32
    %dma_start3A_601 = tpu.memref_slice %arg8[%dma_start3A_599, %dma_start3A_600] : memref<10x50xi32, #tpu.memory_space<vmem>> -> memref<1x50xi32, #tpu.memory_space<vmem>>
    %dma_start3A_602 = tpu.memref_squeeze %dma_start3A_601 : memref<1x50xi32, #tpu.memory_space<vmem>> -> memref<50xi32, #tpu.memory_space<vmem>>
    %dma_start3A_603 = arith.constant 0 : i32
    %dma_start3A_604 = arith.constant 0 : i32
    %dma_start3A_605 = tpu.memref_slice %arg3[%dma_start3A_603, %dma_start3A_604] : memref<10000x128xf32, #tpu.memory_space<hbm>> -> memref<10000x128xf32, #tpu.memory_space<hbm>>
    tpu.enqueue_indirect_dma source(%dma_start3A_605 : memref<10000x128xf32, #tpu.memory_space<hbm>>) target(%arg12 : memref<50x128xf32, #tpu.memory_space<vmem>>) offsets(%dma_start3A_602 : memref<50xi32, #tpu.memory_space<vmem>>) semaphore(%arg16 : memref<!tpu.dma_semaphore, #tpu.memory_space<semaphore_mem>>) {add = true}
    %dma_wait3A_606 = arith.constant 0 : i32
    %dma_wait3A_607 = arith.constant 0 : i32
    %dma_wait3A_608 = tpu.memref_slice %arg4[%mul3A_2, %dma_wait3A_606, %dma_wait3A_607] : memref<4096x50x128xf32, #tpu.memory_space<hbm>> -> memref<1x50x128xf32, #tpu.memory_space<hbm>>
    %dma_wait3A_609 = tpu.memref_squeeze %dma_wait3A_608 : memref<1x50x128xf32, #tpu.memory_space<hbm>> -> memref<50x128xf32, #tpu.memory_space<hbm>>
    %dma_wait3A_610 = arith.constant 0 : i32
    %dma_wait3A_611 = arith.constant 0 : i32
    %dma_wait3A_612 = tpu.memref_slice %arg4[%mul3A_2, %dma_wait3A_610, %dma_wait3A_611] : memref<4096x50x128xf32, #tpu.memory_space<hbm>> -> memref<1x50x128xf32, #tpu.memory_space<hbm>>
    %dma_wait3A_613 = tpu.memref_squeeze %dma_wait3A_612 : memref<1x50x128xf32, #tpu.memory_space<hbm>> -> memref<50x128xf32, #tpu.memory_space<hbm>>
    tpu.wait_dma2 semaphore(%arg15 : memref<!tpu.dma_semaphore, #tpu.memory_space<semaphore_mem>>) src(%dma_wait3A_613 : memref<50x128xf32, #tpu.memory_space<hbm>>) dst(%arg11 : memref<50x128xf32, #tpu.memory_space<vmem>>)
    %dma_wait3A_614 = arith.constant 0 : i32
    %dma_wait3A_615 = arith.constant 0 : i32
    %dma_wait3A_616 = tpu.memref_slice %arg4[%mul3A_2, %dma_wait3A_614, %dma_wait3A_615] : memref<4096x50x128xf32, #tpu.memory_space<hbm>> -> memref<1x50x128xf32, #tpu.memory_space<hbm>>
    %dma_wait3A_617 = tpu.memref_squeeze %dma_wait3A_616 : memref<1x50x128xf32, #tpu.memory_space<hbm>> -> memref<50x128xf32, #tpu.memory_space<hbm>>
    %dma_wait3A_618 = arith.constant 0 : i32
    %dma_wait3A_619 = arith.constant 0 : i32
    %dma_wait3A_620 = tpu.memref_slice %arg4[%mul3A_2, %dma_wait3A_618, %dma_wait3A_619] : memref<4096x50x128xf32, #tpu.memory_space<hbm>> -> memref<1x50x128xf32, #tpu.memory_space<hbm>>
    %dma_wait3A_621 = tpu.memref_squeeze %dma_wait3A_620 : memref<1x50x128xf32, #tpu.memory_space<hbm>> -> memref<50x128xf32, #tpu.memory_space<hbm>>
    tpu.wait_dma2 semaphore(%arg15 : memref<!tpu.dma_semaphore, #tpu.memory_space<semaphore_mem>>) src(%dma_wait3A_621 : memref<50x128xf32, #tpu.memory_space<hbm>>) dst(%arg11 : memref<50x128xf32, #tpu.memory_space<vmem>>)
    %dma_wait3A_622 = arith.constant 0 : i32
    %dma_wait3A_623 = arith.constant 0 : i32
    %dma_wait3A_624 = tpu.memref_slice %arg4[%mul3A_2, %dma_wait3A_622, %dma_wait3A_623] : memref<4096x50x128xf32, #tpu.memory_space<hbm>> -> memref<1x50x128xf32, #tpu.memory_space<hbm>>
    %dma_wait3A_625 = tpu.memref_squeeze %dma_wait3A_624 : memref<1x50x128xf32, #tpu.memory_space<hbm>> -> memref<50x128xf32, #tpu.memory_space<hbm>>
    %dma_wait3A_626 = arith.constant 0 : i32
    %dma_wait3A_627 = arith.constant 0 : i32
    %dma_wait3A_628 = tpu.memref_slice %arg4[%mul3A_2, %dma_wait3A_626, %dma_wait3A_627] : memref<4096x50x128xf32, #tpu.memory_space<hbm>> -> memref<1x50x128xf32, #tpu.memory_space<hbm>>
    %dma_wait3A_629 = tpu.memref_squeeze %dma_wait3A_628 : memref<1x50x128xf32, #tpu.memory_space<hbm>> -> memref<50x128xf32, #tpu.memory_space<hbm>>
    tpu.wait_dma2 semaphore(%arg15 : memref<!tpu.dma_semaphore, #tpu.memory_space<semaphore_mem>>) src(%dma_wait3A_629 : memref<50x128xf32, #tpu.memory_space<hbm>>) dst(%arg11 : memref<50x128xf32, #tpu.memory_space<vmem>>)
    %dma_wait3A_630 = arith.constant 0 : i32
    %dma_wait3A_631 = arith.constant 0 : i32
    %dma_wait3A_632 = tpu.memref_slice %arg4[%mul3A_2, %dma_wait3A_630, %dma_wait3A_631] : memref<4096x50x128xf32, #tpu.memory_space<hbm>> -> memref<1x50x128xf32, #tpu.memory_space<hbm>>
    %dma_wait3A_633 = tpu.memref_squeeze %dma_wait3A_632 : memref<1x50x128xf32, #tpu.memory_space<hbm>> -> memref<50x128xf32, #tpu.memory_space<hbm>>
    %dma_wait3A_634 = arith.constant 0 : i32
    %dma_wait3A_635 = arith.constant 0 : i32
    %dma_wait3A_636 = tpu.memref_slice %arg4[%mul3A_2, %dma_wait3A_634, %dma_wait3A_635] : memref<4096x50x128xf32, #tpu.memory_space<hbm>> -> memref<1x50x128xf32, #tpu.memory_space<hbm>>
    %dma_wait3A_637 = tpu.memref_squeeze %dma_wait3A_636 : memref<1x50x128xf32, #tpu.memory_space<hbm>> -> memref<50x128xf32, #tpu.memory_space<hbm>>
    tpu.wait_dma2 semaphore(%arg15 : memref<!tpu.dma_semaphore, #tpu.memory_space<semaphore_mem>>) src(%dma_wait3A_637 : memref<50x128xf32, #tpu.memory_space<hbm>>) dst(%arg11 : memref<50x128xf32, #tpu.memory_space<vmem>>)
    %dma_wait3A_638 = arith.constant 0 : i32
    %dma_wait3A_639 = arith.constant 0 : i32
    %dma_wait3A_640 = tpu.memref_slice %arg4[%mul3A_2, %dma_wait3A_638, %dma_wait3A_639] : memref<4096x50x128xf32, #tpu.memory_space<hbm>> -> memref<1x50x128xf32, #tpu.memory_space<hbm>>
    %dma_wait3A_641 = tpu.memref_squeeze %dma_wait3A_640 : memref<1x50x128xf32, #tpu.memory_space<hbm>> -> memref<50x128xf32, #tpu.memory_space<hbm>>
    %dma_wait3A_642 = arith.constant 0 : i32
    %dma_wait3A_643 = arith.constant 0 : i32
    %dma_wait3A_644 = tpu.memref_slice %arg4[%mul3A_2, %dma_wait3A_642, %dma_wait3A_643] : memref<4096x50x128xf32, #tpu.memory_space<hbm>> -> memref<1x50x128xf32, #tpu.memory_space<hbm>>
    %dma_wait3A_645 = tpu.memref_squeeze %dma_wait3A_644 : memref<1x50x128xf32, #tpu.memory_space<hbm>> -> memref<50x128xf32, #tpu.memory_space<hbm>>
    tpu.wait_dma2 semaphore(%arg15 : memref<!tpu.dma_semaphore, #tpu.memory_space<semaphore_mem>>) src(%dma_wait3A_645 : memref<50x128xf32, #tpu.memory_space<hbm>>) dst(%arg11 : memref<50x128xf32, #tpu.memory_space<vmem>>)
    %dma_wait3A_646 = arith.constant 0 : i32
    %dma_wait3A_647 = arith.constant 0 : i32
    %dma_wait3A_648 = tpu.memref_slice %arg4[%mul3A_2, %dma_wait3A_646, %dma_wait3A_647] : memref<4096x50x128xf32, #tpu.memory_space<hbm>> -> memref<1x50x128xf32, #tpu.memory_space<hbm>>
    %dma_wait3A_649 = tpu.memref_squeeze %dma_wait3A_648 : memref<1x50x128xf32, #tpu.memory_space<hbm>> -> memref<50x128xf32, #tpu.memory_space<hbm>>
    %dma_wait3A_650 = arith.constant 0 : i32
    %dma_wait3A_651 = arith.constant 0 : i32
    %dma_wait3A_652 = tpu.memref_slice %arg4[%mul3A_2, %dma_wait3A_650, %dma_wait3A_651] : memref<4096x50x128xf32, #tpu.memory_space<hbm>> -> memref<1x50x128xf32, #tpu.memory_space<hbm>>
    %dma_wait3A_653 = tpu.memref_squeeze %dma_wait3A_652 : memref<1x50x128xf32, #tpu.memory_space<hbm>> -> memref<50x128xf32, #tpu.memory_space<hbm>>
    tpu.wait_dma2 semaphore(%arg15 : memref<!tpu.dma_semaphore, #tpu.memory_space<semaphore_mem>>) src(%dma_wait3A_653 : memref<50x128xf32, #tpu.memory_space<hbm>>) dst(%arg11 : memref<50x128xf32, #tpu.memory_space<vmem>>)
    %dma_wait3A_654 = arith.constant 0 : i32
    %dma_wait3A_655 = arith.constant 0 : i32
    %dma_wait3A_656 = tpu.memref_slice %arg4[%mul3A_2, %dma_wait3A_654, %dma_wait3A_655] : memref<4096x50x128xf32, #tpu.memory_space<hbm>> -> memref<1x50x128xf32, #tpu.memory_space<hbm>>
    %dma_wait3A_657 = tpu.memref_squeeze %dma_wait3A_656 : memref<1x50x128xf32, #tpu.memory_space<hbm>> -> memref<50x128xf32, #tpu.memory_space<hbm>>
    %dma_wait3A_658 = arith.constant 0 : i32
    %dma_wait3A_659 = arith.constant 0 : i32
    %dma_wait3A_660 = tpu.memref_slice %arg4[%mul3A_2, %dma_wait3A_658, %dma_wait3A_659] : memref<4096x50x128xf32, #tpu.memory_space<hbm>> -> memref<1x50x128xf32, #tpu.memory_space<hbm>>
    %dma_wait3A_661 = tpu.memref_squeeze %dma_wait3A_660 : memref<1x50x128xf32, #tpu.memory_space<hbm>> -> memref<50x128xf32, #tpu.memory_space<hbm>>
    tpu.wait_dma2 semaphore(%arg15 : memref<!tpu.dma_semaphore, #tpu.memory_space<semaphore_mem>>) src(%dma_wait3A_661 : memref<50x128xf32, #tpu.memory_space<hbm>>) dst(%arg11 : memref<50x128xf32, #tpu.memory_space<vmem>>)
    %dma_wait3A_662 = arith.constant 0 : i32
    %dma_wait3A_663 = arith.constant 0 : i32
    %dma_wait3A_664 = tpu.memref_slice %arg4[%mul3A_2, %dma_wait3A_662, %dma_wait3A_663] : memref<4096x50x128xf32, #tpu.memory_space<hbm>> -> memref<1x50x128xf32, #tpu.memory_space<hbm>>
    %dma_wait3A_665 = tpu.memref_squeeze %dma_wait3A_664 : memref<1x50x128xf32, #tpu.memory_space<hbm>> -> memref<50x128xf32, #tpu.memory_space<hbm>>
    %dma_wait3A_666 = arith.constant 0 : i32
    %dma_wait3A_667 = arith.constant 0 : i32
    %dma_wait3A_668 = tpu.memref_slice %arg4[%mul3A_2, %dma_wait3A_666, %dma_wait3A_667] : memref<4096x50x128xf32, #tpu.memory_space<hbm>> -> memref<1x50x128xf32, #tpu.memory_space<hbm>>
    %dma_wait3A_669 = tpu.memref_squeeze %dma_wait3A_668 : memref<1x50x128xf32, #tpu.memory_space<hbm>> -> memref<50x128xf32, #tpu.memory_space<hbm>>
    tpu.wait_dma2 semaphore(%arg15 : memref<!tpu.dma_semaphore, #tpu.memory_space<semaphore_mem>>) src(%dma_wait3A_669 : memref<50x128xf32, #tpu.memory_space<hbm>>) dst(%arg11 : memref<50x128xf32, #tpu.memory_space<vmem>>)
    %dma_wait3A_670 = arith.constant 0 : i32
    %dma_wait3A_671 = arith.constant 0 : i32
    %dma_wait3A_672 = tpu.memref_slice %arg4[%mul3A_2, %dma_wait3A_670, %dma_wait3A_671] : memref<4096x50x128xf32, #tpu.memory_space<hbm>> -> memref<1x50x128xf32, #tpu.memory_space<hbm>>
    %dma_wait3A_673 = tpu.memref_squeeze %dma_wait3A_672 : memref<1x50x128xf32, #tpu.memory_space<hbm>> -> memref<50x128xf32, #tpu.memory_space<hbm>>
    %dma_wait3A_674 = arith.constant 0 : i32
    %dma_wait3A_675 = arith.constant 0 : i32
    %dma_wait3A_676 = tpu.memref_slice %arg4[%mul3A_2, %dma_wait3A_674, %dma_wait3A_675] : memref<4096x50x128xf32, #tpu.memory_space<hbm>> -> memref<1x50x128xf32, #tpu.memory_space<hbm>>
    %dma_wait3A_677 = tpu.memref_squeeze %dma_wait3A_676 : memref<1x50x128xf32, #tpu.memory_space<hbm>> -> memref<50x128xf32, #tpu.memory_space<hbm>>
    tpu.wait_dma2 semaphore(%arg15 : memref<!tpu.dma_semaphore, #tpu.memory_space<semaphore_mem>>) src(%dma_wait3A_677 : memref<50x128xf32, #tpu.memory_space<hbm>>) dst(%arg11 : memref<50x128xf32, #tpu.memory_space<vmem>>)
    %sub3A_678 = arith.constant 2 : i32
    %sub3A_679 = arith.subi %add3A_511, %sub3A_678 : i32
    %dma_start3A_680 = arith.constant 0 : i32
    %dma_start3A_681 = arith.constant 0 : i32
    %dma_start3A_682 = tpu.memref_slice %arg4[%sub3A_679, %dma_start3A_680, %dma_start3A_681] : memref<4096x50x128xf32, #tpu.memory_space<hbm>> -> memref<1x50x128xf32, #tpu.memory_space<hbm>>
    %dma_start3A_683 = tpu.memref_squeeze %dma_start3A_682 : memref<1x50x128xf32, #tpu.memory_space<hbm>> -> memref<50x128xf32, #tpu.memory_space<hbm>>
    %dma_start3A_684 = arith.constant 0 : i32
    %dma_start3A_685 = arith.constant 0 : i32
    %dma_start3A_686 = tpu.memref_slice %arg4[%sub3A_679, %dma_start3A_684, %dma_start3A_685] : memref<4096x50x128xf32, #tpu.memory_space<hbm>> -> memref<1x50x128xf32, #tpu.memory_space<hbm>>
    %dma_start3A_687 = tpu.memref_squeeze %dma_start3A_686 : memref<1x50x128xf32, #tpu.memory_space<hbm>> -> memref<50x128xf32, #tpu.memory_space<hbm>>
    tpu.enqueue_dma source(%arg11 : memref<50x128xf32, #tpu.memory_space<vmem>>) target(%dma_start3A_687 : memref<50x128xf32, #tpu.memory_space<hbm>>) target_semaphore(%arg23 : memref<!tpu.dma_semaphore, #tpu.memory_space<semaphore_mem>>)
    %add3A_688 = arith.constant 2 : i32
    %add3A_689 = arith.addi %add3A_511, %add3A_688 : i32
    %dma_start3A_690 = arith.constant 0 : i32
    %dma_start3A_691 = arith.constant 0 : i32
    %dma_start3A_692 = tpu.memref_slice %arg2[%add3A_689, %dma_start3A_690, %dma_start3A_691] : memref<4096x10x50xi32, #tpu.memory_space<hbm>> -> memref<1x10x50xi32, #tpu.memory_space<hbm>>
    %dma_start3A_693 = tpu.memref_squeeze %dma_start3A_692 : memref<1x10x50xi32, #tpu.memory_space<hbm>> -> memref<10x50xi32, #tpu.memory_space<hbm>>
    %dma_start3A_694 = arith.constant 0 : i32
    %dma_start3A_695 = arith.constant 0 : i32
    %dma_start3A_696 = tpu.memref_slice %arg2[%add3A_689, %dma_start3A_694, %dma_start3A_695] : memref<4096x10x50xi32, #tpu.memory_space<hbm>> -> memref<1x10x50xi32, #tpu.memory_space<hbm>>
    %dma_start3A_697 = tpu.memref_squeeze %dma_start3A_696 : memref<1x10x50xi32, #tpu.memory_space<hbm>> -> memref<10x50xi32, #tpu.memory_space<hbm>>
    tpu.enqueue_dma source(%dma_start3A_697 : memref<10x50xi32, #tpu.memory_space<hbm>>) target(%arg7 : memref<10x50xi32, #tpu.memory_space<vmem>>) target_semaphore(%arg19 : memref<!tpu.dma_semaphore, #tpu.memory_space<semaphore_mem>>)
    %add3A_698 = arith.constant 125 : i32
    %add3A_699 = arith.addi %mul3A_2, %add3A_698 : i32
    %dma_wait3A_700 = arith.constant 0 : i32
    %dma_wait3A_701 = arith.constant 0 : i32
    %dma_wait3A_702 = tpu.memref_slice %arg2[%mul3A_2, %dma_wait3A_700, %dma_wait3A_701] : memref<4096x10x50xi32, #tpu.memory_space<hbm>> -> memref<1x10x50xi32, #tpu.memory_space<hbm>>
    %dma_wait3A_703 = tpu.memref_squeeze %dma_wait3A_702 : memref<1x10x50xi32, #tpu.memory_space<hbm>> -> memref<10x50xi32, #tpu.memory_space<hbm>>
    %dma_wait3A_704 = arith.constant 0 : i32
    %dma_wait3A_705 = arith.constant 0 : i32
    %dma_wait3A_706 = tpu.memref_slice %arg2[%mul3A_2, %dma_wait3A_704, %dma_wait3A_705] : memref<4096x10x50xi32, #tpu.memory_space<hbm>> -> memref<1x10x50xi32, #tpu.memory_space<hbm>>
    %dma_wait3A_707 = tpu.memref_squeeze %dma_wait3A_706 : memref<1x10x50xi32, #tpu.memory_space<hbm>> -> memref<10x50xi32, #tpu.memory_space<hbm>>
    tpu.wait_dma2 semaphore(%arg18 : memref<!tpu.dma_semaphore, #tpu.memory_space<semaphore_mem>>) src(%dma_wait3A_707 : memref<10x50xi32, #tpu.memory_space<hbm>>) dst(%arg6 : memref<10x50xi32, #tpu.memory_space<vmem>>)
    %dma_wait3A_708 = arith.constant 0 : i32
    %dma_wait3A_709 = arith.constant 0 : i32
    %dma_wait3A_710 = tpu.memref_slice %arg4[%mul3A_2, %dma_wait3A_708, %dma_wait3A_709] : memref<4096x50x128xf32, #tpu.memory_space<hbm>> -> memref<1x50x128xf32, #tpu.memory_space<hbm>>
    %dma_wait3A_711 = tpu.memref_squeeze %dma_wait3A_710 : memref<1x50x128xf32, #tpu.memory_space<hbm>> -> memref<50x128xf32, #tpu.memory_space<hbm>>
    %dma_wait3A_712 = arith.constant 0 : i32
    %dma_wait3A_713 = arith.constant 0 : i32
    %dma_wait3A_714 = tpu.memref_slice %arg4[%mul3A_2, %dma_wait3A_712, %dma_wait3A_713] : memref<4096x50x128xf32, #tpu.memory_space<hbm>> -> memref<1x50x128xf32, #tpu.memory_space<hbm>>
    %dma_wait3A_715 = tpu.memref_squeeze %dma_wait3A_714 : memref<1x50x128xf32, #tpu.memory_space<hbm>> -> memref<50x128xf32, #tpu.memory_space<hbm>>
    tpu.wait_dma2 semaphore(%arg22 : memref<!tpu.dma_semaphore, #tpu.memory_space<semaphore_mem>>) src(%dma_wait3A_715 : memref<50x128xf32, #tpu.memory_space<hbm>>) dst(%arg10 : memref<50x128xf32, #tpu.memory_space<vmem>>)
    %dma_start3A_716 = arith.constant 0 : i32
    %dma_start3A_717 = arith.constant 0 : i32
    %dma_start3A_718 = tpu.memref_slice %arg6[%dma_start3A_716, %dma_start3A_717] : memref<10x50xi32, #tpu.memory_space<vmem>> -> memref<1x50xi32, #tpu.memory_space<vmem>>
    %dma_start3A_719 = tpu.memref_squeeze %dma_start3A_718 : memref<1x50xi32, #tpu.memory_space<vmem>> -> memref<50xi32, #tpu.memory_space<vmem>>
    %dma_start3A_720 = arith.constant 0 : i32
    %dma_start3A_721 = arith.constant 0 : i32
    %dma_start3A_722 = tpu.memref_slice %arg3[%dma_start3A_720, %dma_start3A_721] : memref<10000x128xf32, #tpu.memory_space<hbm>> -> memref<10000x128xf32, #tpu.memory_space<hbm>>
    tpu.enqueue_indirect_dma source(%dma_start3A_722 : memref<10000x128xf32, #tpu.memory_space<hbm>>) target(%arg10 : memref<50x128xf32, #tpu.memory_space<vmem>>) offsets(%dma_start3A_719 : memref<50xi32, #tpu.memory_space<vmem>>) semaphore(%arg14 : memref<!tpu.dma_semaphore, #tpu.memory_space<semaphore_mem>>)
    %dma_wait3A_723 = arith.constant 0 : i32
    %dma_wait3A_724 = arith.constant 0 : i32
    %dma_wait3A_725 = tpu.memref_slice %arg4[%mul3A_2, %dma_wait3A_723, %dma_wait3A_724] : memref<4096x50x128xf32, #tpu.memory_space<hbm>> -> memref<1x50x128xf32, #tpu.memory_space<hbm>>
    %dma_wait3A_726 = tpu.memref_squeeze %dma_wait3A_725 : memref<1x50x128xf32, #tpu.memory_space<hbm>> -> memref<50x128xf32, #tpu.memory_space<hbm>>
    %dma_wait3A_727 = arith.constant 0 : i32
    %dma_wait3A_728 = arith.constant 0 : i32
    %dma_wait3A_729 = tpu.memref_slice %arg4[%mul3A_2, %dma_wait3A_727, %dma_wait3A_728] : memref<4096x50x128xf32, #tpu.memory_space<hbm>> -> memref<1x50x128xf32, #tpu.memory_space<hbm>>
    %dma_wait3A_730 = tpu.memref_squeeze %dma_wait3A_729 : memref<1x50x128xf32, #tpu.memory_space<hbm>> -> memref<50x128xf32, #tpu.memory_space<hbm>>
    tpu.wait_dma2 semaphore(%arg13 : memref<!tpu.dma_semaphore, #tpu.memory_space<semaphore_mem>>) src(%dma_wait3A_730 : memref<50x128xf32, #tpu.memory_space<hbm>>) dst(%arg9 : memref<50x128xf32, #tpu.memory_space<vmem>>)
    %dma_start3A_731 = arith.constant 1 : i32
    %dma_start3A_732 = arith.constant 0 : i32
    %dma_start3A_733 = tpu.memref_slice %arg5[%dma_start3A_731, %dma_start3A_732] : memref<10x50xi32, #tpu.memory_space<vmem>> -> memref<1x50xi32, #tpu.memory_space<vmem>>
    %dma_start3A_734 = tpu.memref_squeeze %dma_start3A_733 : memref<1x50xi32, #tpu.memory_space<vmem>> -> memref<50xi32, #tpu.memory_space<vmem>>
    %dma_start3A_735 = arith.constant 0 : i32
    %dma_start3A_736 = arith.constant 0 : i32
    %dma_start3A_737 = tpu.memref_slice %arg3[%dma_start3A_735, %dma_start3A_736] : memref<10000x128xf32, #tpu.memory_space<hbm>> -> memref<10000x128xf32, #tpu.memory_space<hbm>>
    tpu.enqueue_indirect_dma source(%dma_start3A_737 : memref<10000x128xf32, #tpu.memory_space<hbm>>) target(%arg9 : memref<50x128xf32, #tpu.memory_space<vmem>>) offsets(%dma_start3A_734 : memref<50xi32, #tpu.memory_space<vmem>>) semaphore(%arg13 : memref<!tpu.dma_semaphore, #tpu.memory_space<semaphore_mem>>) {add = true}
    %dma_start3A_738 = arith.constant 2 : i32
    %dma_start3A_739 = arith.constant 0 : i32
    %dma_start3A_740 = tpu.memref_slice %arg5[%dma_start3A_738, %dma_start3A_739] : memref<10x50xi32, #tpu.memory_space<vmem>> -> memref<1x50xi32, #tpu.memory_space<vmem>>
    %dma_start3A_741 = tpu.memref_squeeze %dma_start3A_740 : memref<1x50xi32, #tpu.memory_space<vmem>> -> memref<50xi32, #tpu.memory_space<vmem>>
    %dma_start3A_742 = arith.constant 0 : i32
    %dma_start3A_743 = arith.constant 0 : i32
    %dma_start3A_744 = tpu.memref_slice %arg3[%dma_start3A_742, %dma_start3A_743] : memref<10000x128xf32, #tpu.memory_space<hbm>> -> memref<10000x128xf32, #tpu.memory_space<hbm>>
    tpu.enqueue_indirect_dma source(%dma_start3A_744 : memref<10000x128xf32, #tpu.memory_space<hbm>>) target(%arg9 : memref<50x128xf32, #tpu.memory_space<vmem>>) offsets(%dma_start3A_741 : memref<50xi32, #tpu.memory_space<vmem>>) semaphore(%arg13 : memref<!tpu.dma_semaphore, #tpu.memory_space<semaphore_mem>>) {add = true}
    %dma_start3A_745 = arith.constant 3 : i32
    %dma_start3A_746 = arith.constant 0 : i32
    %dma_start3A_747 = tpu.memref_slice %arg5[%dma_start3A_745, %dma_start3A_746] : memref<10x50xi32, #tpu.memory_space<vmem>> -> memref<1x50xi32, #tpu.memory_space<vmem>>
    %dma_start3A_748 = tpu.memref_squeeze %dma_start3A_747 : memref<1x50xi32, #tpu.memory_space<vmem>> -> memref<50xi32, #tpu.memory_space<vmem>>
    %dma_start3A_749 = arith.constant 0 : i32
    %dma_start3A_750 = arith.constant 0 : i32
    %dma_start3A_751 = tpu.memref_slice %arg3[%dma_start3A_749, %dma_start3A_750] : memref<10000x128xf32, #tpu.memory_space<hbm>> -> memref<10000x128xf32, #tpu.memory_space<hbm>>
    tpu.enqueue_indirect_dma source(%dma_start3A_751 : memref<10000x128xf32, #tpu.memory_space<hbm>>) target(%arg9 : memref<50x128xf32, #tpu.memory_space<vmem>>) offsets(%dma_start3A_748 : memref<50xi32, #tpu.memory_space<vmem>>) semaphore(%arg13 : memref<!tpu.dma_semaphore, #tpu.memory_space<semaphore_mem>>) {add = true}
    %dma_start3A_752 = arith.constant 4 : i32
    %dma_start3A_753 = arith.constant 0 : i32
    %dma_start3A_754 = tpu.memref_slice %arg5[%dma_start3A_752, %dma_start3A_753] : memref<10x50xi32, #tpu.memory_space<vmem>> -> memref<1x50xi32, #tpu.memory_space<vmem>>
    %dma_start3A_755 = tpu.memref_squeeze %dma_start3A_754 : memref<1x50xi32, #tpu.memory_space<vmem>> -> memref<50xi32, #tpu.memory_space<vmem>>
    %dma_start3A_756 = arith.constant 0 : i32
    %dma_start3A_757 = arith.constant 0 : i32
    %dma_start3A_758 = tpu.memref_slice %arg3[%dma_start3A_756, %dma_start3A_757] : memref<10000x128xf32, #tpu.memory_space<hbm>> -> memref<10000x128xf32, #tpu.memory_space<hbm>>
    tpu.enqueue_indirect_dma source(%dma_start3A_758 : memref<10000x128xf32, #tpu.memory_space<hbm>>) target(%arg9 : memref<50x128xf32, #tpu.memory_space<vmem>>) offsets(%dma_start3A_755 : memref<50xi32, #tpu.memory_space<vmem>>) semaphore(%arg13 : memref<!tpu.dma_semaphore, #tpu.memory_space<semaphore_mem>>) {add = true}
    %dma_start3A_759 = arith.constant 5 : i32
    %dma_start3A_760 = arith.constant 0 : i32
    %dma_start3A_761 = tpu.memref_slice %arg5[%dma_start3A_759, %dma_start3A_760] : memref<10x50xi32, #tpu.memory_space<vmem>> -> memref<1x50xi32, #tpu.memory_space<vmem>>
    %dma_start3A_762 = tpu.memref_squeeze %dma_start3A_761 : memref<1x50xi32, #tpu.memory_space<vmem>> -> memref<50xi32, #tpu.memory_space<vmem>>
    %dma_start3A_763 = arith.constant 0 : i32
    %dma_start3A_764 = arith.constant 0 : i32
    %dma_start3A_765 = tpu.memref_slice %arg3[%dma_start3A_763, %dma_start3A_764] : memref<10000x128xf32, #tpu.memory_space<hbm>> -> memref<10000x128xf32, #tpu.memory_space<hbm>>
    tpu.enqueue_indirect_dma source(%dma_start3A_765 : memref<10000x128xf32, #tpu.memory_space<hbm>>) target(%arg9 : memref<50x128xf32, #tpu.memory_space<vmem>>) offsets(%dma_start3A_762 : memref<50xi32, #tpu.memory_space<vmem>>) semaphore(%arg13 : memref<!tpu.dma_semaphore, #tpu.memory_space<semaphore_mem>>) {add = true}
    %dma_start3A_766 = arith.constant 6 : i32
    %dma_start3A_767 = arith.constant 0 : i32
    %dma_start3A_768 = tpu.memref_slice %arg5[%dma_start3A_766, %dma_start3A_767] : memref<10x50xi32, #tpu.memory_space<vmem>> -> memref<1x50xi32, #tpu.memory_space<vmem>>
    %dma_start3A_769 = tpu.memref_squeeze %dma_start3A_768 : memref<1x50xi32, #tpu.memory_space<vmem>> -> memref<50xi32, #tpu.memory_space<vmem>>
    %dma_start3A_770 = arith.constant 0 : i32
    %dma_start3A_771 = arith.constant 0 : i32
    %dma_start3A_772 = tpu.memref_slice %arg3[%dma_start3A_770, %dma_start3A_771] : memref<10000x128xf32, #tpu.memory_space<hbm>> -> memref<10000x128xf32, #tpu.memory_space<hbm>>
    tpu.enqueue_indirect_dma source(%dma_start3A_772 : memref<10000x128xf32, #tpu.memory_space<hbm>>) target(%arg9 : memref<50x128xf32, #tpu.memory_space<vmem>>) offsets(%dma_start3A_769 : memref<50xi32, #tpu.memory_space<vmem>>) semaphore(%arg13 : memref<!tpu.dma_semaphore, #tpu.memory_space<semaphore_mem>>) {add = true}
    %dma_start3A_773 = arith.constant 7 : i32
    %dma_start3A_774 = arith.constant 0 : i32
    %dma_start3A_775 = tpu.memref_slice %arg5[%dma_start3A_773, %dma_start3A_774] : memref<10x50xi32, #tpu.memory_space<vmem>> -> memref<1x50xi32, #tpu.memory_space<vmem>>
    %dma_start3A_776 = tpu.memref_squeeze %dma_start3A_775 : memref<1x50xi32, #tpu.memory_space<vmem>> -> memref<50xi32, #tpu.memory_space<vmem>>
    %dma_start3A_777 = arith.constant 0 : i32
    %dma_start3A_778 = arith.constant 0 : i32
    %dma_start3A_779 = tpu.memref_slice %arg3[%dma_start3A_777, %dma_start3A_778] : memref<10000x128xf32, #tpu.memory_space<hbm>> -> memref<10000x128xf32, #tpu.memory_space<hbm>>
    tpu.enqueue_indirect_dma source(%dma_start3A_779 : memref<10000x128xf32, #tpu.memory_space<hbm>>) target(%arg9 : memref<50x128xf32, #tpu.memory_space<vmem>>) offsets(%dma_start3A_776 : memref<50xi32, #tpu.memory_space<vmem>>) semaphore(%arg13 : memref<!tpu.dma_semaphore, #tpu.memory_space<semaphore_mem>>) {add = true}
    %dma_start3A_780 = arith.constant 8 : i32
    %dma_start3A_781 = arith.constant 0 : i32
    %dma_start3A_782 = tpu.memref_slice %arg5[%dma_start3A_780, %dma_start3A_781] : memref<10x50xi32, #tpu.memory_space<vmem>> -> memref<1x50xi32, #tpu.memory_space<vmem>>
    %dma_start3A_783 = tpu.memref_squeeze %dma_start3A_782 : memref<1x50xi32, #tpu.memory_space<vmem>> -> memref<50xi32, #tpu.memory_space<vmem>>
    %dma_start3A_784 = arith.constant 0 : i32
    %dma_start3A_785 = arith.constant 0 : i32
    %dma_start3A_786 = tpu.memref_slice %arg3[%dma_start3A_784, %dma_start3A_785] : memref<10000x128xf32, #tpu.memory_space<hbm>> -> memref<10000x128xf32, #tpu.memory_space<hbm>>
    tpu.enqueue_indirect_dma source(%dma_start3A_786 : memref<10000x128xf32, #tpu.memory_space<hbm>>) target(%arg9 : memref<50x128xf32, #tpu.memory_space<vmem>>) offsets(%dma_start3A_783 : memref<50xi32, #tpu.memory_space<vmem>>) semaphore(%arg13 : memref<!tpu.dma_semaphore, #tpu.memory_space<semaphore_mem>>) {add = true}
    %dma_start3A_787 = arith.constant 9 : i32
    %dma_start3A_788 = arith.constant 0 : i32
    %dma_start3A_789 = tpu.memref_slice %arg5[%dma_start3A_787, %dma_start3A_788] : memref<10x50xi32, #tpu.memory_space<vmem>> -> memref<1x50xi32, #tpu.memory_space<vmem>>
    %dma_start3A_790 = tpu.memref_squeeze %dma_start3A_789 : memref<1x50xi32, #tpu.memory_space<vmem>> -> memref<50xi32, #tpu.memory_space<vmem>>
    %dma_start3A_791 = arith.constant 0 : i32
    %dma_start3A_792 = arith.constant 0 : i32
    %dma_start3A_793 = tpu.memref_slice %arg3[%dma_start3A_791, %dma_start3A_792] : memref<10000x128xf32, #tpu.memory_space<hbm>> -> memref<10000x128xf32, #tpu.memory_space<hbm>>
    tpu.enqueue_indirect_dma source(%dma_start3A_793 : memref<10000x128xf32, #tpu.memory_space<hbm>>) target(%arg9 : memref<50x128xf32, #tpu.memory_space<vmem>>) offsets(%dma_start3A_790 : memref<50xi32, #tpu.memory_space<vmem>>) semaphore(%arg13 : memref<!tpu.dma_semaphore, #tpu.memory_space<semaphore_mem>>) {add = true}
    %dma_wait3A_794 = arith.constant 0 : i32
    %dma_wait3A_795 = arith.constant 0 : i32
    %dma_wait3A_796 = tpu.memref_slice %arg4[%mul3A_2, %dma_wait3A_794, %dma_wait3A_795] : memref<4096x50x128xf32, #tpu.memory_space<hbm>> -> memref<1x50x128xf32, #tpu.memory_space<hbm>>
    %dma_wait3A_797 = tpu.memref_squeeze %dma_wait3A_796 : memref<1x50x128xf32, #tpu.memory_space<hbm>> -> memref<50x128xf32, #tpu.memory_space<hbm>>
    %dma_wait3A_798 = arith.constant 0 : i32
    %dma_wait3A_799 = arith.constant 0 : i32
    %dma_wait3A_800 = tpu.memref_slice %arg4[%mul3A_2, %dma_wait3A_798, %dma_wait3A_799] : memref<4096x50x128xf32, #tpu.memory_space<hbm>> -> memref<1x50x128xf32, #tpu.memory_space<hbm>>
    %dma_wait3A_801 = tpu.memref_squeeze %dma_wait3A_800 : memref<1x50x128xf32, #tpu.memory_space<hbm>> -> memref<50x128xf32, #tpu.memory_space<hbm>>
    tpu.wait_dma2 semaphore(%arg16 : memref<!tpu.dma_semaphore, #tpu.memory_space<semaphore_mem>>) src(%dma_wait3A_801 : memref<50x128xf32, #tpu.memory_space<hbm>>) dst(%arg12 : memref<50x128xf32, #tpu.memory_space<vmem>>)
    %dma_wait3A_802 = arith.constant 0 : i32
    %dma_wait3A_803 = arith.constant 0 : i32
    %dma_wait3A_804 = tpu.memref_slice %arg4[%mul3A_2, %dma_wait3A_802, %dma_wait3A_803] : memref<4096x50x128xf32, #tpu.memory_space<hbm>> -> memref<1x50x128xf32, #tpu.memory_space<hbm>>
    %dma_wait3A_805 = tpu.memref_squeeze %dma_wait3A_804 : memref<1x50x128xf32, #tpu.memory_space<hbm>> -> memref<50x128xf32, #tpu.memory_space<hbm>>
    %dma_wait3A_806 = arith.constant 0 : i32
    %dma_wait3A_807 = arith.constant 0 : i32
    %dma_wait3A_808 = tpu.memref_slice %arg4[%mul3A_2, %dma_wait3A_806, %dma_wait3A_807] : memref<4096x50x128xf32, #tpu.memory_space<hbm>> -> memref<1x50x128xf32, #tpu.memory_space<hbm>>
    %dma_wait3A_809 = tpu.memref_squeeze %dma_wait3A_808 : memref<1x50x128xf32, #tpu.memory_space<hbm>> -> memref<50x128xf32, #tpu.memory_space<hbm>>
    tpu.wait_dma2 semaphore(%arg16 : memref<!tpu.dma_semaphore, #tpu.memory_space<semaphore_mem>>) src(%dma_wait3A_809 : memref<50x128xf32, #tpu.memory_space<hbm>>) dst(%arg12 : memref<50x128xf32, #tpu.memory_space<vmem>>)
    %dma_wait3A_810 = arith.constant 0 : i32
    %dma_wait3A_811 = arith.constant 0 : i32
    %dma_wait3A_812 = tpu.memref_slice %arg4[%mul3A_2, %dma_wait3A_810, %dma_wait3A_811] : memref<4096x50x128xf32, #tpu.memory_space<hbm>> -> memref<1x50x128xf32, #tpu.memory_space<hbm>>
    %dma_wait3A_813 = tpu.memref_squeeze %dma_wait3A_812 : memref<1x50x128xf32, #tpu.memory_space<hbm>> -> memref<50x128xf32, #tpu.memory_space<hbm>>
    %dma_wait3A_814 = arith.constant 0 : i32
    %dma_wait3A_815 = arith.constant 0 : i32
    %dma_wait3A_816 = tpu.memref_slice %arg4[%mul3A_2, %dma_wait3A_814, %dma_wait3A_815] : memref<4096x50x128xf32, #tpu.memory_space<hbm>> -> memref<1x50x128xf32, #tpu.memory_space<hbm>>
    %dma_wait3A_817 = tpu.memref_squeeze %dma_wait3A_816 : memref<1x50x128xf32, #tpu.memory_space<hbm>> -> memref<50x128xf32, #tpu.memory_space<hbm>>
    tpu.wait_dma2 semaphore(%arg16 : memref<!tpu.dma_semaphore, #tpu.memory_space<semaphore_mem>>) src(%dma_wait3A_817 : memref<50x128xf32, #tpu.memory_space<hbm>>) dst(%arg12 : memref<50x128xf32, #tpu.memory_space<vmem>>)
    %dma_wait3A_818 = arith.constant 0 : i32
    %dma_wait3A_819 = arith.constant 0 : i32
    %dma_wait3A_820 = tpu.memref_slice %arg4[%mul3A_2, %dma_wait3A_818, %dma_wait3A_819] : memref<4096x50x128xf32, #tpu.memory_space<hbm>> -> memref<1x50x128xf32, #tpu.memory_space<hbm>>
    %dma_wait3A_821 = tpu.memref_squeeze %dma_wait3A_820 : memref<1x50x128xf32, #tpu.memory_space<hbm>> -> memref<50x128xf32, #tpu.memory_space<hbm>>
    %dma_wait3A_822 = arith.constant 0 : i32
    %dma_wait3A_823 = arith.constant 0 : i32
    %dma_wait3A_824 = tpu.memref_slice %arg4[%mul3A_2, %dma_wait3A_822, %dma_wait3A_823] : memref<4096x50x128xf32, #tpu.memory_space<hbm>> -> memref<1x50x128xf32, #tpu.memory_space<hbm>>
    %dma_wait3A_825 = tpu.memref_squeeze %dma_wait3A_824 : memref<1x50x128xf32, #tpu.memory_space<hbm>> -> memref<50x128xf32, #tpu.memory_space<hbm>>
    tpu.wait_dma2 semaphore(%arg16 : memref<!tpu.dma_semaphore, #tpu.memory_space<semaphore_mem>>) src(%dma_wait3A_825 : memref<50x128xf32, #tpu.memory_space<hbm>>) dst(%arg12 : memref<50x128xf32, #tpu.memory_space<vmem>>)
    %dma_wait3A_826 = arith.constant 0 : i32
    %dma_wait3A_827 = arith.constant 0 : i32
    %dma_wait3A_828 = tpu.memref_slice %arg4[%mul3A_2, %dma_wait3A_826, %dma_wait3A_827] : memref<4096x50x128xf32, #tpu.memory_space<hbm>> -> memref<1x50x128xf32, #tpu.memory_space<hbm>>
    %dma_wait3A_829 = tpu.memref_squeeze %dma_wait3A_828 : memref<1x50x128xf32, #tpu.memory_space<hbm>> -> memref<50x128xf32, #tpu.memory_space<hbm>>
    %dma_wait3A_830 = arith.constant 0 : i32
    %dma_wait3A_831 = arith.constant 0 : i32
    %dma_wait3A_832 = tpu.memref_slice %arg4[%mul3A_2, %dma_wait3A_830, %dma_wait3A_831] : memref<4096x50x128xf32, #tpu.memory_space<hbm>> -> memref<1x50x128xf32, #tpu.memory_space<hbm>>
    %dma_wait3A_833 = tpu.memref_squeeze %dma_wait3A_832 : memref<1x50x128xf32, #tpu.memory_space<hbm>> -> memref<50x128xf32, #tpu.memory_space<hbm>>
    tpu.wait_dma2 semaphore(%arg16 : memref<!tpu.dma_semaphore, #tpu.memory_space<semaphore_mem>>) src(%dma_wait3A_833 : memref<50x128xf32, #tpu.memory_space<hbm>>) dst(%arg12 : memref<50x128xf32, #tpu.memory_space<vmem>>)
    %dma_wait3A_834 = arith.constant 0 : i32
    %dma_wait3A_835 = arith.constant 0 : i32
    %dma_wait3A_836 = tpu.memref_slice %arg4[%mul3A_2, %dma_wait3A_834, %dma_wait3A_835] : memref<4096x50x128xf32, #tpu.memory_space<hbm>> -> memref<1x50x128xf32, #tpu.memory_space<hbm>>
    %dma_wait3A_837 = tpu.memref_squeeze %dma_wait3A_836 : memref<1x50x128xf32, #tpu.memory_space<hbm>> -> memref<50x128xf32, #tpu.memory_space<hbm>>
    %dma_wait3A_838 = arith.constant 0 : i32
    %dma_wait3A_839 = arith.constant 0 : i32
    %dma_wait3A_840 = tpu.memref_slice %arg4[%mul3A_2, %dma_wait3A_838, %dma_wait3A_839] : memref<4096x50x128xf32, #tpu.memory_space<hbm>> -> memref<1x50x128xf32, #tpu.memory_space<hbm>>
    %dma_wait3A_841 = tpu.memref_squeeze %dma_wait3A_840 : memref<1x50x128xf32, #tpu.memory_space<hbm>> -> memref<50x128xf32, #tpu.memory_space<hbm>>
    tpu.wait_dma2 semaphore(%arg16 : memref<!tpu.dma_semaphore, #tpu.memory_space<semaphore_mem>>) src(%dma_wait3A_841 : memref<50x128xf32, #tpu.memory_space<hbm>>) dst(%arg12 : memref<50x128xf32, #tpu.memory_space<vmem>>)
    %dma_wait3A_842 = arith.constant 0 : i32
    %dma_wait3A_843 = arith.constant 0 : i32
    %dma_wait3A_844 = tpu.memref_slice %arg4[%mul3A_2, %dma_wait3A_842, %dma_wait3A_843] : memref<4096x50x128xf32, #tpu.memory_space<hbm>> -> memref<1x50x128xf32, #tpu.memory_space<hbm>>
    %dma_wait3A_845 = tpu.memref_squeeze %dma_wait3A_844 : memref<1x50x128xf32, #tpu.memory_space<hbm>> -> memref<50x128xf32, #tpu.memory_space<hbm>>
    %dma_wait3A_846 = arith.constant 0 : i32
    %dma_wait3A_847 = arith.constant 0 : i32
    %dma_wait3A_848 = tpu.memref_slice %arg4[%mul3A_2, %dma_wait3A_846, %dma_wait3A_847] : memref<4096x50x128xf32, #tpu.memory_space<hbm>> -> memref<1x50x128xf32, #tpu.memory_space<hbm>>
    %dma_wait3A_849 = tpu.memref_squeeze %dma_wait3A_848 : memref<1x50x128xf32, #tpu.memory_space<hbm>> -> memref<50x128xf32, #tpu.memory_space<hbm>>
    tpu.wait_dma2 semaphore(%arg16 : memref<!tpu.dma_semaphore, #tpu.memory_space<semaphore_mem>>) src(%dma_wait3A_849 : memref<50x128xf32, #tpu.memory_space<hbm>>) dst(%arg12 : memref<50x128xf32, #tpu.memory_space<vmem>>)
    %dma_wait3A_850 = arith.constant 0 : i32
    %dma_wait3A_851 = arith.constant 0 : i32
    %dma_wait3A_852 = tpu.memref_slice %arg4[%mul3A_2, %dma_wait3A_850, %dma_wait3A_851] : memref<4096x50x128xf32, #tpu.memory_space<hbm>> -> memref<1x50x128xf32, #tpu.memory_space<hbm>>
    %dma_wait3A_853 = tpu.memref_squeeze %dma_wait3A_852 : memref<1x50x128xf32, #tpu.memory_space<hbm>> -> memref<50x128xf32, #tpu.memory_space<hbm>>
    %dma_wait3A_854 = arith.constant 0 : i32
    %dma_wait3A_855 = arith.constant 0 : i32
    %dma_wait3A_856 = tpu.memref_slice %arg4[%mul3A_2, %dma_wait3A_854, %dma_wait3A_855] : memref<4096x50x128xf32, #tpu.memory_space<hbm>> -> memref<1x50x128xf32, #tpu.memory_space<hbm>>
    %dma_wait3A_857 = tpu.memref_squeeze %dma_wait3A_856 : memref<1x50x128xf32, #tpu.memory_space<hbm>> -> memref<50x128xf32, #tpu.memory_space<hbm>>
    tpu.wait_dma2 semaphore(%arg16 : memref<!tpu.dma_semaphore, #tpu.memory_space<semaphore_mem>>) src(%dma_wait3A_857 : memref<50x128xf32, #tpu.memory_space<hbm>>) dst(%arg12 : memref<50x128xf32, #tpu.memory_space<vmem>>)
    %dma_wait3A_858 = arith.constant 0 : i32
    %dma_wait3A_859 = arith.constant 0 : i32
    %dma_wait3A_860 = tpu.memref_slice %arg4[%mul3A_2, %dma_wait3A_858, %dma_wait3A_859] : memref<4096x50x128xf32, #tpu.memory_space<hbm>> -> memref<1x50x128xf32, #tpu.memory_space<hbm>>
    %dma_wait3A_861 = tpu.memref_squeeze %dma_wait3A_860 : memref<1x50x128xf32, #tpu.memory_space<hbm>> -> memref<50x128xf32, #tpu.memory_space<hbm>>
    %dma_wait3A_862 = arith.constant 0 : i32
    %dma_wait3A_863 = arith.constant 0 : i32
    %dma_wait3A_864 = tpu.memref_slice %arg4[%mul3A_2, %dma_wait3A_862, %dma_wait3A_863] : memref<4096x50x128xf32, #tpu.memory_space<hbm>> -> memref<1x50x128xf32, #tpu.memory_space<hbm>>
    %dma_wait3A_865 = tpu.memref_squeeze %dma_wait3A_864 : memref<1x50x128xf32, #tpu.memory_space<hbm>> -> memref<50x128xf32, #tpu.memory_space<hbm>>
    tpu.wait_dma2 semaphore(%arg16 : memref<!tpu.dma_semaphore, #tpu.memory_space<semaphore_mem>>) src(%dma_wait3A_865 : memref<50x128xf32, #tpu.memory_space<hbm>>) dst(%arg12 : memref<50x128xf32, #tpu.memory_space<vmem>>)
    %sub3A_866 = arith.constant 2 : i32
    %sub3A_867 = arith.subi %add3A_699, %sub3A_866 : i32
    %dma_start3A_868 = arith.constant 0 : i32
    %dma_start3A_869 = arith.constant 0 : i32
    %dma_start3A_870 = tpu.memref_slice %arg4[%sub3A_867, %dma_start3A_868, %dma_start3A_869] : memref<4096x50x128xf32, #tpu.memory_space<hbm>> -> memref<1x50x128xf32, #tpu.memory_space<hbm>>
    %dma_start3A_871 = tpu.memref_squeeze %dma_start3A_870 : memref<1x50x128xf32, #tpu.memory_space<hbm>> -> memref<50x128xf32, #tpu.memory_space<hbm>>
    %dma_start3A_872 = arith.constant 0 : i32
    %dma_start3A_873 = arith.constant 0 : i32
    %dma_start3A_874 = tpu.memref_slice %arg4[%sub3A_867, %dma_start3A_872, %dma_start3A_873] : memref<4096x50x128xf32, #tpu.memory_space<hbm>> -> memref<1x50x128xf32, #tpu.memory_space<hbm>>
    %dma_start3A_875 = tpu.memref_squeeze %dma_start3A_874 : memref<1x50x128xf32, #tpu.memory_space<hbm>> -> memref<50x128xf32, #tpu.memory_space<hbm>>
    tpu.enqueue_dma source(%arg12 : memref<50x128xf32, #tpu.memory_space<vmem>>) target(%dma_start3A_875 : memref<50x128xf32, #tpu.memory_space<hbm>>) target_semaphore(%arg24 : memref<!tpu.dma_semaphore, #tpu.memory_space<semaphore_mem>>)
    %add3A_876 = arith.constant 2 : i32
    %add3A_877 = arith.addi %add3A_699, %add3A_876 : i32
    %dma_start3A_878 = arith.constant 0 : i32
    %dma_start3A_879 = arith.constant 0 : i32
    %dma_start3A_880 = tpu.memref_slice %arg2[%add3A_877, %dma_start3A_878, %dma_start3A_879] : memref<4096x10x50xi32, #tpu.memory_space<hbm>> -> memref<1x10x50xi32, #tpu.memory_space<hbm>>
    %dma_start3A_881 = tpu.memref_squeeze %dma_start3A_880 : memref<1x10x50xi32, #tpu.memory_space<hbm>> -> memref<10x50xi32, #tpu.memory_space<hbm>>
    %dma_start3A_882 = arith.constant 0 : i32
    %dma_start3A_883 = arith.constant 0 : i32
    %dma_start3A_884 = tpu.memref_slice %arg2[%add3A_877, %dma_start3A_882, %dma_start3A_883] : memref<4096x10x50xi32, #tpu.memory_space<hbm>> -> memref<1x10x50xi32, #tpu.memory_space<hbm>>
    %dma_start3A_885 = tpu.memref_squeeze %dma_start3A_884 : memref<1x10x50xi32, #tpu.memory_space<hbm>> -> memref<10x50xi32, #tpu.memory_space<hbm>>
    tpu.enqueue_dma source(%dma_start3A_885 : memref<10x50xi32, #tpu.memory_space<hbm>>) target(%arg8 : memref<10x50xi32, #tpu.memory_space<vmem>>) target_semaphore(%arg20 : memref<!tpu.dma_semaphore, #tpu.memory_space<semaphore_mem>>)
    %dma_wait3A_886 = arith.constant 0 : i32
    %dma_wait3A_887 = arith.constant 0 : i32
    %dma_wait3A_888 = tpu.memref_slice %arg2[%mul3A_2, %dma_wait3A_886, %dma_wait3A_887] : memref<4096x10x50xi32, #tpu.memory_space<hbm>> -> memref<1x10x50xi32, #tpu.memory_space<hbm>>
    %dma_wait3A_889 = tpu.memref_squeeze %dma_wait3A_888 : memref<1x10x50xi32, #tpu.memory_space<hbm>> -> memref<10x50xi32, #tpu.memory_space<hbm>>
    %dma_wait3A_890 = arith.constant 0 : i32
    %dma_wait3A_891 = arith.constant 0 : i32
    %dma_wait3A_892 = tpu.memref_slice %arg2[%mul3A_2, %dma_wait3A_890, %dma_wait3A_891] : memref<4096x10x50xi32, #tpu.memory_space<hbm>> -> memref<1x10x50xi32, #tpu.memory_space<hbm>>
    %dma_wait3A_893 = tpu.memref_squeeze %dma_wait3A_892 : memref<1x10x50xi32, #tpu.memory_space<hbm>> -> memref<10x50xi32, #tpu.memory_space<hbm>>
    tpu.wait_dma2 semaphore(%arg19 : memref<!tpu.dma_semaphore, #tpu.memory_space<semaphore_mem>>) src(%dma_wait3A_893 : memref<10x50xi32, #tpu.memory_space<hbm>>) dst(%arg7 : memref<10x50xi32, #tpu.memory_space<vmem>>)
    %dma_wait3A_894 = arith.constant 0 : i32
    %dma_wait3A_895 = arith.constant 0 : i32
    %dma_wait3A_896 = tpu.memref_slice %arg4[%mul3A_2, %dma_wait3A_894, %dma_wait3A_895] : memref<4096x50x128xf32, #tpu.memory_space<hbm>> -> memref<1x50x128xf32, #tpu.memory_space<hbm>>
    %dma_wait3A_897 = tpu.memref_squeeze %dma_wait3A_896 : memref<1x50x128xf32, #tpu.memory_space<hbm>> -> memref<50x128xf32, #tpu.memory_space<hbm>>
    %dma_wait3A_898 = arith.constant 0 : i32
    %dma_wait3A_899 = arith.constant 0 : i32
    %dma_wait3A_900 = tpu.memref_slice %arg4[%mul3A_2, %dma_wait3A_898, %dma_wait3A_899] : memref<4096x50x128xf32, #tpu.memory_space<hbm>> -> memref<1x50x128xf32, #tpu.memory_space<hbm>>
    %dma_wait3A_901 = tpu.memref_squeeze %dma_wait3A_900 : memref<1x50x128xf32, #tpu.memory_space<hbm>> -> memref<50x128xf32, #tpu.memory_space<hbm>>
    tpu.wait_dma2 semaphore(%arg23 : memref<!tpu.dma_semaphore, #tpu.memory_space<semaphore_mem>>) src(%dma_wait3A_901 : memref<50x128xf32, #tpu.memory_space<hbm>>) dst(%arg11 : memref<50x128xf32, #tpu.memory_space<vmem>>)
    %dma_start3A_902 = arith.constant 0 : i32
    %dma_start3A_903 = arith.constant 0 : i32
    %dma_start3A_904 = tpu.memref_slice %arg7[%dma_start3A_902, %dma_start3A_903] : memref<10x50xi32, #tpu.memory_space<vmem>> -> memref<1x50xi32, #tpu.memory_space<vmem>>
    %dma_start3A_905 = tpu.memref_squeeze %dma_start3A_904 : memref<1x50xi32, #tpu.memory_space<vmem>> -> memref<50xi32, #tpu.memory_space<vmem>>
    %dma_start3A_906 = arith.constant 0 : i32
    %dma_start3A_907 = arith.constant 0 : i32
    %dma_start3A_908 = tpu.memref_slice %arg3[%dma_start3A_906, %dma_start3A_907] : memref<10000x128xf32, #tpu.memory_space<hbm>> -> memref<10000x128xf32, #tpu.memory_space<hbm>>
    tpu.enqueue_indirect_dma source(%dma_start3A_908 : memref<10000x128xf32, #tpu.memory_space<hbm>>) target(%arg11 : memref<50x128xf32, #tpu.memory_space<vmem>>) offsets(%dma_start3A_905 : memref<50xi32, #tpu.memory_space<vmem>>) semaphore(%arg15 : memref<!tpu.dma_semaphore, #tpu.memory_space<semaphore_mem>>)
    %dma_wait3A_909 = arith.constant 0 : i32
    %dma_wait3A_910 = arith.constant 0 : i32
    %dma_wait3A_911 = tpu.memref_slice %arg4[%mul3A_2, %dma_wait3A_909, %dma_wait3A_910] : memref<4096x50x128xf32, #tpu.memory_space<hbm>> -> memref<1x50x128xf32, #tpu.memory_space<hbm>>
    %dma_wait3A_912 = tpu.memref_squeeze %dma_wait3A_911 : memref<1x50x128xf32, #tpu.memory_space<hbm>> -> memref<50x128xf32, #tpu.memory_space<hbm>>
    %dma_wait3A_913 = arith.constant 0 : i32
    %dma_wait3A_914 = arith.constant 0 : i32
    %dma_wait3A_915 = tpu.memref_slice %arg4[%mul3A_2, %dma_wait3A_913, %dma_wait3A_914] : memref<4096x50x128xf32, #tpu.memory_space<hbm>> -> memref<1x50x128xf32, #tpu.memory_space<hbm>>
    %dma_wait3A_916 = tpu.memref_squeeze %dma_wait3A_915 : memref<1x50x128xf32, #tpu.memory_space<hbm>> -> memref<50x128xf32, #tpu.memory_space<hbm>>
    tpu.wait_dma2 semaphore(%arg14 : memref<!tpu.dma_semaphore, #tpu.memory_space<semaphore_mem>>) src(%dma_wait3A_916 : memref<50x128xf32, #tpu.memory_space<hbm>>) dst(%arg10 : memref<50x128xf32, #tpu.memory_space<vmem>>)
    %dma_start3A_917 = arith.constant 1 : i32
    %dma_start3A_918 = arith.constant 0 : i32
    %dma_start3A_919 = tpu.memref_slice %arg6[%dma_start3A_917, %dma_start3A_918] : memref<10x50xi32, #tpu.memory_space<vmem>> -> memref<1x50xi32, #tpu.memory_space<vmem>>
    %dma_start3A_920 = tpu.memref_squeeze %dma_start3A_919 : memref<1x50xi32, #tpu.memory_space<vmem>> -> memref<50xi32, #tpu.memory_space<vmem>>
    %dma_start3A_921 = arith.constant 0 : i32
    %dma_start3A_922 = arith.constant 0 : i32
    %dma_start3A_923 = tpu.memref_slice %arg3[%dma_start3A_921, %dma_start3A_922] : memref<10000x128xf32, #tpu.memory_space<hbm>> -> memref<10000x128xf32, #tpu.memory_space<hbm>>
    tpu.enqueue_indirect_dma source(%dma_start3A_923 : memref<10000x128xf32, #tpu.memory_space<hbm>>) target(%arg10 : memref<50x128xf32, #tpu.memory_space<vmem>>) offsets(%dma_start3A_920 : memref<50xi32, #tpu.memory_space<vmem>>) semaphore(%arg14 : memref<!tpu.dma_semaphore, #tpu.memory_space<semaphore_mem>>) {add = true}
    %dma_start3A_924 = arith.constant 2 : i32
    %dma_start3A_925 = arith.constant 0 : i32
    %dma_start3A_926 = tpu.memref_slice %arg6[%dma_start3A_924, %dma_start3A_925] : memref<10x50xi32, #tpu.memory_space<vmem>> -> memref<1x50xi32, #tpu.memory_space<vmem>>
    %dma_start3A_927 = tpu.memref_squeeze %dma_start3A_926 : memref<1x50xi32, #tpu.memory_space<vmem>> -> memref<50xi32, #tpu.memory_space<vmem>>
    %dma_start3A_928 = arith.constant 0 : i32
    %dma_start3A_929 = arith.constant 0 : i32
    %dma_start3A_930 = tpu.memref_slice %arg3[%dma_start3A_928, %dma_start3A_929] : memref<10000x128xf32, #tpu.memory_space<hbm>> -> memref<10000x128xf32, #tpu.memory_space<hbm>>
    tpu.enqueue_indirect_dma source(%dma_start3A_930 : memref<10000x128xf32, #tpu.memory_space<hbm>>) target(%arg10 : memref<50x128xf32, #tpu.memory_space<vmem>>) offsets(%dma_start3A_927 : memref<50xi32, #tpu.memory_space<vmem>>) semaphore(%arg14 : memref<!tpu.dma_semaphore, #tpu.memory_space<semaphore_mem>>) {add = true}
    %dma_start3A_931 = arith.constant 3 : i32
    %dma_start3A_932 = arith.constant 0 : i32
    %dma_start3A_933 = tpu.memref_slice %arg6[%dma_start3A_931, %dma_start3A_932] : memref<10x50xi32, #tpu.memory_space<vmem>> -> memref<1x50xi32, #tpu.memory_space<vmem>>
    %dma_start3A_934 = tpu.memref_squeeze %dma_start3A_933 : memref<1x50xi32, #tpu.memory_space<vmem>> -> memref<50xi32, #tpu.memory_space<vmem>>
    %dma_start3A_935 = arith.constant 0 : i32
    %dma_start3A_936 = arith.constant 0 : i32
    %dma_start3A_937 = tpu.memref_slice %arg3[%dma_start3A_935, %dma_start3A_936] : memref<10000x128xf32, #tpu.memory_space<hbm>> -> memref<10000x128xf32, #tpu.memory_space<hbm>>
    tpu.enqueue_indirect_dma source(%dma_start3A_937 : memref<10000x128xf32, #tpu.memory_space<hbm>>) target(%arg10 : memref<50x128xf32, #tpu.memory_space<vmem>>) offsets(%dma_start3A_934 : memref<50xi32, #tpu.memory_space<vmem>>) semaphore(%arg14 : memref<!tpu.dma_semaphore, #tpu.memory_space<semaphore_mem>>) {add = true}
    %dma_start3A_938 = arith.constant 4 : i32
    %dma_start3A_939 = arith.constant 0 : i32
    %dma_start3A_940 = tpu.memref_slice %arg6[%dma_start3A_938, %dma_start3A_939] : memref<10x50xi32, #tpu.memory_space<vmem>> -> memref<1x50xi32, #tpu.memory_space<vmem>>
    %dma_start3A_941 = tpu.memref_squeeze %dma_start3A_940 : memref<1x50xi32, #tpu.memory_space<vmem>> -> memref<50xi32, #tpu.memory_space<vmem>>
    %dma_start3A_942 = arith.constant 0 : i32
    %dma_start3A_943 = arith.constant 0 : i32
    %dma_start3A_944 = tpu.memref_slice %arg3[%dma_start3A_942, %dma_start3A_943] : memref<10000x128xf32, #tpu.memory_space<hbm>> -> memref<10000x128xf32, #tpu.memory_space<hbm>>
    tpu.enqueue_indirect_dma source(%dma_start3A_944 : memref<10000x128xf32, #tpu.memory_space<hbm>>) target(%arg10 : memref<50x128xf32, #tpu.memory_space<vmem>>) offsets(%dma_start3A_941 : memref<50xi32, #tpu.memory_space<vmem>>) semaphore(%arg14 : memref<!tpu.dma_semaphore, #tpu.memory_space<semaphore_mem>>) {add = true}
    %dma_start3A_945 = arith.constant 5 : i32
    %dma_start3A_946 = arith.constant 0 : i32
    %dma_start3A_947 = tpu.memref_slice %arg6[%dma_start3A_945, %dma_start3A_946] : memref<10x50xi32, #tpu.memory_space<vmem>> -> memref<1x50xi32, #tpu.memory_space<vmem>>
    %dma_start3A_948 = tpu.memref_squeeze %dma_start3A_947 : memref<1x50xi32, #tpu.memory_space<vmem>> -> memref<50xi32, #tpu.memory_space<vmem>>
    %dma_start3A_949 = arith.constant 0 : i32
    %dma_start3A_950 = arith.constant 0 : i32
    %dma_start3A_951 = tpu.memref_slice %arg3[%dma_start3A_949, %dma_start3A_950] : memref<10000x128xf32, #tpu.memory_space<hbm>> -> memref<10000x128xf32, #tpu.memory_space<hbm>>
    tpu.enqueue_indirect_dma source(%dma_start3A_951 : memref<10000x128xf32, #tpu.memory_space<hbm>>) target(%arg10 : memref<50x128xf32, #tpu.memory_space<vmem>>) offsets(%dma_start3A_948 : memref<50xi32, #tpu.memory_space<vmem>>) semaphore(%arg14 : memref<!tpu.dma_semaphore, #tpu.memory_space<semaphore_mem>>) {add = true}
    %dma_start3A_952 = arith.constant 6 : i32
    %dma_start3A_953 = arith.constant 0 : i32
    %dma_start3A_954 = tpu.memref_slice %arg6[%dma_start3A_952, %dma_start3A_953] : memref<10x50xi32, #tpu.memory_space<vmem>> -> memref<1x50xi32, #tpu.memory_space<vmem>>
    %dma_start3A_955 = tpu.memref_squeeze %dma_start3A_954 : memref<1x50xi32, #tpu.memory_space<vmem>> -> memref<50xi32, #tpu.memory_space<vmem>>
    %dma_start3A_956 = arith.constant 0 : i32
    %dma_start3A_957 = arith.constant 0 : i32
    %dma_start3A_958 = tpu.memref_slice %arg3[%dma_start3A_956, %dma_start3A_957] : memref<10000x128xf32, #tpu.memory_space<hbm>> -> memref<10000x128xf32, #tpu.memory_space<hbm>>
    tpu.enqueue_indirect_dma source(%dma_start3A_958 : memref<10000x128xf32, #tpu.memory_space<hbm>>) target(%arg10 : memref<50x128xf32, #tpu.memory_space<vmem>>) offsets(%dma_start3A_955 : memref<50xi32, #tpu.memory_space<vmem>>) semaphore(%arg14 : memref<!tpu.dma_semaphore, #tpu.memory_space<semaphore_mem>>) {add = true}
    %dma_start3A_959 = arith.constant 7 : i32
    %dma_start3A_960 = arith.constant 0 : i32
    %dma_start3A_961 = tpu.memref_slice %arg6[%dma_start3A_959, %dma_start3A_960] : memref<10x50xi32, #tpu.memory_space<vmem>> -> memref<1x50xi32, #tpu.memory_space<vmem>>
    %dma_start3A_962 = tpu.memref_squeeze %dma_start3A_961 : memref<1x50xi32, #tpu.memory_space<vmem>> -> memref<50xi32, #tpu.memory_space<vmem>>
    %dma_start3A_963 = arith.constant 0 : i32
    %dma_start3A_964 = arith.constant 0 : i32
    %dma_start3A_965 = tpu.memref_slice %arg3[%dma_start3A_963, %dma_start3A_964] : memref<10000x128xf32, #tpu.memory_space<hbm>> -> memref<10000x128xf32, #tpu.memory_space<hbm>>
    tpu.enqueue_indirect_dma source(%dma_start3A_965 : memref<10000x128xf32, #tpu.memory_space<hbm>>) target(%arg10 : memref<50x128xf32, #tpu.memory_space<vmem>>) offsets(%dma_start3A_962 : memref<50xi32, #tpu.memory_space<vmem>>) semaphore(%arg14 : memref<!tpu.dma_semaphore, #tpu.memory_space<semaphore_mem>>) {add = true}
    %dma_start3A_966 = arith.constant 8 : i32
    %dma_start3A_967 = arith.constant 0 : i32
    %dma_start3A_968 = tpu.memref_slice %arg6[%dma_start3A_966, %dma_start3A_967] : memref<10x50xi32, #tpu.memory_space<vmem>> -> memref<1x50xi32, #tpu.memory_space<vmem>>
    %dma_start3A_969 = tpu.memref_squeeze %dma_start3A_968 : memref<1x50xi32, #tpu.memory_space<vmem>> -> memref<50xi32, #tpu.memory_space<vmem>>
    %dma_start3A_970 = arith.constant 0 : i32
    %dma_start3A_971 = arith.constant 0 : i32
    %dma_start3A_972 = tpu.memref_slice %arg3[%dma_start3A_970, %dma_start3A_971] : memref<10000x128xf32, #tpu.memory_space<hbm>> -> memref<10000x128xf32, #tpu.memory_space<hbm>>
    tpu.enqueue_indirect_dma source(%dma_start3A_972 : memref<10000x128xf32, #tpu.memory_space<hbm>>) target(%arg10 : memref<50x128xf32, #tpu.memory_space<vmem>>) offsets(%dma_start3A_969 : memref<50xi32, #tpu.memory_space<vmem>>) semaphore(%arg14 : memref<!tpu.dma_semaphore, #tpu.memory_space<semaphore_mem>>) {add = true}
    %dma_start3A_973 = arith.constant 9 : i32
    %dma_start3A_974 = arith.constant 0 : i32
    %dma_start3A_975 = tpu.memref_slice %arg6[%dma_start3A_973, %dma_start3A_974] : memref<10x50xi32, #tpu.memory_space<vmem>> -> memref<1x50xi32, #tpu.memory_space<vmem>>
    %dma_start3A_976 = tpu.memref_squeeze %dma_start3A_975 : memref<1x50xi32, #tpu.memory_space<vmem>> -> memref<50xi32, #tpu.memory_space<vmem>>
    %dma_start3A_977 = arith.constant 0 : i32
    %dma_start3A_978 = arith.constant 0 : i32
    %dma_start3A_979 = tpu.memref_slice %arg3[%dma_start3A_977, %dma_start3A_978] : memref<10000x128xf32, #tpu.memory_space<hbm>> -> memref<10000x128xf32, #tpu.memory_space<hbm>>
    tpu.enqueue_indirect_dma source(%dma_start3A_979 : memref<10000x128xf32, #tpu.memory_space<hbm>>) target(%arg10 : memref<50x128xf32, #tpu.memory_space<vmem>>) offsets(%dma_start3A_976 : memref<50xi32, #tpu.memory_space<vmem>>) semaphore(%arg14 : memref<!tpu.dma_semaphore, #tpu.memory_space<semaphore_mem>>) {add = true}
    %dma_wait3A_980 = arith.constant 0 : i32
    %dma_wait3A_981 = arith.constant 0 : i32
    %dma_wait3A_982 = tpu.memref_slice %arg4[%mul3A_2, %dma_wait3A_980, %dma_wait3A_981] : memref<4096x50x128xf32, #tpu.memory_space<hbm>> -> memref<1x50x128xf32, #tpu.memory_space<hbm>>
    %dma_wait3A_983 = tpu.memref_squeeze %dma_wait3A_982 : memref<1x50x128xf32, #tpu.memory_space<hbm>> -> memref<50x128xf32, #tpu.memory_space<hbm>>
    %dma_wait3A_984 = arith.constant 0 : i32
    %dma_wait3A_985 = arith.constant 0 : i32
    %dma_wait3A_986 = tpu.memref_slice %arg4[%mul3A_2, %dma_wait3A_984, %dma_wait3A_985] : memref<4096x50x128xf32, #tpu.memory_space<hbm>> -> memref<1x50x128xf32, #tpu.memory_space<hbm>>
    %dma_wait3A_987 = tpu.memref_squeeze %dma_wait3A_986 : memref<1x50x128xf32, #tpu.memory_space<hbm>> -> memref<50x128xf32, #tpu.memory_space<hbm>>
    tpu.wait_dma2 semaphore(%arg13 : memref<!tpu.dma_semaphore, #tpu.memory_space<semaphore_mem>>) src(%dma_wait3A_987 : memref<50x128xf32, #tpu.memory_space<hbm>>) dst(%arg9 : memref<50x128xf32, #tpu.memory_space<vmem>>)
    %dma_wait3A_988 = arith.constant 0 : i32
    %dma_wait3A_989 = arith.constant 0 : i32
    %dma_wait3A_990 = tpu.memref_slice %arg4[%mul3A_2, %dma_wait3A_988, %dma_wait3A_989] : memref<4096x50x128xf32, #tpu.memory_space<hbm>> -> memref<1x50x128xf32, #tpu.memory_space<hbm>>
    %dma_wait3A_991 = tpu.memref_squeeze %dma_wait3A_990 : memref<1x50x128xf32, #tpu.memory_space<hbm>> -> memref<50x128xf32, #tpu.memory_space<hbm>>
    %dma_wait3A_992 = arith.constant 0 : i32
    %dma_wait3A_993 = arith.constant 0 : i32
    %dma_wait3A_994 = tpu.memref_slice %arg4[%mul3A_2, %dma_wait3A_992, %dma_wait3A_993] : memref<4096x50x128xf32, #tpu.memory_space<hbm>> -> memref<1x50x128xf32, #tpu.memory_space<hbm>>
    %dma_wait3A_995 = tpu.memref_squeeze %dma_wait3A_994 : memref<1x50x128xf32, #tpu.memory_space<hbm>> -> memref<50x128xf32, #tpu.memory_space<hbm>>
    tpu.wait_dma2 semaphore(%arg13 : memref<!tpu.dma_semaphore, #tpu.memory_space<semaphore_mem>>) src(%dma_wait3A_995 : memref<50x128xf32, #tpu.memory_space<hbm>>) dst(%arg9 : memref<50x128xf32, #tpu.memory_space<vmem>>)
    %dma_wait3A_996 = arith.constant 0 : i32
    %dma_wait3A_997 = arith.constant 0 : i32
    %dma_wait3A_998 = tpu.memref_slice %arg4[%mul3A_2, %dma_wait3A_996, %dma_wait3A_997] : memref<4096x50x128xf32, #tpu.memory_space<hbm>> -> memref<1x50x128xf32, #tpu.memory_space<hbm>>
    %dma_wait3A_999 = tpu.memref_squeeze %dma_wait3A_998 : memref<1x50x128xf32, #tpu.memory_space<hbm>> -> memref<50x128xf32, #tpu.memory_space<hbm>>
    %dma_wait3A_1000 = arith.constant 0 : i32
    %dma_wait3A_1001 = arith.constant 0 : i32
    %dma_wait3A_1002 = tpu.memref_slice %arg4[%mul3A_2, %dma_wait3A_1000, %dma_wait3A_1001] : memref<4096x50x128xf32, #tpu.memory_space<hbm>> -> memref<1x50x128xf32, #tpu.memory_space<hbm>>
    %dma_wait3A_1003 = tpu.memref_squeeze %dma_wait3A_1002 : memref<1x50x128xf32, #tpu.memory_space<hbm>> -> memref<50x128xf32, #tpu.memory_space<hbm>>
    tpu.wait_dma2 semaphore(%arg13 : memref<!tpu.dma_semaphore, #tpu.memory_space<semaphore_mem>>) src(%dma_wait3A_1003 : memref<50x128xf32, #tpu.memory_space<hbm>>) dst(%arg9 : memref<50x128xf32, #tpu.memory_space<vmem>>)
    %dma_wait3A_1004 = arith.constant 0 : i32
    %dma_wait3A_1005 = arith.constant 0 : i32
    %dma_wait3A_1006 = tpu.memref_slice %arg4[%mul3A_2, %dma_wait3A_1004, %dma_wait3A_1005] : memref<4096x50x128xf32, #tpu.memory_space<hbm>> -> memref<1x50x128xf32, #tpu.memory_space<hbm>>
    %dma_wait3A_1007 = tpu.memref_squeeze %dma_wait3A_1006 : memref<1x50x128xf32, #tpu.memory_space<hbm>> -> memref<50x128xf32, #tpu.memory_space<hbm>>
    %dma_wait3A_1008 = arith.constant 0 : i32
    %dma_wait3A_1009 = arith.constant 0 : i32
    %dma_wait3A_1010 = tpu.memref_slice %arg4[%mul3A_2, %dma_wait3A_1008, %dma_wait3A_1009] : memref<4096x50x128xf32, #tpu.memory_space<hbm>> -> memref<1x50x128xf32, #tpu.memory_space<hbm>>
    %dma_wait3A_1011 = tpu.memref_squeeze %dma_wait3A_1010 : memref<1x50x128xf32, #tpu.memory_space<hbm>> -> memref<50x128xf32, #tpu.memory_space<hbm>>
    tpu.wait_dma2 semaphore(%arg13 : memref<!tpu.dma_semaphore, #tpu.memory_space<semaphore_mem>>) src(%dma_wait3A_1011 : memref<50x128xf32, #tpu.memory_space<hbm>>) dst(%arg9 : memref<50x128xf32, #tpu.memory_space<vmem>>)
    %dma_wait3A_1012 = arith.constant 0 : i32
    %dma_wait3A_1013 = arith.constant 0 : i32
    %dma_wait3A_1014 = tpu.memref_slice %arg4[%mul3A_2, %dma_wait3A_1012, %dma_wait3A_1013] : memref<4096x50x128xf32, #tpu.memory_space<hbm>> -> memref<1x50x128xf32, #tpu.memory_space<hbm>>
    %dma_wait3A_1015 = tpu.memref_squeeze %dma_wait3A_1014 : memref<1x50x128xf32, #tpu.memory_space<hbm>> -> memref<50x128xf32, #tpu.memory_space<hbm>>
    %dma_wait3A_1016 = arith.constant 0 : i32
    %dma_wait3A_1017 = arith.constant 0 : i32
    %dma_wait3A_1018 = tpu.memref_slice %arg4[%mul3A_2, %dma_wait3A_1016, %dma_wait3A_1017] : memref<4096x50x128xf32, #tpu.memory_space<hbm>> -> memref<1x50x128xf32, #tpu.memory_space<hbm>>
    %dma_wait3A_1019 = tpu.memref_squeeze %dma_wait3A_1018 : memref<1x50x128xf32, #tpu.memory_space<hbm>> -> memref<50x128xf32, #tpu.memory_space<hbm>>
    tpu.wait_dma2 semaphore(%arg13 : memref<!tpu.dma_semaphore, #tpu.memory_space<semaphore_mem>>) src(%dma_wait3A_1019 : memref<50x128xf32, #tpu.memory_space<hbm>>) dst(%arg9 : memref<50x128xf32, #tpu.memory_space<vmem>>)
    %dma_wait3A_1020 = arith.constant 0 : i32
    %dma_wait3A_1021 = arith.constant 0 : i32
    %dma_wait3A_1022 = tpu.memref_slice %arg4[%mul3A_2, %dma_wait3A_1020, %dma_wait3A_1021] : memref<4096x50x128xf32, #tpu.memory_space<hbm>> -> memref<1x50x128xf32, #tpu.memory_space<hbm>>
    %dma_wait3A_1023 = tpu.memref_squeeze %dma_wait3A_1022 : memref<1x50x128xf32, #tpu.memory_space<hbm>> -> memref<50x128xf32, #tpu.memory_space<hbm>>
    %dma_wait3A_1024 = arith.constant 0 : i32
    %dma_wait3A_1025 = arith.constant 0 : i32
    %dma_wait3A_1026 = tpu.memref_slice %arg4[%mul3A_2, %dma_wait3A_1024, %dma_wait3A_1025] : memref<4096x50x128xf32, #tpu.memory_space<hbm>> -> memref<1x50x128xf32, #tpu.memory_space<hbm>>
    %dma_wait3A_1027 = tpu.memref_squeeze %dma_wait3A_1026 : memref<1x50x128xf32, #tpu.memory_space<hbm>> -> memref<50x128xf32, #tpu.memory_space<hbm>>
    tpu.wait_dma2 semaphore(%arg13 : memref<!tpu.dma_semaphore, #tpu.memory_space<semaphore_mem>>) src(%dma_wait3A_1027 : memref<50x128xf32, #tpu.memory_space<hbm>>) dst(%arg9 : memref<50x128xf32, #tpu.memory_space<vmem>>)
    %dma_wait3A_1028 = arith.constant 0 : i32
    %dma_wait3A_1029 = arith.constant 0 : i32
    %dma_wait3A_1030 = tpu.memref_slice %arg4[%mul3A_2, %dma_wait3A_1028, %dma_wait3A_1029] : memref<4096x50x128xf32, #tpu.memory_space<hbm>> -> memref<1x50x128xf32, #tpu.memory_space<hbm>>
    %dma_wait3A_1031 = tpu.memref_squeeze %dma_wait3A_1030 : memref<1x50x128xf32, #tpu.memory_space<hbm>> -> memref<50x128xf32, #tpu.memory_space<hbm>>
    %dma_wait3A_1032 = arith.constant 0 : i32
    %dma_wait3A_1033 = arith.constant 0 : i32
    %dma_wait3A_1034 = tpu.memref_slice %arg4[%mul3A_2, %dma_wait3A_1032, %dma_wait3A_1033] : memref<4096x50x128xf32, #tpu.memory_space<hbm>> -> memref<1x50x128xf32, #tpu.memory_space<hbm>>
    %dma_wait3A_1035 = tpu.memref_squeeze %dma_wait3A_1034 : memref<1x50x128xf32, #tpu.memory_space<hbm>> -> memref<50x128xf32, #tpu.memory_space<hbm>>
    tpu.wait_dma2 semaphore(%arg13 : memref<!tpu.dma_semaphore, #tpu.memory_space<semaphore_mem>>) src(%dma_wait3A_1035 : memref<50x128xf32, #tpu.memory_space<hbm>>) dst(%arg9 : memref<50x128xf32, #tpu.memory_space<vmem>>)
    %dma_wait3A_1036 = arith.constant 0 : i32
    %dma_wait3A_1037 = arith.constant 0 : i32
    %dma_wait3A_1038 = tpu.memref_slice %arg4[%mul3A_2, %dma_wait3A_1036, %dma_wait3A_1037] : memref<4096x50x128xf32, #tpu.memory_space<hbm>> -> memref<1x50x128xf32, #tpu.memory_space<hbm>>
    %dma_wait3A_1039 = tpu.memref_squeeze %dma_wait3A_1038 : memref<1x50x128xf32, #tpu.memory_space<hbm>> -> memref<50x128xf32, #tpu.memory_space<hbm>>
    %dma_wait3A_1040 = arith.constant 0 : i32
    %dma_wait3A_1041 = arith.constant 0 : i32
    %dma_wait3A_1042 = tpu.memref_slice %arg4[%mul3A_2, %dma_wait3A_1040, %dma_wait3A_1041] : memref<4096x50x128xf32, #tpu.memory_space<hbm>> -> memref<1x50x128xf32, #tpu.memory_space<hbm>>
    %dma_wait3A_1043 = tpu.memref_squeeze %dma_wait3A_1042 : memref<1x50x128xf32, #tpu.memory_space<hbm>> -> memref<50x128xf32, #tpu.memory_space<hbm>>
    tpu.wait_dma2 semaphore(%arg13 : memref<!tpu.dma_semaphore, #tpu.memory_space<semaphore_mem>>) src(%dma_wait3A_1043 : memref<50x128xf32, #tpu.memory_space<hbm>>) dst(%arg9 : memref<50x128xf32, #tpu.memory_space<vmem>>)
    %dma_wait3A_1044 = arith.constant 0 : i32
    %dma_wait3A_1045 = arith.constant 0 : i32
    %dma_wait3A_1046 = tpu.memref_slice %arg4[%mul3A_2, %dma_wait3A_1044, %dma_wait3A_1045] : memref<4096x50x128xf32, #tpu.memory_space<hbm>> -> memref<1x50x128xf32, #tpu.memory_space<hbm>>
    %dma_wait3A_1047 = tpu.memref_squeeze %dma_wait3A_1046 : memref<1x50x128xf32, #tpu.memory_space<hbm>> -> memref<50x128xf32, #tpu.memory_space<hbm>>
    %dma_wait3A_1048 = arith.constant 0 : i32
    %dma_wait3A_1049 = arith.constant 0 : i32
    %dma_wait3A_1050 = tpu.memref_slice %arg4[%mul3A_2, %dma_wait3A_1048, %dma_wait3A_1049] : memref<4096x50x128xf32, #tpu.memory_space<hbm>> -> memref<1x50x128xf32, #tpu.memory_space<hbm>>
    %dma_wait3A_1051 = tpu.memref_squeeze %dma_wait3A_1050 : memref<1x50x128xf32, #tpu.memory_space<hbm>> -> memref<50x128xf32, #tpu.memory_space<hbm>>
    tpu.wait_dma2 semaphore(%arg13 : memref<!tpu.dma_semaphore, #tpu.memory_space<semaphore_mem>>) src(%dma_wait3A_1051 : memref<50x128xf32, #tpu.memory_space<hbm>>) dst(%arg9 : memref<50x128xf32, #tpu.memory_space<vmem>>)
    %add3A_1052 = arith.constant 126 : i32
    %add3A_1053 = arith.addi %mul3A_2, %add3A_1052 : i32
    %sub3A_1054 = arith.constant 2 : i32
    %sub3A_1055 = arith.subi %add3A_1053, %sub3A_1054 : i32
    %dma_start3A_1056 = arith.constant 0 : i32
    %dma_start3A_1057 = arith.constant 0 : i32
    %dma_start3A_1058 = tpu.memref_slice %arg4[%sub3A_1055, %dma_start3A_1056, %dma_start3A_1057] : memref<4096x50x128xf32, #tpu.memory_space<hbm>> -> memref<1x50x128xf32, #tpu.memory_space<hbm>>
    %dma_start3A_1059 = tpu.memref_squeeze %dma_start3A_1058 : memref<1x50x128xf32, #tpu.memory_space<hbm>> -> memref<50x128xf32, #tpu.memory_space<hbm>>
    %dma_start3A_1060 = arith.constant 0 : i32
    %dma_start3A_1061 = arith.constant 0 : i32
    %dma_start3A_1062 = tpu.memref_slice %arg4[%sub3A_1055, %dma_start3A_1060, %dma_start3A_1061] : memref<4096x50x128xf32, #tpu.memory_space<hbm>> -> memref<1x50x128xf32, #tpu.memory_space<hbm>>
    %dma_start3A_1063 = tpu.memref_squeeze %dma_start3A_1062 : memref<1x50x128xf32, #tpu.memory_space<hbm>> -> memref<50x128xf32, #tpu.memory_space<hbm>>
    tpu.enqueue_dma source(%arg9 : memref<50x128xf32, #tpu.memory_space<vmem>>) target(%dma_start3A_1063 : memref<50x128xf32, #tpu.memory_space<hbm>>) target_semaphore(%arg21 : memref<!tpu.dma_semaphore, #tpu.memory_space<semaphore_mem>>)
    %dma_wait3A_1064 = arith.constant 0 : i32
    %dma_wait3A_1065 = arith.constant 0 : i32
    %dma_wait3A_1066 = tpu.memref_slice %arg2[%mul3A_2, %dma_wait3A_1064, %dma_wait3A_1065] : memref<4096x10x50xi32, #tpu.memory_space<hbm>> -> memref<1x10x50xi32, #tpu.memory_space<hbm>>
    %dma_wait3A_1067 = tpu.memref_squeeze %dma_wait3A_1066 : memref<1x10x50xi32, #tpu.memory_space<hbm>> -> memref<10x50xi32, #tpu.memory_space<hbm>>
    %dma_wait3A_1068 = arith.constant 0 : i32
    %dma_wait3A_1069 = arith.constant 0 : i32
    %dma_wait3A_1070 = tpu.memref_slice %arg2[%mul3A_2, %dma_wait3A_1068, %dma_wait3A_1069] : memref<4096x10x50xi32, #tpu.memory_space<hbm>> -> memref<1x10x50xi32, #tpu.memory_space<hbm>>
    %dma_wait3A_1071 = tpu.memref_squeeze %dma_wait3A_1070 : memref<1x10x50xi32, #tpu.memory_space<hbm>> -> memref<10x50xi32, #tpu.memory_space<hbm>>
    tpu.wait_dma2 semaphore(%arg20 : memref<!tpu.dma_semaphore, #tpu.memory_space<semaphore_mem>>) src(%dma_wait3A_1071 : memref<10x50xi32, #tpu.memory_space<hbm>>) dst(%arg8 : memref<10x50xi32, #tpu.memory_space<vmem>>)
    %dma_wait3A_1072 = arith.constant 0 : i32
    %dma_wait3A_1073 = arith.constant 0 : i32
    %dma_wait3A_1074 = tpu.memref_slice %arg4[%mul3A_2, %dma_wait3A_1072, %dma_wait3A_1073] : memref<4096x50x128xf32, #tpu.memory_space<hbm>> -> memref<1x50x128xf32, #tpu.memory_space<hbm>>
    %dma_wait3A_1075 = tpu.memref_squeeze %dma_wait3A_1074 : memref<1x50x128xf32, #tpu.memory_space<hbm>> -> memref<50x128xf32, #tpu.memory_space<hbm>>
    %dma_wait3A_1076 = arith.constant 0 : i32
    %dma_wait3A_1077 = arith.constant 0 : i32
    %dma_wait3A_1078 = tpu.memref_slice %arg4[%mul3A_2, %dma_wait3A_1076, %dma_wait3A_1077] : memref<4096x50x128xf32, #tpu.memory_space<hbm>> -> memref<1x50x128xf32, #tpu.memory_space<hbm>>
    %dma_wait3A_1079 = tpu.memref_squeeze %dma_wait3A_1078 : memref<1x50x128xf32, #tpu.memory_space<hbm>> -> memref<50x128xf32, #tpu.memory_space<hbm>>
    tpu.wait_dma2 semaphore(%arg24 : memref<!tpu.dma_semaphore, #tpu.memory_space<semaphore_mem>>) src(%dma_wait3A_1079 : memref<50x128xf32, #tpu.memory_space<hbm>>) dst(%arg12 : memref<50x128xf32, #tpu.memory_space<vmem>>)
    %dma_start3A_1080 = arith.constant 0 : i32
    %dma_start3A_1081 = arith.constant 0 : i32
    %dma_start3A_1082 = tpu.memref_slice %arg8[%dma_start3A_1080, %dma_start3A_1081] : memref<10x50xi32, #tpu.memory_space<vmem>> -> memref<1x50xi32, #tpu.memory_space<vmem>>
    %dma_start3A_1083 = tpu.memref_squeeze %dma_start3A_1082 : memref<1x50xi32, #tpu.memory_space<vmem>> -> memref<50xi32, #tpu.memory_space<vmem>>
    %dma_start3A_1084 = arith.constant 0 : i32
    %dma_start3A_1085 = arith.constant 0 : i32
    %dma_start3A_1086 = tpu.memref_slice %arg3[%dma_start3A_1084, %dma_start3A_1085] : memref<10000x128xf32, #tpu.memory_space<hbm>> -> memref<10000x128xf32, #tpu.memory_space<hbm>>
    tpu.enqueue_indirect_dma source(%dma_start3A_1086 : memref<10000x128xf32, #tpu.memory_space<hbm>>) target(%arg12 : memref<50x128xf32, #tpu.memory_space<vmem>>) offsets(%dma_start3A_1083 : memref<50xi32, #tpu.memory_space<vmem>>) semaphore(%arg16 : memref<!tpu.dma_semaphore, #tpu.memory_space<semaphore_mem>>)
    %dma_wait3A_1087 = arith.constant 0 : i32
    %dma_wait3A_1088 = arith.constant 0 : i32
    %dma_wait3A_1089 = tpu.memref_slice %arg4[%mul3A_2, %dma_wait3A_1087, %dma_wait3A_1088] : memref<4096x50x128xf32, #tpu.memory_space<hbm>> -> memref<1x50x128xf32, #tpu.memory_space<hbm>>
    %dma_wait3A_1090 = tpu.memref_squeeze %dma_wait3A_1089 : memref<1x50x128xf32, #tpu.memory_space<hbm>> -> memref<50x128xf32, #tpu.memory_space<hbm>>
    %dma_wait3A_1091 = arith.constant 0 : i32
    %dma_wait3A_1092 = arith.constant 0 : i32
    %dma_wait3A_1093 = tpu.memref_slice %arg4[%mul3A_2, %dma_wait3A_1091, %dma_wait3A_1092] : memref<4096x50x128xf32, #tpu.memory_space<hbm>> -> memref<1x50x128xf32, #tpu.memory_space<hbm>>
    %dma_wait3A_1094 = tpu.memref_squeeze %dma_wait3A_1093 : memref<1x50x128xf32, #tpu.memory_space<hbm>> -> memref<50x128xf32, #tpu.memory_space<hbm>>
    tpu.wait_dma2 semaphore(%arg15 : memref<!tpu.dma_semaphore, #tpu.memory_space<semaphore_mem>>) src(%dma_wait3A_1094 : memref<50x128xf32, #tpu.memory_space<hbm>>) dst(%arg11 : memref<50x128xf32, #tpu.memory_space<vmem>>)
    %dma_start3A_1095 = arith.constant 1 : i32
    %dma_start3A_1096 = arith.constant 0 : i32
    %dma_start3A_1097 = tpu.memref_slice %arg7[%dma_start3A_1095, %dma_start3A_1096] : memref<10x50xi32, #tpu.memory_space<vmem>> -> memref<1x50xi32, #tpu.memory_space<vmem>>
    %dma_start3A_1098 = tpu.memref_squeeze %dma_start3A_1097 : memref<1x50xi32, #tpu.memory_space<vmem>> -> memref<50xi32, #tpu.memory_space<vmem>>
    %dma_start3A_1099 = arith.constant 0 : i32
    %dma_start3A_1100 = arith.constant 0 : i32
    %dma_start3A_1101 = tpu.memref_slice %arg3[%dma_start3A_1099, %dma_start3A_1100] : memref<10000x128xf32, #tpu.memory_space<hbm>> -> memref<10000x128xf32, #tpu.memory_space<hbm>>
    tpu.enqueue_indirect_dma source(%dma_start3A_1101 : memref<10000x128xf32, #tpu.memory_space<hbm>>) target(%arg11 : memref<50x128xf32, #tpu.memory_space<vmem>>) offsets(%dma_start3A_1098 : memref<50xi32, #tpu.memory_space<vmem>>) semaphore(%arg15 : memref<!tpu.dma_semaphore, #tpu.memory_space<semaphore_mem>>) {add = true}
    %dma_start3A_1102 = arith.constant 2 : i32
    %dma_start3A_1103 = arith.constant 0 : i32
    %dma_start3A_1104 = tpu.memref_slice %arg7[%dma_start3A_1102, %dma_start3A_1103] : memref<10x50xi32, #tpu.memory_space<vmem>> -> memref<1x50xi32, #tpu.memory_space<vmem>>
    %dma_start3A_1105 = tpu.memref_squeeze %dma_start3A_1104 : memref<1x50xi32, #tpu.memory_space<vmem>> -> memref<50xi32, #tpu.memory_space<vmem>>
    %dma_start3A_1106 = arith.constant 0 : i32
    %dma_start3A_1107 = arith.constant 0 : i32
    %dma_start3A_1108 = tpu.memref_slice %arg3[%dma_start3A_1106, %dma_start3A_1107] : memref<10000x128xf32, #tpu.memory_space<hbm>> -> memref<10000x128xf32, #tpu.memory_space<hbm>>
    tpu.enqueue_indirect_dma source(%dma_start3A_1108 : memref<10000x128xf32, #tpu.memory_space<hbm>>) target(%arg11 : memref<50x128xf32, #tpu.memory_space<vmem>>) offsets(%dma_start3A_1105 : memref<50xi32, #tpu.memory_space<vmem>>) semaphore(%arg15 : memref<!tpu.dma_semaphore, #tpu.memory_space<semaphore_mem>>) {add = true}
    %dma_start3A_1109 = arith.constant 3 : i32
    %dma_start3A_1110 = arith.constant 0 : i32
    %dma_start3A_1111 = tpu.memref_slice %arg7[%dma_start3A_1109, %dma_start3A_1110] : memref<10x50xi32, #tpu.memory_space<vmem>> -> memref<1x50xi32, #tpu.memory_space<vmem>>
    %dma_start3A_1112 = tpu.memref_squeeze %dma_start3A_1111 : memref<1x50xi32, #tpu.memory_space<vmem>> -> memref<50xi32, #tpu.memory_space<vmem>>
    %dma_start3A_1113 = arith.constant 0 : i32
    %dma_start3A_1114 = arith.constant 0 : i32
    %dma_start3A_1115 = tpu.memref_slice %arg3[%dma_start3A_1113, %dma_start3A_1114] : memref<10000x128xf32, #tpu.memory_space<hbm>> -> memref<10000x128xf32, #tpu.memory_space<hbm>>
    tpu.enqueue_indirect_dma source(%dma_start3A_1115 : memref<10000x128xf32, #tpu.memory_space<hbm>>) target(%arg11 : memref<50x128xf32, #tpu.memory_space<vmem>>) offsets(%dma_start3A_1112 : memref<50xi32, #tpu.memory_space<vmem>>) semaphore(%arg15 : memref<!tpu.dma_semaphore, #tpu.memory_space<semaphore_mem>>) {add = true}
    %dma_start3A_1116 = arith.constant 4 : i32
    %dma_start3A_1117 = arith.constant 0 : i32
    %dma_start3A_1118 = tpu.memref_slice %arg7[%dma_start3A_1116, %dma_start3A_1117] : memref<10x50xi32, #tpu.memory_space<vmem>> -> memref<1x50xi32, #tpu.memory_space<vmem>>
    %dma_start3A_1119 = tpu.memref_squeeze %dma_start3A_1118 : memref<1x50xi32, #tpu.memory_space<vmem>> -> memref<50xi32, #tpu.memory_space<vmem>>
    %dma_start3A_1120 = arith.constant 0 : i32
    %dma_start3A_1121 = arith.constant 0 : i32
    %dma_start3A_1122 = tpu.memref_slice %arg3[%dma_start3A_1120, %dma_start3A_1121] : memref<10000x128xf32, #tpu.memory_space<hbm>> -> memref<10000x128xf32, #tpu.memory_space<hbm>>
    tpu.enqueue_indirect_dma source(%dma_start3A_1122 : memref<10000x128xf32, #tpu.memory_space<hbm>>) target(%arg11 : memref<50x128xf32, #tpu.memory_space<vmem>>) offsets(%dma_start3A_1119 : memref<50xi32, #tpu.memory_space<vmem>>) semaphore(%arg15 : memref<!tpu.dma_semaphore, #tpu.memory_space<semaphore_mem>>) {add = true}
    %dma_start3A_1123 = arith.constant 5 : i32
    %dma_start3A_1124 = arith.constant 0 : i32
    %dma_start3A_1125 = tpu.memref_slice %arg7[%dma_start3A_1123, %dma_start3A_1124] : memref<10x50xi32, #tpu.memory_space<vmem>> -> memref<1x50xi32, #tpu.memory_space<vmem>>
    %dma_start3A_1126 = tpu.memref_squeeze %dma_start3A_1125 : memref<1x50xi32, #tpu.memory_space<vmem>> -> memref<50xi32, #tpu.memory_space<vmem>>
    %dma_start3A_1127 = arith.constant 0 : i32
    %dma_start3A_1128 = arith.constant 0 : i32
    %dma_start3A_1129 = tpu.memref_slice %arg3[%dma_start3A_1127, %dma_start3A_1128] : memref<10000x128xf32, #tpu.memory_space<hbm>> -> memref<10000x128xf32, #tpu.memory_space<hbm>>
    tpu.enqueue_indirect_dma source(%dma_start3A_1129 : memref<10000x128xf32, #tpu.memory_space<hbm>>) target(%arg11 : memref<50x128xf32, #tpu.memory_space<vmem>>) offsets(%dma_start3A_1126 : memref<50xi32, #tpu.memory_space<vmem>>) semaphore(%arg15 : memref<!tpu.dma_semaphore, #tpu.memory_space<semaphore_mem>>) {add = true}
    %dma_start3A_1130 = arith.constant 6 : i32
    %dma_start3A_1131 = arith.constant 0 : i32
    %dma_start3A_1132 = tpu.memref_slice %arg7[%dma_start3A_1130, %dma_start3A_1131] : memref<10x50xi32, #tpu.memory_space<vmem>> -> memref<1x50xi32, #tpu.memory_space<vmem>>
    %dma_start3A_1133 = tpu.memref_squeeze %dma_start3A_1132 : memref<1x50xi32, #tpu.memory_space<vmem>> -> memref<50xi32, #tpu.memory_space<vmem>>
    %dma_start3A_1134 = arith.constant 0 : i32
    %dma_start3A_1135 = arith.constant 0 : i32
    %dma_start3A_1136 = tpu.memref_slice %arg3[%dma_start3A_1134, %dma_start3A_1135] : memref<10000x128xf32, #tpu.memory_space<hbm>> -> memref<10000x128xf32, #tpu.memory_space<hbm>>
    tpu.enqueue_indirect_dma source(%dma_start3A_1136 : memref<10000x128xf32, #tpu.memory_space<hbm>>) target(%arg11 : memref<50x128xf32, #tpu.memory_space<vmem>>) offsets(%dma_start3A_1133 : memref<50xi32, #tpu.memory_space<vmem>>) semaphore(%arg15 : memref<!tpu.dma_semaphore, #tpu.memory_space<semaphore_mem>>) {add = true}
    %dma_start3A_1137 = arith.constant 7 : i32
    %dma_start3A_1138 = arith.constant 0 : i32
    %dma_start3A_1139 = tpu.memref_slice %arg7[%dma_start3A_1137, %dma_start3A_1138] : memref<10x50xi32, #tpu.memory_space<vmem>> -> memref<1x50xi32, #tpu.memory_space<vmem>>
    %dma_start3A_1140 = tpu.memref_squeeze %dma_start3A_1139 : memref<1x50xi32, #tpu.memory_space<vmem>> -> memref<50xi32, #tpu.memory_space<vmem>>
    %dma_start3A_1141 = arith.constant 0 : i32
    %dma_start3A_1142 = arith.constant 0 : i32
    %dma_start3A_1143 = tpu.memref_slice %arg3[%dma_start3A_1141, %dma_start3A_1142] : memref<10000x128xf32, #tpu.memory_space<hbm>> -> memref<10000x128xf32, #tpu.memory_space<hbm>>
    tpu.enqueue_indirect_dma source(%dma_start3A_1143 : memref<10000x128xf32, #tpu.memory_space<hbm>>) target(%arg11 : memref<50x128xf32, #tpu.memory_space<vmem>>) offsets(%dma_start3A_1140 : memref<50xi32, #tpu.memory_space<vmem>>) semaphore(%arg15 : memref<!tpu.dma_semaphore, #tpu.memory_space<semaphore_mem>>) {add = true}
    %dma_start3A_1144 = arith.constant 8 : i32
    %dma_start3A_1145 = arith.constant 0 : i32
    %dma_start3A_1146 = tpu.memref_slice %arg7[%dma_start3A_1144, %dma_start3A_1145] : memref<10x50xi32, #tpu.memory_space<vmem>> -> memref<1x50xi32, #tpu.memory_space<vmem>>
    %dma_start3A_1147 = tpu.memref_squeeze %dma_start3A_1146 : memref<1x50xi32, #tpu.memory_space<vmem>> -> memref<50xi32, #tpu.memory_space<vmem>>
    %dma_start3A_1148 = arith.constant 0 : i32
    %dma_start3A_1149 = arith.constant 0 : i32
    %dma_start3A_1150 = tpu.memref_slice %arg3[%dma_start3A_1148, %dma_start3A_1149] : memref<10000x128xf32, #tpu.memory_space<hbm>> -> memref<10000x128xf32, #tpu.memory_space<hbm>>
    tpu.enqueue_indirect_dma source(%dma_start3A_1150 : memref<10000x128xf32, #tpu.memory_space<hbm>>) target(%arg11 : memref<50x128xf32, #tpu.memory_space<vmem>>) offsets(%dma_start3A_1147 : memref<50xi32, #tpu.memory_space<vmem>>) semaphore(%arg15 : memref<!tpu.dma_semaphore, #tpu.memory_space<semaphore_mem>>) {add = true}
    %dma_start3A_1151 = arith.constant 9 : i32
    %dma_start3A_1152 = arith.constant 0 : i32
    %dma_start3A_1153 = tpu.memref_slice %arg7[%dma_start3A_1151, %dma_start3A_1152] : memref<10x50xi32, #tpu.memory_space<vmem>> -> memref<1x50xi32, #tpu.memory_space<vmem>>
    %dma_start3A_1154 = tpu.memref_squeeze %dma_start3A_1153 : memref<1x50xi32, #tpu.memory_space<vmem>> -> memref<50xi32, #tpu.memory_space<vmem>>
    %dma_start3A_1155 = arith.constant 0 : i32
    %dma_start3A_1156 = arith.constant 0 : i32
    %dma_start3A_1157 = tpu.memref_slice %arg3[%dma_start3A_1155, %dma_start3A_1156] : memref<10000x128xf32, #tpu.memory_space<hbm>> -> memref<10000x128xf32, #tpu.memory_space<hbm>>
    tpu.enqueue_indirect_dma source(%dma_start3A_1157 : memref<10000x128xf32, #tpu.memory_space<hbm>>) target(%arg11 : memref<50x128xf32, #tpu.memory_space<vmem>>) offsets(%dma_start3A_1154 : memref<50xi32, #tpu.memory_space<vmem>>) semaphore(%arg15 : memref<!tpu.dma_semaphore, #tpu.memory_space<semaphore_mem>>) {add = true}
    %dma_wait3A_1158 = arith.constant 0 : i32
    %dma_wait3A_1159 = arith.constant 0 : i32
    %dma_wait3A_1160 = tpu.memref_slice %arg4[%mul3A_2, %dma_wait3A_1158, %dma_wait3A_1159] : memref<4096x50x128xf32, #tpu.memory_space<hbm>> -> memref<1x50x128xf32, #tpu.memory_space<hbm>>
    %dma_wait3A_1161 = tpu.memref_squeeze %dma_wait3A_1160 : memref<1x50x128xf32, #tpu.memory_space<hbm>> -> memref<50x128xf32, #tpu.memory_space<hbm>>
    %dma_wait3A_1162 = arith.constant 0 : i32
    %dma_wait3A_1163 = arith.constant 0 : i32
    %dma_wait3A_1164 = tpu.memref_slice %arg4[%mul3A_2, %dma_wait3A_1162, %dma_wait3A_1163] : memref<4096x50x128xf32, #tpu.memory_space<hbm>> -> memref<1x50x128xf32, #tpu.memory_space<hbm>>
    %dma_wait3A_1165 = tpu.memref_squeeze %dma_wait3A_1164 : memref<1x50x128xf32, #tpu.memory_space<hbm>> -> memref<50x128xf32, #tpu.memory_space<hbm>>
    tpu.wait_dma2 semaphore(%arg14 : memref<!tpu.dma_semaphore, #tpu.memory_space<semaphore_mem>>) src(%dma_wait3A_1165 : memref<50x128xf32, #tpu.memory_space<hbm>>) dst(%arg10 : memref<50x128xf32, #tpu.memory_space<vmem>>)
    %dma_wait3A_1166 = arith.constant 0 : i32
    %dma_wait3A_1167 = arith.constant 0 : i32
    %dma_wait3A_1168 = tpu.memref_slice %arg4[%mul3A_2, %dma_wait3A_1166, %dma_wait3A_1167] : memref<4096x50x128xf32, #tpu.memory_space<hbm>> -> memref<1x50x128xf32, #tpu.memory_space<hbm>>
    %dma_wait3A_1169 = tpu.memref_squeeze %dma_wait3A_1168 : memref<1x50x128xf32, #tpu.memory_space<hbm>> -> memref<50x128xf32, #tpu.memory_space<hbm>>
    %dma_wait3A_1170 = arith.constant 0 : i32
    %dma_wait3A_1171 = arith.constant 0 : i32
    %dma_wait3A_1172 = tpu.memref_slice %arg4[%mul3A_2, %dma_wait3A_1170, %dma_wait3A_1171] : memref<4096x50x128xf32, #tpu.memory_space<hbm>> -> memref<1x50x128xf32, #tpu.memory_space<hbm>>
    %dma_wait3A_1173 = tpu.memref_squeeze %dma_wait3A_1172 : memref<1x50x128xf32, #tpu.memory_space<hbm>> -> memref<50x128xf32, #tpu.memory_space<hbm>>
    tpu.wait_dma2 semaphore(%arg14 : memref<!tpu.dma_semaphore, #tpu.memory_space<semaphore_mem>>) src(%dma_wait3A_1173 : memref<50x128xf32, #tpu.memory_space<hbm>>) dst(%arg10 : memref<50x128xf32, #tpu.memory_space<vmem>>)
    %dma_wait3A_1174 = arith.constant 0 : i32
    %dma_wait3A_1175 = arith.constant 0 : i32
    %dma_wait3A_1176 = tpu.memref_slice %arg4[%mul3A_2, %dma_wait3A_1174, %dma_wait3A_1175] : memref<4096x50x128xf32, #tpu.memory_space<hbm>> -> memref<1x50x128xf32, #tpu.memory_space<hbm>>
    %dma_wait3A_1177 = tpu.memref_squeeze %dma_wait3A_1176 : memref<1x50x128xf32, #tpu.memory_space<hbm>> -> memref<50x128xf32, #tpu.memory_space<hbm>>
    %dma_wait3A_1178 = arith.constant 0 : i32
    %dma_wait3A_1179 = arith.constant 0 : i32
    %dma_wait3A_1180 = tpu.memref_slice %arg4[%mul3A_2, %dma_wait3A_1178, %dma_wait3A_1179] : memref<4096x50x128xf32, #tpu.memory_space<hbm>> -> memref<1x50x128xf32, #tpu.memory_space<hbm>>
    %dma_wait3A_1181 = tpu.memref_squeeze %dma_wait3A_1180 : memref<1x50x128xf32, #tpu.memory_space<hbm>> -> memref<50x128xf32, #tpu.memory_space<hbm>>
    tpu.wait_dma2 semaphore(%arg14 : memref<!tpu.dma_semaphore, #tpu.memory_space<semaphore_mem>>) src(%dma_wait3A_1181 : memref<50x128xf32, #tpu.memory_space<hbm>>) dst(%arg10 : memref<50x128xf32, #tpu.memory_space<vmem>>)
    %dma_wait3A_1182 = arith.constant 0 : i32
    %dma_wait3A_1183 = arith.constant 0 : i32
    %dma_wait3A_1184 = tpu.memref_slice %arg4[%mul3A_2, %dma_wait3A_1182, %dma_wait3A_1183] : memref<4096x50x128xf32, #tpu.memory_space<hbm>> -> memref<1x50x128xf32, #tpu.memory_space<hbm>>
    %dma_wait3A_1185 = tpu.memref_squeeze %dma_wait3A_1184 : memref<1x50x128xf32, #tpu.memory_space<hbm>> -> memref<50x128xf32, #tpu.memory_space<hbm>>
    %dma_wait3A_1186 = arith.constant 0 : i32
    %dma_wait3A_1187 = arith.constant 0 : i32
    %dma_wait3A_1188 = tpu.memref_slice %arg4[%mul3A_2, %dma_wait3A_1186, %dma_wait3A_1187] : memref<4096x50x128xf32, #tpu.memory_space<hbm>> -> memref<1x50x128xf32, #tpu.memory_space<hbm>>
    %dma_wait3A_1189 = tpu.memref_squeeze %dma_wait3A_1188 : memref<1x50x128xf32, #tpu.memory_space<hbm>> -> memref<50x128xf32, #tpu.memory_space<hbm>>
    tpu.wait_dma2 semaphore(%arg14 : memref<!tpu.dma_semaphore, #tpu.memory_space<semaphore_mem>>) src(%dma_wait3A_1189 : memref<50x128xf32, #tpu.memory_space<hbm>>) dst(%arg10 : memref<50x128xf32, #tpu.memory_space<vmem>>)
    %dma_wait3A_1190 = arith.constant 0 : i32
    %dma_wait3A_1191 = arith.constant 0 : i32
    %dma_wait3A_1192 = tpu.memref_slice %arg4[%mul3A_2, %dma_wait3A_1190, %dma_wait3A_1191] : memref<4096x50x128xf32, #tpu.memory_space<hbm>> -> memref<1x50x128xf32, #tpu.memory_space<hbm>>
    %dma_wait3A_1193 = tpu.memref_squeeze %dma_wait3A_1192 : memref<1x50x128xf32, #tpu.memory_space<hbm>> -> memref<50x128xf32, #tpu.memory_space<hbm>>
    %dma_wait3A_1194 = arith.constant 0 : i32
    %dma_wait3A_1195 = arith.constant 0 : i32
    %dma_wait3A_1196 = tpu.memref_slice %arg4[%mul3A_2, %dma_wait3A_1194, %dma_wait3A_1195] : memref<4096x50x128xf32, #tpu.memory_space<hbm>> -> memref<1x50x128xf32, #tpu.memory_space<hbm>>
    %dma_wait3A_1197 = tpu.memref_squeeze %dma_wait3A_1196 : memref<1x50x128xf32, #tpu.memory_space<hbm>> -> memref<50x128xf32, #tpu.memory_space<hbm>>
    tpu.wait_dma2 semaphore(%arg14 : memref<!tpu.dma_semaphore, #tpu.memory_space<semaphore_mem>>) src(%dma_wait3A_1197 : memref<50x128xf32, #tpu.memory_space<hbm>>) dst(%arg10 : memref<50x128xf32, #tpu.memory_space<vmem>>)
    %dma_wait3A_1198 = arith.constant 0 : i32
    %dma_wait3A_1199 = arith.constant 0 : i32
    %dma_wait3A_1200 = tpu.memref_slice %arg4[%mul3A_2, %dma_wait3A_1198, %dma_wait3A_1199] : memref<4096x50x128xf32, #tpu.memory_space<hbm>> -> memref<1x50x128xf32, #tpu.memory_space<hbm>>
    %dma_wait3A_1201 = tpu.memref_squeeze %dma_wait3A_1200 : memref<1x50x128xf32, #tpu.memory_space<hbm>> -> memref<50x128xf32, #tpu.memory_space<hbm>>
    %dma_wait3A_1202 = arith.constant 0 : i32
    %dma_wait3A_1203 = arith.constant 0 : i32
    %dma_wait3A_1204 = tpu.memref_slice %arg4[%mul3A_2, %dma_wait3A_1202, %dma_wait3A_1203] : memref<4096x50x128xf32, #tpu.memory_space<hbm>> -> memref<1x50x128xf32, #tpu.memory_space<hbm>>
    %dma_wait3A_1205 = tpu.memref_squeeze %dma_wait3A_1204 : memref<1x50x128xf32, #tpu.memory_space<hbm>> -> memref<50x128xf32, #tpu.memory_space<hbm>>
    tpu.wait_dma2 semaphore(%arg14 : memref<!tpu.dma_semaphore, #tpu.memory_space<semaphore_mem>>) src(%dma_wait3A_1205 : memref<50x128xf32, #tpu.memory_space<hbm>>) dst(%arg10 : memref<50x128xf32, #tpu.memory_space<vmem>>)
    %dma_wait3A_1206 = arith.constant 0 : i32
    %dma_wait3A_1207 = arith.constant 0 : i32
    %dma_wait3A_1208 = tpu.memref_slice %arg4[%mul3A_2, %dma_wait3A_1206, %dma_wait3A_1207] : memref<4096x50x128xf32, #tpu.memory_space<hbm>> -> memref<1x50x128xf32, #tpu.memory_space<hbm>>
    %dma_wait3A_1209 = tpu.memref_squeeze %dma_wait3A_1208 : memref<1x50x128xf32, #tpu.memory_space<hbm>> -> memref<50x128xf32, #tpu.memory_space<hbm>>
    %dma_wait3A_1210 = arith.constant 0 : i32
    %dma_wait3A_1211 = arith.constant 0 : i32
    %dma_wait3A_1212 = tpu.memref_slice %arg4[%mul3A_2, %dma_wait3A_1210, %dma_wait3A_1211] : memref<4096x50x128xf32, #tpu.memory_space<hbm>> -> memref<1x50x128xf32, #tpu.memory_space<hbm>>
    %dma_wait3A_1213 = tpu.memref_squeeze %dma_wait3A_1212 : memref<1x50x128xf32, #tpu.memory_space<hbm>> -> memref<50x128xf32, #tpu.memory_space<hbm>>
    tpu.wait_dma2 semaphore(%arg14 : memref<!tpu.dma_semaphore, #tpu.memory_space<semaphore_mem>>) src(%dma_wait3A_1213 : memref<50x128xf32, #tpu.memory_space<hbm>>) dst(%arg10 : memref<50x128xf32, #tpu.memory_space<vmem>>)
    %dma_wait3A_1214 = arith.constant 0 : i32
    %dma_wait3A_1215 = arith.constant 0 : i32
    %dma_wait3A_1216 = tpu.memref_slice %arg4[%mul3A_2, %dma_wait3A_1214, %dma_wait3A_1215] : memref<4096x50x128xf32, #tpu.memory_space<hbm>> -> memref<1x50x128xf32, #tpu.memory_space<hbm>>
    %dma_wait3A_1217 = tpu.memref_squeeze %dma_wait3A_1216 : memref<1x50x128xf32, #tpu.memory_space<hbm>> -> memref<50x128xf32, #tpu.memory_space<hbm>>
    %dma_wait3A_1218 = arith.constant 0 : i32
    %dma_wait3A_1219 = arith.constant 0 : i32
    %dma_wait3A_1220 = tpu.memref_slice %arg4[%mul3A_2, %dma_wait3A_1218, %dma_wait3A_1219] : memref<4096x50x128xf32, #tpu.memory_space<hbm>> -> memref<1x50x128xf32, #tpu.memory_space<hbm>>
    %dma_wait3A_1221 = tpu.memref_squeeze %dma_wait3A_1220 : memref<1x50x128xf32, #tpu.memory_space<hbm>> -> memref<50x128xf32, #tpu.memory_space<hbm>>
    tpu.wait_dma2 semaphore(%arg14 : memref<!tpu.dma_semaphore, #tpu.memory_space<semaphore_mem>>) src(%dma_wait3A_1221 : memref<50x128xf32, #tpu.memory_space<hbm>>) dst(%arg10 : memref<50x128xf32, #tpu.memory_space<vmem>>)
    %dma_wait3A_1222 = arith.constant 0 : i32
    %dma_wait3A_1223 = arith.constant 0 : i32
    %dma_wait3A_1224 = tpu.memref_slice %arg4[%mul3A_2, %dma_wait3A_1222, %dma_wait3A_1223] : memref<4096x50x128xf32, #tpu.memory_space<hbm>> -> memref<1x50x128xf32, #tpu.memory_space<hbm>>
    %dma_wait3A_1225 = tpu.memref_squeeze %dma_wait3A_1224 : memref<1x50x128xf32, #tpu.memory_space<hbm>> -> memref<50x128xf32, #tpu.memory_space<hbm>>
    %dma_wait3A_1226 = arith.constant 0 : i32
    %dma_wait3A_1227 = arith.constant 0 : i32
    %dma_wait3A_1228 = tpu.memref_slice %arg4[%mul3A_2, %dma_wait3A_1226, %dma_wait3A_1227] : memref<4096x50x128xf32, #tpu.memory_space<hbm>> -> memref<1x50x128xf32, #tpu.memory_space<hbm>>
    %dma_wait3A_1229 = tpu.memref_squeeze %dma_wait3A_1228 : memref<1x50x128xf32, #tpu.memory_space<hbm>> -> memref<50x128xf32, #tpu.memory_space<hbm>>
    tpu.wait_dma2 semaphore(%arg14 : memref<!tpu.dma_semaphore, #tpu.memory_space<semaphore_mem>>) src(%dma_wait3A_1229 : memref<50x128xf32, #tpu.memory_space<hbm>>) dst(%arg10 : memref<50x128xf32, #tpu.memory_space<vmem>>)
    %add3A_1230 = arith.constant 127 : i32
    %add3A_1231 = arith.addi %mul3A_2, %add3A_1230 : i32
    %sub3A_1232 = arith.constant 2 : i32
    %sub3A_1233 = arith.subi %add3A_1231, %sub3A_1232 : i32
    %dma_start3A_1234 = arith.constant 0 : i32
    %dma_start3A_1235 = arith.constant 0 : i32
    %dma_start3A_1236 = tpu.memref_slice %arg4[%sub3A_1233, %dma_start3A_1234, %dma_start3A_1235] : memref<4096x50x128xf32, #tpu.memory_space<hbm>> -> memref<1x50x128xf32, #tpu.memory_space<hbm>>
    %dma_start3A_1237 = tpu.memref_squeeze %dma_start3A_1236 : memref<1x50x128xf32, #tpu.memory_space<hbm>> -> memref<50x128xf32, #tpu.memory_space<hbm>>
    %dma_start3A_1238 = arith.constant 0 : i32
    %dma_start3A_1239 = arith.constant 0 : i32
    %dma_start3A_1240 = tpu.memref_slice %arg4[%sub3A_1233, %dma_start3A_1238, %dma_start3A_1239] : memref<4096x50x128xf32, #tpu.memory_space<hbm>> -> memref<1x50x128xf32, #tpu.memory_space<hbm>>
    %dma_start3A_1241 = tpu.memref_squeeze %dma_start3A_1240 : memref<1x50x128xf32, #tpu.memory_space<hbm>> -> memref<50x128xf32, #tpu.memory_space<hbm>>
    tpu.enqueue_dma source(%arg10 : memref<50x128xf32, #tpu.memory_space<vmem>>) target(%dma_start3A_1241 : memref<50x128xf32, #tpu.memory_space<hbm>>) target_semaphore(%arg22 : memref<!tpu.dma_semaphore, #tpu.memory_space<semaphore_mem>>)
    %dma_wait3A_1242 = arith.constant 0 : i32
    %dma_wait3A_1243 = arith.constant 0 : i32
    %dma_wait3A_1244 = tpu.memref_slice %arg4[%mul3A_2, %dma_wait3A_1242, %dma_wait3A_1243] : memref<4096x50x128xf32, #tpu.memory_space<hbm>> -> memref<1x50x128xf32, #tpu.memory_space<hbm>>
    %dma_wait3A_1245 = tpu.memref_squeeze %dma_wait3A_1244 : memref<1x50x128xf32, #tpu.memory_space<hbm>> -> memref<50x128xf32, #tpu.memory_space<hbm>>
    %dma_wait3A_1246 = arith.constant 0 : i32
    %dma_wait3A_1247 = arith.constant 0 : i32
    %dma_wait3A_1248 = tpu.memref_slice %arg4[%mul3A_2, %dma_wait3A_1246, %dma_wait3A_1247] : memref<4096x50x128xf32, #tpu.memory_space<hbm>> -> memref<1x50x128xf32, #tpu.memory_space<hbm>>
    %dma_wait3A_1249 = tpu.memref_squeeze %dma_wait3A_1248 : memref<1x50x128xf32, #tpu.memory_space<hbm>> -> memref<50x128xf32, #tpu.memory_space<hbm>>
    tpu.wait_dma2 semaphore(%arg16 : memref<!tpu.dma_semaphore, #tpu.memory_space<semaphore_mem>>) src(%dma_wait3A_1249 : memref<50x128xf32, #tpu.memory_space<hbm>>) dst(%arg12 : memref<50x128xf32, #tpu.memory_space<vmem>>)
    %dma_start3A_1250 = arith.constant 1 : i32
    %dma_start3A_1251 = arith.constant 0 : i32
    %dma_start3A_1252 = tpu.memref_slice %arg8[%dma_start3A_1250, %dma_start3A_1251] : memref<10x50xi32, #tpu.memory_space<vmem>> -> memref<1x50xi32, #tpu.memory_space<vmem>>
    %dma_start3A_1253 = tpu.memref_squeeze %dma_start3A_1252 : memref<1x50xi32, #tpu.memory_space<vmem>> -> memref<50xi32, #tpu.memory_space<vmem>>
    %dma_start3A_1254 = arith.constant 0 : i32
    %dma_start3A_1255 = arith.constant 0 : i32
    %dma_start3A_1256 = tpu.memref_slice %arg3[%dma_start3A_1254, %dma_start3A_1255] : memref<10000x128xf32, #tpu.memory_space<hbm>> -> memref<10000x128xf32, #tpu.memory_space<hbm>>
    tpu.enqueue_indirect_dma source(%dma_start3A_1256 : memref<10000x128xf32, #tpu.memory_space<hbm>>) target(%arg12 : memref<50x128xf32, #tpu.memory_space<vmem>>) offsets(%dma_start3A_1253 : memref<50xi32, #tpu.memory_space<vmem>>) semaphore(%arg16 : memref<!tpu.dma_semaphore, #tpu.memory_space<semaphore_mem>>) {add = true}
    %dma_start3A_1257 = arith.constant 2 : i32
    %dma_start3A_1258 = arith.constant 0 : i32
    %dma_start3A_1259 = tpu.memref_slice %arg8[%dma_start3A_1257, %dma_start3A_1258] : memref<10x50xi32, #tpu.memory_space<vmem>> -> memref<1x50xi32, #tpu.memory_space<vmem>>
    %dma_start3A_1260 = tpu.memref_squeeze %dma_start3A_1259 : memref<1x50xi32, #tpu.memory_space<vmem>> -> memref<50xi32, #tpu.memory_space<vmem>>
    %dma_start3A_1261 = arith.constant 0 : i32
    %dma_start3A_1262 = arith.constant 0 : i32
    %dma_start3A_1263 = tpu.memref_slice %arg3[%dma_start3A_1261, %dma_start3A_1262] : memref<10000x128xf32, #tpu.memory_space<hbm>> -> memref<10000x128xf32, #tpu.memory_space<hbm>>
    tpu.enqueue_indirect_dma source(%dma_start3A_1263 : memref<10000x128xf32, #tpu.memory_space<hbm>>) target(%arg12 : memref<50x128xf32, #tpu.memory_space<vmem>>) offsets(%dma_start3A_1260 : memref<50xi32, #tpu.memory_space<vmem>>) semaphore(%arg16 : memref<!tpu.dma_semaphore, #tpu.memory_space<semaphore_mem>>) {add = true}
    %dma_start3A_1264 = arith.constant 3 : i32
    %dma_start3A_1265 = arith.constant 0 : i32
    %dma_start3A_1266 = tpu.memref_slice %arg8[%dma_start3A_1264, %dma_start3A_1265] : memref<10x50xi32, #tpu.memory_space<vmem>> -> memref<1x50xi32, #tpu.memory_space<vmem>>
    %dma_start3A_1267 = tpu.memref_squeeze %dma_start3A_1266 : memref<1x50xi32, #tpu.memory_space<vmem>> -> memref<50xi32, #tpu.memory_space<vmem>>
    %dma_start3A_1268 = arith.constant 0 : i32
    %dma_start3A_1269 = arith.constant 0 : i32
    %dma_start3A_1270 = tpu.memref_slice %arg3[%dma_start3A_1268, %dma_start3A_1269] : memref<10000x128xf32, #tpu.memory_space<hbm>> -> memref<10000x128xf32, #tpu.memory_space<hbm>>
    tpu.enqueue_indirect_dma source(%dma_start3A_1270 : memref<10000x128xf32, #tpu.memory_space<hbm>>) target(%arg12 : memref<50x128xf32, #tpu.memory_space<vmem>>) offsets(%dma_start3A_1267 : memref<50xi32, #tpu.memory_space<vmem>>) semaphore(%arg16 : memref<!tpu.dma_semaphore, #tpu.memory_space<semaphore_mem>>) {add = true}
    %dma_start3A_1271 = arith.constant 4 : i32
    %dma_start3A_1272 = arith.constant 0 : i32
    %dma_start3A_1273 = tpu.memref_slice %arg8[%dma_start3A_1271, %dma_start3A_1272] : memref<10x50xi32, #tpu.memory_space<vmem>> -> memref<1x50xi32, #tpu.memory_space<vmem>>
    %dma_start3A_1274 = tpu.memref_squeeze %dma_start3A_1273 : memref<1x50xi32, #tpu.memory_space<vmem>> -> memref<50xi32, #tpu.memory_space<vmem>>
    %dma_start3A_1275 = arith.constant 0 : i32
    %dma_start3A_1276 = arith.constant 0 : i32
    %dma_start3A_1277 = tpu.memref_slice %arg3[%dma_start3A_1275, %dma_start3A_1276] : memref<10000x128xf32, #tpu.memory_space<hbm>> -> memref<10000x128xf32, #tpu.memory_space<hbm>>
    tpu.enqueue_indirect_dma source(%dma_start3A_1277 : memref<10000x128xf32, #tpu.memory_space<hbm>>) target(%arg12 : memref<50x128xf32, #tpu.memory_space<vmem>>) offsets(%dma_start3A_1274 : memref<50xi32, #tpu.memory_space<vmem>>) semaphore(%arg16 : memref<!tpu.dma_semaphore, #tpu.memory_space<semaphore_mem>>) {add = true}
    %dma_start3A_1278 = arith.constant 5 : i32
    %dma_start3A_1279 = arith.constant 0 : i32
    %dma_start3A_1280 = tpu.memref_slice %arg8[%dma_start3A_1278, %dma_start3A_1279] : memref<10x50xi32, #tpu.memory_space<vmem>> -> memref<1x50xi32, #tpu.memory_space<vmem>>
    %dma_start3A_1281 = tpu.memref_squeeze %dma_start3A_1280 : memref<1x50xi32, #tpu.memory_space<vmem>> -> memref<50xi32, #tpu.memory_space<vmem>>
    %dma_start3A_1282 = arith.constant 0 : i32
    %dma_start3A_1283 = arith.constant 0 : i32
    %dma_start3A_1284 = tpu.memref_slice %arg3[%dma_start3A_1282, %dma_start3A_1283] : memref<10000x128xf32, #tpu.memory_space<hbm>> -> memref<10000x128xf32, #tpu.memory_space<hbm>>
    tpu.enqueue_indirect_dma source(%dma_start3A_1284 : memref<10000x128xf32, #tpu.memory_space<hbm>>) target(%arg12 : memref<50x128xf32, #tpu.memory_space<vmem>>) offsets(%dma_start3A_1281 : memref<50xi32, #tpu.memory_space<vmem>>) semaphore(%arg16 : memref<!tpu.dma_semaphore, #tpu.memory_space<semaphore_mem>>) {add = true}
    %dma_start3A_1285 = arith.constant 6 : i32
    %dma_start3A_1286 = arith.constant 0 : i32
    %dma_start3A_1287 = tpu.memref_slice %arg8[%dma_start3A_1285, %dma_start3A_1286] : memref<10x50xi32, #tpu.memory_space<vmem>> -> memref<1x50xi32, #tpu.memory_space<vmem>>
    %dma_start3A_1288 = tpu.memref_squeeze %dma_start3A_1287 : memref<1x50xi32, #tpu.memory_space<vmem>> -> memref<50xi32, #tpu.memory_space<vmem>>
    %dma_start3A_1289 = arith.constant 0 : i32
    %dma_start3A_1290 = arith.constant 0 : i32
    %dma_start3A_1291 = tpu.memref_slice %arg3[%dma_start3A_1289, %dma_start3A_1290] : memref<10000x128xf32, #tpu.memory_space<hbm>> -> memref<10000x128xf32, #tpu.memory_space<hbm>>
    tpu.enqueue_indirect_dma source(%dma_start3A_1291 : memref<10000x128xf32, #tpu.memory_space<hbm>>) target(%arg12 : memref<50x128xf32, #tpu.memory_space<vmem>>) offsets(%dma_start3A_1288 : memref<50xi32, #tpu.memory_space<vmem>>) semaphore(%arg16 : memref<!tpu.dma_semaphore, #tpu.memory_space<semaphore_mem>>) {add = true}
    %dma_start3A_1292 = arith.constant 7 : i32
    %dma_start3A_1293 = arith.constant 0 : i32
    %dma_start3A_1294 = tpu.memref_slice %arg8[%dma_start3A_1292, %dma_start3A_1293] : memref<10x50xi32, #tpu.memory_space<vmem>> -> memref<1x50xi32, #tpu.memory_space<vmem>>
    %dma_start3A_1295 = tpu.memref_squeeze %dma_start3A_1294 : memref<1x50xi32, #tpu.memory_space<vmem>> -> memref<50xi32, #tpu.memory_space<vmem>>
    %dma_start3A_1296 = arith.constant 0 : i32
    %dma_start3A_1297 = arith.constant 0 : i32
    %dma_start3A_1298 = tpu.memref_slice %arg3[%dma_start3A_1296, %dma_start3A_1297] : memref<10000x128xf32, #tpu.memory_space<hbm>> -> memref<10000x128xf32, #tpu.memory_space<hbm>>
    tpu.enqueue_indirect_dma source(%dma_start3A_1298 : memref<10000x128xf32, #tpu.memory_space<hbm>>) target(%arg12 : memref<50x128xf32, #tpu.memory_space<vmem>>) offsets(%dma_start3A_1295 : memref<50xi32, #tpu.memory_space<vmem>>) semaphore(%arg16 : memref<!tpu.dma_semaphore, #tpu.memory_space<semaphore_mem>>) {add = true}
    %dma_start3A_1299 = arith.constant 8 : i32
    %dma_start3A_1300 = arith.constant 0 : i32
    %dma_start3A_1301 = tpu.memref_slice %arg8[%dma_start3A_1299, %dma_start3A_1300] : memref<10x50xi32, #tpu.memory_space<vmem>> -> memref<1x50xi32, #tpu.memory_space<vmem>>
    %dma_start3A_1302 = tpu.memref_squeeze %dma_start3A_1301 : memref<1x50xi32, #tpu.memory_space<vmem>> -> memref<50xi32, #tpu.memory_space<vmem>>
    %dma_start3A_1303 = arith.constant 0 : i32
    %dma_start3A_1304 = arith.constant 0 : i32
    %dma_start3A_1305 = tpu.memref_slice %arg3[%dma_start3A_1303, %dma_start3A_1304] : memref<10000x128xf32, #tpu.memory_space<hbm>> -> memref<10000x128xf32, #tpu.memory_space<hbm>>
    tpu.enqueue_indirect_dma source(%dma_start3A_1305 : memref<10000x128xf32, #tpu.memory_space<hbm>>) target(%arg12 : memref<50x128xf32, #tpu.memory_space<vmem>>) offsets(%dma_start3A_1302 : memref<50xi32, #tpu.memory_space<vmem>>) semaphore(%arg16 : memref<!tpu.dma_semaphore, #tpu.memory_space<semaphore_mem>>) {add = true}
    %dma_start3A_1306 = arith.constant 9 : i32
    %dma_start3A_1307 = arith.constant 0 : i32
    %dma_start3A_1308 = tpu.memref_slice %arg8[%dma_start3A_1306, %dma_start3A_1307] : memref<10x50xi32, #tpu.memory_space<vmem>> -> memref<1x50xi32, #tpu.memory_space<vmem>>
    %dma_start3A_1309 = tpu.memref_squeeze %dma_start3A_1308 : memref<1x50xi32, #tpu.memory_space<vmem>> -> memref<50xi32, #tpu.memory_space<vmem>>
    %dma_start3A_1310 = arith.constant 0 : i32
    %dma_start3A_1311 = arith.constant 0 : i32
    %dma_start3A_1312 = tpu.memref_slice %arg3[%dma_start3A_1310, %dma_start3A_1311] : memref<10000x128xf32, #tpu.memory_space<hbm>> -> memref<10000x128xf32, #tpu.memory_space<hbm>>
    tpu.enqueue_indirect_dma source(%dma_start3A_1312 : memref<10000x128xf32, #tpu.memory_space<hbm>>) target(%arg12 : memref<50x128xf32, #tpu.memory_space<vmem>>) offsets(%dma_start3A_1309 : memref<50xi32, #tpu.memory_space<vmem>>) semaphore(%arg16 : memref<!tpu.dma_semaphore, #tpu.memory_space<semaphore_mem>>) {add = true}
    %dma_wait3A_1313 = arith.constant 0 : i32
    %dma_wait3A_1314 = arith.constant 0 : i32
    %dma_wait3A_1315 = tpu.memref_slice %arg4[%mul3A_2, %dma_wait3A_1313, %dma_wait3A_1314] : memref<4096x50x128xf32, #tpu.memory_space<hbm>> -> memref<1x50x128xf32, #tpu.memory_space<hbm>>
    %dma_wait3A_1316 = tpu.memref_squeeze %dma_wait3A_1315 : memref<1x50x128xf32, #tpu.memory_space<hbm>> -> memref<50x128xf32, #tpu.memory_space<hbm>>
    %dma_wait3A_1317 = arith.constant 0 : i32
    %dma_wait3A_1318 = arith.constant 0 : i32
    %dma_wait3A_1319 = tpu.memref_slice %arg4[%mul3A_2, %dma_wait3A_1317, %dma_wait3A_1318] : memref<4096x50x128xf32, #tpu.memory_space<hbm>> -> memref<1x50x128xf32, #tpu.memory_space<hbm>>
    %dma_wait3A_1320 = tpu.memref_squeeze %dma_wait3A_1319 : memref<1x50x128xf32, #tpu.memory_space<hbm>> -> memref<50x128xf32, #tpu.memory_space<hbm>>
    tpu.wait_dma2 semaphore(%arg15 : memref<!tpu.dma_semaphore, #tpu.memory_space<semaphore_mem>>) src(%dma_wait3A_1320 : memref<50x128xf32, #tpu.memory_space<hbm>>) dst(%arg11 : memref<50x128xf32, #tpu.memory_space<vmem>>)
    %dma_wait3A_1321 = arith.constant 0 : i32
    %dma_wait3A_1322 = arith.constant 0 : i32
    %dma_wait3A_1323 = tpu.memref_slice %arg4[%mul3A_2, %dma_wait3A_1321, %dma_wait3A_1322] : memref<4096x50x128xf32, #tpu.memory_space<hbm>> -> memref<1x50x128xf32, #tpu.memory_space<hbm>>
    %dma_wait3A_1324 = tpu.memref_squeeze %dma_wait3A_1323 : memref<1x50x128xf32, #tpu.memory_space<hbm>> -> memref<50x128xf32, #tpu.memory_space<hbm>>
    %dma_wait3A_1325 = arith.constant 0 : i32
    %dma_wait3A_1326 = arith.constant 0 : i32
    %dma_wait3A_1327 = tpu.memref_slice %arg4[%mul3A_2, %dma_wait3A_1325, %dma_wait3A_1326] : memref<4096x50x128xf32, #tpu.memory_space<hbm>> -> memref<1x50x128xf32, #tpu.memory_space<hbm>>
    %dma_wait3A_1328 = tpu.memref_squeeze %dma_wait3A_1327 : memref<1x50x128xf32, #tpu.memory_space<hbm>> -> memref<50x128xf32, #tpu.memory_space<hbm>>
    tpu.wait_dma2 semaphore(%arg15 : memref<!tpu.dma_semaphore, #tpu.memory_space<semaphore_mem>>) src(%dma_wait3A_1328 : memref<50x128xf32, #tpu.memory_space<hbm>>) dst(%arg11 : memref<50x128xf32, #tpu.memory_space<vmem>>)
    %dma_wait3A_1329 = arith.constant 0 : i32
    %dma_wait3A_1330 = arith.constant 0 : i32
    %dma_wait3A_1331 = tpu.memref_slice %arg4[%mul3A_2, %dma_wait3A_1329, %dma_wait3A_1330] : memref<4096x50x128xf32, #tpu.memory_space<hbm>> -> memref<1x50x128xf32, #tpu.memory_space<hbm>>
    %dma_wait3A_1332 = tpu.memref_squeeze %dma_wait3A_1331 : memref<1x50x128xf32, #tpu.memory_space<hbm>> -> memref<50x128xf32, #tpu.memory_space<hbm>>
    %dma_wait3A_1333 = arith.constant 0 : i32
    %dma_wait3A_1334 = arith.constant 0 : i32
    %dma_wait3A_1335 = tpu.memref_slice %arg4[%mul3A_2, %dma_wait3A_1333, %dma_wait3A_1334] : memref<4096x50x128xf32, #tpu.memory_space<hbm>> -> memref<1x50x128xf32, #tpu.memory_space<hbm>>
    %dma_wait3A_1336 = tpu.memref_squeeze %dma_wait3A_1335 : memref<1x50x128xf32, #tpu.memory_space<hbm>> -> memref<50x128xf32, #tpu.memory_space<hbm>>
    tpu.wait_dma2 semaphore(%arg15 : memref<!tpu.dma_semaphore, #tpu.memory_space<semaphore_mem>>) src(%dma_wait3A_1336 : memref<50x128xf32, #tpu.memory_space<hbm>>) dst(%arg11 : memref<50x128xf32, #tpu.memory_space<vmem>>)
    %dma_wait3A_1337 = arith.constant 0 : i32
    %dma_wait3A_1338 = arith.constant 0 : i32
    %dma_wait3A_1339 = tpu.memref_slice %arg4[%mul3A_2, %dma_wait3A_1337, %dma_wait3A_1338] : memref<4096x50x128xf32, #tpu.memory_space<hbm>> -> memref<1x50x128xf32, #tpu.memory_space<hbm>>
    %dma_wait3A_1340 = tpu.memref_squeeze %dma_wait3A_1339 : memref<1x50x128xf32, #tpu.memory_space<hbm>> -> memref<50x128xf32, #tpu.memory_space<hbm>>
    %dma_wait3A_1341 = arith.constant 0 : i32
    %dma_wait3A_1342 = arith.constant 0 : i32
    %dma_wait3A_1343 = tpu.memref_slice %arg4[%mul3A_2, %dma_wait3A_1341, %dma_wait3A_1342] : memref<4096x50x128xf32, #tpu.memory_space<hbm>> -> memref<1x50x128xf32, #tpu.memory_space<hbm>>
    %dma_wait3A_1344 = tpu.memref_squeeze %dma_wait3A_1343 : memref<1x50x128xf32, #tpu.memory_space<hbm>> -> memref<50x128xf32, #tpu.memory_space<hbm>>
    tpu.wait_dma2 semaphore(%arg15 : memref<!tpu.dma_semaphore, #tpu.memory_space<semaphore_mem>>) src(%dma_wait3A_1344 : memref<50x128xf32, #tpu.memory_space<hbm>>) dst(%arg11 : memref<50x128xf32, #tpu.memory_space<vmem>>)
    %dma_wait3A_1345 = arith.constant 0 : i32
    %dma_wait3A_1346 = arith.constant 0 : i32
    %dma_wait3A_1347 = tpu.memref_slice %arg4[%mul3A_2, %dma_wait3A_1345, %dma_wait3A_1346] : memref<4096x50x128xf32, #tpu.memory_space<hbm>> -> memref<1x50x128xf32, #tpu.memory_space<hbm>>
    %dma_wait3A_1348 = tpu.memref_squeeze %dma_wait3A_1347 : memref<1x50x128xf32, #tpu.memory_space<hbm>> -> memref<50x128xf32, #tpu.memory_space<hbm>>
    %dma_wait3A_1349 = arith.constant 0 : i32
    %dma_wait3A_1350 = arith.constant 0 : i32
    %dma_wait3A_1351 = tpu.memref_slice %arg4[%mul3A_2, %dma_wait3A_1349, %dma_wait3A_1350] : memref<4096x50x128xf32, #tpu.memory_space<hbm>> -> memref<1x50x128xf32, #tpu.memory_space<hbm>>
    %dma_wait3A_1352 = tpu.memref_squeeze %dma_wait3A_1351 : memref<1x50x128xf32, #tpu.memory_space<hbm>> -> memref<50x128xf32, #tpu.memory_space<hbm>>
    tpu.wait_dma2 semaphore(%arg15 : memref<!tpu.dma_semaphore, #tpu.memory_space<semaphore_mem>>) src(%dma_wait3A_1352 : memref<50x128xf32, #tpu.memory_space<hbm>>) dst(%arg11 : memref<50x128xf32, #tpu.memory_space<vmem>>)
    %dma_wait3A_1353 = arith.constant 0 : i32
    %dma_wait3A_1354 = arith.constant 0 : i32
    %dma_wait3A_1355 = tpu.memref_slice %arg4[%mul3A_2, %dma_wait3A_1353, %dma_wait3A_1354] : memref<4096x50x128xf32, #tpu.memory_space<hbm>> -> memref<1x50x128xf32, #tpu.memory_space<hbm>>
    %dma_wait3A_1356 = tpu.memref_squeeze %dma_wait3A_1355 : memref<1x50x128xf32, #tpu.memory_space<hbm>> -> memref<50x128xf32, #tpu.memory_space<hbm>>
    %dma_wait3A_1357 = arith.constant 0 : i32
    %dma_wait3A_1358 = arith.constant 0 : i32
    %dma_wait3A_1359 = tpu.memref_slice %arg4[%mul3A_2, %dma_wait3A_1357, %dma_wait3A_1358] : memref<4096x50x128xf32, #tpu.memory_space<hbm>> -> memref<1x50x128xf32, #tpu.memory_space<hbm>>
    %dma_wait3A_1360 = tpu.memref_squeeze %dma_wait3A_1359 : memref<1x50x128xf32, #tpu.memory_space<hbm>> -> memref<50x128xf32, #tpu.memory_space<hbm>>
    tpu.wait_dma2 semaphore(%arg15 : memref<!tpu.dma_semaphore, #tpu.memory_space<semaphore_mem>>) src(%dma_wait3A_1360 : memref<50x128xf32, #tpu.memory_space<hbm>>) dst(%arg11 : memref<50x128xf32, #tpu.memory_space<vmem>>)
    %dma_wait3A_1361 = arith.constant 0 : i32
    %dma_wait3A_1362 = arith.constant 0 : i32
    %dma_wait3A_1363 = tpu.memref_slice %arg4[%mul3A_2, %dma_wait3A_1361, %dma_wait3A_1362] : memref<4096x50x128xf32, #tpu.memory_space<hbm>> -> memref<1x50x128xf32, #tpu.memory_space<hbm>>
    %dma_wait3A_1364 = tpu.memref_squeeze %dma_wait3A_1363 : memref<1x50x128xf32, #tpu.memory_space<hbm>> -> memref<50x128xf32, #tpu.memory_space<hbm>>
    %dma_wait3A_1365 = arith.constant 0 : i32
    %dma_wait3A_1366 = arith.constant 0 : i32
    %dma_wait3A_1367 = tpu.memref_slice %arg4[%mul3A_2, %dma_wait3A_1365, %dma_wait3A_1366] : memref<4096x50x128xf32, #tpu.memory_space<hbm>> -> memref<1x50x128xf32, #tpu.memory_space<hbm>>
    %dma_wait3A_1368 = tpu.memref_squeeze %dma_wait3A_1367 : memref<1x50x128xf32, #tpu.memory_space<hbm>> -> memref<50x128xf32, #tpu.memory_space<hbm>>
    tpu.wait_dma2 semaphore(%arg15 : memref<!tpu.dma_semaphore, #tpu.memory_space<semaphore_mem>>) src(%dma_wait3A_1368 : memref<50x128xf32, #tpu.memory_space<hbm>>) dst(%arg11 : memref<50x128xf32, #tpu.memory_space<vmem>>)
    %dma_wait3A_1369 = arith.constant 0 : i32
    %dma_wait3A_1370 = arith.constant 0 : i32
    %dma_wait3A_1371 = tpu.memref_slice %arg4[%mul3A_2, %dma_wait3A_1369, %dma_wait3A_1370] : memref<4096x50x128xf32, #tpu.memory_space<hbm>> -> memref<1x50x128xf32, #tpu.memory_space<hbm>>
    %dma_wait3A_1372 = tpu.memref_squeeze %dma_wait3A_1371 : memref<1x50x128xf32, #tpu.memory_space<hbm>> -> memref<50x128xf32, #tpu.memory_space<hbm>>
    %dma_wait3A_1373 = arith.constant 0 : i32
    %dma_wait3A_1374 = arith.constant 0 : i32
    %dma_wait3A_1375 = tpu.memref_slice %arg4[%mul3A_2, %dma_wait3A_1373, %dma_wait3A_1374] : memref<4096x50x128xf32, #tpu.memory_space<hbm>> -> memref<1x50x128xf32, #tpu.memory_space<hbm>>
    %dma_wait3A_1376 = tpu.memref_squeeze %dma_wait3A_1375 : memref<1x50x128xf32, #tpu.memory_space<hbm>> -> memref<50x128xf32, #tpu.memory_space<hbm>>
    tpu.wait_dma2 semaphore(%arg15 : memref<!tpu.dma_semaphore, #tpu.memory_space<semaphore_mem>>) src(%dma_wait3A_1376 : memref<50x128xf32, #tpu.memory_space<hbm>>) dst(%arg11 : memref<50x128xf32, #tpu.memory_space<vmem>>)
    %dma_wait3A_1377 = arith.constant 0 : i32
    %dma_wait3A_1378 = arith.constant 0 : i32
    %dma_wait3A_1379 = tpu.memref_slice %arg4[%mul3A_2, %dma_wait3A_1377, %dma_wait3A_1378] : memref<4096x50x128xf32, #tpu.memory_space<hbm>> -> memref<1x50x128xf32, #tpu.memory_space<hbm>>
    %dma_wait3A_1380 = tpu.memref_squeeze %dma_wait3A_1379 : memref<1x50x128xf32, #tpu.memory_space<hbm>> -> memref<50x128xf32, #tpu.memory_space<hbm>>
    %dma_wait3A_1381 = arith.constant 0 : i32
    %dma_wait3A_1382 = arith.constant 0 : i32
    %dma_wait3A_1383 = tpu.memref_slice %arg4[%mul3A_2, %dma_wait3A_1381, %dma_wait3A_1382] : memref<4096x50x128xf32, #tpu.memory_space<hbm>> -> memref<1x50x128xf32, #tpu.memory_space<hbm>>
    %dma_wait3A_1384 = tpu.memref_squeeze %dma_wait3A_1383 : memref<1x50x128xf32, #tpu.memory_space<hbm>> -> memref<50x128xf32, #tpu.memory_space<hbm>>
    tpu.wait_dma2 semaphore(%arg15 : memref<!tpu.dma_semaphore, #tpu.memory_space<semaphore_mem>>) src(%dma_wait3A_1384 : memref<50x128xf32, #tpu.memory_space<hbm>>) dst(%arg11 : memref<50x128xf32, #tpu.memory_space<vmem>>)
    %add3A_1385 = arith.constant 128 : i32
    %add3A_1386 = arith.addi %mul3A_2, %add3A_1385 : i32
    %sub3A_1387 = arith.constant 2 : i32
    %sub3A_1388 = arith.subi %add3A_1386, %sub3A_1387 : i32
    %dma_start3A_1389 = arith.constant 0 : i32
    %dma_start3A_1390 = arith.constant 0 : i32
    %dma_start3A_1391 = tpu.memref_slice %arg4[%sub3A_1388, %dma_start3A_1389, %dma_start3A_1390] : memref<4096x50x128xf32, #tpu.memory_space<hbm>> -> memref<1x50x128xf32, #tpu.memory_space<hbm>>
    %dma_start3A_1392 = tpu.memref_squeeze %dma_start3A_1391 : memref<1x50x128xf32, #tpu.memory_space<hbm>> -> memref<50x128xf32, #tpu.memory_space<hbm>>
    %dma_start3A_1393 = arith.constant 0 : i32
    %dma_start3A_1394 = arith.constant 0 : i32
    %dma_start3A_1395 = tpu.memref_slice %arg4[%sub3A_1388, %dma_start3A_1393, %dma_start3A_1394] : memref<4096x50x128xf32, #tpu.memory_space<hbm>> -> memref<1x50x128xf32, #tpu.memory_space<hbm>>
    %dma_start3A_1396 = tpu.memref_squeeze %dma_start3A_1395 : memref<1x50x128xf32, #tpu.memory_space<hbm>> -> memref<50x128xf32, #tpu.memory_space<hbm>>
    tpu.enqueue_dma source(%arg11 : memref<50x128xf32, #tpu.memory_space<vmem>>) target(%dma_start3A_1396 : memref<50x128xf32, #tpu.memory_space<hbm>>) target_semaphore(%arg23 : memref<!tpu.dma_semaphore, #tpu.memory_space<semaphore_mem>>)
    %dma_wait3A_1397 = arith.constant 0 : i32
    %dma_wait3A_1398 = arith.constant 0 : i32
    %dma_wait3A_1399 = tpu.memref_slice %arg4[%mul3A_2, %dma_wait3A_1397, %dma_wait3A_1398] : memref<4096x50x128xf32, #tpu.memory_space<hbm>> -> memref<1x50x128xf32, #tpu.memory_space<hbm>>
    %dma_wait3A_1400 = tpu.memref_squeeze %dma_wait3A_1399 : memref<1x50x128xf32, #tpu.memory_space<hbm>> -> memref<50x128xf32, #tpu.memory_space<hbm>>
    %dma_wait3A_1401 = arith.constant 0 : i32
    %dma_wait3A_1402 = arith.constant 0 : i32
    %dma_wait3A_1403 = tpu.memref_slice %arg4[%mul3A_2, %dma_wait3A_1401, %dma_wait3A_1402] : memref<4096x50x128xf32, #tpu.memory_space<hbm>> -> memref<1x50x128xf32, #tpu.memory_space<hbm>>
    %dma_wait3A_1404 = tpu.memref_squeeze %dma_wait3A_1403 : memref<1x50x128xf32, #tpu.memory_space<hbm>> -> memref<50x128xf32, #tpu.memory_space<hbm>>
    tpu.wait_dma2 semaphore(%arg16 : memref<!tpu.dma_semaphore, #tpu.memory_space<semaphore_mem>>) src(%dma_wait3A_1404 : memref<50x128xf32, #tpu.memory_space<hbm>>) dst(%arg12 : memref<50x128xf32, #tpu.memory_space<vmem>>)
    %dma_wait3A_1405 = arith.constant 0 : i32
    %dma_wait3A_1406 = arith.constant 0 : i32
    %dma_wait3A_1407 = tpu.memref_slice %arg4[%mul3A_2, %dma_wait3A_1405, %dma_wait3A_1406] : memref<4096x50x128xf32, #tpu.memory_space<hbm>> -> memref<1x50x128xf32, #tpu.memory_space<hbm>>
    %dma_wait3A_1408 = tpu.memref_squeeze %dma_wait3A_1407 : memref<1x50x128xf32, #tpu.memory_space<hbm>> -> memref<50x128xf32, #tpu.memory_space<hbm>>
    %dma_wait3A_1409 = arith.constant 0 : i32
    %dma_wait3A_1410 = arith.constant 0 : i32
    %dma_wait3A_1411 = tpu.memref_slice %arg4[%mul3A_2, %dma_wait3A_1409, %dma_wait3A_1410] : memref<4096x50x128xf32, #tpu.memory_space<hbm>> -> memref<1x50x128xf32, #tpu.memory_space<hbm>>
    %dma_wait3A_1412 = tpu.memref_squeeze %dma_wait3A_1411 : memref<1x50x128xf32, #tpu.memory_space<hbm>> -> memref<50x128xf32, #tpu.memory_space<hbm>>
    tpu.wait_dma2 semaphore(%arg16 : memref<!tpu.dma_semaphore, #tpu.memory_space<semaphore_mem>>) src(%dma_wait3A_1412 : memref<50x128xf32, #tpu.memory_space<hbm>>) dst(%arg12 : memref<50x128xf32, #tpu.memory_space<vmem>>)
    %dma_wait3A_1413 = arith.constant 0 : i32
    %dma_wait3A_1414 = arith.constant 0 : i32
    %dma_wait3A_1415 = tpu.memref_slice %arg4[%mul3A_2, %dma_wait3A_1413, %dma_wait3A_1414] : memref<4096x50x128xf32, #tpu.memory_space<hbm>> -> memref<1x50x128xf32, #tpu.memory_space<hbm>>
    %dma_wait3A_1416 = tpu.memref_squeeze %dma_wait3A_1415 : memref<1x50x128xf32, #tpu.memory_space<hbm>> -> memref<50x128xf32, #tpu.memory_space<hbm>>
    %dma_wait3A_1417 = arith.constant 0 : i32
    %dma_wait3A_1418 = arith.constant 0 : i32
    %dma_wait3A_1419 = tpu.memref_slice %arg4[%mul3A_2, %dma_wait3A_1417, %dma_wait3A_1418] : memref<4096x50x128xf32, #tpu.memory_space<hbm>> -> memref<1x50x128xf32, #tpu.memory_space<hbm>>
    %dma_wait3A_1420 = tpu.memref_squeeze %dma_wait3A_1419 : memref<1x50x128xf32, #tpu.memory_space<hbm>> -> memref<50x128xf32, #tpu.memory_space<hbm>>
    tpu.wait_dma2 semaphore(%arg16 : memref<!tpu.dma_semaphore, #tpu.memory_space<semaphore_mem>>) src(%dma_wait3A_1420 : memref<50x128xf32, #tpu.memory_space<hbm>>) dst(%arg12 : memref<50x128xf32, #tpu.memory_space<vmem>>)
    %dma_wait3A_1421 = arith.constant 0 : i32
    %dma_wait3A_1422 = arith.constant 0 : i32
    %dma_wait3A_1423 = tpu.memref_slice %arg4[%mul3A_2, %dma_wait3A_1421, %dma_wait3A_1422] : memref<4096x50x128xf32, #tpu.memory_space<hbm>> -> memref<1x50x128xf32, #tpu.memory_space<hbm>>
    %dma_wait3A_1424 = tpu.memref_squeeze %dma_wait3A_1423 : memref<1x50x128xf32, #tpu.memory_space<hbm>> -> memref<50x128xf32, #tpu.memory_space<hbm>>
    %dma_wait3A_1425 = arith.constant 0 : i32
    %dma_wait3A_1426 = arith.constant 0 : i32
    %dma_wait3A_1427 = tpu.memref_slice %arg4[%mul3A_2, %dma_wait3A_1425, %dma_wait3A_1426] : memref<4096x50x128xf32, #tpu.memory_space<hbm>> -> memref<1x50x128xf32, #tpu.memory_space<hbm>>
    %dma_wait3A_1428 = tpu.memref_squeeze %dma_wait3A_1427 : memref<1x50x128xf32, #tpu.memory_space<hbm>> -> memref<50x128xf32, #tpu.memory_space<hbm>>
    tpu.wait_dma2 semaphore(%arg16 : memref<!tpu.dma_semaphore, #tpu.memory_space<semaphore_mem>>) src(%dma_wait3A_1428 : memref<50x128xf32, #tpu.memory_space<hbm>>) dst(%arg12 : memref<50x128xf32, #tpu.memory_space<vmem>>)
    %dma_wait3A_1429 = arith.constant 0 : i32
    %dma_wait3A_1430 = arith.constant 0 : i32
    %dma_wait3A_1431 = tpu.memref_slice %arg4[%mul3A_2, %dma_wait3A_1429, %dma_wait3A_1430] : memref<4096x50x128xf32, #tpu.memory_space<hbm>> -> memref<1x50x128xf32, #tpu.memory_space<hbm>>
    %dma_wait3A_1432 = tpu.memref_squeeze %dma_wait3A_1431 : memref<1x50x128xf32, #tpu.memory_space<hbm>> -> memref<50x128xf32, #tpu.memory_space<hbm>>
    %dma_wait3A_1433 = arith.constant 0 : i32
    %dma_wait3A_1434 = arith.constant 0 : i32
    %dma_wait3A_1435 = tpu.memref_slice %arg4[%mul3A_2, %dma_wait3A_1433, %dma_wait3A_1434] : memref<4096x50x128xf32, #tpu.memory_space<hbm>> -> memref<1x50x128xf32, #tpu.memory_space<hbm>>
    %dma_wait3A_1436 = tpu.memref_squeeze %dma_wait3A_1435 : memref<1x50x128xf32, #tpu.memory_space<hbm>> -> memref<50x128xf32, #tpu.memory_space<hbm>>
    tpu.wait_dma2 semaphore(%arg16 : memref<!tpu.dma_semaphore, #tpu.memory_space<semaphore_mem>>) src(%dma_wait3A_1436 : memref<50x128xf32, #tpu.memory_space<hbm>>) dst(%arg12 : memref<50x128xf32, #tpu.memory_space<vmem>>)
    %dma_wait3A_1437 = arith.constant 0 : i32
    %dma_wait3A_1438 = arith.constant 0 : i32
    %dma_wait3A_1439 = tpu.memref_slice %arg4[%mul3A_2, %dma_wait3A_1437, %dma_wait3A_1438] : memref<4096x50x128xf32, #tpu.memory_space<hbm>> -> memref<1x50x128xf32, #tpu.memory_space<hbm>>
    %dma_wait3A_1440 = tpu.memref_squeeze %dma_wait3A_1439 : memref<1x50x128xf32, #tpu.memory_space<hbm>> -> memref<50x128xf32, #tpu.memory_space<hbm>>
    %dma_wait3A_1441 = arith.constant 0 : i32
    %dma_wait3A_1442 = arith.constant 0 : i32
    %dma_wait3A_1443 = tpu.memref_slice %arg4[%mul3A_2, %dma_wait3A_1441, %dma_wait3A_1442] : memref<4096x50x128xf32, #tpu.memory_space<hbm>> -> memref<1x50x128xf32, #tpu.memory_space<hbm>>
    %dma_wait3A_1444 = tpu.memref_squeeze %dma_wait3A_1443 : memref<1x50x128xf32, #tpu.memory_space<hbm>> -> memref<50x128xf32, #tpu.memory_space<hbm>>
    tpu.wait_dma2 semaphore(%arg16 : memref<!tpu.dma_semaphore, #tpu.memory_space<semaphore_mem>>) src(%dma_wait3A_1444 : memref<50x128xf32, #tpu.memory_space<hbm>>) dst(%arg12 : memref<50x128xf32, #tpu.memory_space<vmem>>)
    %dma_wait3A_1445 = arith.constant 0 : i32
    %dma_wait3A_1446 = arith.constant 0 : i32
    %dma_wait3A_1447 = tpu.memref_slice %arg4[%mul3A_2, %dma_wait3A_1445, %dma_wait3A_1446] : memref<4096x50x128xf32, #tpu.memory_space<hbm>> -> memref<1x50x128xf32, #tpu.memory_space<hbm>>
    %dma_wait3A_1448 = tpu.memref_squeeze %dma_wait3A_1447 : memref<1x50x128xf32, #tpu.memory_space<hbm>> -> memref<50x128xf32, #tpu.memory_space<hbm>>
    %dma_wait3A_1449 = arith.constant 0 : i32
    %dma_wait3A_1450 = arith.constant 0 : i32
    %dma_wait3A_1451 = tpu.memref_slice %arg4[%mul3A_2, %dma_wait3A_1449, %dma_wait3A_1450] : memref<4096x50x128xf32, #tpu.memory_space<hbm>> -> memref<1x50x128xf32, #tpu.memory_space<hbm>>
    %dma_wait3A_1452 = tpu.memref_squeeze %dma_wait3A_1451 : memref<1x50x128xf32, #tpu.memory_space<hbm>> -> memref<50x128xf32, #tpu.memory_space<hbm>>
    tpu.wait_dma2 semaphore(%arg16 : memref<!tpu.dma_semaphore, #tpu.memory_space<semaphore_mem>>) src(%dma_wait3A_1452 : memref<50x128xf32, #tpu.memory_space<hbm>>) dst(%arg12 : memref<50x128xf32, #tpu.memory_space<vmem>>)
    %dma_wait3A_1453 = arith.constant 0 : i32
    %dma_wait3A_1454 = arith.constant 0 : i32
    %dma_wait3A_1455 = tpu.memref_slice %arg4[%mul3A_2, %dma_wait3A_1453, %dma_wait3A_1454] : memref<4096x50x128xf32, #tpu.memory_space<hbm>> -> memref<1x50x128xf32, #tpu.memory_space<hbm>>
    %dma_wait3A_1456 = tpu.memref_squeeze %dma_wait3A_1455 : memref<1x50x128xf32, #tpu.memory_space<hbm>> -> memref<50x128xf32, #tpu.memory_space<hbm>>
    %dma_wait3A_1457 = arith.constant 0 : i32
    %dma_wait3A_1458 = arith.constant 0 : i32
    %dma_wait3A_1459 = tpu.memref_slice %arg4[%mul3A_2, %dma_wait3A_1457, %dma_wait3A_1458] : memref<4096x50x128xf32, #tpu.memory_space<hbm>> -> memref<1x50x128xf32, #tpu.memory_space<hbm>>
    %dma_wait3A_1460 = tpu.memref_squeeze %dma_wait3A_1459 : memref<1x50x128xf32, #tpu.memory_space<hbm>> -> memref<50x128xf32, #tpu.memory_space<hbm>>
    tpu.wait_dma2 semaphore(%arg16 : memref<!tpu.dma_semaphore, #tpu.memory_space<semaphore_mem>>) src(%dma_wait3A_1460 : memref<50x128xf32, #tpu.memory_space<hbm>>) dst(%arg12 : memref<50x128xf32, #tpu.memory_space<vmem>>)
    %dma_wait3A_1461 = arith.constant 0 : i32
    %dma_wait3A_1462 = arith.constant 0 : i32
    %dma_wait3A_1463 = tpu.memref_slice %arg4[%mul3A_2, %dma_wait3A_1461, %dma_wait3A_1462] : memref<4096x50x128xf32, #tpu.memory_space<hbm>> -> memref<1x50x128xf32, #tpu.memory_space<hbm>>
    %dma_wait3A_1464 = tpu.memref_squeeze %dma_wait3A_1463 : memref<1x50x128xf32, #tpu.memory_space<hbm>> -> memref<50x128xf32, #tpu.memory_space<hbm>>
    %dma_wait3A_1465 = arith.constant 0 : i32
    %dma_wait3A_1466 = arith.constant 0 : i32
    %dma_wait3A_1467 = tpu.memref_slice %arg4[%mul3A_2, %dma_wait3A_1465, %dma_wait3A_1466] : memref<4096x50x128xf32, #tpu.memory_space<hbm>> -> memref<1x50x128xf32, #tpu.memory_space<hbm>>
    %dma_wait3A_1468 = tpu.memref_squeeze %dma_wait3A_1467 : memref<1x50x128xf32, #tpu.memory_space<hbm>> -> memref<50x128xf32, #tpu.memory_space<hbm>>
    tpu.wait_dma2 semaphore(%arg16 : memref<!tpu.dma_semaphore, #tpu.memory_space<semaphore_mem>>) src(%dma_wait3A_1468 : memref<50x128xf32, #tpu.memory_space<hbm>>) dst(%arg12 : memref<50x128xf32, #tpu.memory_space<vmem>>)
    %add3A_1469 = arith.constant 128 : i32
    %add3A_1470 = arith.addi %mul3A_2, %add3A_1469 : i32
    %sub3A_1471 = arith.constant 1 : i32
    %sub3A_1472 = arith.subi %add3A_1470, %sub3A_1471 : i32
    %dma_start3A_1473 = arith.constant 0 : i32
    %dma_start3A_1474 = arith.constant 0 : i32
    %dma_start3A_1475 = tpu.memref_slice %arg4[%sub3A_1472, %dma_start3A_1473, %dma_start3A_1474] : memref<4096x50x128xf32, #tpu.memory_space<hbm>> -> memref<1x50x128xf32, #tpu.memory_space<hbm>>
    %dma_start3A_1476 = tpu.memref_squeeze %dma_start3A_1475 : memref<1x50x128xf32, #tpu.memory_space<hbm>> -> memref<50x128xf32, #tpu.memory_space<hbm>>
    %dma_start3A_1477 = arith.constant 0 : i32
    %dma_start3A_1478 = arith.constant 0 : i32
    %dma_start3A_1479 = tpu.memref_slice %arg4[%sub3A_1472, %dma_start3A_1477, %dma_start3A_1478] : memref<4096x50x128xf32, #tpu.memory_space<hbm>> -> memref<1x50x128xf32, #tpu.memory_space<hbm>>
    %dma_start3A_1480 = tpu.memref_squeeze %dma_start3A_1479 : memref<1x50x128xf32, #tpu.memory_space<hbm>> -> memref<50x128xf32, #tpu.memory_space<hbm>>
    tpu.enqueue_dma source(%arg12 : memref<50x128xf32, #tpu.memory_space<vmem>>) target(%dma_start3A_1480 : memref<50x128xf32, #tpu.memory_space<hbm>>) target_semaphore(%arg24 : memref<!tpu.dma_semaphore, #tpu.memory_space<semaphore_mem>>)
    %dma_wait3A_1481 = arith.constant 0 : i32
    %dma_wait3A_1482 = arith.constant 0 : i32
    %dma_wait3A_1483 = tpu.memref_slice %arg4[%mul3A_2, %dma_wait3A_1481, %dma_wait3A_1482] : memref<4096x50x128xf32, #tpu.memory_space<hbm>> -> memref<1x50x128xf32, #tpu.memory_space<hbm>>
    %dma_wait3A_1484 = tpu.memref_squeeze %dma_wait3A_1483 : memref<1x50x128xf32, #tpu.memory_space<hbm>> -> memref<50x128xf32, #tpu.memory_space<hbm>>
    %dma_wait3A_1485 = arith.constant 0 : i32
    %dma_wait3A_1486 = arith.constant 0 : i32
    %dma_wait3A_1487 = tpu.memref_slice %arg4[%mul3A_2, %dma_wait3A_1485, %dma_wait3A_1486] : memref<4096x50x128xf32, #tpu.memory_space<hbm>> -> memref<1x50x128xf32, #tpu.memory_space<hbm>>
    %dma_wait3A_1488 = tpu.memref_squeeze %dma_wait3A_1487 : memref<1x50x128xf32, #tpu.memory_space<hbm>> -> memref<50x128xf32, #tpu.memory_space<hbm>>
    tpu.wait_dma2 semaphore(%arg21 : memref<!tpu.dma_semaphore, #tpu.memory_space<semaphore_mem>>) src(%dma_wait3A_1488 : memref<50x128xf32, #tpu.memory_space<hbm>>) dst(%arg9 : memref<50x128xf32, #tpu.memory_space<vmem>>)
    %dma_wait3A_1489 = arith.constant 0 : i32
    %dma_wait3A_1490 = arith.constant 0 : i32
    %dma_wait3A_1491 = tpu.memref_slice %arg4[%mul3A_2, %dma_wait3A_1489, %dma_wait3A_1490] : memref<4096x50x128xf32, #tpu.memory_space<hbm>> -> memref<1x50x128xf32, #tpu.memory_space<hbm>>
    %dma_wait3A_1492 = tpu.memref_squeeze %dma_wait3A_1491 : memref<1x50x128xf32, #tpu.memory_space<hbm>> -> memref<50x128xf32, #tpu.memory_space<hbm>>
    %dma_wait3A_1493 = arith.constant 0 : i32
    %dma_wait3A_1494 = arith.constant 0 : i32
    %dma_wait3A_1495 = tpu.memref_slice %arg4[%mul3A_2, %dma_wait3A_1493, %dma_wait3A_1494] : memref<4096x50x128xf32, #tpu.memory_space<hbm>> -> memref<1x50x128xf32, #tpu.memory_space<hbm>>
    %dma_wait3A_1496 = tpu.memref_squeeze %dma_wait3A_1495 : memref<1x50x128xf32, #tpu.memory_space<hbm>> -> memref<50x128xf32, #tpu.memory_space<hbm>>
    tpu.wait_dma2 semaphore(%arg22 : memref<!tpu.dma_semaphore, #tpu.memory_space<semaphore_mem>>) src(%dma_wait3A_1496 : memref<50x128xf32, #tpu.memory_space<hbm>>) dst(%arg10 : memref<50x128xf32, #tpu.memory_space<vmem>>)
    %dma_wait3A_1497 = arith.constant 0 : i32
    %dma_wait3A_1498 = arith.constant 0 : i32
    %dma_wait3A_1499 = tpu.memref_slice %arg4[%mul3A_2, %dma_wait3A_1497, %dma_wait3A_1498] : memref<4096x50x128xf32, #tpu.memory_space<hbm>> -> memref<1x50x128xf32, #tpu.memory_space<hbm>>
    %dma_wait3A_1500 = tpu.memref_squeeze %dma_wait3A_1499 : memref<1x50x128xf32, #tpu.memory_space<hbm>> -> memref<50x128xf32, #tpu.memory_space<hbm>>
    %dma_wait3A_1501 = arith.constant 0 : i32
    %dma_wait3A_1502 = arith.constant 0 : i32
    %dma_wait3A_1503 = tpu.memref_slice %arg4[%mul3A_2, %dma_wait3A_1501, %dma_wait3A_1502] : memref<4096x50x128xf32, #tpu.memory_space<hbm>> -> memref<1x50x128xf32, #tpu.memory_space<hbm>>
    %dma_wait3A_1504 = tpu.memref_squeeze %dma_wait3A_1503 : memref<1x50x128xf32, #tpu.memory_space<hbm>> -> memref<50x128xf32, #tpu.memory_space<hbm>>
    tpu.wait_dma2 semaphore(%arg23 : memref<!tpu.dma_semaphore, #tpu.memory_space<semaphore_mem>>) src(%dma_wait3A_1504 : memref<50x128xf32, #tpu.memory_space<hbm>>) dst(%arg11 : memref<50x128xf32, #tpu.memory_space<vmem>>)
    %dma_wait3A_1505 = arith.constant 0 : i32
    %dma_wait3A_1506 = arith.constant 0 : i32
    %dma_wait3A_1507 = tpu.memref_slice %arg4[%mul3A_2, %dma_wait3A_1505, %dma_wait3A_1506] : memref<4096x50x128xf32, #tpu.memory_space<hbm>> -> memref<1x50x128xf32, #tpu.memory_space<hbm>>
    %dma_wait3A_1508 = tpu.memref_squeeze %dma_wait3A_1507 : memref<1x50x128xf32, #tpu.memory_space<hbm>> -> memref<50x128xf32, #tpu.memory_space<hbm>>
    %dma_wait3A_1509 = arith.constant 0 : i32
    %dma_wait3A_1510 = arith.constant 0 : i32
    %dma_wait3A_1511 = tpu.memref_slice %arg4[%mul3A_2, %dma_wait3A_1509, %dma_wait3A_1510] : memref<4096x50x128xf32, #tpu.memory_space<hbm>> -> memref<1x50x128xf32, #tpu.memory_space<hbm>>
    %dma_wait3A_1512 = tpu.memref_squeeze %dma_wait3A_1511 : memref<1x50x128xf32, #tpu.memory_space<hbm>> -> memref<50x128xf32, #tpu.memory_space<hbm>>
    tpu.wait_dma2 semaphore(%arg24 : memref<!tpu.dma_semaphore, #tpu.memory_space<semaphore_mem>>) src(%dma_wait3A_1512 : memref<50x128xf32, #tpu.memory_space<hbm>>) dst(%arg12 : memref<50x128xf32, #tpu.memory_space<vmem>>)
    return
  }
}

module attributes {stable_mosaic.version = 14 : i64} {
  func.func @_scale_body(%arg0: i32, %arg1: memref<1000x128xf32, #tpu.memory_space<vmem>>, %arg2: memref<1x1000x128xf32, #tpu.memory_space<vmem>>) attributes {dimension_semantics = [#tpu.dimension_semantics<arbitrary>], iteration_bounds = array<i64: 10>, scalar_prefetch = 0 : i64, scratch_operands = 0 : i64, tpu.core_type = #tpu.core_type<tc>, window_params = [{pipeline_mode = #tpu.pipeline_mode<synchronous>, transform_indices = @transform_0, window_bounds = array<i64: 1000, 128>}, {transform_indices = @transform_1, window_bounds = array<i64: 1, 1000, 128>}]} {
    %convert_element_type3A = arith.sitofp %arg0 : i32 to f32
    %sub3A = arith.constant 1.000000e+01 : f32
    %sub3A_0 = arith.subf %sub3A, %convert_element_type3A : f32
    %div3A = arith.constant 5.500000e+01 : f32
    %div3A_1 = arith.divf %sub3A_0, %div3A : f32
    %get3A = arith.constant 0 : index
    %get3A_2 = arith.constant 0 : index
    %get3A_3 = vector.load %arg1[%get3A, %get3A_2] : memref<1000x128xf32, #tpu.memory_space<vmem>>, vector<1000x128xf32>
    %mul3A = vector.broadcast %div3A_1 : f32 to vector<1000x128xf32>
    %mul3A_4 = arith.mulf %get3A_3, %mul3A : vector<1000x128xf32>
    %broadcast_in_dim3A = vector.shape_cast %mul3A_4 : vector<1000x128xf32> to vector<1x1000x128xf32>
    %swap3A = arith.constant 0 : index
    %swap3A_5 = arith.constant 0 : index
    %swap3A_6 = arith.constant 0 : index
    %swap3A_7 = vector.load %arg2[%swap3A, %swap3A_5, %swap3A_6] : memref<1x1000x128xf32, #tpu.memory_space<vmem>>, vector<1x1000x128xf32>
    tpu.vector_store %arg2[%swap3A, %swap3A_5, %swap3A_6], %broadcast_in_dim3A {strides = array<i32>} : memref<1x1000x128xf32, #tpu.memory_space<vmem>>, vector<1x1000x128xf32>,
    return
  }
  func.func @transform_0(%arg0: i32) -> (i32, i32) {
    %c0_i32 = arith.constant 0 : i32
    %c0_i32_0 = arith.constant 0 : i32
    %c0_i32_1 = arith.constant 0 : i32
    return %c0_i32, %c0_i32_0 : i32, i32
  }
  func.func @transform_1(%arg0: i32) -> (i32, i32, i32) {
    %c0_i32 = arith.constant 0 : i32
    %c0_i32_0 = arith.constant 0 : i32
    %c0_i32_1 = arith.constant 0 : i32
    return %arg0, %c0_i32, %c0_i32_0 : i32, i32, i32
  }
}

</mosaic_0001>

<sc_bundles>
// kernel: kernel.4.cloned.1.call-start
scs
__scs_entry_jumppad:
0x0: {  	(pc) =	sbr.rel $0x88, $3  }
0x1: {  	(tag) =	ssettag $0x0;
	lr =	simm.s32 $0x1  }
0x2: {  	[smem:$0x3F9F] =	sst lr;
	_ =	strace $0xD0000000  }
0x3: {  	_ = 	snop  }
0x4: {  	_ = 	snop  }
0x5: {  	_ = 	snop  }
0x6: {  	_ = 	snop  }
0x7: {  	_ = 	snop  }
__scs_overlays_trampoline_lowered:
0x8: {  	[smem:$0x3FAE] =	sst s0  }
0x9: {  	[smem:$0x3FAF] =	sst s1  }
0xa: {  	[smem:$0x3FB0] =	sst s2  }
0xb: {  	[smem:$0x3FB1] =	sst s3  }
0xc: {  	[smem:$0x3FB2] =	sst s4  }
0xd: {  	[smem:$0x3FB3] =	sst s5  }
0xe: {  	[smem:$0x3FB4] =	sst s6  }
0xf: {  	[smem:$0x3FB5] =	sst s7  }
0x10: {  	[smem:$0x3FB6] =	sst s8  }
0x11: {  	[smem:$0x3FB7] =	sst s9;
	s0 =	simm.s32 @!p0 $0x0  }
0x12: {  	s1 =	sld [smem:$0x3F9D];
	s0 =	simm.s32 @p0 $0x1  }
0x13: {  	[smem:$0x3FB8] =	sst s0;
	s0 =	simm.s32 @!p1 $0x0  }
0x14: {  	s2 =	sld [smem:$0x3F9C];
	s0 =	simm.s32 @p1 $0x1  }
0x15: {  	[smem:$0x3FB9] =	sst s0;
	s0 =	simm.s32 @!p2 $0x0  }
0x16: {  	s3 =	sld [smem:$0x3FDB];
	s0 =	simm.s32 @p2 $0x1  }
0x17: {  	s4 =	simm.s32 $0x1BF5;
	[smem:$0x3FBB] =	sst s0  }
0x18: {  	s0 =	sld [smem:$0x3F9E];
	_ =	swait.ge [sflag:s4], $0x0  }
0x19: {  	s7 =	sld [smem:$0x3F9F]  }
0x1a: {  	s8 =	sadd.s32 $0xFFFFE003, lr  }
0x1b: {  	s9 =	sadd.s32 $0xFFFFFEF7, lr;
	s5 =	simm.s32 $0xFFFFFFFF;
	p2 =	slt.u32 s8, $0xFFFFF086  }
0x1c: {  	p1 =	slt.u32 s9, $0xF7A;
	s5 =	simm.s32 @!p2 $0x0  }
0x1d: {  	s5 =	simm.s32 @p1 $0x1;
	p0 =	seq.s32 s7, s2  }
0x1e: {  	s7 =	smul.u32 @!p0 $0xF7A, s2;
	p2 =	seq.s32 @!p0 s5, $0x0  }
0x1f: {  	s9 =	smul.u32 $0xF7A, s1;
	s8 =	simm.s32 @!p0 $0x1BF5;
	p2 =	por !p2, p0  }
0x20: {  	[sflag:s8] =	ssyncset.s32 @!p0 $0xFFFFF086;
	s6 =	sadd.s32 @!p0 s3, s7;
	s7 =	simm.s32 @!p0 $0x108  }
0x21: {  	s3 =	sadd.s32 s3, s9;
	s6 =	sadd.s32 @!p0 $0x88, s6;
	s7 =	simm.s32 @p2 $0x1082  }
0x22: {  	[simem:s7], [sflag:s8] =	dma.local @!p0 [hbm:s6], $0xF7A  }
0x23: {  	s9 =	sor.u32 $0xD0000000, s2;
	s6 =	simm.s32 $0x108;
	_ =	swait.ge @!p0 [sflag:s8], $0x0  }
0x24: {  	s3 =	sadd.s32 $0x88, s3;
	s6 =	simm.s32 @!p1 $0x1082;
	[sflag:s4] =	ssyncset.s32 $0xFFFFF086  }
0x25: {  	[simem:s6], [sflag:s4] =	dma.local [hbm:s3], $0xF7A  }
0x26: {  	[smem:$0x3F9F] =	sst s1;
	(tag) =	ssettag s2;
	_ =	strace s9  }
0x27: {  	s1 =	sld [smem:$0x3FAF]  }
0x28: {  	s2 =	sld [smem:$0x3FB0]  }
0x29: {  	s4 =	sld [smem:$0x3FB2]  }
0x2a: {  	p0 =	seq.s32 s5, $0x0;
	s5 =	sld [smem:$0x3FB3]  }
0x2b: {  	s6 =	sld [smem:$0x3FB4]  }
0x2c: {  	s7 =	sld [smem:$0x3FB5]  }
0x2d: {  	s3 =	simm.s32 $0x108;
	s8 =	sld [smem:$0x3FB6]  }
0x2e: {  	s3 =	simm.s32 @!p0 $0x1082;
	s9 =	sld [smem:$0x3FB7]  }
0x2f: {  	lr =	sadd.s32 s0, s3;
	s0 =	sld [smem:$0x3FAE]  }
0x30: {  	s3 =	sld [smem:$0x3FB1]  }
0x31: {  	[smem:$0x3FBA] =	sst s10  }
0x32: {  	s10 =	sld [smem:$0x3FB8];
	_ =	sdelay $0x3  }
0x33: {  	p0 =	seq.s32 s10, $0x1;
	s10 =	sld [smem:$0x3FBA];
	_ =	sdelay $0x3  }
0x34: {  	[smem:$0x3FBA] =	sst s10  }
0x35: {  	s10 =	sld [smem:$0x3FB9];
	_ =	sdelay $0x3  }
0x36: {  	p1 =	seq.s32 s10, $0x1;
	s10 =	sld [smem:$0x3FBA];
	_ =	sdelay $0x3  }
0x37: {  	[smem:$0x3FBA] =	sst s10  }
0x38: {  	s10 =	sld [smem:$0x3FBB]  }
0x39: {  	_ = 	snop;
	(pc) =	sbr.ind lr, $3  }
0x3a: {  	_ = 	snop  }
0x3b: {  	_ = 	snop  }
0x3c: {  	p2 =	seq.s32 s10, $0x1;
	s10 =	sld [smem:$0x3FBA]  }
0x3d: {  	_ =	shalt  }
0x3e: {  	_ =	shalt  }
0x3f: {  	_ =	shalt  }
0x40: {  	_ =	shalt  }
0x41: {  	_ =	shalt  }
0x42: {  	_ =	shalt  }
0x43: {  	_ =	shalt  }
0x44: {  	_ =	shalt  }
0x45: {  	_ =	shalt  }
0x46: {  	_ =	shalt  }
0x47: {  	_ =	shalt  }
0x48: {  	_ =	shalt  }
0x49: {  	_ =	shalt  }
0x4a: {  	_ =	shalt  }
0x4b: {  	_ =	shalt  }
0x4c: {  	_ =	shalt  }
0x4d: {  	_ =	shalt  }
0x4e: {  	_ =	shalt  }
0x4f: {  	_ =	shalt  }
0x50: {  	_ =	shalt  }
0x51: {  	_ =	shalt  }
0x52: {  	_ =	shalt  }
0x53: {  	_ =	shalt  }
0x54: {  	_ =	shalt  }
0x55: {  	_ =	shalt  }
0x56: {  	_ =	shalt  }
0x57: {  	_ =	shalt  }
0x58: {  	_ =	shalt  }
0x59: {  	_ =	shalt  }
0x5a: {  	_ =	shalt  }
0x5b: {  	_ =	shalt  }
0x5c: {  	_ =	shalt  }
0x5d: {  	_ =	shalt  }
0x5e: {  	_ =	shalt  }
0x5f: {  	_ =	shalt  }
0x60: {  	_ =	shalt  }
0x61: {  	_ =	shalt  }
0x62: {  	_ =	shalt  }
0x63: {  	_ =	shalt  }
0x64: {  	_ =	shalt  }
0x65: {  	_ =	shalt  }
0x66: {  	_ =	shalt  }
0x67: {  	_ =	shalt  }
0x68: {  	_ =	shalt  }
0x69: {  	_ =	shalt  }
0x6a: {  	_ =	shalt  }
0x6b: {  	_ =	shalt  }
0x6c: {  	_ =	shalt  }
0x6d: {  	_ =	shalt  }
0x6e: {  	_ =	shalt  }
0x6f: {  	_ =	shalt  }
0x70: {  	_ =	shalt  }
0x71: {  	_ =	shalt  }
0x72: {  	_ =	shalt  }
0x73: {  	_ =	shalt  }
0x74: {  	_ =	shalt  }
0x75: {  	_ =	shalt  }
0x76: {  	_ =	shalt  }
0x77: {  	_ =	shalt  }
0x78: {  	_ =	shalt  }
0x79: {  	_ =	shalt  }
0x7a: {  	_ =	shalt  }
0x7b: {  	_ =	shalt  }
0x7c: {  	_ =	shalt  }
0x7d: {  	_ =	shalt  }
0x7e: {  	_ =	shalt  }
0x7f: {  	_ =	shalt  }
0x80: {  	_ =	shalt  }
0x81: {  	_ =	shalt  }
0x82: {  	_ =	shalt  }
0x83: {  	_ =	shalt  }
0x84: {  	_ =	shalt  }
0x85: {  	_ =	shalt  }
0x86: {  	_ =	shalt  }
0x87: {  	_ =	shalt  }
.Lfunc_end0:
.L_simem_size_0:
called_computation_lowered:
.L_overlay_start_0:
0x88: {  	s2 =	sld [smem:$0x3FD9]  }
0x89: {  	s3 =	sld [smem:$0x3FFE];
	_ =	sdelay $0x1  }
0x8a: {  	s1 =	srdreg.scid  }
0x8b: {  	s0 =	sand.u32 $0x1, s1  }
0x8c: {  	s17 =	sshll.u32 s0, $0xA;
	s2 =	sadd.s32 s3, s2  }
0x8d: {  	s2 =	sadd.s32 s2, s17  }
0x8e: {  	[smem:$0x3FC6] =	sst s2  }
0x8f: {  	_ = 	snop  }
0x90: {  	s2 =	sld [smem:$0x3FD0];
	(tm) =	ssettm $0x1  }
0x91: {  	s18 =	sld [smem:$0x3FFB];
	_ =	sdelay $0x3  }
0x92: {  	_ =	strace s18  }
0x93: {  	s3 =	sld [smem:$0x3FFC];
	_ =	sdelay $0x3  }
0x94: {  	_ =	strace s3  }
0x95: {  	s3 =	sld [smem:$0x3FFD];
	_ =	sdelay $0x3  }
0x96: {  	_ =	strace s3  }
0x97: {  	_ =	strace $0x8FFFFFFF  }
0x98: {  	s19 =	sld [smem:$0x3FDB];
	_ =	sdelay $0x1  }
0x99: {  	s4 =	simm.s32 $_scs_section_size  }
0x9a: {  	s5 =	simm.s32 $_size__tile_overlayer_lowered;
	s6 =	simm.s32 $_tile_overlayer_lowered  }
0x9b: {  	s22 =	simm.s32 $0x1BFF;
	s21 =	sshll.u32 s6, $0x1;
	s3 =	sadd.s32 s4, s19  }
0x9c: {  	s7 =	simm.s32 $0x0;
	s20 =	sshll.u32 s5, $0x1;
	s5 =	sadd.s32 s21, s3  }
0x9d: {  	[timem:s7], [sflag:s22] =	dma.local [hbm:s5], s20  }
0x9e: {  	_ =	swait.ge [sflag:s22], s20  }
0x9f: {  	s4 =	ssub.s32 $0x0, s20;
	[sflag:s22] =	ssyncset.done $0x0  }
0xa0: {  	[sflag:s22] =	ssyncadd.s32 s4;
	_ =	sdelay $0x1  }
0xa1: {  	s23 =	simm.s32 $0x1B8B  }
0xa2: {  	_ =	swait.ge [sflag:s23], $0x1  }
0xa3: {  	[sflag:s23] =	ssyncset.done $0x0  }
0xa4: {  	s25 =	simm.s32 $0x1B8E;
	s24 =	sld [smem:$0x3FFE];
	[sflag:s23] =	ssyncadd.s32 $0xFFFFFFFF  }
0xa5: {  	s26 =	simm.s32 $execute0_lowered;
	[smem:$0x3FD2] =	sst s25  }
0xa6: {  	s5 =	sshll.u32 s26, $0x1;
	_ =	strace $0x80000046;
	[dreg:$0x1] =	wrdreg $0xFFFFFFFF  }
0xa7: {  	s28 =	simm.s32 $_size_execute0_lowered;
	s3 =	sadd.s32 s3, s5;
	[dreg:$0x0] =	wrdreg $0x0  }
0xa8: {  	s5 =	sshll.u32 s28, $0x1;
	[dreg:$0x2] =	wrdreg s3  }
0xa9: {  	[dreg:$0x3] =	wrdreg s5  }
0xaa: {  	[dreg:$0x4] =	wrdreg $0xC0  }
0xab: {  	_ =	task [dreg:s7], $0x5FFFF  }
0xac: {  	[dreg:$0x1] =	wrdreg $0xFFFFFFFF  }
0xad: {  	[dreg:$0x0] =	wrdreg $0x60  }
0xae: {  	[dreg:$0x2] =	wrdreg s2  }
0xaf: {  	[dreg:$0x3] =	wrdreg s24  }
0xb0: {  	[dreg:$0x4] =	wrdreg $0x9  }
0xb1: {  	_ =	task.clear_ibuf [dreg:s7], $0x5FFFF;
	_ =	strace $0x90000046  }
0xb2: {  	s29 =	simm.s32 $0x9;
	_ =	strace $0x80000048  }
0xb3: {  	_ =	swait.ge [sflag:s29], $0x1  }
0xb4: {  	[sflag:s29] =	ssyncadd.s32 $0xFFFFFFFF  }
0xb5: {  	_ =	strace $0x90000048  }
0xb6: {  	_ =	sfence  }
0xb7: {  	s30 =	sld [smem:$0x0];
	_ =	sdelay $0x2  }
0xb8: {  	s31 =	sshll.u32 s1, $0xD;
	s1 =	sshrl.u32 s1, $0x2  }
0xb9: {  	s3 =	sand.u32 $0x4000, s31;
	s1 =	sadd.s32 s1, s30  }
0xba: {  	s0 =	sor.u32 s3, s0;
	s1 =	sshll.u32 s1, $0x11  }
0xbb: {  	s0 =	sor.u32 s1, s0  }
0xbc: {  	s0 =	sadd.s32 $0x8F2B, s0  }
0xbd: {  	[sflag:s0] =	ssyncadd.remote.s32 $0x1  }
0xbe: {  	_ =	sfence.sel $0xFFFF  }
0xbf: {  	[dreg:$0x0] =	wrdreg $0xFFFFFFFF;
	(pc) =	sbr.abs _section_cstart, $3  }
0xc0: {  	[dreg:$0x1] =	wrdreg $0xFFFFFFFF  }
0xc1: {  	_ =	task.clear_ibuf [dreg:s7], $0x2FFFF;
	_ =	strace $0x9FFFFFFF  }
0xc2: {  	(tm) =	ssettm $0x7FFFFFFF  }
0xc3: {  	_ =	shalt  }
tec
execute0_lowered:
.L_overlay_start_1:
0x0: {  	(tag) =	ssettag $0x1  }
0x1: {  	s0 =	rddreg [dreg:$0x0]  }
0x2: {  	s1 =	rddreg [dreg:$0x1];
	s2 =	simm.s32 $0x0;
	s3 =	srdreg.scid  }
0x3: {  	s13 =	stileid.u32;
	s29 =	simm.s32 $0x6;
	s30 =	simm.s32 $0x3C00  }
0x4: {  	s31 =	simm.s32 $0x1;
	[smem:$0x7FF] =	sst s2;
	s4 =	sand.u32 $0x1, s3  }
0x5: {  	s6 =	sshll.u32 s13, $0x8;
	s3 =	sadd.s32 $0x800, s1;
	s15 =	smul.u32 $0x38000, s13  }
0x6: {  	s1 =	sadd.s32 $0x27A00, s1;
	s17 =	smul.u32 $0x1C0000, s13;
	s5 =	ssub.s32 $0x2, s4  }
0x7: {  	_ =	strace $0x80000047;
	s7 =	sshll.u32 s4, $0x7;
	s8 =	sshrl.u32 s5, $0x1  }
0x8: {  	s16 =	smul.u32 $0x1C000, s4;
	s6 =	sor.u32 s7, s6;
	s5 =	ssub.s32 s5, s8  }
0x9: {  	s7 =	sor.u32 $0x1, s6;
	s18 =	sshll.u32 s6, $0x8;
	s10 =	smul.u32 $0x380, s6  }
0xa: {  	s22 =	smul.u32 $0x1C00, s6;
	s28 =	sor.u32 $0x7E, s6;
	s6 =	sor.u32 $0x7F, s6  }
0xb: {  	s9 =	sshll.u32 s7, $0x8;
	s14 =	sadd.s32 s0, s18;
	s7 =	smul.u32 $0x380, s7  }
0xc: {  	s12 =	sshll.u32 s28, $0x8;
	s18 =	smul.u32 $0xE0000, s4;
	s5 =	smax.u32 s5, $0x1  }
0xd: {  	s8 =	smul.u32 $0x380, s28;
	s4 =	sshll.u32 s4, $0xF;
	[dreg:$0x17] =	wrdreg s5  }
0xe: {  	s19 =	sadd.s32 s0, s9;
	s20 =	sadd.s32 $0x200, s14;
	[dreg:$0x7] =	wrdreg s14  }
0xf: {  	s21 =	sadd.s32 s1, s10;
	s23 =	sadd.s32 $0x300, s14;
	[dreg:$0x8] =	wrdreg s19  }
0x10: {  	s24 =	sadd.s32 $0x400, s14;
	s25 =	sadd.s32 $0x500, s14;
	[dreg:$0x9] =	wrdreg s20  }
0x11: {  	s26 =	sshrl.u32 s22, $0x3;
	s9 =	sadd.s32 s0, s12;
	[dreg:$0xa] =	wrdreg s21  }
0x12: {  	s10 =	sadd.s32 s15, s1;
	s12 =	sshll.u32 s6, $0x8;
	[dreg:$0xb] =	wrdreg s23  }
0x13: {  	s6 =	smul.u32 $0x380, s6;
	s28 =	sadd.s32 $0x700, s14;
	[dreg:$0xc] =	wrdreg s24  }
0x14: {  	s14 =	simm.s32 $0x5800;
	s7 =	sadd.s32 s1, s7;
	[dreg:$0xe] =	wrdreg s25  }
0x15: {  	[dreg:$0x10] =	wrdreg s9;
	s9 =	sadd.s32 s16, s10;
	s12 =	sadd.s32 s0, s12  }
0x16: {  	s10 =	sadd.s32 s18, s17;
	s19 =	sshll.u32 s13, $0x10;
	s22 =	sadd.s32 s1, s8  }
0x17: {  	[dreg:$0x19] =	wrdreg s28;
	s13 =	simm.s32 $0x7;
	s16 =	simm.s32 $0x1B80  }
0x18: {  	s17 =	simm.s32 $0xA;
	s18 =	simm.s32 $0xB;
	[dreg:$0xd] =	wrdreg s7  }
0x19: {  	s7 =	sadd.s32 s1, s26;
	[dreg:$0x12] =	wrdreg s12;
	s9 =	sadd.s32 $0xE00, s9  }
0x1a: {  	s0 =	sadd.s32 s19, s0;
	s20 =	sor.u32 $0x8C00, s10;
	[dreg:$0x15] =	wrdreg s22  }
0x1b: {  	s6 =	sadd.s32 s1, s6;
	s24 =	sor.u32 $0x5400, s10;
	s26 =	sor.u32 $0x3800, s10  }
0x1c: {  	s10 =	simm.s32 $0x1C80;
	s19 =	simm.s32 $0xC;
	s11 =	sadd.s32 $0x1AB00, s7  }
0x1d: {  	s15 =	sadd.s32 $0x1AE80, s7;
	[dreg:$0x3] =	wrdreg s9;
	s21 =	sadd.s32 $0x1B200, s7  }
0x1e: {  	s9 =	sshrl.u32 s20, $0x3;
	s7 =	sadd.s32 $0x1B580, s7;
	[dreg:$0x16] =	wrdreg s6  }
0x1f: {  	s25 =	sshrl.u32 s24, $0x3;
	s6 =	sshrl.u32 s26, $0x3;
	[dreg:$0xf] =	wrdreg s11  }
0x20: {  	s0 =	sadd.s32 s4, s0;
	s24 =	simm.s32 $0x5;
	[dreg:$0x11] =	wrdreg s15  }
0x21: {  	s26 =	simm.s32 $0x2000;
	s20 =	simm.s32 $0x9;
	[dreg:$0x13] =	wrdreg s21  }
0x22: {  	s4 =	simm.s32 $0x4;
	[dreg:$0x14] =	wrdreg s7;
	s23 =	sadd.s32 s9, s1  }
0x23: {  	s5 =	sadd.s32 s25, s1;
	s1 =	sadd.s32 s6, s1;
	[dreg:$0x4] =	wrdreg s23  }
0x24: {  	s0 =	sadd.s32 $0x900, s0;
	s25 =	simm.s32 $0x32;
	[dreg:$0x5] =	wrdreg s5  }
0x25: {  	s15 =	simm.s32 $0x2;
	s6 =	simm.s32 $0x3;
	[dreg:$0x18] =	wrdreg s0  }
0x26: {  	s11 =	simm.s32 $0x1B00;
	s7 =	simm.s32 $0x0;
	[dreg:$0x6] =	wrdreg s1  }
0x27: {  	s1 =	simm.s32 $0x8;
	s5 =	simm.s32 $0x7400;
	s23 =	simm.s32 $0x1C00  }
.LBB2_1:
0x28: {  	[dreg:$0x1a] =	wrdreg s7  }
0x29: {  	s0 =	rddreg [dreg:$0x7]  }
0x2a: {  	[tilespmem:s2], [sflag:$0x5] =	stream.linear.gather [hbm4b:s0+s2], $0x500, $0x38;
	[tilespmem:$0x9000] =	vst v63  }
0x2b: {  	s28 =	rddreg [dreg:$0x8];
	s7 =	simm.s32 $0x800  }
0x2c: {  	[tilespmem:s7], [sflag:$0x6] =	stream.linear.gather [hbm4b:s28+s2], $0x500, $0x38;
	[tilespmem:$0x9000] =	vst v63  }
0x2d: {  	_ =	swait.ge [sflag:s24], $0x500  }
0x2e: {  	[sflag:s24] =	ssyncset.done $0x0  }
0x2f: {  	[sflag:s24] =	ssyncadd.s32 $0xFFFFFB00  }
0x30: {  	[tilespmem:s26], [sflag:$0x1] =	stream.indirect.gather [hbm4b:s3+s25], $0x80, s2, s25, $0xb8;
	[tilespmem:$0x9000] =	vst v63  }
0x31: {  	s28 =	simm.s32 $0x1000;
	s8 =	rddreg [dreg:$0x9]  }
0x32: {  	[tilespmem:s28], [sflag:$0x7] =	stream.linear.gather [hbm4b:s8+s2], $0x500, $0x38;
	[tilespmem:$0x9000] =	vst v63  }
0x33: {  	_ =	swait.ge [sflag:s29], $0x500  }
0x34: {  	[sflag:s29] =	ssyncset.done $0x0  }
0x35: {  	[sflag:s29] =	ssyncadd.s32 $0xFFFFFB00  }
0x36: {  	[tilespmem:s30], [sflag:$0x2] =	stream.indirect.gather [hbm4b:s3+s25], $0x80, s7, s25, $0xb8;
	[tilespmem:$0x9000] =	vst v63  }
0x37: {  	_ =	swait.ge [sflag:s31], $0x1900  }
0x38: {  	[sflag:s31] =	ssyncset.done $0x0  }
0x39: {  	s9 =	simm.s32 $0x80;
	[sflag:s31] =	ssyncadd.s32 $0xFFFFE700  }
0x3a: {  	[tilespmem:s26], [sflag:$0x1] =	stream.indirect.gather.add.f32 [hbm:s3], $0x80, s9, s25, $0xb8;
	[tilespmem:$0x9000] =	vst v63  }
0x3b: {  	s9 =	simm.s32 $0x100  }
0x3c: {  	[tilespmem:s26], [sflag:$0x1] =	stream.indirect.gather.add.f32 [hbm:s3], $0x80, s9, s25, $0xb8;
	[tilespmem:$0x9000] =	vst v63  }
0x3d: {  	s21 =	simm.s32 $0x180  }
0x3e: {  	[tilespmem:s26], [sflag:$0x1] =	stream.indirect.gather.add.f32 [hbm:s3], $0x80, s21, s25, $0xb8;
	[tilespmem:$0x9000] =	vst v63  }
0x3f: {  	s22 =	simm.s32 $0x200  }
0x40: {  	[tilespmem:s26], [sflag:$0x1] =	stream.indirect.gather.add.f32 [hbm:s3], $0x80, s22, s25, $0xb8;
	[tilespmem:$0x9000] =	vst v63  }
0x41: {  	s12 =	simm.s32 $0x280  }
0x42: {  	[tilespmem:s26], [sflag:$0x1] =	stream.indirect.gather.add.f32 [hbm:s3], $0x80, s12, s25, $0xb8;
	[tilespmem:$0x9000] =	vst v63  }
0x43: {  	s8 =	simm.s32 $0x300  }
0x44: {  	[tilespmem:s26], [sflag:$0x1] =	stream.indirect.gather.add.f32 [hbm:s3], $0x80, s8, s25, $0xb8;
	[tilespmem:$0x9000] =	vst v63  }
0x45: {  	s12 =	simm.s32 $0x380  }
0x46: {  	[tilespmem:s26], [sflag:$0x1] =	stream.indirect.gather.add.f32 [hbm:s3], $0x80, s12, s25, $0xb8;
	[tilespmem:$0x9000] =	vst v63  }
0x47: {  	s8 =	simm.s32 $0x400  }
0x48: {  	[tilespmem:s26], [sflag:$0x1] =	stream.indirect.gather.add.f32 [hbm:s3], $0x80, s8, s25, $0xb8;
	[tilespmem:$0x9000] =	vst v63  }
0x49: {  	s12 =	simm.s32 $0x480  }
0x4a: {  	[tilespmem:s26], [sflag:$0x1] =	stream.indirect.gather.add.f32 [hbm:s3], $0x80, s12, s25, $0xb8;
	[tilespmem:$0x9000] =	vst v63  }
0x4b: {  	s8 =	rddreg [dreg:$0xb];
	s12 =	simm.s32 $0x1800  }
0x4c: {  	[tilespmem:s12], [sflag:$0x8] =	stream.linear.gather [hbm4b:s8+s2], $0x500, $0x38;
	[tilespmem:$0x9000] =	vst v63  }
0x4d: {  	_ =	swait.ge [sflag:s13], $0x500  }
0x4e: {  	[sflag:s13] =	ssyncset.done $0x0  }
0x4f: {  	[sflag:s13] =	ssyncadd.s32 $0xFFFFFB00  }
0x50: {  	[tilespmem:s14], [sflag:$0x3] =	stream.indirect.gather [hbm4b:s3+s25], $0x80, s28, s25, $0xb8;
	[tilespmem:$0x9000] =	vst v63  }
0x51: {  	_ =	swait.ge [sflag:s15], $0x1900  }
0x52: {  	[sflag:s15] =	ssyncset.done $0x0  }
0x53: {  	s8 =	simm.s32 $0x880;
	[sflag:s15] =	ssyncadd.s32 $0xFFFFE700  }
0x54: {  	[tilespmem:s30], [sflag:$0x2] =	stream.indirect.gather.add.f32 [hbm:s3], $0x80, s8, s25, $0xb8;
	[tilespmem:$0x9000] =	vst v63  }
0x55: {  	s8 =	simm.s32 $0x900  }
0x56: {  	[tilespmem:s30], [sflag:$0x2] =	stream.indirect.gather.add.f32 [hbm:s3], $0x80, s8, s25, $0xb8;
	[tilespmem:$0x9000] =	vst v63  }
0x57: {  	s8 =	simm.s32 $0x980  }
0x58: {  	[tilespmem:s30], [sflag:$0x2] =	stream.indirect.gather.add.f32 [hbm:s3], $0x80, s8, s25, $0xb8;
	[tilespmem:$0x9000] =	vst v63  }
0x59: {  	s8 =	simm.s32 $0xA00  }
0x5a: {  	[tilespmem:s30], [sflag:$0x2] =	stream.indirect.gather.add.f32 [hbm:s3], $0x80, s8, s25, $0xb8;
	[tilespmem:$0x9000] =	vst v63  }
0x5b: {  	s8 =	simm.s32 $0xA80  }
0x5c: {  	[tilespmem:s30], [sflag:$0x2] =	stream.indirect.gather.add.f32 [hbm:s3], $0x80, s8, s25, $0xb8;
	[tilespmem:$0x9000] =	vst v63  }
0x5d: {  	s8 =	simm.s32 $0xB00  }
0x5e: {  	[tilespmem:s30], [sflag:$0x2] =	stream.indirect.gather.add.f32 [hbm:s3], $0x80, s8, s25, $0xb8;
	[tilespmem:$0x9000] =	vst v63  }
0x5f: {  	s8 =	simm.s32 $0xB80  }
0x60: {  	[tilespmem:s30], [sflag:$0x2] =	stream.indirect.gather.add.f32 [hbm:s3], $0x80, s8, s25, $0xb8;
	[tilespmem:$0x9000] =	vst v63  }
0x61: {  	s8 =	simm.s32 $0xC00  }
0x62: {  	[tilespmem:s30], [sflag:$0x2] =	stream.indirect.gather.add.f32 [hbm:s3], $0x80, s8, s25, $0xb8;
	[tilespmem:$0x9000] =	vst v63  }
0x63: {  	s8 =	simm.s32 $0xC80  }
0x64: {  	[tilespmem:s30], [sflag:$0x2] =	stream.indirect.gather.add.f32 [hbm:s3], $0x80, s8, s25, $0xb8;
	[tilespmem:$0x9000] =	vst v63  }
0x65: {  	_ =	swait.ge [sflag:s31], $0x1900  }
0x66: {  	[sflag:s31] =	ssyncset.done $0x0  }
0x67: {  	[sflag:s31] =	ssyncadd.s32 $0xFFFFE700  }
0x68: {  	_ =	swait.ge [sflag:s31], $0x1900  }
0x69: {  	[sflag:s31] =	ssyncset.done $0x0  }
0x6a: {  	[sflag:s31] =	ssyncadd.s32 $0xFFFFE700  }
0x6b: {  	_ =	swait.ge [sflag:s31], $0x1900  }
0x6c: {  	[sflag:s31] =	ssyncset.done $0x0  }
0x6d: {  	[sflag:s31] =	ssyncadd.s32 $0xFFFFE700  }
0x6e: {  	_ =	swait.ge [sflag:s31], $0x1900  }
0x6f: {  	[sflag:s31] =	ssyncset.done $0x0  }
0x70: {  	[sflag:s31] =	ssyncadd.s32 $0xFFFFE700  }
0x71: {  	_ =	swait.ge [sflag:s31], $0x1900  }
0x72: {  	[sflag:s31] =	ssyncset.done $0x0  }
0x73: {  	[sflag:s31] =	ssyncadd.s32 $0xFFFFE700  }
0x74: {  	_ =	swait.ge [sflag:s31], $0x1900  }
0x75: {  	[sflag:s31] =	ssyncset.done $0x0  }
0x76: {  	[sflag:s31] =	ssyncadd.s32 $0xFFFFE700  }
0x77: {  	_ =	swait.ge [sflag:s31], $0x1900  }
0x78: {  	[sflag:s31] =	ssyncset.done $0x0  }
0x79: {  	[sflag:s31] =	ssyncadd.s32 $0xFFFFE700  }
0x7a: {  	_ =	swait.ge [sflag:s31], $0x1900  }
0x7b: {  	[sflag:s31] =	ssyncset.done $0x0  }
0x7c: {  	[sflag:s31] =	ssyncadd.s32 $0xFFFFE700  }
0x7d: {  	_ =	swait.ge [sflag:s31], $0x1900  }
0x7e: {  	[sflag:s31] =	ssyncset.done $0x0  }
0x7f: {  	s8 =	rddreg [dreg:$0xa];
	[sflag:s31] =	ssyncadd.s32 $0xFFFFE700  }
0x80: {  	[hbm4b:s8+s2] =	stream.linear.scatter [tilespmem:s26], [sflag:$0x9], $0x1900, $0x38;
	[tilespmem:$0x9000] =	vst v63  }
0x81: {  	s8 =	rddreg [dreg:$0xc]  }
0x82: {  	[tilespmem:s2], [sflag:$0x5] =	stream.linear.gather [hbm4b:s8+s2], $0x500, $0x38;
	[tilespmem:$0x9000] =	vst v63  }
0x83: {  	_ =	swait.ge [sflag:s1], $0x500  }
0x84: {  	[sflag:s1] =	ssyncset.done $0x0  }
0x85: {  	[sflag:s1] =	ssyncadd.s32 $0xFFFFFB00  }
0x86: {  	[tilespmem:s5], [sflag:$0x4] =	stream.indirect.gather [hbm4b:s3+s25], $0x80, s12, s25, $0xb8;
	[tilespmem:$0x9000] =	vst v63  }
0x87: {  	_ =	swait.ge [sflag:s6], $0x1900  }
0x88: {  	[sflag:s6] =	ssyncset.done $0x0  }
0x89: {  	s8 =	simm.s32 $0x1080;
	[sflag:s6] =	ssyncadd.s32 $0xFFFFE700  }
0x8a: {  	[tilespmem:s14], [sflag:$0x3] =	stream.indirect.gather.add.f32 [hbm:s3], $0x80, s8, s25, $0xb8;
	[tilespmem:$0x9000] =	vst v63  }
0x8b: {  	s8 =	simm.s32 $0x1100  }
0x8c: {  	[tilespmem:s14], [sflag:$0x3] =	stream.indirect.gather.add.f32 [hbm:s3], $0x80, s8, s25, $0xb8;
	[tilespmem:$0x9000] =	vst v63  }
0x8d: {  	s8 =	simm.s32 $0x1180  }
0x8e: {  	[tilespmem:s14], [sflag:$0x3] =	stream.indirect.gather.add.f32 [hbm:s3], $0x80, s8, s25, $0xb8;
	[tilespmem:$0x9000] =	vst v63  }
0x8f: {  	s8 =	simm.s32 $0x1200  }
0x90: {  	[tilespmem:s14], [sflag:$0x3] =	stream.indirect.gather.add.f32 [hbm:s3], $0x80, s8, s25, $0xb8;
	[tilespmem:$0x9000] =	vst v63  }
0x91: {  	s8 =	simm.s32 $0x1280  }
0x92: {  	[tilespmem:s14], [sflag:$0x3] =	stream.indirect.gather.add.f32 [hbm:s3], $0x80, s8, s25, $0xb8;
	[tilespmem:$0x9000] =	vst v63  }
0x93: {  	s8 =	simm.s32 $0x1300  }
0x94: {  	[tilespmem:s14], [sflag:$0x3] =	stream.indirect.gather.add.f32 [hbm:s3], $0x80, s8, s25, $0xb8;
	[tilespmem:$0x9000] =	vst v63  }
0x95: {  	s8 =	simm.s32 $0x1380  }
0x96: {  	[tilespmem:s14], [sflag:$0x3] =	stream.indirect.gather.add.f32 [hbm:s3], $0x80, s8, s25, $0xb8;
	[tilespmem:$0x9000] =	vst v63  }
0x97: {  	s8 =	simm.s32 $0x1400  }
0x98: {  	[tilespmem:s14], [sflag:$0x3] =	stream.indirect.gather.add.f32 [hbm:s3], $0x80, s8, s25, $0xb8;
	[tilespmem:$0x9000] =	vst v63  }
0x99: {  	s8 =	simm.s32 $0x1480  }
0x9a: {  	[tilespmem:s14], [sflag:$0x3] =	stream.indirect.gather.add.f32 [hbm:s3], $0x80, s8, s25, $0xb8;
	[tilespmem:$0x9000] =	vst v63  }
0x9b: {  	_ =	swait.ge [sflag:s15], $0x1900  }
0x9c: {  	[sflag:s15] =	ssyncset.done $0x0  }
0x9d: {  	[sflag:s15] =	ssyncadd.s32 $0xFFFFE700  }
0x9e: {  	_ =	swait.ge [sflag:s15], $0x1900  }
0x9f: {  	[sflag:s15] =	ssyncset.done $0x0  }
0xa0: {  	[sflag:s15] =	ssyncadd.s32 $0xFFFFE700  }
0xa1: {  	_ =	swait.ge [sflag:s15], $0x1900  }
0xa2: {  	[sflag:s15] =	ssyncset.done $0x0  }
0xa3: {  	[sflag:s15] =	ssyncadd.s32 $0xFFFFE700  }
0xa4: {  	_ =	swait.ge [sflag:s15], $0x1900  }
0xa5: {  	[sflag:s15] =	ssyncset.done $0x0  }
0xa6: {  	[sflag:s15] =	ssyncadd.s32 $0xFFFFE700  }
0xa7: {  	_ =	swait.ge [sflag:s15], $0x1900  }
0xa8: {  	[sflag:s15] =	ssyncset.done $0x0  }
0xa9: {  	[sflag:s15] =	ssyncadd.s32 $0xFFFFE700  }
0xaa: {  	_ =	swait.ge [sflag:s15], $0x1900  }
0xab: {  	[sflag:s15] =	ssyncset.done $0x0  }
0xac: {  	[sflag:s15] =	ssyncadd.s32 $0xFFFFE700  }
0xad: {  	_ =	swait.ge [sflag:s15], $0x1900  }
0xae: {  	[sflag:s15] =	ssyncset.done $0x0  }
0xaf: {  	[sflag:s15] =	ssyncadd.s32 $0xFFFFE700  }
0xb0: {  	_ =	swait.ge [sflag:s15], $0x1900  }
0xb1: {  	[sflag:s15] =	ssyncset.done $0x0  }
0xb2: {  	[sflag:s15] =	ssyncadd.s32 $0xFFFFE700  }
0xb3: {  	_ =	swait.ge [sflag:s15], $0x1900  }
0xb4: {  	[sflag:s15] =	ssyncset.done $0x0  }
0xb5: {  	s8 =	rddreg [dreg:$0xd];
	[sflag:s15] =	ssyncadd.s32 $0xFFFFE700  }
0xb6: {  	[hbm4b:s8+s2] =	stream.linear.scatter [tilespmem:s30], [sflag:$0xA], $0x1900, $0x38;
	[tilespmem:$0x9000] =	vst v63  }
0xb7: {  	s8 =	rddreg [dreg:$0xe]  }
0xb8: {  	[tilespmem:s7], [sflag:$0x6] =	stream.linear.gather [hbm4b:s8+s2], $0x500, $0x38;
	[tilespmem:$0x9000] =	vst v63  }
0xb9: {  	_ =	swait.ge [sflag:s24], $0x500  }
0xba: {  	[sflag:s24] =	ssyncset.done $0x0  }
0xbb: {  	[sflag:s24] =	ssyncadd.s32 $0xFFFFFB00  }
0xbc: {  	_ =	swait.ge [sflag:s20], $0x1900  }
0xbd: {  	[sflag:s20] =	ssyncset.done $0x0  }
0xbe: {  	[sflag:s20] =	ssyncadd.s32 $0xFFFFE700  }
0xbf: {  	[tilespmem:s26], [sflag:$0x1] =	stream.indirect.gather [hbm4b:s3+s25], $0x80, s2, s25, $0xb8;
	[tilespmem:$0x9000] =	vst v63  }
0xc0: {  	_ =	swait.ge [sflag:s4], $0x1900  }
0xc1: {  	[sflag:s4] =	ssyncset.done $0x0  }
0xc2: {  	s8 =	simm.s32 $0x1880;
	[sflag:s4] =	ssyncadd.s32 $0xFFFFE700  }
0xc3: {  	[tilespmem:s5], [sflag:$0x4] =	stream.indirect.gather.add.f32 [hbm:s3], $0x80, s8, s25, $0xb8;
	[tilespmem:$0x9000] =	vst v63  }
0xc4: {  	s8 =	simm.s32 $0x1900  }
0xc5: {  	[tilespmem:s5], [sflag:$0x4] =	stream.indirect.gather.add.f32 [hbm:s3], $0x80, s8, s25, $0xb8;
	[tilespmem:$0x9000] =	vst v63  }
0xc6: {  	s8 =	simm.s32 $0x1980  }
0xc7: {  	[tilespmem:s5], [sflag:$0x4] =	stream.indirect.gather.add.f32 [hbm:s3], $0x80, s8, s25, $0xb8;
	[tilespmem:$0x9000] =	vst v63  }
0xc8: {  	s8 =	simm.s32 $0x1A00  }
0xc9: {  	[tilespmem:s5], [sflag:$0x4] =	stream.indirect.gather.add.f32 [hbm:s3], $0x80, s8, s25, $0xb8;
	[tilespmem:$0x9000] =	vst v63  }
0xca: {  	s8 =	simm.s32 $0x1A80  }
0xcb: {  	[tilespmem:s5], [sflag:$0x4] =	stream.indirect.gather.add.f32 [hbm:s3], $0x80, s8, s25, $0xb8;
	[tilespmem:$0x9000] =	vst v63  }
0xcc: {  	_ = 	snop  }
0xcd: {  	[tilespmem:s5], [sflag:$0x4] =	stream.indirect.gather.add.f32 [hbm:s3], $0x80, s11, s25, $0xb8;
	[tilespmem:$0x9000] =	vst v63  }
0xce: {  	_ = 	snop  }
0xcf: {  	[tilespmem:s5], [sflag:$0x4] =	stream.indirect.gather.add.f32 [hbm:s3], $0x80, s16, s25, $0xb8;
	[tilespmem:$0x9000] =	vst v63  }
0xd0: {  	_ = 	snop  }
0xd1: {  	[tilespmem:s5], [sflag:$0x4] =	stream.indirect.gather.add.f32 [hbm:s3], $0x80, s23, s25, $0xb8;
	[tilespmem:$0x9000] =	vst v63  }
0xd2: {  	_ = 	snop  }
0xd3: {  	[tilespmem:s5], [sflag:$0x4] =	stream.indirect.gather.add.f32 [hbm:s3], $0x80, s10, s25, $0xb8;
	[tilespmem:$0x9000] =	vst v63  }
0xd4: {  	_ =	swait.ge [sflag:s6], $0x1900  }
0xd5: {  	[sflag:s6] =	ssyncset.done $0x0  }
0xd6: {  	[sflag:s6] =	ssyncadd.s32 $0xFFFFE700  }
0xd7: {  	_ =	swait.ge [sflag:s6], $0x1900  }
0xd8: {  	[sflag:s6] =	ssyncset.done $0x0  }
0xd9: {  	[sflag:s6] =	ssyncadd.s32 $0xFFFFE700  }
0xda: {  	_ =	swait.ge [sflag:s6], $0x1900  }
0xdb: {  	[sflag:s6] =	ssyncset.done $0x0  }
0xdc: {  	[sflag:s6] =	ssyncadd.s32 $0xFFFFE700  }
0xdd: {  	_ =	swait.ge [sflag:s6], $0x1900  }
0xde: {  	[sflag:s6] =	ssyncset.done $0x0  }
0xdf: {  	[sflag:s6] =	ssyncadd.s32 $0xFFFFE700  }
0xe0: {  	_ =	swait.ge [sflag:s6], $0x1900  }
0xe1: {  	[sflag:s6] =	ssyncset.done $0x0  }
0xe2: {  	[sflag:s6] =	ssyncadd.s32 $0xFFFFE700  }
0xe3: {  	_ =	swait.ge [sflag:s6], $0x1900  }
0xe4: {  	[sflag:s6] =	ssyncset.done $0x0  }
0xe5: {  	[sflag:s6] =	ssyncadd.s32 $0xFFFFE700  }
0xe6: {  	_ =	swait.ge [sflag:s6], $0x1900  }
0xe7: {  	[sflag:s6] =	ssyncset.done $0x0  }
0xe8: {  	[sflag:s6] =	ssyncadd.s32 $0xFFFFE700  }
0xe9: {  	_ =	swait.ge [sflag:s6], $0x1900  }
0xea: {  	[sflag:s6] =	ssyncset.done $0x0  }
0xeb: {  	[sflag:s6] =	ssyncadd.s32 $0xFFFFE700  }
0xec: {  	_ =	swait.ge [sflag:s6], $0x1900  }
0xed: {  	s8 =	rddreg [dreg:$0x6];
	[sflag:s6] =	ssyncset.done $0x0  }
0xee: {  	[sflag:s6] =	ssyncadd.s32 $0xFFFFE700;
	s0 =	sadd.s32 $0x0, s8;
	s8 =	rddreg [dreg:$0x19]  }
0xef: {  	[hbm4b:s0+s2] =	stream.linear.scatter [tilespmem:s14], [sflag:$0xB], $0x1900, $0x38;
	[tilespmem:$0x9000] =	vst v63  }
0xf0: {  	s0 =	sadd.s32 $0xFFFFFF00, s8  }
0xf1: {  	[tilespmem:s28], [sflag:$0x7] =	stream.linear.gather [hbm4b:s0+s2], $0x500, $0x38;
	[tilespmem:$0x9000] =	vst v63  }
0xf2: {  	_ =	swait.ge [sflag:s29], $0x500  }
0xf3: {  	[sflag:s29] =	ssyncset.done $0x0  }
0xf4: {  	[sflag:s29] =	ssyncadd.s32 $0xFFFFFB00  }
0xf5: {  	_ =	swait.ge [sflag:s17], $0x1900  }
0xf6: {  	[sflag:s17] =	ssyncset.done $0x0  }
0xf7: {  	[sflag:s17] =	ssyncadd.s32 $0xFFFFE700  }
0xf8: {  	[tilespmem:s30], [sflag:$0x2] =	stream.indirect.gather [hbm4b:s3+s25], $0x80, s7, s25, $0xb8;
	[tilespmem:$0x9000] =	vst v63  }
0xf9: {  	_ =	swait.ge [sflag:s31], $0x1900  }
0xfa: {  	[sflag:s31] =	ssyncset.done $0x0  }
0xfb: {  	s7 =	simm.s32 $0x80;
	[sflag:s31] =	ssyncadd.s32 $0xFFFFE700  }
0xfc: {  	[tilespmem:s26], [sflag:$0x1] =	stream.indirect.gather.add.f32 [hbm:s3], $0x80, s7, s25, $0xb8;
	[tilespmem:$0x9000] =	vst v63  }
0xfd: {  	_ = 	snop  }
0xfe: {  	[tilespmem:s26], [sflag:$0x1] =	stream.indirect.gather.add.f32 [hbm:s3], $0x80, s9, s25, $0xb8;
	[tilespmem:$0x9000] =	vst v63  }
0xff: {  	_ = 	snop  }
0x100: {  	[tilespmem:s26], [sflag:$0x1] =	stream.indirect.gather.add.f32 [hbm:s3], $0x80, s21, s25, $0xb8;
	[tilespmem:$0x9000] =	vst v63  }
0x101: {  	_ = 	snop  }
0x102: {  	[tilespmem:s26], [sflag:$0x1] =	stream.indirect.gather.add.f32 [hbm:s3], $0x80, s22, s25, $0xb8;
	[tilespmem:$0x9000] =	vst v63  }
0x103: {  	s21 =	simm.s32 $0x280  }
0x104: {  	[tilespmem:s26], [sflag:$0x1] =	stream.indirect.gather.add.f32 [hbm:s3], $0x80, s21, s25, $0xb8;
	[tilespmem:$0x9000] =	vst v63  }
0x105: {  	s22 =	simm.s32 $0x300  }
0x106: {  	[tilespmem:s26], [sflag:$0x1] =	stream.indirect.gather.add.f32 [hbm:s3], $0x80, s22, s25, $0xb8;
	[tilespmem:$0x9000] =	vst v63  }
0x107: {  	s7 =	simm.s32 $0x380  }
0x108: {  	[tilespmem:s26], [sflag:$0x1] =	stream.indirect.gather.add.f32 [hbm:s3], $0x80, s7, s25, $0xb8;
	[tilespmem:$0x9000] =	vst v63  }
0x109: {  	s9 =	simm.s32 $0x400  }
0x10a: {  	[tilespmem:s26], [sflag:$0x1] =	stream.indirect.gather.add.f32 [hbm:s3], $0x80, s9, s25, $0xb8;
	[tilespmem:$0x9000] =	vst v63  }
0x10b: {  	s21 =	simm.s32 $0x480  }
0x10c: {  	[tilespmem:s26], [sflag:$0x1] =	stream.indirect.gather.add.f32 [hbm:s3], $0x80, s21, s25, $0xb8;
	[tilespmem:$0x9000] =	vst v63  }
0x10d: {  	_ =	swait.ge [sflag:s4], $0x1900  }
0x10e: {  	[sflag:s4] =	ssyncset.done $0x0  }
0x10f: {  	[sflag:s4] =	ssyncadd.s32 $0xFFFFE700  }
0x110: {  	_ =	swait.ge [sflag:s4], $0x1900  }
0x111: {  	[sflag:s4] =	ssyncset.done $0x0  }
0x112: {  	[sflag:s4] =	ssyncadd.s32 $0xFFFFE700  }
0x113: {  	_ =	swait.ge [sflag:s4], $0x1900  }
0x114: {  	[sflag:s4] =	ssyncset.done $0x0  }
0x115: {  	[sflag:s4] =	ssyncadd.s32 $0xFFFFE700  }
0x116: {  	_ =	swait.ge [sflag:s4], $0x1900  }
0x117: {  	[sflag:s4] =	ssyncset.done $0x0  }
0x118: {  	[sflag:s4] =	ssyncadd.s32 $0xFFFFE700  }
0x119: {  	_ =	swait.ge [sflag:s4], $0x1900  }
0x11a: {  	[sflag:s4] =	ssyncset.done $0x0  }
0x11b: {  	[sflag:s4] =	ssyncadd.s32 $0xFFFFE700  }
0x11c: {  	_ =	swait.ge [sflag:s4], $0x1900  }
0x11d: {  	[sflag:s4] =	ssyncset.done $0x0  }
0x11e: {  	[sflag:s4] =	ssyncadd.s32 $0xFFFFE700  }
0x11f: {  	_ =	swait.ge [sflag:s4], $0x1900  }
0x120: {  	[sflag:s4] =	ssyncset.done $0x0  }
0x121: {  	[sflag:s4] =	ssyncadd.s32 $0xFFFFE700  }
0x122: {  	_ =	swait.ge [sflag:s4], $0x1900  }
0x123: {  	[sflag:s4] =	ssyncset.done $0x0  }
0x124: {  	[sflag:s4] =	ssyncadd.s32 $0xFFFFE700  }
0x125: {  	_ =	swait.ge [sflag:s4], $0x1900  }
0x126: {  	s22 =	rddreg [dreg:$0x5];
	[sflag:s4] =	ssyncset.done $0x0  }
0x127: {  	[sflag:s4] =	ssyncadd.s32 $0xFFFFE700;
	s0 =	sadd.s32 $0x0, s22  }
0x128: {  	[hbm4b:s0+s2] =	stream.linear.scatter [tilespmem:s5], [sflag:$0xC], $0x1900, $0x38;
	[tilespmem:$0x9000] =	vst v63  }
0x129: {  	_ = 	snop  }
0x12a: {  	[tilespmem:s12], [sflag:$0x8] =	stream.linear.gather [hbm4b:s8+s2], $0x500, $0x38;
	[tilespmem:$0x9000] =	vst v63  }
0x12b: {  	_ =	swait.ge [sflag:s13], $0x500  }
0x12c: {  	[sflag:s13] =	ssyncset.done $0x0  }
0x12d: {  	[sflag:s13] =	ssyncadd.s32 $0xFFFFFB00  }
0x12e: {  	_ =	swait.ge [sflag:s18], $0x1900  }
0x12f: {  	[sflag:s18] =	ssyncset.done $0x0  }
0x130: {  	[sflag:s18] =	ssyncadd.s32 $0xFFFFE700  }
0x131: {  	[tilespmem:s14], [sflag:$0x3] =	stream.indirect.gather [hbm4b:s3+s25], $0x80, s28, s25, $0xb8;
	[tilespmem:$0x9000] =	vst v63  }
0x132: {  	_ =	swait.ge [sflag:s15], $0x1900  }
0x133: {  	[sflag:s15] =	ssyncset.done $0x0  }
0x134: {  	s28 =	simm.s32 $0x880;
	[sflag:s15] =	ssyncadd.s32 $0xFFFFE700  }
0x135: {  	[tilespmem:s30], [sflag:$0x2] =	stream.indirect.gather.add.f32 [hbm:s3], $0x80, s28, s25, $0xb8;
	[tilespmem:$0x9000] =	vst v63  }
0x136: {  	s7 =	simm.s32 $0x900  }
0x137: {  	[tilespmem:s30], [sflag:$0x2] =	stream.indirect.gather.add.f32 [hbm:s3], $0x80, s7, s25, $0xb8;
	[tilespmem:$0x9000] =	vst v63  }
0x138: {  	s9 =	simm.s32 $0x980  }
0x139: {  	[tilespmem:s30], [sflag:$0x2] =	stream.indirect.gather.add.f32 [hbm:s3], $0x80, s9, s25, $0xb8;
	[tilespmem:$0x9000] =	vst v63  }
0x13a: {  	s21 =	simm.s32 $0xA00  }
0x13b: {  	[tilespmem:s30], [sflag:$0x2] =	stream.indirect.gather.add.f32 [hbm:s3], $0x80, s21, s25, $0xb8;
	[tilespmem:$0x9000] =	vst v63  }
0x13c: {  	s22 =	simm.s32 $0xA80  }
0x13d: {  	[tilespmem:s30], [sflag:$0x2] =	stream.indirect.gather.add.f32 [hbm:s3], $0x80, s22, s25, $0xb8;
	[tilespmem:$0x9000] =	vst v63  }
0x13e: {  	s28 =	simm.s32 $0xB00  }
0x13f: {  	[tilespmem:s30], [sflag:$0x2] =	stream.indirect.gather.add.f32 [hbm:s3], $0x80, s28, s25, $0xb8;
	[tilespmem:$0x9000] =	vst v63  }
0x140: {  	s7 =	simm.s32 $0xB80  }
0x141: {  	[tilespmem:s30], [sflag:$0x2] =	stream.indirect.gather.add.f32 [hbm:s3], $0x80, s7, s25, $0xb8;
	[tilespmem:$0x9000] =	vst v63  }
0x142: {  	s9 =	simm.s32 $0xC00  }
0x143: {  	[tilespmem:s30], [sflag:$0x2] =	stream.indirect.gather.add.f32 [hbm:s3], $0x80, s9, s25, $0xb8;
	[tilespmem:$0x9000] =	vst v63  }
0x144: {  	s21 =	simm.s32 $0xC80  }
0x145: {  	[tilespmem:s30], [sflag:$0x2] =	stream.indirect.gather.add.f32 [hbm:s3], $0x80, s21, s25, $0xb8;
	[tilespmem:$0x9000] =	vst v63  }
0x146: {  	_ =	swait.ge [sflag:s31], $0x1900  }
0x147: {  	[sflag:s31] =	ssyncset.done $0x0  }
0x148: {  	[sflag:s31] =	ssyncadd.s32 $0xFFFFE700  }
0x149: {  	_ =	swait.ge [sflag:s31], $0x1900  }
0x14a: {  	[sflag:s31] =	ssyncset.done $0x0  }
0x14b: {  	[sflag:s31] =	ssyncadd.s32 $0xFFFFE700  }
0x14c: {  	_ =	swait.ge [sflag:s31], $0x1900  }
0x14d: {  	[sflag:s31] =	ssyncset.done $0x0  }
0x14e: {  	[sflag:s31] =	ssyncadd.s32 $0xFFFFE700  }
0x14f: {  	_ =	swait.ge [sflag:s31], $0x1900  }
0x150: {  	[sflag:s31] =	ssyncset.done $0x0  }
0x151: {  	[sflag:s31] =	ssyncadd.s32 $0xFFFFE700  }
0x152: {  	_ =	swait.ge [sflag:s31], $0x1900  }
0x153: {  	[sflag:s31] =	ssyncset.done $0x0  }
0x154: {  	[sflag:s31] =	ssyncadd.s32 $0xFFFFE700  }
0x155: {  	_ =	swait.ge [sflag:s31], $0x1900  }
0x156: {  	[sflag:s31] =	ssyncset.done $0x0  }
0x157: {  	[sflag:s31] =	ssyncadd.s32 $0xFFFFE700  }
0x158: {  	_ =	swait.ge [sflag:s31], $0x1900  }
0x159: {  	[sflag:s31] =	ssyncset.done $0x0  }
0x15a: {  	[sflag:s31] =	ssyncadd.s32 $0xFFFFE700  }
0x15b: {  	_ =	swait.ge [sflag:s31], $0x1900  }
0x15c: {  	[sflag:s31] =	ssyncset.done $0x0  }
0x15d: {  	[sflag:s31] =	ssyncadd.s32 $0xFFFFE700  }
0x15e: {  	_ =	swait.ge [sflag:s31], $0x1900  }
0x15f: {  	s22 =	rddreg [dreg:$0x3];
	[sflag:s31] =	ssyncset.done $0x0  }
0x160: {  	s7 =	rddreg [dreg:$0x18];
	[sflag:s31] =	ssyncadd.s32 $0xFFFFE700;
	s0 =	sadd.s32 $0x0, s22  }
0x161: {  	[hbm4b:s0+s2] =	stream.linear.scatter [tilespmem:s26], [sflag:$0x9], $0x1900, $0x38;
	[tilespmem:$0x9000] =	vst v63  }
0x162: {  	s28 =	sadd.s32 $0xFFFFFF00, s7  }
0x163: {  	[tilespmem:s2], [sflag:$0x5] =	stream.linear.gather [hbm4b:s28+s2], $0x500, $0x38;
	[tilespmem:$0x9000] =	vst v63  }
0x164: {  	_ =	swait.ge [sflag:s1], $0x500  }
0x165: {  	[sflag:s1] =	ssyncset.done $0x0  }
0x166: {  	[sflag:s1] =	ssyncadd.s32 $0xFFFFFB00  }
0x167: {  	_ =	swait.ge [sflag:s19], $0x1900  }
0x168: {  	[sflag:s19] =	ssyncset.done $0x0  }
0x169: {  	[sflag:s19] =	ssyncadd.s32 $0xFFFFE700  }
0x16a: {  	[tilespmem:s5], [sflag:$0x4] =	stream.indirect.gather [hbm4b:s3+s25], $0x80, s12, s25, $0xb8;
	[tilespmem:$0x9000] =	vst v63  }
0x16b: {  	_ =	swait.ge [sflag:s6], $0x1900  }
0x16c: {  	[sflag:s6] =	ssyncset.done $0x0  }
0x16d: {  	s9 =	simm.s32 $0x1080;
	[sflag:s6] =	ssyncadd.s32 $0xFFFFE700  }
0x16e: {  	[tilespmem:s14], [sflag:$0x3] =	stream.indirect.gather.add.f32 [hbm:s3], $0x80, s9, s25, $0xb8;
	[tilespmem:$0x9000] =	vst v63  }
0x16f: {  	s12 =	simm.s32 $0x1100  }
0x170: {  	[tilespmem:s14], [sflag:$0x3] =	stream.indirect.gather.add.f32 [hbm:s3], $0x80, s12, s25, $0xb8;
	[tilespmem:$0x9000] =	vst v63  }
0x171: {  	s21 =	simm.s32 $0x1180  }
0x172: {  	[tilespmem:s14], [sflag:$0x3] =	stream.indirect.gather.add.f32 [hbm:s3], $0x80, s21, s25, $0xb8;
	[tilespmem:$0x9000] =	vst v63  }
0x173: {  	s22 =	simm.s32 $0x1200  }
0x174: {  	[tilespmem:s14], [sflag:$0x3] =	stream.indirect.gather.add.f32 [hbm:s3], $0x80, s22, s25, $0xb8;
	[tilespmem:$0x9000] =	vst v63  }
0x175: {  	s28 =	simm.s32 $0x1280  }
0x176: {  	[tilespmem:s14], [sflag:$0x3] =	stream.indirect.gather.add.f32 [hbm:s3], $0x80, s28, s25, $0xb8;
	[tilespmem:$0x9000] =	vst v63  }
0x177: {  	s9 =	simm.s32 $0x1300  }
0x178: {  	[tilespmem:s14], [sflag:$0x3] =	stream.indirect.gather.add.f32 [hbm:s3], $0x80, s9, s25, $0xb8;
	[tilespmem:$0x9000] =	vst v63  }
0x179: {  	s12 =	simm.s32 $0x1380  }
0x17a: {  	[tilespmem:s14], [sflag:$0x3] =	stream.indirect.gather.add.f32 [hbm:s3], $0x80, s12, s25, $0xb8;
	[tilespmem:$0x9000] =	vst v63  }
0x17b: {  	s21 =	simm.s32 $0x1400  }
0x17c: {  	[tilespmem:s14], [sflag:$0x3] =	stream.indirect.gather.add.f32 [hbm:s3], $0x80, s21, s25, $0xb8;
	[tilespmem:$0x9000] =	vst v63  }
0x17d: {  	s22 =	simm.s32 $0x1480  }
0x17e: {  	[tilespmem:s14], [sflag:$0x3] =	stream.indirect.gather.add.f32 [hbm:s3], $0x80, s22, s25, $0xb8;
	[tilespmem:$0x9000] =	vst v63  }
0x17f: {  	_ =	swait.ge [sflag:s15], $0x1900  }
0x180: {  	[sflag:s15] =	ssyncset.done $0x0  }
0x181: {  	[sflag:s15] =	ssyncadd.s32 $0xFFFFE700  }
0x182: {  	_ =	swait.ge [sflag:s15], $0x1900  }
0x183: {  	[sflag:s15] =	ssyncset.done $0x0  }
0x184: {  	[sflag:s15] =	ssyncadd.s32 $0xFFFFE700  }
0x185: {  	_ =	swait.ge [sflag:s15], $0x1900  }
0x186: {  	[sflag:s15] =	ssyncset.done $0x0  }
0x187: {  	[sflag:s15] =	ssyncadd.s32 $0xFFFFE700  }
0x188: {  	_ =	swait.ge [sflag:s15], $0x1900  }
0x189: {  	[sflag:s15] =	ssyncset.done $0x0  }
0x18a: {  	[sflag:s15] =	ssyncadd.s32 $0xFFFFE700  }
0x18b: {  	_ =	swait.ge [sflag:s15], $0x1900  }
0x18c: {  	[sflag:s15] =	ssyncset.done $0x0  }
0x18d: {  	[sflag:s15] =	ssyncadd.s32 $0xFFFFE700  }
0x18e: {  	_ =	swait.ge [sflag:s15], $0x1900  }
0x18f: {  	[sflag:s15] =	ssyncset.done $0x0  }
0x190: {  	[sflag:s15] =	ssyncadd.s32 $0xFFFFE700  }
0x191: {  	_ =	swait.ge [sflag:s15], $0x1900  }
0x192: {  	[sflag:s15] =	ssyncset.done $0x0  }
0x193: {  	[sflag:s15] =	ssyncadd.s32 $0xFFFFE700  }
0x194: {  	_ =	swait.ge [sflag:s15], $0x1900  }
0x195: {  	[sflag:s15] =	ssyncset.done $0x0  }
0x196: {  	[sflag:s15] =	ssyncadd.s32 $0xFFFFE700  }
0x197: {  	_ =	swait.ge [sflag:s15], $0x1900  }
0x198: {  	s28 =	rddreg [dreg:$0x4];
	[sflag:s15] =	ssyncset.done $0x0  }
0x199: {  	[sflag:s15] =	ssyncadd.s32 $0xFFFFE700;
	s0 =	sadd.s32 $0x0, s28  }
0x19a: {  	[hbm4b:s0+s2] =	stream.linear.scatter [tilespmem:s30], [sflag:$0xA], $0x1900, $0x38;
	[tilespmem:$0x9000] =	vst v63  }
0x19b: {  	s21 =	sadd.s32 $0x400, s7;
	s22 =	simm.s32 $0xE00;
	s0 =	sadd.s32 $0x400, s8  }
.LBB2_2:
0x19c: {  	s28 =	simm.s32 $0x800  }
0x19d: {  	[tilespmem:s28], [sflag:$0x6] =	stream.linear.gather [hbm4b:s7+s2], $0x500, $0x38;
	[tilespmem:$0x9000] =	vst v63  }
0x19e: {  	_ =	swait.ge [sflag:s24], $0x500  }
0x19f: {  	[sflag:s24] =	ssyncset.done $0x0  }
0x1a0: {  	[sflag:s24] =	ssyncadd.s32 $0xFFFFFB00  }
0x1a1: {  	_ =	swait.ge [sflag:s20], $0x1900  }
0x1a2: {  	[sflag:s20] =	ssyncset.done $0x0  }
0x1a3: {  	[sflag:s20] =	ssyncadd.s32 $0xFFFFE700  }
0x1a4: {  	[tilespmem:s26], [sflag:$0x1] =	stream.indirect.gather [hbm4b:s3+s25], $0x80, s2, s25, $0xb8;
	[tilespmem:$0x9000] =	vst v63  }
0x1a5: {  	_ =	swait.ge [sflag:s4], $0x1900  }
0x1a6: {  	[sflag:s4] =	ssyncset.done $0x0  }
0x1a7: {  	s9 =	simm.s32 $0x1880;
	[sflag:s4] =	ssyncadd.s32 $0xFFFFE700  }
0x1a8: {  	[tilespmem:s5], [sflag:$0x4] =	stream.indirect.gather.add.f32 [hbm:s3], $0x80, s9, s25, $0xb8;
	[tilespmem:$0x9000] =	vst v63  }
0x1a9: {  	s12 =	simm.s32 $0x1900  }
0x1aa: {  	[tilespmem:s5], [sflag:$0x4] =	stream.indirect.gather.add.f32 [hbm:s3], $0x80, s12, s25, $0xb8;
	[tilespmem:$0x9000] =	vst v63  }
0x1ab: {  	s12 =	simm.s32 $0x1980  }
0x1ac: {  	[tilespmem:s5], [sflag:$0x4] =	stream.indirect.gather.add.f32 [hbm:s3], $0x80, s12, s25, $0xb8;
	[tilespmem:$0x9000] =	vst v63  }
0x1ad: {  	s12 =	simm.s32 $0x1A00  }
0x1ae: {  	[tilespmem:s5], [sflag:$0x4] =	stream.indirect.gather.add.f32 [hbm:s3], $0x80, s12, s25, $0xb8;
	[tilespmem:$0x9000] =	vst v63  }
0x1af: {  	s12 =	simm.s32 $0x1A80  }
0x1b0: {  	[tilespmem:s5], [sflag:$0x4] =	stream.indirect.gather.add.f32 [hbm:s3], $0x80, s12, s25, $0xb8;
	[tilespmem:$0x9000] =	vst v63  }
0x1b1: {  	_ = 	snop  }
0x1b2: {  	[tilespmem:s5], [sflag:$0x4] =	stream.indirect.gather.add.f32 [hbm:s3], $0x80, s11, s25, $0xb8;
	[tilespmem:$0x9000] =	vst v63  }
0x1b3: {  	_ = 	snop  }
0x1b4: {  	[tilespmem:s5], [sflag:$0x4] =	stream.indirect.gather.add.f32 [hbm:s3], $0x80, s16, s25, $0xb8;
	[tilespmem:$0x9000] =	vst v63  }
0x1b5: {  	_ = 	snop  }
0x1b6: {  	[tilespmem:s5], [sflag:$0x4] =	stream.indirect.gather.add.f32 [hbm:s3], $0x80, s23, s25, $0xb8;
	[tilespmem:$0x9000] =	vst v63  }
0x1b7: {  	_ = 	snop  }
0x1b8: {  	[tilespmem:s5], [sflag:$0x4] =	stream.indirect.gather.add.f32 [hbm:s3], $0x80, s10, s25, $0xb8;
	[tilespmem:$0x9000] =	vst v63  }
0x1b9: {  	_ =	swait.ge [sflag:s6], $0x1900  }
0x1ba: {  	[sflag:s6] =	ssyncset.done $0x0  }
0x1bb: {  	[sflag:s6] =	ssyncadd.s32 $0xFFFFE700  }
0x1bc: {  	_ =	swait.ge [sflag:s6], $0x1900  }
0x1bd: {  	[sflag:s6] =	ssyncset.done $0x0  }
0x1be: {  	[sflag:s6] =	ssyncadd.s32 $0xFFFFE700  }
0x1bf: {  	_ =	swait.ge [sflag:s6], $0x1900  }
0x1c0: {  	[sflag:s6] =	ssyncset.done $0x0  }
0x1c1: {  	[sflag:s6] =	ssyncadd.s32 $0xFFFFE700  }
0x1c2: {  	_ =	swait.ge [sflag:s6], $0x1900  }
0x1c3: {  	[sflag:s6] =	ssyncset.done $0x0  }
0x1c4: {  	[sflag:s6] =	ssyncadd.s32 $0xFFFFE700  }
0x1c5: {  	_ =	swait.ge [sflag:s6], $0x1900  }
0x1c6: {  	[sflag:s6] =	ssyncset.done $0x0  }
0x1c7: {  	[sflag:s6] =	ssyncadd.s32 $0xFFFFE700  }
0x1c8: {  	_ =	swait.ge [sflag:s6], $0x1900  }
0x1c9: {  	[sflag:s6] =	ssyncset.done $0x0  }
0x1ca: {  	[sflag:s6] =	ssyncadd.s32 $0xFFFFE700  }
0x1cb: {  	_ =	swait.ge [sflag:s6], $0x1900  }
0x1cc: {  	[sflag:s6] =	ssyncset.done $0x0  }
0x1cd: {  	[sflag:s6] =	ssyncadd.s32 $0xFFFFE700  }
0x1ce: {  	_ =	swait.ge [sflag:s6], $0x1900  }
0x1cf: {  	[sflag:s6] =	ssyncset.done $0x0  }
0x1d0: {  	[sflag:s6] =	ssyncadd.s32 $0xFFFFE700  }
0x1d1: {  	_ =	swait.ge [sflag:s6], $0x1900  }
0x1d2: {  	s8 =	smov.u32 s22;
	s12 =	rddreg [dreg:$0x6];
	[sflag:s6] =	ssyncset.done $0x0  }
0x1d3: {  	[sflag:s6] =	ssyncadd.s32 $0xFFFFE700;
	s9 =	sadd.s32 s8, s12  }
0x1d4: {  	[hbm4b:s9+s2] =	stream.linear.scatter [tilespmem:s14], [sflag:$0xB], $0x1900, $0x38;
	[tilespmem:$0x9000] =	vst v63  }
0x1d5: {  	s12 =	simm.s32 $0x1000;
	s9 =	sadd.s32 $0xFFFFFF00, s0  }
0x1d6: {  	[tilespmem:s12], [sflag:$0x7] =	stream.linear.gather [hbm4b:s9+s2], $0x500, $0x38;
	[tilespmem:$0x9000] =	vst v63  }
0x1d7: {  	_ =	swait.ge [sflag:s29], $0x500  }
0x1d8: {  	[sflag:s29] =	ssyncset.done $0x0  }
0x1d9: {  	[sflag:s29] =	ssyncadd.s32 $0xFFFFFB00  }
0x1da: {  	_ =	swait.ge [sflag:s17], $0x1900  }
0x1db: {  	[sflag:s17] =	ssyncset.done $0x0  }
0x1dc: {  	[sflag:s17] =	ssyncadd.s32 $0xFFFFE700  }
0x1dd: {  	[tilespmem:s30], [sflag:$0x2] =	stream.indirect.gather [hbm4b:s3+s25], $0x80, s28, s25, $0xb8;
	[tilespmem:$0x9000] =	vst v63  }
0x1de: {  	_ =	swait.ge [sflag:s31], $0x1900  }
0x1df: {  	[sflag:s31] =	ssyncset.done $0x0  }
0x1e0: {  	s28 =	simm.s32 $0x80;
	[sflag:s31] =	ssyncadd.s32 $0xFFFFE700  }
0x1e1: {  	[tilespmem:s26], [sflag:$0x1] =	stream.indirect.gather.add.f32 [hbm:s3], $0x80, s28, s25, $0xb8;
	[tilespmem:$0x9000] =	vst v63  }
0x1e2: {  	s28 =	simm.s32 $0x100  }
0x1e3: {  	[tilespmem:s26], [sflag:$0x1] =	stream.indirect.gather.add.f32 [hbm:s3], $0x80, s28, s25, $0xb8;
	[tilespmem:$0x9000] =	vst v63  }
0x1e4: {  	s28 =	simm.s32 $0x180  }
0x1e5: {  	[tilespmem:s26], [sflag:$0x1] =	stream.indirect.gather.add.f32 [hbm:s3], $0x80, s28, s25, $0xb8;
	[tilespmem:$0x9000] =	vst v63  }
0x1e6: {  	s28 =	simm.s32 $0x200  }
0x1e7: {  	[tilespmem:s26], [sflag:$0x1] =	stream.indirect.gather.add.f32 [hbm:s3], $0x80, s28, s25, $0xb8;
	[tilespmem:$0x9000] =	vst v63  }
0x1e8: {  	s28 =	simm.s32 $0x280  }
0x1e9: {  	[tilespmem:s26], [sflag:$0x1] =	stream.indirect.gather.add.f32 [hbm:s3], $0x80, s28, s25, $0xb8;
	[tilespmem:$0x9000] =	vst v63  }
0x1ea: {  	s28 =	simm.s32 $0x300  }
0x1eb: {  	[tilespmem:s26], [sflag:$0x1] =	stream.indirect.gather.add.f32 [hbm:s3], $0x80, s28, s25, $0xb8;
	[tilespmem:$0x9000] =	vst v63  }
0x1ec: {  	s28 =	simm.s32 $0x380  }
0x1ed: {  	[tilespmem:s26], [sflag:$0x1] =	stream.indirect.gather.add.f32 [hbm:s3], $0x80, s28, s25, $0xb8;
	[tilespmem:$0x9000] =	vst v63  }
0x1ee: {  	s28 =	simm.s32 $0x400  }
0x1ef: {  	[tilespmem:s26], [sflag:$0x1] =	stream.indirect.gather.add.f32 [hbm:s3], $0x80, s28, s25, $0xb8;
	[tilespmem:$0x9000] =	vst v63  }
0x1f0: {  	s28 =	simm.s32 $0x480  }
0x1f1: {  	[tilespmem:s26], [sflag:$0x1] =	stream.indirect.gather.add.f32 [hbm:s3], $0x80, s28, s25, $0xb8;
	[tilespmem:$0x9000] =	vst v63  }
0x1f2: {  	_ =	swait.ge [sflag:s4], $0x1900  }
0x1f3: {  	[sflag:s4] =	ssyncset.done $0x0  }
0x1f4: {  	[sflag:s4] =	ssyncadd.s32 $0xFFFFE700  }
0x1f5: {  	_ =	swait.ge [sflag:s4], $0x1900  }
0x1f6: {  	[sflag:s4] =	ssyncset.done $0x0  }
0x1f7: {  	[sflag:s4] =	ssyncadd.s32 $0xFFFFE700  }
0x1f8: {  	_ =	swait.ge [sflag:s4], $0x1900  }
0x1f9: {  	[sflag:s4] =	ssyncset.done $0x0  }
0x1fa: {  	[sflag:s4] =	ssyncadd.s32 $0xFFFFE700  }
0x1fb: {  	_ =	swait.ge [sflag:s4], $0x1900  }
0x1fc: {  	[sflag:s4] =	ssyncset.done $0x0  }
0x1fd: {  	[sflag:s4] =	ssyncadd.s32 $0xFFFFE700  }
0x1fe: {  	_ =	swait.ge [sflag:s4], $0x1900  }
0x1ff: {  	[sflag:s4] =	ssyncset.done $0x0  }
0x200: {  	[sflag:s4] =	ssyncadd.s32 $0xFFFFE700  }
0x201: {  	_ =	swait.ge [sflag:s4], $0x1900  }
0x202: {  	[sflag:s4] =	ssyncset.done $0x0  }
0x203: {  	[sflag:s4] =	ssyncadd.s32 $0xFFFFE700  }
0x204: {  	_ =	swait.ge [sflag:s4], $0x1900  }
0x205: {  	[sflag:s4] =	ssyncset.done $0x0  }
0x206: {  	[sflag:s4] =	ssyncadd.s32 $0xFFFFE700  }
0x207: {  	_ =	swait.ge [sflag:s4], $0x1900  }
0x208: {  	[sflag:s4] =	ssyncset.done $0x0  }
0x209: {  	[sflag:s4] =	ssyncadd.s32 $0xFFFFE700  }
0x20a: {  	_ =	swait.ge [sflag:s4], $0x1900  }
0x20b: {  	s28 =	rddreg [dreg:$0x5];
	[sflag:s4] =	ssyncset.done $0x0  }
0x20c: {  	[sflag:s4] =	ssyncadd.s32 $0xFFFFE700;
	s9 =	sadd.s32 s8, s28  }
0x20d: {  	[hbm4b:s9+s2] =	stream.linear.scatter [tilespmem:s5], [sflag:$0xC], $0x1900, $0x38;
	[tilespmem:$0x9000] =	vst v63  }
0x20e: {  	s28 =	simm.s32 $0x1800  }
0x20f: {  	[tilespmem:s28], [sflag:$0x8] =	stream.linear.gather [hbm4b:s0+s2], $0x500, $0x38;
	[tilespmem:$0x9000] =	vst v63  }
0x210: {  	_ =	swait.ge [sflag:s13], $0x500  }
0x211: {  	[sflag:s13] =	ssyncset.done $0x0  }
0x212: {  	[sflag:s13] =	ssyncadd.s32 $0xFFFFFB00  }
0x213: {  	_ =	swait.ge [sflag:s18], $0x1900  }
0x214: {  	[sflag:s18] =	ssyncset.done $0x0  }
0x215: {  	[sflag:s18] =	ssyncadd.s32 $0xFFFFE700  }
0x216: {  	[tilespmem:s14], [sflag:$0x3] =	stream.indirect.gather [hbm4b:s3+s25], $0x80, s12, s25, $0xb8;
	[tilespmem:$0x9000] =	vst v63  }
0x217: {  	_ =	swait.ge [sflag:s15], $0x1900  }
0x218: {  	[sflag:s15] =	ssyncset.done $0x0  }
0x219: {  	s12 =	simm.s32 $0x880;
	[sflag:s15] =	ssyncadd.s32 $0xFFFFE700  }
0x21a: {  	[tilespmem:s30], [sflag:$0x2] =	stream.indirect.gather.add.f32 [hbm:s3], $0x80, s12, s25, $0xb8;
	[tilespmem:$0x9000] =	vst v63  }
0x21b: {  	s12 =	simm.s32 $0x900  }
0x21c: {  	[tilespmem:s30], [sflag:$0x2] =	stream.indirect.gather.add.f32 [hbm:s3], $0x80, s12, s25, $0xb8;
	[tilespmem:$0x9000] =	vst v63  }
0x21d: {  	s12 =	simm.s32 $0x980  }
0x21e: {  	[tilespmem:s30], [sflag:$0x2] =	stream.indirect.gather.add.f32 [hbm:s3], $0x80, s12, s25, $0xb8;
	[tilespmem:$0x9000] =	vst v63  }
0x21f: {  	s12 =	simm.s32 $0xA00  }
0x220: {  	[tilespmem:s30], [sflag:$0x2] =	stream.indirect.gather.add.f32 [hbm:s3], $0x80, s12, s25, $0xb8;
	[tilespmem:$0x9000] =	vst v63  }
0x221: {  	s12 =	simm.s32 $0xA80  }
0x222: {  	[tilespmem:s30], [sflag:$0x2] =	stream.indirect.gather.add.f32 [hbm:s3], $0x80, s12, s25, $0xb8;
	[tilespmem:$0x9000] =	vst v63  }
0x223: {  	s12 =	simm.s32 $0xB00  }
0x224: {  	[tilespmem:s30], [sflag:$0x2] =	stream.indirect.gather.add.f32 [hbm:s3], $0x80, s12, s25, $0xb8;
	[tilespmem:$0x9000] =	vst v63  }
0x225: {  	s12 =	simm.s32 $0xB80  }
0x226: {  	[tilespmem:s30], [sflag:$0x2] =	stream.indirect.gather.add.f32 [hbm:s3], $0x80, s12, s25, $0xb8;
	[tilespmem:$0x9000] =	vst v63  }
0x227: {  	s12 =	simm.s32 $0xC00  }
0x228: {  	[tilespmem:s30], [sflag:$0x2] =	stream.indirect.gather.add.f32 [hbm:s3], $0x80, s12, s25, $0xb8;
	[tilespmem:$0x9000] =	vst v63  }
0x229: {  	s12 =	simm.s32 $0xC80  }
0x22a: {  	[tilespmem:s30], [sflag:$0x2] =	stream.indirect.gather.add.f32 [hbm:s3], $0x80, s12, s25, $0xb8;
	[tilespmem:$0x9000] =	vst v63  }
0x22b: {  	_ =	swait.ge [sflag:s31], $0x1900  }
0x22c: {  	[sflag:s31] =	ssyncset.done $0x0  }
0x22d: {  	[sflag:s31] =	ssyncadd.s32 $0xFFFFE700  }
0x22e: {  	_ =	swait.ge [sflag:s31], $0x1900  }
0x22f: {  	[sflag:s31] =	ssyncset.done $0x0  }
0x230: {  	[sflag:s31] =	ssyncadd.s32 $0xFFFFE700  }
0x231: {  	_ =	swait.ge [sflag:s31], $0x1900  }
0x232: {  	[sflag:s31] =	ssyncset.done $0x0  }
0x233: {  	[sflag:s31] =	ssyncadd.s32 $0xFFFFE700  }
0x234: {  	_ =	swait.ge [sflag:s31], $0x1900  }
0x235: {  	[sflag:s31] =	ssyncset.done $0x0  }
0x236: {  	[sflag:s31] =	ssyncadd.s32 $0xFFFFE700  }
0x237: {  	_ =	swait.ge [sflag:s31], $0x1900  }
0x238: {  	[sflag:s31] =	ssyncset.done $0x0  }
0x239: {  	[sflag:s31] =	ssyncadd.s32 $0xFFFFE700  }
0x23a: {  	_ =	swait.ge [sflag:s31], $0x1900  }
0x23b: {  	[sflag:s31] =	ssyncset.done $0x0  }
0x23c: {  	[sflag:s31] =	ssyncadd.s32 $0xFFFFE700  }
0x23d: {  	_ =	swait.ge [sflag:s31], $0x1900  }
0x23e: {  	[sflag:s31] =	ssyncset.done $0x0  }
0x23f: {  	[sflag:s31] =	ssyncadd.s32 $0xFFFFE700  }
0x240: {  	_ =	swait.ge [sflag:s31], $0x1900  }
0x241: {  	[sflag:s31] =	ssyncset.done $0x0  }
0x242: {  	[sflag:s31] =	ssyncadd.s32 $0xFFFFE700  }
0x243: {  	_ =	swait.ge [sflag:s31], $0x1900  }
0x244: {  	s12 =	rddreg [dreg:$0x3];
	[sflag:s31] =	ssyncset.done $0x0  }
0x245: {  	[sflag:s31] =	ssyncadd.s32 $0xFFFFE700;
	s9 =	sadd.s32 s8, s12  }
0x246: {  	[hbm4b:s9+s2] =	stream.linear.scatter [tilespmem:s26], [sflag:$0x9], $0x1900, $0x38;
	[tilespmem:$0x9000] =	vst v63  }
0x247: {  	s12 =	sadd.s32 $0xFFFFFF00, s21  }
0x248: {  	[tilespmem:s2], [sflag:$0x5] =	stream.linear.gather [hbm4b:s12+s2], $0x500, $0x38;
	[tilespmem:$0x9000] =	vst v63  }
0x249: {  	_ =	swait.ge [sflag:s1], $0x500  }
0x24a: {  	[sflag:s1] =	ssyncset.done $0x0  }
0x24b: {  	[sflag:s1] =	ssyncadd.s32 $0xFFFFFB00  }
0x24c: {  	_ =	swait.ge [sflag:s19], $0x1900  }
0x24d: {  	[sflag:s19] =	ssyncset.done $0x0  }
0x24e: {  	[sflag:s19] =	ssyncadd.s32 $0xFFFFE700  }
0x24f: {  	[tilespmem:s5], [sflag:$0x4] =	stream.indirect.gather [hbm4b:s3+s25], $0x80, s28, s25, $0xb8;
	[tilespmem:$0x9000] =	vst v63  }
0x250: {  	_ =	swait.ge [sflag:s6], $0x1900  }
0x251: {  	[sflag:s6] =	ssyncset.done $0x0  }
0x252: {  	s12 =	simm.s32 $0x1080;
	[sflag:s6] =	ssyncadd.s32 $0xFFFFE700  }
0x253: {  	[tilespmem:s14], [sflag:$0x3] =	stream.indirect.gather.add.f32 [hbm:s3], $0x80, s12, s25, $0xb8;
	[tilespmem:$0x9000] =	vst v63  }
0x254: {  	s28 =	simm.s32 $0x1100  }
0x255: {  	[tilespmem:s14], [sflag:$0x3] =	stream.indirect.gather.add.f32 [hbm:s3], $0x80, s28, s25, $0xb8;
	[tilespmem:$0x9000] =	vst v63  }
0x256: {  	s12 =	simm.s32 $0x1180  }
0x257: {  	[tilespmem:s14], [sflag:$0x3] =	stream.indirect.gather.add.f32 [hbm:s3], $0x80, s12, s25, $0xb8;
	[tilespmem:$0x9000] =	vst v63  }
0x258: {  	s28 =	simm.s32 $0x1200  }
0x259: {  	[tilespmem:s14], [sflag:$0x3] =	stream.indirect.gather.add.f32 [hbm:s3], $0x80, s28, s25, $0xb8;
	[tilespmem:$0x9000] =	vst v63  }
0x25a: {  	s12 =	simm.s32 $0x1280  }
0x25b: {  	[tilespmem:s14], [sflag:$0x3] =	stream.indirect.gather.add.f32 [hbm:s3], $0x80, s12, s25, $0xb8;
	[tilespmem:$0x9000] =	vst v63  }
0x25c: {  	s28 =	simm.s32 $0x1300  }
0x25d: {  	[tilespmem:s14], [sflag:$0x3] =	stream.indirect.gather.add.f32 [hbm:s3], $0x80, s28, s25, $0xb8;
	[tilespmem:$0x9000] =	vst v63  }
0x25e: {  	s12 =	simm.s32 $0x1380  }
0x25f: {  	[tilespmem:s14], [sflag:$0x3] =	stream.indirect.gather.add.f32 [hbm:s3], $0x80, s12, s25, $0xb8;
	[tilespmem:$0x9000] =	vst v63  }
0x260: {  	s28 =	simm.s32 $0x1400  }
0x261: {  	[tilespmem:s14], [sflag:$0x3] =	stream.indirect.gather.add.f32 [hbm:s3], $0x80, s28, s25, $0xb8;
	[tilespmem:$0x9000] =	vst v63  }
0x262: {  	s12 =	simm.s32 $0x1480  }
0x263: {  	[tilespmem:s14], [sflag:$0x3] =	stream.indirect.gather.add.f32 [hbm:s3], $0x80, s12, s25, $0xb8;
	[tilespmem:$0x9000] =	vst v63  }
0x264: {  	_ =	swait.ge [sflag:s15], $0x1900  }
0x265: {  	[sflag:s15] =	ssyncset.done $0x0  }
0x266: {  	[sflag:s15] =	ssyncadd.s32 $0xFFFFE700  }
0x267: {  	_ =	swait.ge [sflag:s15], $0x1900  }
0x268: {  	[sflag:s15] =	ssyncset.done $0x0  }
0x269: {  	[sflag:s15] =	ssyncadd.s32 $0xFFFFE700  }
0x26a: {  	_ =	swait.ge [sflag:s15], $0x1900  }
0x26b: {  	[sflag:s15] =	ssyncset.done $0x0  }
0x26c: {  	[sflag:s15] =	ssyncadd.s32 $0xFFFFE700  }
0x26d: {  	_ =	swait.ge [sflag:s15], $0x1900  }
0x26e: {  	[sflag:s15] =	ssyncset.done $0x0  }
0x26f: {  	[sflag:s15] =	ssyncadd.s32 $0xFFFFE700  }
0x270: {  	_ =	swait.ge [sflag:s15], $0x1900  }
0x271: {  	[sflag:s15] =	ssyncset.done $0x0  }
0x272: {  	[sflag:s15] =	ssyncadd.s32 $0xFFFFE700  }
0x273: {  	_ =	swait.ge [sflag:s15], $0x1900  }
0x274: {  	[sflag:s15] =	ssyncset.done $0x0  }
0x275: {  	[sflag:s15] =	ssyncadd.s32 $0xFFFFE700  }
0x276: {  	_ =	swait.ge [sflag:s15], $0x1900  }
0x277: {  	[sflag:s15] =	ssyncset.done $0x0  }
0x278: {  	[sflag:s15] =	ssyncadd.s32 $0xFFFFE700  }
0x279: {  	_ =	swait.ge [sflag:s15], $0x1900  }
0x27a: {  	p0 =	sne.s32 s22, $0x19600;
	[sflag:s15] =	ssyncset.done $0x0  }
.Ltmp0:
0x27b: {  	[sflag:s15] =	ssyncadd.s32 $0xFFFFE700;
	(pc) =	sbr.rel @p0 .LBB2_2-.Ltmp0, $4  }
0x27c: {  	s22 =	sadd.s32 $0xE00, s22;
	s7 =	smov.u32 s21;
	_ =	swait.ge [sflag:s15], $0x1900  }
0x27d: {  	s0 =	sadd.s32 $0x400, s0;
	s28 =	rddreg [dreg:$0x4];
	[sflag:s15] =	ssyncset.done $0x0  }
0x27e: {  	s21 =	sadd.s32 $0x400, s21;
	[sflag:s15] =	ssyncadd.s32 $0xFFFFE700;
	s8 =	sadd.s32 s8, s28  }
0x27f: {  	[hbm4b:s8+s2] =	stream.linear.scatter [tilespmem:s30], [sflag:$0xA], $0x1900, $0x38;
	[tilespmem:$0x9000] =	vst v63  }
0x280: {  	s10 =	simm.s32 $0x800  }
0x281: {  	[tilespmem:s10], [sflag:$0x6] =	stream.linear.gather [hbm4b:s7+s2], $0x500, $0x38;
	[tilespmem:$0x9000] =	vst v63  }
0x282: {  	_ =	swait.ge [sflag:s24], $0x500  }
0x283: {  	[sflag:s24] =	ssyncset.done $0x0  }
0x284: {  	[sflag:s24] =	ssyncadd.s32 $0xFFFFFB00  }
0x285: {  	_ =	swait.ge [sflag:s20], $0x1900  }
0x286: {  	[sflag:s20] =	ssyncset.done $0x0  }
0x287: {  	[sflag:s20] =	ssyncadd.s32 $0xFFFFE700  }
0x288: {  	[tilespmem:s26], [sflag:$0x1] =	stream.indirect.gather [hbm4b:s3+s25], $0x80, s2, s25, $0xb8;
	[tilespmem:$0x9000] =	vst v63  }
0x289: {  	_ =	swait.ge [sflag:s4], $0x1900  }
0x28a: {  	[sflag:s4] =	ssyncset.done $0x0  }
0x28b: {  	s7 =	simm.s32 $0x1880;
	[sflag:s4] =	ssyncadd.s32 $0xFFFFE700  }
0x28c: {  	[tilespmem:s5], [sflag:$0x4] =	stream.indirect.gather.add.f32 [hbm:s3], $0x80, s7, s25, $0xb8;
	[tilespmem:$0x9000] =	vst v63  }
0x28d: {  	s8 =	simm.s32 $0x1900  }
0x28e: {  	[tilespmem:s5], [sflag:$0x4] =	stream.indirect.gather.add.f32 [hbm:s3], $0x80, s8, s25, $0xb8;
	[tilespmem:$0x9000] =	vst v63  }
0x28f: {  	s9 =	simm.s32 $0x1980  }
0x290: {  	[tilespmem:s5], [sflag:$0x4] =	stream.indirect.gather.add.f32 [hbm:s3], $0x80, s9, s25, $0xb8;
	[tilespmem:$0x9000] =	vst v63  }
0x291: {  	s21 =	simm.s32 $0x1A00  }
0x292: {  	[tilespmem:s5], [sflag:$0x4] =	stream.indirect.gather.add.f32 [hbm:s3], $0x80, s21, s25, $0xb8;
	[tilespmem:$0x9000] =	vst v63  }
0x293: {  	s12 =	simm.s32 $0x1A80  }
0x294: {  	[tilespmem:s5], [sflag:$0x4] =	stream.indirect.gather.add.f32 [hbm:s3], $0x80, s12, s25, $0xb8;
	[tilespmem:$0x9000] =	vst v63  }
0x295: {  	s22 =	simm.s32 $0x1B00  }
0x296: {  	[tilespmem:s5], [sflag:$0x4] =	stream.indirect.gather.add.f32 [hbm:s3], $0x80, s22, s25, $0xb8;
	[tilespmem:$0x9000] =	vst v63  }
0x297: {  	s28 =	simm.s32 $0x1B80  }
0x298: {  	[tilespmem:s5], [sflag:$0x4] =	stream.indirect.gather.add.f32 [hbm:s3], $0x80, s28, s25, $0xb8;
	[tilespmem:$0x9000] =	vst v63  }
0x299: {  	s0 =	simm.s32 $0x1C00  }
0x29a: {  	[tilespmem:s5], [sflag:$0x4] =	stream.indirect.gather.add.f32 [hbm:s3], $0x80, s0, s25, $0xb8;
	[tilespmem:$0x9000] =	vst v63  }
0x29b: {  	s11 =	simm.s32 $0x1C80  }
0x29c: {  	[tilespmem:s5], [sflag:$0x4] =	stream.indirect.gather.add.f32 [hbm:s3], $0x80, s11, s25, $0xb8;
	[tilespmem:$0x9000] =	vst v63  }
0x29d: {  	_ =	swait.ge [sflag:s6], $0x1900  }
0x29e: {  	[sflag:s6] =	ssyncset.done $0x0  }
0x29f: {  	[sflag:s6] =	ssyncadd.s32 $0xFFFFE700  }
0x2a0: {  	_ =	swait.ge [sflag:s6], $0x1900  }
0x2a1: {  	[sflag:s6] =	ssyncset.done $0x0  }
0x2a2: {  	[sflag:s6] =	ssyncadd.s32 $0xFFFFE700  }
0x2a3: {  	_ =	swait.ge [sflag:s6], $0x1900  }
0x2a4: {  	[sflag:s6] =	ssyncset.done $0x0  }
0x2a5: {  	[sflag:s6] =	ssyncadd.s32 $0xFFFFE700  }
0x2a6: {  	_ =	swait.ge [sflag:s6], $0x1900  }
0x2a7: {  	[sflag:s6] =	ssyncset.done $0x0  }
0x2a8: {  	[sflag:s6] =	ssyncadd.s32 $0xFFFFE700  }
0x2a9: {  	_ =	swait.ge [sflag:s6], $0x1900  }
0x2aa: {  	[sflag:s6] =	ssyncset.done $0x0  }
0x2ab: {  	[sflag:s6] =	ssyncadd.s32 $0xFFFFE700  }
0x2ac: {  	_ =	swait.ge [sflag:s6], $0x1900  }
0x2ad: {  	[sflag:s6] =	ssyncset.done $0x0  }
0x2ae: {  	[sflag:s6] =	ssyncadd.s32 $0xFFFFE700  }
0x2af: {  	_ =	swait.ge [sflag:s6], $0x1900  }
0x2b0: {  	[sflag:s6] =	ssyncset.done $0x0  }
0x2b1: {  	[sflag:s6] =	ssyncadd.s32 $0xFFFFE700  }
0x2b2: {  	_ =	swait.ge [sflag:s6], $0x1900  }
0x2b3: {  	[sflag:s6] =	ssyncset.done $0x0  }
0x2b4: {  	[sflag:s6] =	ssyncadd.s32 $0xFFFFE700  }
0x2b5: {  	_ =	swait.ge [sflag:s6], $0x1900  }
0x2b6: {  	[sflag:s6] =	ssyncset.done $0x0  }
0x2b7: {  	s16 =	rddreg [dreg:$0xf];
	[sflag:s6] =	ssyncadd.s32 $0xFFFFE700  }
0x2b8: {  	[hbm4b:s16+s2] =	stream.linear.scatter [tilespmem:s14], [sflag:$0xB], $0x1900, $0x38;
	[tilespmem:$0x9000] =	vst v63  }
0x2b9: {  	s11 =	simm.s32 $0x1000;
	s23 =	rddreg [dreg:$0x10]  }
0x2ba: {  	[tilespmem:s11], [sflag:$0x7] =	stream.linear.gather [hbm4b:s23+s2], $0x500, $0x38;
	[tilespmem:$0x9000] =	vst v63  }
0x2bb: {  	_ =	swait.ge [sflag:s29], $0x500  }
0x2bc: {  	[sflag:s29] =	ssyncset.done $0x0  }
0x2bd: {  	[sflag:s29] =	ssyncadd.s32 $0xFFFFFB00  }
0x2be: {  	_ =	swait.ge [sflag:s17], $0x1900  }
0x2bf: {  	[sflag:s17] =	ssyncset.done $0x0  }
0x2c0: {  	[sflag:s17] =	ssyncadd.s32 $0xFFFFE700  }
0x2c1: {  	[tilespmem:s30], [sflag:$0x2] =	stream.indirect.gather [hbm4b:s3+s25], $0x80, s10, s25, $0xb8;
	[tilespmem:$0x9000] =	vst v63  }
0x2c2: {  	_ =	swait.ge [sflag:s31], $0x1900  }
0x2c3: {  	[sflag:s31] =	ssyncset.done $0x0  }
0x2c4: {  	s16 =	simm.s32 $0x80;
	[sflag:s31] =	ssyncadd.s32 $0xFFFFE700  }
0x2c5: {  	[tilespmem:s26], [sflag:$0x1] =	stream.indirect.gather.add.f32 [hbm:s3], $0x80, s16, s25, $0xb8;
	[tilespmem:$0x9000] =	vst v63  }
0x2c6: {  	s23 =	simm.s32 $0x100  }
0x2c7: {  	[tilespmem:s26], [sflag:$0x1] =	stream.indirect.gather.add.f32 [hbm:s3], $0x80, s23, s25, $0xb8;
	[tilespmem:$0x9000] =	vst v63  }
0x2c8: {  	s10 =	simm.s32 $0x180  }
0x2c9: {  	[tilespmem:s26], [sflag:$0x1] =	stream.indirect.gather.add.f32 [hbm:s3], $0x80, s10, s25, $0xb8;
	[tilespmem:$0x9000] =	vst v63  }
0x2ca: {  	s16 =	simm.s32 $0x200  }
0x2cb: {  	[tilespmem:s26], [sflag:$0x1] =	stream.indirect.gather.add.f32 [hbm:s3], $0x80, s16, s25, $0xb8;
	[tilespmem:$0x9000] =	vst v63  }
0x2cc: {  	s23 =	simm.s32 $0x280  }
0x2cd: {  	[tilespmem:s26], [sflag:$0x1] =	stream.indirect.gather.add.f32 [hbm:s3], $0x80, s23, s25, $0xb8;
	[tilespmem:$0x9000] =	vst v63  }
0x2ce: {  	s10 =	simm.s32 $0x300  }
0x2cf: {  	[tilespmem:s26], [sflag:$0x1] =	stream.indirect.gather.add.f32 [hbm:s3], $0x80, s10, s25, $0xb8;
	[tilespmem:$0x9000] =	vst v63  }
0x2d0: {  	s16 =	simm.s32 $0x380  }
0x2d1: {  	[tilespmem:s26], [sflag:$0x1] =	stream.indirect.gather.add.f32 [hbm:s3], $0x80, s16, s25, $0xb8;
	[tilespmem:$0x9000] =	vst v63  }
0x2d2: {  	s23 =	simm.s32 $0x400  }
0x2d3: {  	[tilespmem:s26], [sflag:$0x1] =	stream.indirect.gather.add.f32 [hbm:s3], $0x80, s23, s25, $0xb8;
	[tilespmem:$0x9000] =	vst v63  }
0x2d4: {  	s10 =	simm.s32 $0x480  }
0x2d5: {  	[tilespmem:s26], [sflag:$0x1] =	stream.indirect.gather.add.f32 [hbm:s3], $0x80, s10, s25, $0xb8;
	[tilespmem:$0x9000] =	vst v63  }
0x2d6: {  	_ =	swait.ge [sflag:s4], $0x1900  }
0x2d7: {  	[sflag:s4] =	ssyncset.done $0x0  }
0x2d8: {  	[sflag:s4] =	ssyncadd.s32 $0xFFFFE700  }
0x2d9: {  	_ =	swait.ge [sflag:s4], $0x1900  }
0x2da: {  	[sflag:s4] =	ssyncset.done $0x0  }
0x2db: {  	[sflag:s4] =	ssyncadd.s32 $0xFFFFE700  }
0x2dc: {  	_ =	swait.ge [sflag:s4], $0x1900  }
0x2dd: {  	[sflag:s4] =	ssyncset.done $0x0  }
0x2de: {  	[sflag:s4] =	ssyncadd.s32 $0xFFFFE700  }
0x2df: {  	_ =	swait.ge [sflag:s4], $0x1900  }
0x2e0: {  	[sflag:s4] =	ssyncset.done $0x0  }
0x2e1: {  	[sflag:s4] =	ssyncadd.s32 $0xFFFFE700  }
0x2e2: {  	_ =	swait.ge [sflag:s4], $0x1900  }
0x2e3: {  	[sflag:s4] =	ssyncset.done $0x0  }
0x2e4: {  	[sflag:s4] =	ssyncadd.s32 $0xFFFFE700  }
0x2e5: {  	_ =	swait.ge [sflag:s4], $0x1900  }
0x2e6: {  	[sflag:s4] =	ssyncset.done $0x0  }
0x2e7: {  	[sflag:s4] =	ssyncadd.s32 $0xFFFFE700  }
0x2e8: {  	_ =	swait.ge [sflag:s4], $0x1900  }
0x2e9: {  	[sflag:s4] =	ssyncset.done $0x0  }
0x2ea: {  	[sflag:s4] =	ssyncadd.s32 $0xFFFFE700  }
0x2eb: {  	_ =	swait.ge [sflag:s4], $0x1900  }
0x2ec: {  	[sflag:s4] =	ssyncset.done $0x0  }
0x2ed: {  	[sflag:s4] =	ssyncadd.s32 $0xFFFFE700  }
0x2ee: {  	_ =	swait.ge [sflag:s4], $0x1900  }
0x2ef: {  	[sflag:s4] =	ssyncset.done $0x0  }
0x2f0: {  	s16 =	rddreg [dreg:$0x11];
	[sflag:s4] =	ssyncadd.s32 $0xFFFFE700  }
0x2f1: {  	[hbm4b:s16+s2] =	stream.linear.scatter [tilespmem:s5], [sflag:$0xC], $0x1900, $0x38;
	[tilespmem:$0x9000] =	vst v63  }
0x2f2: {  	s10 =	simm.s32 $0x1800;
	s23 =	rddreg [dreg:$0x12]  }
0x2f3: {  	[tilespmem:s10], [sflag:$0x8] =	stream.linear.gather [hbm4b:s23+s2], $0x500, $0x38;
	[tilespmem:$0x9000] =	vst v63  }
0x2f4: {  	_ =	swait.ge [sflag:s13], $0x500  }
0x2f5: {  	[sflag:s13] =	ssyncset.done $0x0  }
0x2f6: {  	[sflag:s13] =	ssyncadd.s32 $0xFFFFFB00  }
0x2f7: {  	_ =	swait.ge [sflag:s18], $0x1900  }
0x2f8: {  	[sflag:s18] =	ssyncset.done $0x0  }
0x2f9: {  	[sflag:s18] =	ssyncadd.s32 $0xFFFFE700  }
0x2fa: {  	[tilespmem:s14], [sflag:$0x3] =	stream.indirect.gather [hbm4b:s3+s25], $0x80, s11, s25, $0xb8;
	[tilespmem:$0x9000] =	vst v63  }
0x2fb: {  	_ =	swait.ge [sflag:s15], $0x1900  }
0x2fc: {  	[sflag:s15] =	ssyncset.done $0x0  }
0x2fd: {  	s11 =	simm.s32 $0x880;
	[sflag:s15] =	ssyncadd.s32 $0xFFFFE700  }
0x2fe: {  	[tilespmem:s30], [sflag:$0x2] =	stream.indirect.gather.add.f32 [hbm:s3], $0x80, s11, s25, $0xb8;
	[tilespmem:$0x9000] =	vst v63  }
0x2ff: {  	s16 =	simm.s32 $0x900  }
0x300: {  	[tilespmem:s30], [sflag:$0x2] =	stream.indirect.gather.add.f32 [hbm:s3], $0x80, s16, s25, $0xb8;
	[tilespmem:$0x9000] =	vst v63  }
0x301: {  	s23 =	simm.s32 $0x980  }
0x302: {  	[tilespmem:s30], [sflag:$0x2] =	stream.indirect.gather.add.f32 [hbm:s3], $0x80, s23, s25, $0xb8;
	[tilespmem:$0x9000] =	vst v63  }
0x303: {  	s11 =	simm.s32 $0xA00  }
0x304: {  	[tilespmem:s30], [sflag:$0x2] =	stream.indirect.gather.add.f32 [hbm:s3], $0x80, s11, s25, $0xb8;
	[tilespmem:$0x9000] =	vst v63  }
0x305: {  	s16 =	simm.s32 $0xA80  }
0x306: {  	[tilespmem:s30], [sflag:$0x2] =	stream.indirect.gather.add.f32 [hbm:s3], $0x80, s16, s25, $0xb8;
	[tilespmem:$0x9000] =	vst v63  }
0x307: {  	s23 =	simm.s32 $0xB00  }
0x308: {  	[tilespmem:s30], [sflag:$0x2] =	stream.indirect.gather.add.f32 [hbm:s3], $0x80, s23, s25, $0xb8;
	[tilespmem:$0x9000] =	vst v63  }
0x309: {  	s11 =	simm.s32 $0xB80  }
0x30a: {  	[tilespmem:s30], [sflag:$0x2] =	stream.indirect.gather.add.f32 [hbm:s3], $0x80, s11, s25, $0xb8;
	[tilespmem:$0x9000] =	vst v63  }
0x30b: {  	s16 =	simm.s32 $0xC00  }
0x30c: {  	[tilespmem:s30], [sflag:$0x2] =	stream.indirect.gather.add.f32 [hbm:s3], $0x80, s16, s25, $0xb8;
	[tilespmem:$0x9000] =	vst v63  }
0x30d: {  	s23 =	simm.s32 $0xC80  }
0x30e: {  	[tilespmem:s30], [sflag:$0x2] =	stream.indirect.gather.add.f32 [hbm:s3], $0x80, s23, s25, $0xb8;
	[tilespmem:$0x9000] =	vst v63  }
0x30f: {  	_ =	swait.ge [sflag:s31], $0x1900  }
0x310: {  	[sflag:s31] =	ssyncset.done $0x0  }
0x311: {  	[sflag:s31] =	ssyncadd.s32 $0xFFFFE700  }
0x312: {  	_ =	swait.ge [sflag:s31], $0x1900  }
0x313: {  	[sflag:s31] =	ssyncset.done $0x0  }
0x314: {  	[sflag:s31] =	ssyncadd.s32 $0xFFFFE700  }
0x315: {  	_ =	swait.ge [sflag:s31], $0x1900  }
0x316: {  	[sflag:s31] =	ssyncset.done $0x0  }
0x317: {  	[sflag:s31] =	ssyncadd.s32 $0xFFFFE700  }
0x318: {  	_ =	swait.ge [sflag:s31], $0x1900  }
0x319: {  	[sflag:s31] =	ssyncset.done $0x0  }
0x31a: {  	[sflag:s31] =	ssyncadd.s32 $0xFFFFE700  }
0x31b: {  	_ =	swait.ge [sflag:s31], $0x1900  }
0x31c: {  	[sflag:s31] =	ssyncset.done $0x0  }
0x31d: {  	[sflag:s31] =	ssyncadd.s32 $0xFFFFE700  }
0x31e: {  	_ =	swait.ge [sflag:s31], $0x1900  }
0x31f: {  	[sflag:s31] =	ssyncset.done $0x0  }
0x320: {  	[sflag:s31] =	ssyncadd.s32 $0xFFFFE700  }
0x321: {  	_ =	swait.ge [sflag:s31], $0x1900  }
0x322: {  	[sflag:s31] =	ssyncset.done $0x0  }
0x323: {  	[sflag:s31] =	ssyncadd.s32 $0xFFFFE700  }
0x324: {  	_ =	swait.ge [sflag:s31], $0x1900  }
0x325: {  	[sflag:s31] =	ssyncset.done $0x0  }
0x326: {  	[sflag:s31] =	ssyncadd.s32 $0xFFFFE700  }
0x327: {  	_ =	swait.ge [sflag:s31], $0x1900  }
0x328: {  	[sflag:s31] =	ssyncset.done $0x0  }
0x329: {  	s11 =	rddreg [dreg:$0x13];
	[sflag:s31] =	ssyncadd.s32 $0xFFFFE700  }
0x32a: {  	[hbm4b:s11+s2] =	stream.linear.scatter [tilespmem:s26], [sflag:$0x9], $0x1900, $0x38;
	[tilespmem:$0x9000] =	vst v63  }
0x32b: {  	_ =	swait.ge [sflag:s1], $0x500  }
0x32c: {  	[sflag:s1] =	ssyncset.done $0x0  }
0x32d: {  	[sflag:s1] =	ssyncadd.s32 $0xFFFFFB00  }
0x32e: {  	_ =	swait.ge [sflag:s19], $0x1900  }
0x32f: {  	[sflag:s19] =	ssyncset.done $0x0  }
0x330: {  	[sflag:s19] =	ssyncadd.s32 $0xFFFFE700  }
0x331: {  	[tilespmem:s5], [sflag:$0x4] =	stream.indirect.gather [hbm4b:s3+s25], $0x80, s10, s25, $0xb8;
	[tilespmem:$0x9000] =	vst v63  }
0x332: {  	_ =	swait.ge [sflag:s6], $0x1900  }
0x333: {  	[sflag:s6] =	ssyncset.done $0x0  }
0x334: {  	s16 =	simm.s32 $0x1080;
	[sflag:s6] =	ssyncadd.s32 $0xFFFFE700  }
0x335: {  	[tilespmem:s14], [sflag:$0x3] =	stream.indirect.gather.add.f32 [hbm:s3], $0x80, s16, s25, $0xb8;
	[tilespmem:$0x9000] =	vst v63  }
0x336: {  	s23 =	simm.s32 $0x1100  }
0x337: {  	[tilespmem:s14], [sflag:$0x3] =	stream.indirect.gather.add.f32 [hbm:s3], $0x80, s23, s25, $0xb8;
	[tilespmem:$0x9000] =	vst v63  }
0x338: {  	s10 =	simm.s32 $0x1180  }
0x339: {  	[tilespmem:s14], [sflag:$0x3] =	stream.indirect.gather.add.f32 [hbm:s3], $0x80, s10, s25, $0xb8;
	[tilespmem:$0x9000] =	vst v63  }
0x33a: {  	s11 =	simm.s32 $0x1200  }
0x33b: {  	[tilespmem:s14], [sflag:$0x3] =	stream.indirect.gather.add.f32 [hbm:s3], $0x80, s11, s25, $0xb8;
	[tilespmem:$0x9000] =	vst v63  }
0x33c: {  	s16 =	simm.s32 $0x1280  }
0x33d: {  	[tilespmem:s14], [sflag:$0x3] =	stream.indirect.gather.add.f32 [hbm:s3], $0x80, s16, s25, $0xb8;
	[tilespmem:$0x9000] =	vst v63  }
0x33e: {  	s23 =	simm.s32 $0x1300  }
0x33f: {  	[tilespmem:s14], [sflag:$0x3] =	stream.indirect.gather.add.f32 [hbm:s3], $0x80, s23, s25, $0xb8;
	[tilespmem:$0x9000] =	vst v63  }
0x340: {  	s10 =	simm.s32 $0x1380  }
0x341: {  	[tilespmem:s14], [sflag:$0x3] =	stream.indirect.gather.add.f32 [hbm:s3], $0x80, s10, s25, $0xb8;
	[tilespmem:$0x9000] =	vst v63  }
0x342: {  	s11 =	simm.s32 $0x1400  }
0x343: {  	[tilespmem:s14], [sflag:$0x3] =	stream.indirect.gather.add.f32 [hbm:s3], $0x80, s11, s25, $0xb8;
	[tilespmem:$0x9000] =	vst v63  }
0x344: {  	s16 =	simm.s32 $0x1480  }
0x345: {  	[tilespmem:s14], [sflag:$0x3] =	stream.indirect.gather.add.f32 [hbm:s3], $0x80, s16, s25, $0xb8;
	[tilespmem:$0x9000] =	vst v63  }
0x346: {  	_ =	swait.ge [sflag:s15], $0x1900  }
0x347: {  	[sflag:s15] =	ssyncset.done $0x0  }
0x348: {  	[sflag:s15] =	ssyncadd.s32 $0xFFFFE700  }
0x349: {  	_ =	swait.ge [sflag:s15], $0x1900  }
0x34a: {  	[sflag:s15] =	ssyncset.done $0x0  }
0x34b: {  	[sflag:s15] =	ssyncadd.s32 $0xFFFFE700  }
0x34c: {  	_ =	swait.ge [sflag:s15], $0x1900  }
0x34d: {  	[sflag:s15] =	ssyncset.done $0x0  }
0x34e: {  	[sflag:s15] =	ssyncadd.s32 $0xFFFFE700  }
0x34f: {  	_ =	swait.ge [sflag:s15], $0x1900  }
0x350: {  	[sflag:s15] =	ssyncset.done $0x0  }
0x351: {  	[sflag:s15] =	ssyncadd.s32 $0xFFFFE700  }
0x352: {  	_ =	swait.ge [sflag:s15], $0x1900  }
0x353: {  	[sflag:s15] =	ssyncset.done $0x0  }
0x354: {  	[sflag:s15] =	ssyncadd.s32 $0xFFFFE700  }
0x355: {  	_ =	swait.ge [sflag:s15], $0x1900  }
0x356: {  	[sflag:s15] =	ssyncset.done $0x0  }
0x357: {  	[sflag:s15] =	ssyncadd.s32 $0xFFFFE700  }
0x358: {  	_ =	swait.ge [sflag:s15], $0x1900  }
0x359: {  	[sflag:s15] =	ssyncset.done $0x0  }
0x35a: {  	[sflag:s15] =	ssyncadd.s32 $0xFFFFE700  }
0x35b: {  	_ =	swait.ge [sflag:s15], $0x1900  }
0x35c: {  	[sflag:s15] =	ssyncset.done $0x0  }
0x35d: {  	[sflag:s15] =	ssyncadd.s32 $0xFFFFE700  }
0x35e: {  	_ =	swait.ge [sflag:s15], $0x1900  }
0x35f: {  	[sflag:s15] =	ssyncset.done $0x0  }
0x360: {  	s23 =	rddreg [dreg:$0x14];
	[sflag:s15] =	ssyncadd.s32 $0xFFFFE700  }
0x361: {  	[hbm4b:s23+s2] =	stream.linear.scatter [tilespmem:s30], [sflag:$0xA], $0x1900, $0x38;
	[tilespmem:$0x9000] =	vst v63  }
0x362: {  	_ =	swait.ge [sflag:s4], $0x1900  }
0x363: {  	[sflag:s4] =	ssyncset.done $0x0  }
0x364: {  	[sflag:s4] =	ssyncadd.s32 $0xFFFFE700  }
0x365: {  	[tilespmem:s5], [sflag:$0x4] =	stream.indirect.gather.add.f32 [hbm:s3], $0x80, s7, s25, $0xb8;
	[tilespmem:$0x9000] =	vst v63  }
0x366: {  	_ = 	snop  }
0x367: {  	[tilespmem:s5], [sflag:$0x4] =	stream.indirect.gather.add.f32 [hbm:s3], $0x80, s8, s25, $0xb8;
	[tilespmem:$0x9000] =	vst v63  }
0x368: {  	_ = 	snop  }
0x369: {  	[tilespmem:s5], [sflag:$0x4] =	stream.indirect.gather.add.f32 [hbm:s3], $0x80, s9, s25, $0xb8;
	[tilespmem:$0x9000] =	vst v63  }
0x36a: {  	_ = 	snop  }
0x36b: {  	[tilespmem:s5], [sflag:$0x4] =	stream.indirect.gather.add.f32 [hbm:s3], $0x80, s21, s25, $0xb8;
	[tilespmem:$0x9000] =	vst v63  }
0x36c: {  	_ = 	snop  }
0x36d: {  	[tilespmem:s5], [sflag:$0x4] =	stream.indirect.gather.add.f32 [hbm:s3], $0x80, s12, s25, $0xb8;
	[tilespmem:$0x9000] =	vst v63  }
0x36e: {  	_ = 	snop  }
0x36f: {  	[tilespmem:s5], [sflag:$0x4] =	stream.indirect.gather.add.f32 [hbm:s3], $0x80, s22, s25, $0xb8;
	[tilespmem:$0x9000] =	vst v63  }
0x370: {  	_ = 	snop  }
0x371: {  	[tilespmem:s5], [sflag:$0x4] =	stream.indirect.gather.add.f32 [hbm:s3], $0x80, s28, s25, $0xb8;
	[tilespmem:$0x9000] =	vst v63  }
0x372: {  	s8 =	simm.s32 $0x1C00  }
0x373: {  	[tilespmem:s5], [sflag:$0x4] =	stream.indirect.gather.add.f32 [hbm:s3], $0x80, s8, s25, $0xb8;
	[tilespmem:$0x9000] =	vst v63  }
0x374: {  	s9 =	simm.s32 $0x1C80  }
0x375: {  	[tilespmem:s5], [sflag:$0x4] =	stream.indirect.gather.add.f32 [hbm:s3], $0x80, s9, s25, $0xb8;
	[tilespmem:$0x9000] =	vst v63  }
0x376: {  	_ =	swait.ge [sflag:s6], $0x1900  }
0x377: {  	[sflag:s6] =	ssyncset.done $0x0  }
0x378: {  	[sflag:s6] =	ssyncadd.s32 $0xFFFFE700  }
0x379: {  	_ =	swait.ge [sflag:s6], $0x1900  }
0x37a: {  	[sflag:s6] =	ssyncset.done $0x0  }
0x37b: {  	[sflag:s6] =	ssyncadd.s32 $0xFFFFE700  }
0x37c: {  	_ =	swait.ge [sflag:s6], $0x1900  }
0x37d: {  	[sflag:s6] =	ssyncset.done $0x0  }
0x37e: {  	[sflag:s6] =	ssyncadd.s32 $0xFFFFE700  }
0x37f: {  	_ =	swait.ge [sflag:s6], $0x1900  }
0x380: {  	[sflag:s6] =	ssyncset.done $0x0  }
0x381: {  	[sflag:s6] =	ssyncadd.s32 $0xFFFFE700  }
0x382: {  	_ =	swait.ge [sflag:s6], $0x1900  }
0x383: {  	[sflag:s6] =	ssyncset.done $0x0  }
0x384: {  	[sflag:s6] =	ssyncadd.s32 $0xFFFFE700  }
0x385: {  	_ =	swait.ge [sflag:s6], $0x1900  }
0x386: {  	[sflag:s6] =	ssyncset.done $0x0  }
0x387: {  	[sflag:s6] =	ssyncadd.s32 $0xFFFFE700  }
0x388: {  	_ =	swait.ge [sflag:s6], $0x1900  }
0x389: {  	[sflag:s6] =	ssyncset.done $0x0  }
0x38a: {  	[sflag:s6] =	ssyncadd.s32 $0xFFFFE700  }
0x38b: {  	_ =	swait.ge [sflag:s6], $0x1900  }
0x38c: {  	[sflag:s6] =	ssyncset.done $0x0  }
0x38d: {  	[sflag:s6] =	ssyncadd.s32 $0xFFFFE700  }
0x38e: {  	_ =	swait.ge [sflag:s6], $0x1900  }
0x38f: {  	[sflag:s6] =	ssyncset.done $0x0  }
0x390: {  	s12 =	rddreg [dreg:$0x15];
	[sflag:s6] =	ssyncadd.s32 $0xFFFFE700  }
0x391: {  	[hbm4b:s12+s2] =	stream.linear.scatter [tilespmem:s14], [sflag:$0xB], $0x1900, $0x38;
	[tilespmem:$0x9000] =	vst v63  }
0x392: {  	_ =	swait.ge [sflag:s4], $0x1900  }
0x393: {  	[sflag:s4] =	ssyncset.done $0x0  }
0x394: {  	[sflag:s4] =	ssyncadd.s32 $0xFFFFE700  }
0x395: {  	_ =	swait.ge [sflag:s4], $0x1900  }
0x396: {  	[sflag:s4] =	ssyncset.done $0x0  }
0x397: {  	[sflag:s4] =	ssyncadd.s32 $0xFFFFE700  }
0x398: {  	_ =	swait.ge [sflag:s4], $0x1900  }
0x399: {  	[sflag:s4] =	ssyncset.done $0x0  }
0x39a: {  	[sflag:s4] =	ssyncadd.s32 $0xFFFFE700  }
0x39b: {  	_ =	swait.ge [sflag:s4], $0x1900  }
0x39c: {  	[sflag:s4] =	ssyncset.done $0x0  }
0x39d: {  	[sflag:s4] =	ssyncadd.s32 $0xFFFFE700  }
0x39e: {  	_ =	swait.ge [sflag:s4], $0x1900  }
0x39f: {  	[sflag:s4] =	ssyncset.done $0x0  }
0x3a0: {  	[sflag:s4] =	ssyncadd.s32 $0xFFFFE700  }
0x3a1: {  	_ =	swait.ge [sflag:s4], $0x1900  }
0x3a2: {  	[sflag:s4] =	ssyncset.done $0x0  }
0x3a3: {  	[sflag:s4] =	ssyncadd.s32 $0xFFFFE700  }
0x3a4: {  	_ =	swait.ge [sflag:s4], $0x1900  }
0x3a5: {  	[sflag:s4] =	ssyncset.done $0x0  }
0x3a6: {  	[sflag:s4] =	ssyncadd.s32 $0xFFFFE700  }
0x3a7: {  	_ =	swait.ge [sflag:s4], $0x1900  }
0x3a8: {  	[sflag:s4] =	ssyncset.done $0x0  }
0x3a9: {  	[sflag:s4] =	ssyncadd.s32 $0xFFFFE700  }
0x3aa: {  	_ =	swait.ge [sflag:s4], $0x1900  }
0x3ab: {  	[sflag:s4] =	ssyncset.done $0x0  }
0x3ac: {  	s21 =	rddreg [dreg:$0x16];
	[sflag:s4] =	ssyncadd.s32 $0xFFFFE700  }
0x3ad: {  	[hbm4b:s21+s2] =	stream.linear.scatter [tilespmem:s5], [sflag:$0xC], $0x1900, $0x38;
	[tilespmem:$0x9000] =	vst v63  }
0x3ae: {  	_ =	swait.ge [sflag:s20], $0x1900  }
0x3af: {  	[sflag:s20] =	ssyncset.done $0x0  }
0x3b0: {  	[sflag:s20] =	ssyncadd.s32 $0xFFFFE700  }
0x3b1: {  	_ =	swait.ge [sflag:s17], $0x1900  }
0x3b2: {  	[sflag:s17] =	ssyncset.done $0x0  }
0x3b3: {  	[sflag:s17] =	ssyncadd.s32 $0xFFFFE700  }
0x3b4: {  	_ =	swait.ge [sflag:s18], $0x1900  }
0x3b5: {  	[sflag:s18] =	ssyncset.done $0x0  }
0x3b6: {  	[sflag:s18] =	ssyncadd.s32 $0xFFFFE700  }
0x3b7: {  	_ =	swait.ge [sflag:s19], $0x1900  }
0x3b8: {  	s22 =	rddreg [dreg:$0x1a]  }
0x3b9: {  	s28 =	rddreg [dreg:$0x17];
	s7 =	sadd.s32 $0x1, s22  }
0x3ba: {  	p0 =	sne.s32 s7, s28  }
.Ltmp1:
0x3bb: {  	_ = 	snop;
	(pc) =	sbr.rel @p0 .LBB2_1-.Ltmp1, $3  }
0x3bc: {  	_ =	sdelay $0x1  }
0x3bd: {  	s10 =	simm.s32 $0x1C80;
	s11 =	simm.s32 $0x1B00;
	[sflag:s19] =	ssyncset.done $0x0  }
0x3be: {  	s16 =	simm.s32 $0x1B80;
	s23 =	simm.s32 $0x1C00;
	[sflag:s19] =	ssyncadd.s32 $0xFFFFE700  }
0x3bf: {  	_ =	sfence.sel $0x180000  }
0x3c0: {  	[bflag:$0x0] =	sbarrier.arrive $0xFFFF  }
0x3c1: {  	_ =	strace $0x90000047  }
0x3c2: {  	s0 =	stileid.u32;
	[bflag:$0x2] =	sbarrier.arrive $0xFFFF  }
0x3c3: {  	p0 =	sne.s32 s0, $0x0;
	s0 =	rddreg [dreg:$0x2]  }
0x3c4: {  	s0 =	sadd.s32 @!p0 $0x100000, s0  }
0x3c5: {  	[sflag:s0] =	ssyncadd.tile.s32 @!p0 $0x1;
	_ =	shalt  }
.Lfunc_end2:
_tile_overlayer_lowered:
.L_overlay_start_2:
0x3c6: {  	(tag) =	ssettag $0x2  }
0x3c7: {  	s0 =	rddreg [dreg:$0x0];
	s2 =	stileid.u32  }
0x3c8: {  	s1 =	rddreg [dreg:$0x1];
	p0 =	sne.s32 s2, $0x0  }
0x3c9: {  	s3 =	rddreg [dreg:$0x2];
	[bflag:$0x3] =	sbarrier.arrive $0xFFFF;
	s2 =	simm.s32 @!p0 $0x1C0D  }
0x3ca: {  	[timem:s3], [sflag:s2] =	dma.local @!p0 [hbm:s0], s1  }
0x3cb: {  	s0 =	simm.s32 @!p0 $0xD  }
0x3cc: {  	_ =	swait.ge @!p0 [sflag:s0], s1  }
0x3cd: {  	s1 =	ssub.s32 @!p0 $0x0, s1;
	[sflag:s0] =	ssyncset.done @!p0 $0x0  }
0x3ce: {  	[sflag:s0] =	ssyncadd.s32 @!p0 s1  }
0x3cf: {  	[bflag:$0x3] =	sbarrier.arrive $0xFFFF  }
0x3d0: {  	_ =	shalt  }

</sc_bundles>
